<compile_context>
chip_gen: v7x
topology: tpu7x:2x2x1
jax: 0.10.2.dev20260603
libtpu: 0.0.44.dev20260713+nightly
codegen_flags: <defaults>
</compile_context>

<pallas_src>
import functools

import jax
import jax.numpy as jnp
import numpy as np
from jax import lax
from jax.experimental import pallas as pl
from jax.experimental.pallas import tpu as pltpu
from jax.experimental.pallas import tpu_sc as plsc

N = 10000
E = 160000
D = 128
K = 3
NC, NS, L = 2, 16, 16
NW = NC * NS

DEN_WORDS = 30720
DEN_ROWS = DEN_WORDS // D
C1 = 640
NCH1 = E // C1
C2 = 64
NCH2 = E // C2
N_PAD = 10240
RPT = N_PAD // NS
PKW = 4 * L


def _mm_body(h_ref, w_ref, a_ref, wo_ref, z_ref, s_ref):
    w = w_ref[...]
    h = h_ref[...]
    bn = h.shape[0]
    del bn
    for k in range(K):
        wk = jnp.dot(w, wo_ref[k * D:(k + 1) * D, :],
                     preferred_element_type=jnp.float32)
        z_ref[:, k * D:(k + 1) * D] = jnp.dot(
            h, wk, preferred_element_type=jnp.float32)
    b = jnp.dot(w, a_ref[...], preferred_element_type=jnp.float32)
    s_ref[...] = jnp.dot(h, b, preferred_element_type=jnp.float32)


def _mm_call(h, W, A, W_out_p):
    g = 10
    bn = N // g
    return pl.pallas_call(
        _mm_body,
        grid=(g,),
        in_specs=[
            pl.BlockSpec((bn, D), lambda i: (i, 0)),
            pl.BlockSpec((D, D), lambda i: (0, 0)),
            pl.BlockSpec((D, 8), lambda i: (0, 0)),
            pl.BlockSpec((K * D, D), lambda i: (0, 0)),
        ],
        out_specs=[
            pl.BlockSpec((bn, K * D), lambda i: (i, 0)),
            pl.BlockSpec((bn, 8), lambda i: (i, 0)),
        ],
        out_shape=[
            jax.ShapeDtypeStruct((N, K * D), jnp.float32),
            jax.ShapeDtypeStruct((N, 8), jnp.float32),
        ],
    )(h, W, A, W_out_p)


def _pass1_body(src_hbm, dst_hbm, ef0_hbm, ef1_hbm, ef2_hbm, s1_hbm, s2_hbm,
                pk_hbm, den_hbm,
                s1_v, s2_v, den_v, src_v, dst_v, ef0_v, ef1_v, ef2_v, pk_v,
                sem):
    cid = lax.axis_index("c")
    sid = lax.axis_index("s")
    wid = sid * NC + cid

    pltpu.sync_copy(s1_hbm, s1_v)
    pltpu.sync_copy(s2_hbm, s2_v)

    zero16 = jnp.zeros((L,), jnp.float32)

    def _zero(i, c):
        den_v[pl.ds(i * L, L)] = zero16
        return c
    lax.fori_loop(0, DEN_WORDS // L, _zero, 0, unroll=8)

    nj = (NCH1 - wid + NW - 1) // NW

    def _chunk(j, c):
        base = (wid + j * NW) * C1
        pltpu.async_copy(src_hbm.at[pl.ds(base, C1)], src_v, sem)
        pltpu.async_copy(dst_hbm.at[pl.ds(base, C1)], dst_v, sem)
        pltpu.async_copy(ef0_hbm.at[pl.ds(base, C1)], ef0_v, sem)
        pltpu.async_copy(ef1_hbm.at[pl.ds(base, C1)], ef1_v, sem)
        pltpu.async_copy(ef2_hbm.at[pl.ds(base, C1)], ef2_v, sem)
        pltpu.make_async_copy(src_hbm.at[pl.ds(base, C1)], src_v, sem).wait()
        pltpu.make_async_copy(dst_hbm.at[pl.ds(base, C1)], dst_v, sem).wait()
        pltpu.make_async_copy(ef0_hbm.at[pl.ds(base, C1)], ef0_v, sem).wait()
        pltpu.make_async_copy(ef1_hbm.at[pl.ds(base, C1)], ef1_v, sem).wait()
        pltpu.make_async_copy(ef2_hbm.at[pl.ds(base, C1)], ef2_v, sem).wait()
        ef_v = (ef0_v, ef1_v, ef2_v)

        def _vec(v, c2):
            o = v * L
            sv = src_v[pl.ds(o, L)]
            dv = dst_v[pl.ds(o, L)]
            u = plsc.load_gather(s1_v, [sv]) + plsc.load_gather(s2_v, [dv])
            t = jnp.maximum(u, 0.2 * u)
            for k in range(K):
                exk = jnp.exp(t * ef_v[k][pl.ds(o, L)])
                pk_v[pl.ds(v * PKW + k * L, L)] = exk
                plsc.addupdate_scatter(den_v, [dv + (k * N)], exk)
            return c2
        lax.fori_loop(0, C1 // L, _vec, 0)
        pltpu.sync_copy(pk_v, pk_hbm.at[pl.ds(base * 4, C1 * 4)])
        return c
    lax.fori_loop(0, nj, _chunk, 0)

    pltpu.sync_copy(den_v, den_hbm.at[wid])


def _pass1_call(src, dst, ef0, ef1, ef2, s1, s2):
    mesh = plsc.VectorSubcoreMesh(core_axis_name="c", subcore_axis_name="s",
                                  num_cores=NC, num_subcores=NS)
    f = pl.kernel(
        _pass1_body,
        compiler_params=pltpu.CompilerParams(needs_layout_passes=False),
        out_type=(
            jax.ShapeDtypeStruct((E * 4,), jnp.float32),
            jax.ShapeDtypeStruct((NW, DEN_WORDS), jnp.float32),
        ),
        mesh=mesh,
        scratch_types=[
            pltpu.VMEM((N,), jnp.float32),
            pltpu.VMEM((N,), jnp.float32),
            pltpu.VMEM((DEN_WORDS,), jnp.float32),
            pltpu.VMEM((C1,), jnp.int32),
            pltpu.VMEM((C1,), jnp.int32),
            pltpu.VMEM((C1,), jnp.float32),
            pltpu.VMEM((C1,), jnp.float32),
            pltpu.VMEM((C1,), jnp.float32),
            pltpu.VMEM((C1 * 4,), jnp.float32),
            pltpu.SemaphoreType.DMA,
        ],
    )
    return f(src, dst, ef0, ef1, ef2, s1, s2)


C15 = 320
NCH15 = E // C15


def _p15_body(pk_hbm, dst_hbm, r_hbm, pk2_hbm, r_v, pkb, dst_v, sem):
    cid = lax.axis_index("c")
    sid = lax.axis_index("s")
    wid = sid * NC + cid

    pltpu.sync_copy(r_hbm, r_v)

    nj = (NCH15 - wid + NW - 1) // NW

    def _chunk(j, c):
        base = (wid + j * NW) * C15
        pltpu.async_copy(pk_hbm.at[pl.ds(base * 4, C15 * 4)], pkb, sem)
        pltpu.async_copy(dst_hbm.at[pl.ds(base, C15)], dst_v, sem)
        pltpu.make_async_copy(pk_hbm.at[pl.ds(base * 4, C15 * 4)],
                              pkb, sem).wait()
        pltpu.make_async_copy(dst_hbm.at[pl.ds(base, C15)],
                              dst_v, sem).wait()

        def _vec(v, c2):
            dv = dst_v[pl.ds(v * L, L)]
            for k in range(K):
                exk = pkb[pl.ds(v * PKW + k * L, L)]
                rk = plsc.load_gather(r_v, [dv + (k * N)])
                pkb[pl.ds(v * PKW + k * L, L)] = exk * rk
            return c2
        lax.fori_loop(0, C15 // L, _vec, 0)
        pltpu.sync_copy(pkb, pk2_hbm.at[pl.ds(base * 4, C15 * 4)])
        return c
    lax.fori_loop(0, nj, _chunk, 0)


def _p15_call(pk, dst, r):
    mesh = plsc.VectorSubcoreMesh(core_axis_name="c", subcore_axis_name="s",
                                  num_cores=NC, num_subcores=NS)
    f = pl.kernel(
        _p15_body,
        compiler_params=pltpu.CompilerParams(needs_layout_passes=False),
        out_type=jax.ShapeDtypeStruct((E * 4,), jnp.float32),
        mesh=mesh,
        scratch_types=[
            pltpu.VMEM((DEN_WORDS,), jnp.float32),
            pltpu.VMEM((C15 * 4,), jnp.float32),
            pltpu.VMEM((C15,), jnp.int32),
            pltpu.SemaphoreType.DMA,
        ],
    )
    return f(pk, dst, r)


def _rcp_body(den_ref, r_ref):
    d = jnp.sum(den_ref[...], axis=0)
    r_ref[...] = 1.0 / (d + 1e-30)


def _rcp_call(den):
    return pl.pallas_call(
        _rcp_body,
        out_shape=jax.ShapeDtypeStruct((DEN_ROWS, D), jnp.float32),
    )(den)


def _pass2_body(pk_hbm, src_hbm, dst_hbm, z_hbm,
                out_hbm,
                acc_sh,
                pkb0, pkb1, srcb0, srcb1, dstb0, dstb1,
                zb0, zb1, ob, sp0, sp1, sg0, sg1):
    cid = lax.axis_index("c")
    sid = lax.axis_index("s")
    wid = sid * NC + cid

    zero16 = jnp.zeros((L,), jnp.float32)

    def _z(i, c):
        ob[i // 8, pl.ds((i % 8) * L, L)] = zero16
        return c
    lax.fori_loop(0, C2 * 8, _z, 0)

    row0 = sid * RPT

    def _zc(j, c):
        pltpu.sync_copy(ob, acc_sh.at[pl.ds(row0 + j * C2, C2)])
        return c
    lax.fori_loop(0, RPT // C2, _zc, 0)

    plsc.subcore_barrier()

    nj = (NCH2 - wid + NW - 1) // NW
    pkb = (pkb0, pkb1)
    srcb = (srcb0, srcb1)
    dstb = (dstb0, dstb1)
    zb = (zb0, zb1)
    sp = (sp0, sp1)
    sg = (sg0, sg1)

    def _stage(j, s):
        base = (wid + j * NW) * C2
        pltpu.async_copy(pk_hbm.at[pl.ds(base * 4, C2 * 4)], pkb[s], sp[s])
        pltpu.async_copy(src_hbm.at[pl.ds(base, C2)], srcb[s], sp[s])
        pltpu.async_copy(dst_hbm.at[pl.ds(base, C2)], dstb[s], sp[s])

    def _wait_stage(j, s):
        base = (wid + j * NW) * C2
        pltpu.make_async_copy(pk_hbm.at[pl.ds(base * 4, C2 * 4)],
                              pkb[s], sp[s]).wait()
        pltpu.make_async_copy(src_hbm.at[pl.ds(base, C2)],
                              srcb[s], sp[s]).wait()
        pltpu.make_async_copy(dst_hbm.at[pl.ds(base, C2)],
                              dstb[s], sp[s]).wait()

    def _prep(j, s):
        _wait_stage(j, s)
        pltpu.async_copy(z_hbm.at[srcb[s]], zb[s], sg[s])

    def _comp(s):
        pltpu.make_async_copy(z_hbm.at[srcb[s]], zb[s], sg[s]).wait()

        def _e(e, c2):
            blk = (e // L) * PKW + (e % L)
            w0 = plsc.load_gather(pkb[s], [jnp.full((L,), blk, jnp.int32)])
            w1 = plsc.load_gather(pkb[s],
                                  [jnp.full((L,), blk + L, jnp.int32)])
            w2 = plsc.load_gather(pkb[s],
                                  [jnp.full((L,), blk + 2 * L, jnp.int32)])
            for g in range(D // (2 * L)):
                og = g * L
                za = plsc.bitcast(zb[s][e, pl.ds(og, L)], jnp.bfloat16)
                zc = plsc.bitcast(zb[s][e, pl.ds((D // 2) + og, L)],
                                  jnp.bfloat16)
                ze = plsc.bitcast(zb[s][e, pl.ds(D + og, L)], jnp.bfloat16)
                a0, a1 = plsc.unpack(za, format=plsc.PackFormat.INTERLEAVED)
                b0, b1 = plsc.unpack(zc, format=plsc.PackFormat.INTERLEAVED)
                c0, c1 = plsc.unpack(ze, format=plsc.PackFormat.INTERLEAVED)
                o2 = g * 2 * L
                ob[e, pl.ds(o2, L)] = w0 * a0 + w1 * b0 + w2 * c0
                ob[e, pl.ds(o2 + L, L)] = w0 * a1 + w1 * b1 + w2 * c1
            return c2
        lax.fori_loop(0, C2, _e, 0, unroll=2)
        pltpu.sync_copy(ob, acc_sh.at[dstb[s]], add=True)

    _stage(0, 0)
    _stage(1, 1)
    _prep(0, 0)

    def _pair(jj, c):
        j0 = jj * 2
        j1 = j0 + 1
        j2 = j0 + 2
        j3 = j0 + 3

        @pl.when(j1 < nj)
        def _():
            _prep(j1, 1)

        _comp(0)

        @pl.when(j2 < nj)
        def _():
            _stage(j2, 0)

        @pl.when(j1 < nj)
        def _():
            _comp(1)

            @pl.when(j2 < nj)
            def _():
                _prep(j2, 0)

            @pl.when(j3 < nj)
            def _():
                _stage(j3, 1)
        return c
    lax.fori_loop(0, (nj + 1) // 2, _pair, 0)

    plsc.subcore_barrier()
    pltpu.sync_copy(acc_sh.at[pl.ds(row0, RPT)],
                    out_hbm.at[cid, pl.ds(row0, RPT)])


def _pass2_call(pk2, src, dst, z):
    mesh = plsc.VectorSubcoreMesh(core_axis_name="c", subcore_axis_name="s",
                                  num_cores=NC, num_subcores=NS)
    f = pl.kernel(
        _pass2_body,
        compiler_params=pltpu.CompilerParams(needs_layout_passes=False),
        out_type=jax.ShapeDtypeStruct((NC, N_PAD, D), jnp.float32),
        mesh=mesh,
        scratch_types=[
            pltpu.VMEM_SHARED((N_PAD, D), jnp.float32),
            pltpu.VMEM((C2 * 4,), jnp.float32),
            pltpu.VMEM((C2 * 4,), jnp.float32),
            pltpu.VMEM((C2,), jnp.int32),
            pltpu.VMEM((C2,), jnp.int32),
            pltpu.VMEM((C2,), jnp.int32),
            pltpu.VMEM((C2,), jnp.int32),
            pltpu.VMEM((C2, 256), jnp.int32),
            pltpu.VMEM((C2, 256), jnp.int32),
            pltpu.VMEM((C2, D), jnp.float32),
            pltpu.SemaphoreType.DMA,
            pltpu.SemaphoreType.DMA,
            pltpu.SemaphoreType.DMA,
            pltpu.SemaphoreType.DMA,
        ],
    )
    return f(pk2, src, dst, z)

def _add_body(a_ref, b_ref, o_ref):
    o_ref[...] = a_ref[...] + b_ref[...]


def _add_call(a, b):
    g = 10
    bn = N // g
    return pl.pallas_call(
        _add_body,
        grid=(g,),
        in_specs=[pl.BlockSpec((bn, D), lambda i: (i, 0)),
                  pl.BlockSpec((bn, D), lambda i: (i, 0))],
        out_specs=pl.BlockSpec((bn, D), lambda i: (i, 0)),
        out_shape=jax.ShapeDtypeStruct((N, D), jnp.float32),
    )(a, b)


def kernel(h, edge_index, edgefeat, W, a1, a2, W_out):
    src = edge_index[0]
    dst = edge_index[1]
    ef0 = edgefeat[:, 0]
    ef1 = edgefeat[:, 1]
    ef2 = edgefeat[:, 2]
    A = jnp.concatenate(
        [a1, a2, jnp.zeros((D, 6), jnp.float32)], axis=1)
    z, s12 = _mm_call(h, W, A, W_out)
    s1 = s12[:, 0]
    s2 = s12[:, 1]
    pk, den = _pass1_call(src, dst, ef0, ef1, ef2, s1, s2)
    r = _rcp_call(den.reshape(NW, DEN_ROWS, D)).reshape(DEN_WORDS)
    pk2 = _p15_call(pk, dst, r)
    zp = jax.lax.bitcast_convert_type(
        z.astype(jnp.bfloat16).reshape(N, K * D // 32, 2, L)
        .transpose(0, 1, 3, 2),
        jnp.int32).reshape(N, K * D // 2)
    zp = jnp.pad(zp, ((0, 0), (0, 256 - K * D // 2)))
    outp = _pass2_call(pk2, src, dst, zp)
    return _add_call(outp[0], outp[1])

# --- scband reference (transcript-rebuilt; emitter-appended) ---
"""Pipeline reference for scband-sep-ice-45689862094927 (READ-ONLY COPY).

The authoritative reference and input builder live on the scoring server;
editing this copy changes nothing except your own understanding.
"""

import jax, jax.numpy as jnp
import numpy as np

N_NODES = 10000
N_EDGES = 160000
D_IN = 128
D_OUT = 128
ALPHA = 0.2

def glorot(key, shape):
    fan_in, fan_out = shape[0], shape[1]
    limit = float(np.sqrt(6.0 / (fan_in + fan_out)))
    return jax.random.uniform(key, shape, jnp.float32, -limit, limit)

def setup_inputs(seed: int = 0):
    key = jax.random.key(seed)
    k = jax.random.split(key, 7)
    h = jax.random.normal(k[0], (N_NODES, D_IN), jnp.float32)
    edge_index = jax.random.randint(k[1], (2, N_EDGES), 0, N_NODES, dtype=jnp.int32)
    edgefeat = jax.random.uniform(k[2], (N_EDGES, 3), jnp.float32)
    W = glorot(k[3], (D_IN, D_OUT))
    a1 = glorot(k[4], (D_OUT, 1))
    a2 = glorot(k[5], (D_OUT, 1))
    W_out = glorot(k[6], (D_OUT * 3, D_OUT))
    return {"h": h, "edge_index": edge_index, "edgefeat": edgefeat, "W": W, "a1": a1, "a2": a2, "W_out": W_out}

def reference(h, edge_index, edgefeat, W, a1, a2, W_out):
    # EGAT.forward (eval mode: dropout p=0.0 is identity)
    src = edge_index[0]
    dst = edge_index[1]
    n = h.shape[0]
    Wh = h @ W                                  # [N, D_OUT]
    e_src = (Wh @ a1)[src]                      # [E, 1]  (Wh1 = a1(Wh)[edge_index[0]])
    e_dst = (Wh @ a2)[dst]                      # [E, 1]  (Wh2 = a2(Wh)[edge_index[1]])
    # edge_update: alpha = leaky_relu(alpha_j + alpha_i) * edge_attr, then softmax by dst
    alpha = jax.nn.leaky_relu(e_src + e_dst, negative_slope=ALPHA)
    alpha = alpha * edgefeat                    # [E, 3]
    amax = jax.ops.segment_max(alpha, dst, num_segments=n)
    amax = jnp.where(jnp.isfinite(amax), amax, 0.0)  # guard empty segments
    ex = jnp.exp(alpha - amax[dst])
    denom = jax.ops.segment_sum(ex, dst, num_segments=n)
    att = ex / (denom[dst] + 1e-16)             # [E, 3]
    # message: edge_weight.unsqueeze(2) * x_j.unsqueeze(1) -> reshape -> W_out
    msg = att[:, :, None] * Wh[src][:, None, :]  # [E, 3, D_OUT]
    msg = msg.reshape(msg.shape[0], -1)          # [E, 3*D_OUT]
    msg = msg @ W_out                            # [E, D_OUT]
    # aggregate 'add' at dst
    out = jax.ops.segment_sum(msg, dst, num_segments=n)  # [N, D_OUT]
    return out

if __name__ == "__main__":
    import jax
    _d = setup_inputs()
    print(jax.jit(kernel)(*tuple(_d.values())))

</pallas_src>

<mosaic_0001>
#map = affine_map<(d0, d1) -> (0)>
#map1 = affine_map<(d0, d1) -> (0, 0)>
#map2 = affine_map<(d0, d1) -> (0, 0, 0)>
module attributes {stable_mosaic.version = 14 : i64} {
  func.func @_pass2_body(%arg0: i32, %arg1: i32, %arg2: memref<640000xf32, #tpu.memory_space<hbm>>, %arg3: memref<160000xi32, #tpu.memory_space<hbm>>, %arg4: memref<160000xi32, #tpu.memory_space<hbm>>, %arg5: memref<10000x256xi32, #tpu.memory_space<hbm>>, %arg6: memref<2x10240x128xf32, #tpu.memory_space<hbm>>, %arg7: memref<10240x128xf32, #tpu.memory_space<vmem_shared>>, %arg8: memref<256xf32, #tpu.memory_space<vmem>>, %arg9: memref<256xf32, #tpu.memory_space<vmem>>, %arg10: memref<64xi32, #tpu.memory_space<vmem>>, %arg11: memref<64xi32, #tpu.memory_space<vmem>>, %arg12: memref<64xi32, #tpu.memory_space<vmem>>, %arg13: memref<64xi32, #tpu.memory_space<vmem>>, %arg14: memref<64x256xi32, #tpu.memory_space<vmem>>, %arg15: memref<64x256xi32, #tpu.memory_space<vmem>>, %arg16: memref<64x128xf32, #tpu.memory_space<vmem>>, %arg17: memref<!tpu.dma_semaphore, #tpu.memory_space<semaphore_mem>>, %arg18: memref<!tpu.dma_semaphore, #tpu.memory_space<semaphore_mem>>, %arg19: memref<!tpu.dma_semaphore, #tpu.memory_space<semaphore_mem>>, %arg20: memref<!tpu.dma_semaphore, #tpu.memory_space<semaphore_mem>>) attributes {dimension_semantics = [#tpu.dimension_semantics<core_parallel>, #tpu.dimension_semantics<subcore_parallel>], iteration_bounds = array<i64: 2, 16>, scalar_prefetch = 0 : i64, scratch_operands = 14 : i64, tpu.core_type = #tpu.core_type<sc_vector_subcore>, window_params = [{transform_indices = #map}, {transform_indices = #map}, {transform_indices = #map}, {transform_indices = #map1}, {transform_indices = #map2}]} {
    %mul3A = arith.constant 2 : i32
    %mul3A_0 = arith.muli %arg1, %mul3A : i32
    %add3A = arith.addi %mul3A_0, %arg0 : i32
    %broadcast_in_dim3A = arith.constant 0.000000e+00 : f32
    %broadcast_in_dim3A_1 = vector.broadcast %broadcast_in_dim3A : f32 to vector<16xf32>
    %scan3A = arith.constant 0 : i32
    %scan3A_2 = arith.constant 0 : i32
    %scan3A_3 = arith.constant 512 : i32
    %scan3A_4 = arith.addi %scan3A_2, %scan3A_3 : i32
    %scan3A_5 = arith.constant 1 : i32
    scf.for %scan3A_110 = %scan3A_2 to %scan3A_4 step %scan3A_5  : i32 {
      %jit3A_111 = arith.constant 8 : i32
      %div3A_112 = arith.divsi %scan3A_110, %jit3A_111 : i32
      %sign3A_113 = arith.constant 0 : i32
      %sign3A_114 = arith.cmpi sgt, %scan3A_110, %sign3A_113 : i32
      %sign3A_115 = arith.extui %sign3A_114 : i1 to i32
      %sign3A_116 = arith.constant 0 : i32
      %sign3A_117 = arith.cmpi slt, %scan3A_110, %sign3A_116 : i32
      %sign3A_118 = arith.extui %sign3A_117 : i1 to i32
      %sign3A_119 = arith.subi %sign3A_115, %sign3A_118 : i32
      %sign3A_120 = arith.constant 0 : i32
      %sign3A_121 = arith.cmpi sgt, %jit3A_111, %sign3A_120 : i32
      %sign3A_122 = arith.extui %sign3A_121 : i1 to i32
      %sign3A_123 = arith.constant 0 : i32
      %sign3A_124 = arith.cmpi slt, %jit3A_111, %sign3A_123 : i32
      %sign3A_125 = arith.extui %sign3A_124 : i1 to i32
      %sign3A_126 = arith.subi %sign3A_122, %sign3A_125 : i32
      %ne3A_127 = arith.cmpi ne, %sign3A_119, %sign3A_126 : i32
      %rem3A_128 = arith.remsi %scan3A_110, %jit3A_111 : i32
      %ne3A_129 = arith.constant 0 : i32
      %ne3A_130 = arith.cmpi ne, %rem3A_128, %ne3A_129 : i32
      %and3A_131 = arith.andi %ne3A_127, %ne3A_130 : i1
      %sub3A_132 = arith.constant 1 : i32
      %sub3A_133 = arith.subi %div3A_112, %sub3A_132 : i32
      %select_n3A_134 = arith.select %and3A_131, %sub3A_133, %div3A_112 : i32
      %jit3A_135 = arith.constant 8 : i32
      %eq3A = arith.constant 0 : i32
      %eq3A_136 = arith.cmpi eq, %jit3A_135, %eq3A : i32
      %jit3A_137 = arith.constant 1 : i32
      %select_n3A_138 = arith.select %eq3A_136, %jit3A_137, %jit3A_135 : i32
      %rem3A_139 = arith.remsi %scan3A_110, %select_n3A_138 : i32
      %ne3A_140 = arith.constant 0 : i32
      %ne3A_141 = arith.cmpi ne, %rem3A_139, %ne3A_140 : i32
      %lt3A = arith.constant 0 : i32
      %lt3A_142 = arith.cmpi slt, %rem3A_139, %lt3A : i32
      %lt3A_143 = arith.constant 0 : i32
      %lt3A_144 = arith.cmpi slt, %select_n3A_138, %lt3A_143 : i32
      %ne3A_145 = arith.xori %lt3A_142, %lt3A_144 : i1
      %and3A_146 = arith.andi %ne3A_145, %ne3A_141 : i1
      %add3A_147 = arith.addi %rem3A_139, %select_n3A_138 : i32
      %select_n3A_148 = arith.select %and3A_146, %add3A_147, %rem3A_139 : i32
      %mul3A_149 = arith.constant 16 : i32
      %mul3A_150 = arith.muli %select_n3A_148, %mul3A_149 : i32
      %swap3A = arith.index_cast %select_n3A_134 : i32 to index
      %swap3A_151 = arith.index_cast %mul3A_150 : i32 to index
      %swap3A_152 = tpu.vector_load %arg16[%swap3A, %swap3A_151] {strides = array<i32>} : memref<64x128xf32, #tpu.memory_space<vmem>>, vector<16xf32>,
      tpu.vector_store %arg16[%swap3A, %swap3A_151], %broadcast_in_dim3A_1 {strides = array<i32>} : memref<64x128xf32, #tpu.memory_space<vmem>>, vector<16xf32>,
    }
    %scan3A_6 = arith.constant 512 : i32
    %mul3A_7 = arith.constant 640 : i32
    %mul3A_8 = arith.muli %arg1, %mul3A_7 : i32
    %scan3A_9 = arith.constant 0 : i32
    %scan3A_10 = arith.constant 0 : i32
    %scan3A_11 = arith.constant 10 : i32
    %scan3A_12 = arith.addi %scan3A_10, %scan3A_11 : i32
    %scan3A_13 = arith.constant 1 : i32
    scf.for %scan3A_110 = %scan3A_10 to %scan3A_12 step %scan3A_13  : i32 {
      %mul3A_111 = arith.constant 64 : i32
      %mul3A_112 = arith.muli %scan3A_110, %mul3A_111 : i32
      %add3A_113 = arith.addi %mul3A_8, %mul3A_112 : i32
      "tpu.region"() ({
        %run_scoped3A = tpu.sem_alloc : memref<!tpu.dma_semaphore, #tpu.memory_space<semaphore_mem>>
        %dma_start3A_114 = arith.constant 0 : i32
        %dma_start3A_115 = tpu.memref_slice %arg7[%add3A_113, %dma_start3A_114] : memref<10240x128xf32, #tpu.memory_space<vmem_shared>> -> memref<64x128xf32, #tpu.memory_space<vmem_shared>>
        %dma_start3A_116 = arith.constant 0 : i32
        %dma_start3A_117 = tpu.memref_slice %arg7[%add3A_113, %dma_start3A_116] : memref<10240x128xf32, #tpu.memory_space<vmem_shared>> -> memref<64x128xf32, #tpu.memory_space<vmem_shared>>
        tpu.enqueue_dma source(%arg16 : memref<64x128xf32, #tpu.memory_space<vmem>>) target(%dma_start3A_117 : memref<64x128xf32, #tpu.memory_space<vmem_shared>>) target_semaphore(%run_scoped3A : memref<!tpu.dma_semaphore, #tpu.memory_space<semaphore_mem>>)
        %dma_wait3A_118 = arith.constant 0 : i32
        %dma_wait3A_119 = tpu.memref_slice %arg7[%add3A_113, %dma_wait3A_118] : memref<10240x128xf32, #tpu.memory_space<vmem_shared>> -> memref<64x128xf32, #tpu.memory_space<vmem_shared>>
        %dma_wait3A_120 = arith.constant 0 : i32
        %dma_wait3A_121 = tpu.memref_slice %arg7[%add3A_113, %dma_wait3A_120] : memref<10240x128xf32, #tpu.memory_space<vmem_shared>> -> memref<64x128xf32, #tpu.memory_space<vmem_shared>>
        tpu.wait_dma2 semaphore(%run_scoped3A : memref<!tpu.dma_semaphore, #tpu.memory_space<semaphore_mem>>) src(%arg16 : memref<64x128xf32, #tpu.memory_space<vmem>>) dst(%dma_wait3A_121 : memref<64x128xf32, #tpu.memory_space<vmem_shared>>)
        tpu.yield
      }) : () -> ()
    }
    %scan3A_14 = arith.constant 10 : i32
    %barrier3A = arith.constant 0 : index
    tpu.barrier barrier_id(%barrier3A)
    %sub3A = arith.constant 2500 : i32
    %sub3A_15 = arith.subi %sub3A, %add3A : i32
    %add3A_16 = arith.constant 32 : i32
    %add3A_17 = arith.addi %sub3A_15, %add3A_16 : i32
    %sub3A_18 = arith.constant 1 : i32
    %sub3A_19 = arith.subi %add3A_17, %sub3A_18 : i32
    %jit3A = arith.constant 32 : i32
    %div3A = arith.divsi %sub3A_19, %jit3A : i32
    %sign3A = arith.constant 0 : i32
    %sign3A_20 = arith.cmpi sgt, %sub3A_19, %sign3A : i32
    %sign3A_21 = arith.extui %sign3A_20 : i1 to i32
    %sign3A_22 = arith.constant 0 : i32
    %sign3A_23 = arith.cmpi slt, %sub3A_19, %sign3A_22 : i32
    %sign3A_24 = arith.extui %sign3A_23 : i1 to i32
    %sign3A_25 = arith.subi %sign3A_21, %sign3A_24 : i32
    %sign3A_26 = arith.constant 0 : i32
    %sign3A_27 = arith.cmpi sgt, %jit3A, %sign3A_26 : i32
    %sign3A_28 = arith.extui %sign3A_27 : i1 to i32
    %sign3A_29 = arith.constant 0 : i32
    %sign3A_30 = arith.cmpi slt, %jit3A, %sign3A_29 : i32
    %sign3A_31 = arith.extui %sign3A_30 : i1 to i32
    %sign3A_32 = arith.subi %sign3A_28, %sign3A_31 : i32
    %ne3A = arith.cmpi ne, %sign3A_25, %sign3A_32 : i32
    %rem3A = arith.remsi %sub3A_19, %jit3A : i32
    %ne3A_33 = arith.constant 0 : i32
    %ne3A_34 = arith.cmpi ne, %rem3A, %ne3A_33 : i32
    %and3A = arith.andi %ne3A, %ne3A_34 : i1
    %sub3A_35 = arith.constant 1 : i32
    %sub3A_36 = arith.subi %div3A, %sub3A_35 : i32
    %select_n3A = arith.select %and3A, %sub3A_36, %div3A : i32
    %add3A_37 = arith.constant 0 : i32
    %add3A_38 = arith.addi %add3A, %add3A_37 : i32
    %mul3A_39 = arith.constant 64 : i32
    %mul3A_40 = arith.muli %add3A_38, %mul3A_39 : i32
    %mul3A_41 = arith.constant 4 : i32
    %mul3A_42 = arith.muli %mul3A_40, %mul3A_41 : i32
    %dma_start3A = tpu.memref_slice %arg2[%mul3A_42] : memref<640000xf32, #tpu.memory_space<hbm>> -> memref<256xf32, #tpu.memory_space<hbm>>
    %dma_start3A_43 = tpu.memref_slice %arg2[%mul3A_42] : memref<640000xf32, #tpu.memory_space<hbm>> -> memref<256xf32, #tpu.memory_space<hbm>>
    tpu.enqueue_dma source(%dma_start3A_43 : memref<256xf32, #tpu.memory_space<hbm>>) target(%arg8 : memref<256xf32, #tpu.memory_space<vmem>>) target_semaphore(%arg17 : memref<!tpu.dma_semaphore, #tpu.memory_space<semaphore_mem>>)
    %dma_start3A_44 = tpu.memref_slice %arg3[%mul3A_40] : memref<160000xi32, #tpu.memory_space<hbm>> -> memref<64xi32, #tpu.memory_space<hbm>>
    %dma_start3A_45 = tpu.memref_slice %arg3[%mul3A_40] : memref<160000xi32, #tpu.memory_space<hbm>> -> memref<64xi32, #tpu.memory_space<hbm>>
    tpu.enqueue_dma source(%dma_start3A_45 : memref<64xi32, #tpu.memory_space<hbm>>) target(%arg10 : memref<64xi32, #tpu.memory_space<vmem>>) target_semaphore(%arg17 : memref<!tpu.dma_semaphore, #tpu.memory_space<semaphore_mem>>)
    %dma_start3A_46 = tpu.memref_slice %arg4[%mul3A_40] : memref<160000xi32, #tpu.memory_space<hbm>> -> memref<64xi32, #tpu.memory_space<hbm>>
    %dma_start3A_47 = tpu.memref_slice %arg4[%mul3A_40] : memref<160000xi32, #tpu.memory_space<hbm>> -> memref<64xi32, #tpu.memory_space<hbm>>
    tpu.enqueue_dma source(%dma_start3A_47 : memref<64xi32, #tpu.memory_space<hbm>>) target(%arg12 : memref<64xi32, #tpu.memory_space<vmem>>) target_semaphore(%arg17 : memref<!tpu.dma_semaphore, #tpu.memory_space<semaphore_mem>>)
    %add3A_48 = arith.constant 32 : i32
    %add3A_49 = arith.addi %add3A, %add3A_48 : i32
    %mul3A_50 = arith.constant 64 : i32
    %mul3A_51 = arith.muli %add3A_49, %mul3A_50 : i32
    %mul3A_52 = arith.constant 4 : i32
    %mul3A_53 = arith.muli %mul3A_51, %mul3A_52 : i32
    %dma_start3A_54 = tpu.memref_slice %arg2[%mul3A_53] : memref<640000xf32, #tpu.memory_space<hbm>> -> memref<256xf32, #tpu.memory_space<hbm>>
    %dma_start3A_55 = tpu.memref_slice %arg2[%mul3A_53] : memref<640000xf32, #tpu.memory_space<hbm>> -> memref<256xf32, #tpu.memory_space<hbm>>
    tpu.enqueue_dma source(%dma_start3A_55 : memref<256xf32, #tpu.memory_space<hbm>>) target(%arg9 : memref<256xf32, #tpu.memory_space<vmem>>) target_semaphore(%arg18 : memref<!tpu.dma_semaphore, #tpu.memory_space<semaphore_mem>>)
    %dma_start3A_56 = tpu.memref_slice %arg3[%mul3A_51] : memref<160000xi32, #tpu.memory_space<hbm>> -> memref<64xi32, #tpu.memory_space<hbm>>
    %dma_start3A_57 = tpu.memref_slice %arg3[%mul3A_51] : memref<160000xi32, #tpu.memory_space<hbm>> -> memref<64xi32, #tpu.memory_space<hbm>>
    tpu.enqueue_dma source(%dma_start3A_57 : memref<64xi32, #tpu.memory_space<hbm>>) target(%arg11 : memref<64xi32, #tpu.memory_space<vmem>>) target_semaphore(%arg18 : memref<!tpu.dma_semaphore, #tpu.memory_space<semaphore_mem>>)
    %dma_start3A_58 = tpu.memref_slice %arg4[%mul3A_51] : memref<160000xi32, #tpu.memory_space<hbm>> -> memref<64xi32, #tpu.memory_space<hbm>>
    %dma_start3A_59 = tpu.memref_slice %arg4[%mul3A_51] : memref<160000xi32, #tpu.memory_space<hbm>> -> memref<64xi32, #tpu.memory_space<hbm>>
    tpu.enqueue_dma source(%dma_start3A_59 : memref<64xi32, #tpu.memory_space<hbm>>) target(%arg13 : memref<64xi32, #tpu.memory_space<vmem>>) target_semaphore(%arg18 : memref<!tpu.dma_semaphore, #tpu.memory_space<semaphore_mem>>)
    %add3A_60 = arith.constant 0 : i32
    %add3A_61 = arith.addi %add3A, %add3A_60 : i32
    %mul3A_62 = arith.constant 64 : i32
    %mul3A_63 = arith.muli %add3A_61, %mul3A_62 : i32
    %mul3A_64 = arith.constant 4 : i32
    %mul3A_65 = arith.muli %mul3A_63, %mul3A_64 : i32
    %dma_wait3A = tpu.memref_slice %arg2[%mul3A_65] : memref<640000xf32, #tpu.memory_space<hbm>> -> memref<256xf32, #tpu.memory_space<hbm>>
    %dma_wait3A_66 = tpu.memref_slice %arg2[%mul3A_65] : memref<640000xf32, #tpu.memory_space<hbm>> -> memref<256xf32, #tpu.memory_space<hbm>>
    tpu.wait_dma2 semaphore(%arg17 : memref<!tpu.dma_semaphore, #tpu.memory_space<semaphore_mem>>) src(%dma_wait3A_66 : memref<256xf32, #tpu.memory_space<hbm>>) dst(%arg8 : memref<256xf32, #tpu.memory_space<vmem>>)
    %dma_wait3A_67 = tpu.memref_slice %arg3[%mul3A_63] : memref<160000xi32, #tpu.memory_space<hbm>> -> memref<64xi32, #tpu.memory_space<hbm>>
    %dma_wait3A_68 = tpu.memref_slice %arg3[%mul3A_63] : memref<160000xi32, #tpu.memory_space<hbm>> -> memref<64xi32, #tpu.memory_space<hbm>>
    tpu.wait_dma2 semaphore(%arg17 : memref<!tpu.dma_semaphore, #tpu.memory_space<semaphore_mem>>) src(%dma_wait3A_68 : memref<64xi32, #tpu.memory_space<hbm>>) dst(%arg10 : memref<64xi32, #tpu.memory_space<vmem>>)
    %dma_wait3A_69 = tpu.memref_slice %arg4[%mul3A_63] : memref<160000xi32, #tpu.memory_space<hbm>> -> memref<64xi32, #tpu.memory_space<hbm>>
    %dma_wait3A_70 = tpu.memref_slice %arg4[%mul3A_63] : memref<160000xi32, #tpu.memory_space<hbm>> -> memref<64xi32, #tpu.memory_space<hbm>>
    tpu.wait_dma2 semaphore(%arg17 : memref<!tpu.dma_semaphore, #tpu.memory_space<semaphore_mem>>) src(%dma_wait3A_70 : memref<64xi32, #tpu.memory_space<hbm>>) dst(%arg12 : memref<64xi32, #tpu.memory_space<vmem>>)
    %dma_start3A_71 = arith.constant 0 : i32
    %dma_start3A_72 = arith.constant 0 : i32
    %dma_start3A_73 = tpu.memref_slice %arg5[%dma_start3A_71, %dma_start3A_72] : memref<10000x256xi32, #tpu.memory_space<hbm>> -> memref<10000x256xi32, #tpu.memory_space<hbm>>
    tpu.enqueue_indirect_dma source(%dma_start3A_73 : memref<10000x256xi32, #tpu.memory_space<hbm>>) target(%arg14 : memref<64x256xi32, #tpu.memory_space<vmem>>) offsets(%arg10 : memref<64xi32, #tpu.memory_space<vmem>>) semaphore(%arg19 : memref<!tpu.dma_semaphore, #tpu.memory_space<semaphore_mem>>)
    %add3A_74 = arith.constant 1 : i32
    %add3A_75 = arith.addi %select_n3A, %add3A_74 : i32
    %jit3A_76 = arith.constant 2 : i32
    %div3A_77 = arith.divsi %add3A_75, %jit3A_76 : i32
    %sign3A_78 = arith.constant 0 : i32
    %sign3A_79 = arith.cmpi sgt, %add3A_75, %sign3A_78 : i32
    %sign3A_80 = arith.extui %sign3A_79 : i1 to i32
    %sign3A_81 = arith.constant 0 : i32
    %sign3A_82 = arith.cmpi slt, %add3A_75, %sign3A_81 : i32
    %sign3A_83 = arith.extui %sign3A_82 : i1 to i32
    %sign3A_84 = arith.subi %sign3A_80, %sign3A_83 : i32
    %sign3A_85 = arith.constant 0 : i32
    %sign3A_86 = arith.cmpi sgt, %jit3A_76, %sign3A_85 : i32
    %sign3A_87 = arith.extui %sign3A_86 : i1 to i32
    %sign3A_88 = arith.constant 0 : i32
    %sign3A_89 = arith.cmpi slt, %jit3A_76, %sign3A_88 : i32
    %sign3A_90 = arith.extui %sign3A_89 : i1 to i32
    %sign3A_91 = arith.subi %sign3A_87, %sign3A_90 : i32
    %ne3A_92 = arith.cmpi ne, %sign3A_84, %sign3A_91 : i32
    %rem3A_93 = arith.remsi %add3A_75, %jit3A_76 : i32
    %ne3A_94 = arith.constant 0 : i32
    %ne3A_95 = arith.cmpi ne, %rem3A_93, %ne3A_94 : i32
    %and3A_96 = arith.andi %ne3A_92, %ne3A_95 : i1
    %sub3A_97 = arith.constant 1 : i32
    %sub3A_98 = arith.subi %div3A_77, %sub3A_97 : i32
    %select_n3A_99 = arith.select %and3A_96, %sub3A_98, %div3A_77 : i32
    %while3A = arith.constant 0 : i32
    %while3A_100 = arith.constant 0 : i32
    %while3A_101 = arith.subi %select_n3A_99, %while3A_100 : i32
    %while3A_102 = arith.addi %while3A_100, %while3A_101 : i32
    %while3A_103 = arith.constant 1 : i32
    %while3A_104 = arith.divsi %while3A_101, %while3A_103 : i32
    %while3A_105 = arith.muli %while3A_104, %while3A_103 : i32
    %while3A_106 = arith.addi %while3A_100, %while3A_105 : i32
    %while3A_107 = arith.constant 1 : i32
    scf.for %while3A_110 = %while3A_100 to %while3A_106 step %while3A_107  : i32 {
      %mul3A_111 = arith.constant 2 : i32
      %mul3A_112 = arith.muli %while3A_110, %mul3A_111 : i32
      %add3A_113 = arith.constant 1 : i32
      %add3A_114 = arith.addi %mul3A_112, %add3A_113 : i32
      %add3A_115 = arith.constant 2 : i32
      %add3A_116 = arith.addi %mul3A_112, %add3A_115 : i32
      %add3A_117 = arith.constant 3 : i32
      %add3A_118 = arith.addi %mul3A_112, %add3A_117 : i32
      %lt3A = arith.cmpi slt, %add3A_114, %select_n3A : i32
      %convert_element_type3A = arith.extui %lt3A : i1 to i32
      %cond3A = arith.constant 0 : i32
      %cond3A_119 = arith.cmpi ne, %convert_element_type3A, %cond3A : i32
      scf.if %cond3A_119 {
        %mul3A_137 = arith.constant 32 : i32
        %mul3A_138 = arith.muli %add3A_114, %mul3A_137 : i32
        %add3A_139 = arith.addi %add3A, %mul3A_138 : i32
        %mul3A_140 = arith.constant 64 : i32
        %mul3A_141 = arith.muli %add3A_139, %mul3A_140 : i32
        %mul3A_142 = arith.constant 4 : i32
        %mul3A_143 = arith.muli %mul3A_141, %mul3A_142 : i32
        %dma_wait3A_144 = tpu.memref_slice %arg2[%mul3A_143] : memref<640000xf32, #tpu.memory_space<hbm>> -> memref<256xf32, #tpu.memory_space<hbm>>
        %dma_wait3A_145 = tpu.memref_slice %arg2[%mul3A_143] : memref<640000xf32, #tpu.memory_space<hbm>> -> memref<256xf32, #tpu.memory_space<hbm>>
        tpu.wait_dma2 semaphore(%arg18 : memref<!tpu.dma_semaphore, #tpu.memory_space<semaphore_mem>>) src(%dma_wait3A_145 : memref<256xf32, #tpu.memory_space<hbm>>) dst(%arg9 : memref<256xf32, #tpu.memory_space<vmem>>)
        %dma_wait3A_146 = tpu.memref_slice %arg3[%mul3A_141] : memref<160000xi32, #tpu.memory_space<hbm>> -> memref<64xi32, #tpu.memory_space<hbm>>
        %dma_wait3A_147 = tpu.memref_slice %arg3[%mul3A_141] : memref<160000xi32, #tpu.memory_space<hbm>> -> memref<64xi32, #tpu.memory_space<hbm>>
        tpu.wait_dma2 semaphore(%arg18 : memref<!tpu.dma_semaphore, #tpu.memory_space<semaphore_mem>>) src(%dma_wait3A_147 : memref<64xi32, #tpu.memory_space<hbm>>) dst(%arg11 : memref<64xi32, #tpu.memory_space<vmem>>)
        %dma_wait3A_148 = tpu.memref_slice %arg4[%mul3A_141] : memref<160000xi32, #tpu.memory_space<hbm>> -> memref<64xi32, #tpu.memory_space<hbm>>
        %dma_wait3A_149 = tpu.memref_slice %arg4[%mul3A_141] : memref<160000xi32, #tpu.memory_space<hbm>> -> memref<64xi32, #tpu.memory_space<hbm>>
        tpu.wait_dma2 semaphore(%arg18 : memref<!tpu.dma_semaphore, #tpu.memory_space<semaphore_mem>>) src(%dma_wait3A_149 : memref<64xi32, #tpu.memory_space<hbm>>) dst(%arg13 : memref<64xi32, #tpu.memory_space<vmem>>)
        %dma_start3A_150 = arith.constant 0 : i32
        %dma_start3A_151 = arith.constant 0 : i32
        %dma_start3A_152 = tpu.memref_slice %arg5[%dma_start3A_150, %dma_start3A_151] : memref<10000x256xi32, #tpu.memory_space<hbm>> -> memref<10000x256xi32, #tpu.memory_space<hbm>>
        tpu.enqueue_indirect_dma source(%dma_start3A_152 : memref<10000x256xi32, #tpu.memory_space<hbm>>) target(%arg15 : memref<64x256xi32, #tpu.memory_space<vmem>>) offsets(%arg11 : memref<64xi32, #tpu.memory_space<vmem>>) semaphore(%arg20 : memref<!tpu.dma_semaphore, #tpu.memory_space<semaphore_mem>>)
      } else {
      }
      %dma_wait3A_120 = arith.constant 0 : i32
      %dma_wait3A_121 = arith.constant 0 : i32
      %dma_wait3A_122 = tpu.memref_slice %arg5[%dma_wait3A_120, %dma_wait3A_121] : memref<10000x256xi32, #tpu.memory_space<hbm>> -> memref<10000x256xi32, #tpu.memory_space<hbm>>
      tpu.wait_indirect_dma semaphore(%arg19 : memref<!tpu.dma_semaphore, #tpu.memory_space<semaphore_mem>>) src(%dma_wait3A_122 : memref<10000x256xi32, #tpu.memory_space<hbm>>) dst(%arg14 : memref<64x256xi32, #tpu.memory_space<vmem>>)
      %scan3A_123 = arith.constant 0 : i32
      %scan3A_124 = arith.constant 0 : i32
      %scan3A_125 = arith.constant 64 : i32
      %scan3A_126 = arith.addi %scan3A_124, %scan3A_125 : i32
      %scan3A_127 = arith.constant 2 : i32
      scf.for %scan3A_137 = %scan3A_124 to %scan3A_126 step %scan3A_127  : i32 {
        %jit3A_138 = arith.constant 16 : i32
        %div3A_139 = arith.divsi %scan3A_137, %jit3A_138 : i32
        %sign3A_140 = arith.constant 0 : i32
        %sign3A_141 = arith.cmpi sgt, %scan3A_137, %sign3A_140 : i32
        %sign3A_142 = arith.extui %sign3A_141 : i1 to i32
        %sign3A_143 = arith.constant 0 : i32
        %sign3A_144 = arith.cmpi slt, %scan3A_137, %sign3A_143 : i32
        %sign3A_145 = arith.extui %sign3A_144 : i1 to i32
        %sign3A_146 = arith.subi %sign3A_142, %sign3A_145 : i32
        %sign3A_147 = arith.constant 0 : i32
        %sign3A_148 = arith.cmpi sgt, %jit3A_138, %sign3A_147 : i32
        %sign3A_149 = arith.extui %sign3A_148 : i1 to i32
        %sign3A_150 = arith.constant 0 : i32
        %sign3A_151 = arith.cmpi slt, %jit3A_138, %sign3A_150 : i32
        %sign3A_152 = arith.extui %sign3A_151 : i1 to i32
        %sign3A_153 = arith.subi %sign3A_149, %sign3A_152 : i32
        %ne3A_154 = arith.cmpi ne, %sign3A_146, %sign3A_153 : i32
        %rem3A_155 = arith.remsi %scan3A_137, %jit3A_138 : i32
        %ne3A_156 = arith.constant 0 : i32
        %ne3A_157 = arith.cmpi ne, %rem3A_155, %ne3A_156 : i32
        %and3A_158 = arith.andi %ne3A_154, %ne3A_157 : i1
        %sub3A_159 = arith.constant 1 : i32
        %sub3A_160 = arith.subi %div3A_139, %sub3A_159 : i32
        %select_n3A_161 = arith.select %and3A_158, %sub3A_160, %div3A_139 : i32
        %mul3A_162 = arith.constant 64 : i32
        %mul3A_163 = arith.muli %select_n3A_161, %mul3A_162 : i32
        %jit3A_164 = arith.constant 16 : i32
        %eq3A = arith.constant 0 : i32
        %eq3A_165 = arith.cmpi eq, %jit3A_164, %eq3A : i32
        %jit3A_166 = arith.constant 1 : i32
        %select_n3A_167 = arith.select %eq3A_165, %jit3A_166, %jit3A_164 : i32
        %rem3A_168 = arith.remsi %scan3A_137, %select_n3A_167 : i32
        %ne3A_169 = arith.constant 0 : i32
        %ne3A_170 = arith.cmpi ne, %rem3A_168, %ne3A_169 : i32
        %lt3A_171 = arith.constant 0 : i32
        %lt3A_172 = arith.cmpi slt, %rem3A_168, %lt3A_171 : i32
        %lt3A_173 = arith.constant 0 : i32
        %lt3A_174 = arith.cmpi slt, %select_n3A_167, %lt3A_173 : i32
        %ne3A_175 = arith.xori %lt3A_172, %lt3A_174 : i1
        %and3A_176 = arith.andi %ne3A_175, %ne3A_170 : i1
        %add3A_177 = arith.addi %rem3A_168, %select_n3A_167 : i32
        %select_n3A_178 = arith.select %and3A_176, %add3A_177, %rem3A_168 : i32
        %add3A_179 = arith.addi %mul3A_163, %select_n3A_178 : i32
        %broadcast_in_dim3A_180 = vector.broadcast %add3A_179 : i32 to vector<16xi32>
        %gather3A = tpu.vector_load_idx %arg8[%broadcast_in_dim3A_180] : memref<256xf32, #tpu.memory_space<vmem>>[vector<16xi32>], vector<16xf32>,
        %add3A_181 = arith.constant 16 : i32
        %add3A_182 = arith.addi %add3A_179, %add3A_181 : i32
        %broadcast_in_dim3A_183 = vector.broadcast %add3A_182 : i32 to vector<16xi32>
        %gather3A_184 = tpu.vector_load_idx %arg8[%broadcast_in_dim3A_183] : memref<256xf32, #tpu.memory_space<vmem>>[vector<16xi32>], vector<16xf32>,
        %add3A_185 = arith.constant 32 : i32
        %add3A_186 = arith.addi %add3A_179, %add3A_185 : i32
        %broadcast_in_dim3A_187 = vector.broadcast %add3A_186 : i32 to vector<16xi32>
        %gather3A_188 = tpu.vector_load_idx %arg8[%broadcast_in_dim3A_187] : memref<256xf32, #tpu.memory_space<vmem>>[vector<16xi32>], vector<16xf32>,
        %get3A = arith.index_cast %scan3A_137 : i32 to index
        %get3A_189 = arith.constant 0 : index
        %get3A_190 = tpu.vector_load %arg14[%get3A, %get3A_189] {strides = array<i32>} : memref<64x256xi32, #tpu.memory_space<vmem>>, vector<16xi32>,
        %bitcast3A = vector.bitcast %get3A_190 : vector<16xi32> to vector<32xbf16>
        %get3A_191 = arith.index_cast %scan3A_137 : i32 to index
        %get3A_192 = arith.constant 64 : index
        %get3A_193 = tpu.vector_load %arg14[%get3A_191, %get3A_192] {strides = array<i32>} : memref<64x256xi32, #tpu.memory_space<vmem>>, vector<16xi32>,
        %bitcast3A_194 = vector.bitcast %get3A_193 : vector<16xi32> to vector<32xbf16>
        %get3A_195 = arith.index_cast %scan3A_137 : i32 to index
        %get3A_196 = arith.constant 128 : index
        %get3A_197 = tpu.vector_load %arg14[%get3A_195, %get3A_196] {strides = array<i32>} : memref<64x256xi32, #tpu.memory_space<vmem>>, vector<16xi32>,
        %bitcast3A_198 = vector.bitcast %get3A_197 : vector<16xi32> to vector<32xbf16>
        %unpack3A = tpu.unpack_subelements %bitcast3A, 0 {pack_format = #tpu.pack_format<interleaved>} : vector<32xbf16> -> vector<16xf32>
        %unpack3A_199 = tpu.unpack_subelements %bitcast3A, 1 {pack_format = #tpu.pack_format<interleaved>} : vector<32xbf16> -> vector<16xf32>
        %unpack3A_200 = tpu.unpack_subelements %bitcast3A_194, 0 {pack_format = #tpu.pack_format<interleaved>} : vector<32xbf16> -> vector<16xf32>
        %unpack3A_201 = tpu.unpack_subelements %bitcast3A_194, 1 {pack_format = #tpu.pack_format<interleaved>} : vector<32xbf16> -> vector<16xf32>
        %unpack3A_202 = tpu.unpack_subelements %bitcast3A_198, 0 {pack_format = #tpu.pack_format<interleaved>} : vector<32xbf16> -> vector<16xf32>
        %unpack3A_203 = tpu.unpack_subelements %bitcast3A_198, 1 {pack_format = #tpu.pack_format<interleaved>} : vector<32xbf16> -> vector<16xf32>
        %mul3A_204 = arith.mulf %gather3A, %unpack3A : vector<16xf32>
        %mul3A_205 = arith.mulf %gather3A_184, %unpack3A_200 : vector<16xf32>
        %add3A_206 = arith.addf %mul3A_204, %mul3A_205 : vector<16xf32>
        %mul3A_207 = arith.mulf %gather3A_188, %unpack3A_202 : vector<16xf32>
        %add3A_208 = arith.addf %add3A_206, %mul3A_207 : vector<16xf32>
        %swap3A = arith.index_cast %scan3A_137 : i32 to index
        %swap3A_209 = arith.constant 0 : index
        %swap3A_210 = tpu.vector_load %arg16[%swap3A, %swap3A_209] {strides = array<i32>} : memref<64x128xf32, #tpu.memory_space<vmem>>, vector<16xf32>,
        tpu.vector_store %arg16[%swap3A, %swap3A_209], %add3A_208 {strides = array<i32>} : memref<64x128xf32, #tpu.memory_space<vmem>>, vector<16xf32>,
        %mul3A_211 = arith.mulf %gather3A, %unpack3A_199 : vector<16xf32>
        %mul3A_212 = arith.mulf %gather3A_184, %unpack3A_201 : vector<16xf32>
        %add3A_213 = arith.addf %mul3A_211, %mul3A_212 : vector<16xf32>
        %mul3A_214 = arith.mulf %gather3A_188, %unpack3A_203 : vector<16xf32>
        %add3A_215 = arith.addf %add3A_213, %mul3A_214 : vector<16xf32>
        %swap3A_216 = arith.index_cast %scan3A_137 : i32 to index
        %swap3A_217 = arith.constant 16 : index
        %swap3A_218 = tpu.vector_load %arg16[%swap3A_216, %swap3A_217] {strides = array<i32>} : memref<64x128xf32, #tpu.memory_space<vmem>>, vector<16xf32>,
        tpu.vector_store %arg16[%swap3A_216, %swap3A_217], %add3A_215 {strides = array<i32>} : memref<64x128xf32, #tpu.memory_space<vmem>>, vector<16xf32>,
        %get3A_219 = arith.index_cast %scan3A_137 : i32 to index
        %get3A_220 = arith.constant 16 : index
        %get3A_221 = tpu.vector_load %arg14[%get3A_219, %get3A_220] {strides = array<i32>} : memref<64x256xi32, #tpu.memory_space<vmem>>, vector<16xi32>,
        %bitcast3A_222 = vector.bitcast %get3A_221 : vector<16xi32> to vector<32xbf16>
        %get3A_223 = arith.index_cast %scan3A_137 : i32 to index
        %get3A_224 = arith.constant 80 : index
        %get3A_225 = tpu.vector_load %arg14[%get3A_223, %get3A_224] {strides = array<i32>} : memref<64x256xi32, #tpu.memory_space<vmem>>, vector<16xi32>,
        %bitcast3A_226 = vector.bitcast %get3A_225 : vector<16xi32> to vector<32xbf16>
        %get3A_227 = arith.index_cast %scan3A_137 : i32 to index
        %get3A_228 = arith.constant 144 : index
        %get3A_229 = tpu.vector_load %arg14[%get3A_227, %get3A_228] {strides = array<i32>} : memref<64x256xi32, #tpu.memory_space<vmem>>, vector<16xi32>,
        %bitcast3A_230 = vector.bitcast %get3A_229 : vector<16xi32> to vector<32xbf16>
        %unpack3A_231 = tpu.unpack_subelements %bitcast3A_222, 0 {pack_format = #tpu.pack_format<interleaved>} : vector<32xbf16> -> vector<16xf32>
        %unpack3A_232 = tpu.unpack_subelements %bitcast3A_222, 1 {pack_format = #tpu.pack_format<interleaved>} : vector<32xbf16> -> vector<16xf32>
        %unpack3A_233 = tpu.unpack_subelements %bitcast3A_226, 0 {pack_format = #tpu.pack_format<interleaved>} : vector<32xbf16> -> vector<16xf32>
        %unpack3A_234 = tpu.unpack_subelements %bitcast3A_226, 1 {pack_format = #tpu.pack_format<interleaved>} : vector<32xbf16> -> vector<16xf32>
        %unpack3A_235 = tpu.unpack_subelements %bitcast3A_230, 0 {pack_format = #tpu.pack_format<interleaved>} : vector<32xbf16> -> vector<16xf32>
        %unpack3A_236 = tpu.unpack_subelements %bitcast3A_230, 1 {pack_format = #tpu.pack_format<interleaved>} : vector<32xbf16> -> vector<16xf32>
        %mul3A_237 = arith.mulf %gather3A, %unpack3A_231 : vector<16xf32>
        %mul3A_238 = arith.mulf %gather3A_184, %unpack3A_233 : vector<16xf32>
        %add3A_239 = arith.addf %mul3A_237, %mul3A_238 : vector<16xf32>
        %mul3A_240 = arith.mulf %gather3A_188, %unpack3A_235 : vector<16xf32>
        %add3A_241 = arith.addf %add3A_239, %mul3A_240 : vector<16xf32>
        %swap3A_242 = arith.index_cast %scan3A_137 : i32 to index
        %swap3A_243 = arith.constant 32 : index
        %swap3A_244 = tpu.vector_load %arg16[%swap3A_242, %swap3A_243] {strides = array<i32>} : memref<64x128xf32, #tpu.memory_space<vmem>>, vector<16xf32>,
        tpu.vector_store %arg16[%swap3A_242, %swap3A_243], %add3A_241 {strides = array<i32>} : memref<64x128xf32, #tpu.memory_space<vmem>>, vector<16xf32>,
        %mul3A_245 = arith.mulf %gather3A, %unpack3A_232 : vector<16xf32>
        %mul3A_246 = arith.mulf %gather3A_184, %unpack3A_234 : vector<16xf32>
        %add3A_247 = arith.addf %mul3A_245, %mul3A_246 : vector<16xf32>
        %mul3A_248 = arith.mulf %gather3A_188, %unpack3A_236 : vector<16xf32>
        %add3A_249 = arith.addf %add3A_247, %mul3A_248 : vector<16xf32>
        %swap3A_250 = arith.index_cast %scan3A_137 : i32 to index
        %swap3A_251 = arith.constant 48 : index
        %swap3A_252 = tpu.vector_load %arg16[%swap3A_250, %swap3A_251] {strides = array<i32>} : memref<64x128xf32, #tpu.memory_space<vmem>>, vector<16xf32>,
        tpu.vector_store %arg16[%swap3A_250, %swap3A_251], %add3A_249 {strides = array<i32>} : memref<64x128xf32, #tpu.memory_space<vmem>>, vector<16xf32>,
        %get3A_253 = arith.index_cast %scan3A_137 : i32 to index
        %get3A_254 = arith.constant 32 : index
        %get3A_255 = tpu.vector_load %arg14[%get3A_253, %get3A_254] {strides = array<i32>} : memref<64x256xi32, #tpu.memory_space<vmem>>, vector<16xi32>,
        %bitcast3A_256 = vector.bitcast %get3A_255 : vector<16xi32> to vector<32xbf16>
        %get3A_257 = arith.index_cast %scan3A_137 : i32 to index
        %get3A_258 = arith.constant 96 : index
        %get3A_259 = tpu.vector_load %arg14[%get3A_257, %get3A_258] {strides = array<i32>} : memref<64x256xi32, #tpu.memory_space<vmem>>, vector<16xi32>,
        %bitcast3A_260 = vector.bitcast %get3A_259 : vector<16xi32> to vector<32xbf16>
        %get3A_261 = arith.index_cast %scan3A_137 : i32 to index
        %get3A_262 = arith.constant 160 : index
        %get3A_263 = tpu.vector_load %arg14[%get3A_261, %get3A_262] {strides = array<i32>} : memref<64x256xi32, #tpu.memory_space<vmem>>, vector<16xi32>,
        %bitcast3A_264 = vector.bitcast %get3A_263 : vector<16xi32> to vector<32xbf16>
        %unpack3A_265 = tpu.unpack_subelements %bitcast3A_256, 0 {pack_format = #tpu.pack_format<interleaved>} : vector<32xbf16> -> vector<16xf32>
        %unpack3A_266 = tpu.unpack_subelements %bitcast3A_256, 1 {pack_format = #tpu.pack_format<interleaved>} : vector<32xbf16> -> vector<16xf32>
        %unpack3A_267 = tpu.unpack_subelements %bitcast3A_260, 0 {pack_format = #tpu.pack_format<interleaved>} : vector<32xbf16> -> vector<16xf32>
        %unpack3A_268 = tpu.unpack_subelements %bitcast3A_260, 1 {pack_format = #tpu.pack_format<interleaved>} : vector<32xbf16> -> vector<16xf32>
        %unpack3A_269 = tpu.unpack_subelements %bitcast3A_264, 0 {pack_format = #tpu.pack_format<interleaved>} : vector<32xbf16> -> vector<16xf32>
        %unpack3A_270 = tpu.unpack_subelements %bitcast3A_264, 1 {pack_format = #tpu.pack_format<interleaved>} : vector<32xbf16> -> vector<16xf32>
        %mul3A_271 = arith.mulf %gather3A, %unpack3A_265 : vector<16xf32>
        %mul3A_272 = arith.mulf %gather3A_184, %unpack3A_267 : vector<16xf32>
        %add3A_273 = arith.addf %mul3A_271, %mul3A_272 : vector<16xf32>
        %mul3A_274 = arith.mulf %gather3A_188, %unpack3A_269 : vector<16xf32>
        %add3A_275 = arith.addf %add3A_273, %mul3A_274 : vector<16xf32>
        %swap3A_276 = arith.index_cast %scan3A_137 : i32 to index
        %swap3A_277 = arith.constant 64 : index
        %swap3A_278 = tpu.vector_load %arg16[%swap3A_276, %swap3A_277] {strides = array<i32>} : memref<64x128xf32, #tpu.memory_space<vmem>>, vector<16xf32>,
        tpu.vector_store %arg16[%swap3A_276, %swap3A_277], %add3A_275 {strides = array<i32>} : memref<64x128xf32, #tpu.memory_space<vmem>>, vector<16xf32>,
        %mul3A_279 = arith.mulf %gather3A, %unpack3A_266 : vector<16xf32>
        %mul3A_280 = arith.mulf %gather3A_184, %unpack3A_268 : vector<16xf32>
        %add3A_281 = arith.addf %mul3A_279, %mul3A_280 : vector<16xf32>
        %mul3A_282 = arith.mulf %gather3A_188, %unpack3A_270 : vector<16xf32>
        %add3A_283 = arith.addf %add3A_281, %mul3A_282 : vector<16xf32>
        %swap3A_284 = arith.index_cast %scan3A_137 : i32 to index
        %swap3A_285 = arith.constant 80 : index
        %swap3A_286 = tpu.vector_load %arg16[%swap3A_284, %swap3A_285] {strides = array<i32>} : memref<64x128xf32, #tpu.memory_space<vmem>>, vector<16xf32>,
        tpu.vector_store %arg16[%swap3A_284, %swap3A_285], %add3A_283 {strides = array<i32>} : memref<64x128xf32, #tpu.memory_space<vmem>>, vector<16xf32>,
        %get3A_287 = arith.index_cast %scan3A_137 : i32 to index
        %get3A_288 = arith.constant 48 : index
        %get3A_289 = tpu.vector_load %arg14[%get3A_287, %get3A_288] {strides = array<i32>} : memref<64x256xi32, #tpu.memory_space<vmem>>, vector<16xi32>,
        %bitcast3A_290 = vector.bitcast %get3A_289 : vector<16xi32> to vector<32xbf16>
        %get3A_291 = arith.index_cast %scan3A_137 : i32 to index
        %get3A_292 = arith.constant 112 : index
        %get3A_293 = tpu.vector_load %arg14[%get3A_291, %get3A_292] {strides = array<i32>} : memref<64x256xi32, #tpu.memory_space<vmem>>, vector<16xi32>,
        %bitcast3A_294 = vector.bitcast %get3A_293 : vector<16xi32> to vector<32xbf16>
        %get3A_295 = arith.index_cast %scan3A_137 : i32 to index
        %get3A_296 = arith.constant 176 : index
        %get3A_297 = tpu.vector_load %arg14[%get3A_295, %get3A_296] {strides = array<i32>} : memref<64x256xi32, #tpu.memory_space<vmem>>, vector<16xi32>,
        %bitcast3A_298 = vector.bitcast %get3A_297 : vector<16xi32> to vector<32xbf16>
        %unpack3A_299 = tpu.unpack_subelements %bitcast3A_290, 0 {pack_format = #tpu.pack_format<interleaved>} : vector<32xbf16> -> vector<16xf32>
        %unpack3A_300 = tpu.unpack_subelements %bitcast3A_290, 1 {pack_format = #tpu.pack_format<interleaved>} : vector<32xbf16> -> vector<16xf32>
        %unpack3A_301 = tpu.unpack_subelements %bitcast3A_294, 0 {pack_format = #tpu.pack_format<interleaved>} : vector<32xbf16> -> vector<16xf32>
        %unpack3A_302 = tpu.unpack_subelements %bitcast3A_294, 1 {pack_format = #tpu.pack_format<interleaved>} : vector<32xbf16> -> vector<16xf32>
        %unpack3A_303 = tpu.unpack_subelements %bitcast3A_298, 0 {pack_format = #tpu.pack_format<interleaved>} : vector<32xbf16> -> vector<16xf32>
        %unpack3A_304 = tpu.unpack_subelements %bitcast3A_298, 1 {pack_format = #tpu.pack_format<interleaved>} : vector<32xbf16> -> vector<16xf32>
        %mul3A_305 = arith.mulf %gather3A, %unpack3A_299 : vector<16xf32>
        %mul3A_306 = arith.mulf %gather3A_184, %unpack3A_301 : vector<16xf32>
        %add3A_307 = arith.addf %mul3A_305, %mul3A_306 : vector<16xf32>
        %mul3A_308 = arith.mulf %gather3A_188, %unpack3A_303 : vector<16xf32>
        %add3A_309 = arith.addf %add3A_307, %mul3A_308 : vector<16xf32>
        %swap3A_310 = arith.index_cast %scan3A_137 : i32 to index
        %swap3A_311 = arith.constant 96 : index
        %swap3A_312 = tpu.vector_load %arg16[%swap3A_310, %swap3A_311] {strides = array<i32>} : memref<64x128xf32, #tpu.memory_space<vmem>>, vector<16xf32>,
        tpu.vector_store %arg16[%swap3A_310, %swap3A_311], %add3A_309 {strides = array<i32>} : memref<64x128xf32, #tpu.memory_space<vmem>>, vector<16xf32>,
        %mul3A_313 = arith.mulf %gather3A, %unpack3A_300 : vector<16xf32>
        %mul3A_314 = arith.mulf %gather3A_184, %unpack3A_302 : vector<16xf32>
        %add3A_315 = arith.addf %mul3A_313, %mul3A_314 : vector<16xf32>
        %mul3A_316 = arith.mulf %gather3A_188, %unpack3A_304 : vector<16xf32>
        %add3A_317 = arith.addf %add3A_315, %mul3A_316 : vector<16xf32>
        %swap3A_318 = arith.index_cast %scan3A_137 : i32 to index
        %swap3A_319 = arith.constant 112 : index
        %swap3A_320 = tpu.vector_load %arg16[%swap3A_318, %swap3A_319] {strides = array<i32>} : memref<64x128xf32, #tpu.memory_space<vmem>>, vector<16xf32>,
        tpu.vector_store %arg16[%swap3A_318, %swap3A_319], %add3A_317 {strides = array<i32>} : memref<64x128xf32, #tpu.memory_space<vmem>>, vector<16xf32>,
        %scan3A_321 = arith.constant 1 : i32
        %scan3A_322 = arith.addi %scan3A_137, %scan3A_321 : i32
        %jit3A_323 = arith.constant 16 : i32
        %div3A_324 = arith.divsi %scan3A_322, %jit3A_323 : i32
        %sign3A_325 = arith.constant 0 : i32
        %sign3A_326 = arith.cmpi sgt, %scan3A_322, %sign3A_325 : i32
        %sign3A_327 = arith.extui %sign3A_326 : i1 to i32
        %sign3A_328 = arith.constant 0 : i32
        %sign3A_329 = arith.cmpi slt, %scan3A_322, %sign3A_328 : i32
        %sign3A_330 = arith.extui %sign3A_329 : i1 to i32
        %sign3A_331 = arith.subi %sign3A_327, %sign3A_330 : i32
        %sign3A_332 = arith.constant 0 : i32
        %sign3A_333 = arith.cmpi sgt, %jit3A_323, %sign3A_332 : i32
        %sign3A_334 = arith.extui %sign3A_333 : i1 to i32
        %sign3A_335 = arith.constant 0 : i32
        %sign3A_336 = arith.cmpi slt, %jit3A_323, %sign3A_335 : i32
        %sign3A_337 = arith.extui %sign3A_336 : i1 to i32
        %sign3A_338 = arith.subi %sign3A_334, %sign3A_337 : i32
        %ne3A_339 = arith.cmpi ne, %sign3A_331, %sign3A_338 : i32
        %rem3A_340 = arith.remsi %scan3A_322, %jit3A_323 : i32
        %ne3A_341 = arith.constant 0 : i32
        %ne3A_342 = arith.cmpi ne, %rem3A_340, %ne3A_341 : i32
        %and3A_343 = arith.andi %ne3A_339, %ne3A_342 : i1
        %sub3A_344 = arith.constant 1 : i32
        %sub3A_345 = arith.subi %div3A_324, %sub3A_344 : i32
        %select_n3A_346 = arith.select %and3A_343, %sub3A_345, %div3A_324 : i32
        %mul3A_347 = arith.constant 64 : i32
        %mul3A_348 = arith.muli %select_n3A_346, %mul3A_347 : i32
        %jit3A_349 = arith.constant 16 : i32
        %eq3A_350 = arith.constant 0 : i32
        %eq3A_351 = arith.cmpi eq, %jit3A_349, %eq3A_350 : i32
        %jit3A_352 = arith.constant 1 : i32
        %select_n3A_353 = arith.select %eq3A_351, %jit3A_352, %jit3A_349 : i32
        %rem3A_354 = arith.remsi %scan3A_322, %select_n3A_353 : i32
        %ne3A_355 = arith.constant 0 : i32
        %ne3A_356 = arith.cmpi ne, %rem3A_354, %ne3A_355 : i32
        %lt3A_357 = arith.constant 0 : i32
        %lt3A_358 = arith.cmpi slt, %rem3A_354, %lt3A_357 : i32
        %lt3A_359 = arith.constant 0 : i32
        %lt3A_360 = arith.cmpi slt, %select_n3A_353, %lt3A_359 : i32
        %ne3A_361 = arith.xori %lt3A_358, %lt3A_360 : i1
        %and3A_362 = arith.andi %ne3A_361, %ne3A_356 : i1
        %add3A_363 = arith.addi %rem3A_354, %select_n3A_353 : i32
        %select_n3A_364 = arith.select %and3A_362, %add3A_363, %rem3A_354 : i32
        %add3A_365 = arith.addi %mul3A_348, %select_n3A_364 : i32
        %broadcast_in_dim3A_366 = vector.broadcast %add3A_365 : i32 to vector<16xi32>
        %gather3A_367 = tpu.vector_load_idx %arg8[%broadcast_in_dim3A_366] : memref<256xf32, #tpu.memory_space<vmem>>[vector<16xi32>], vector<16xf32>,
        %add3A_368 = arith.constant 16 : i32
        %add3A_369 = arith.addi %add3A_365, %add3A_368 : i32
        %broadcast_in_dim3A_370 = vector.broadcast %add3A_369 : i32 to vector<16xi32>
        %gather3A_371 = tpu.vector_load_idx %arg8[%broadcast_in_dim3A_370] : memref<256xf32, #tpu.memory_space<vmem>>[vector<16xi32>], vector<16xf32>,
        %add3A_372 = arith.constant 32 : i32
        %add3A_373 = arith.addi %add3A_365, %add3A_372 : i32
        %broadcast_in_dim3A_374 = vector.broadcast %add3A_373 : i32 to vector<16xi32>
        %gather3A_375 = tpu.vector_load_idx %arg8[%broadcast_in_dim3A_374] : memref<256xf32, #tpu.memory_space<vmem>>[vector<16xi32>], vector<16xf32>,
        %get3A_376 = arith.index_cast %scan3A_322 : i32 to index
        %get3A_377 = arith.constant 0 : index
        %get3A_378 = tpu.vector_load %arg14[%get3A_376, %get3A_377] {strides = array<i32>} : memref<64x256xi32, #tpu.memory_space<vmem>>, vector<16xi32>,
        %bitcast3A_379 = vector.bitcast %get3A_378 : vector<16xi32> to vector<32xbf16>
        %get3A_380 = arith.index_cast %scan3A_322 : i32 to index
        %get3A_381 = arith.constant 64 : index
        %get3A_382 = tpu.vector_load %arg14[%get3A_380, %get3A_381] {strides = array<i32>} : memref<64x256xi32, #tpu.memory_space<vmem>>, vector<16xi32>,
        %bitcast3A_383 = vector.bitcast %get3A_382 : vector<16xi32> to vector<32xbf16>
        %get3A_384 = arith.index_cast %scan3A_322 : i32 to index
        %get3A_385 = arith.constant 128 : index
        %get3A_386 = tpu.vector_load %arg14[%get3A_384, %get3A_385] {strides = array<i32>} : memref<64x256xi32, #tpu.memory_space<vmem>>, vector<16xi32>,
        %bitcast3A_387 = vector.bitcast %get3A_386 : vector<16xi32> to vector<32xbf16>
        %unpack3A_388 = tpu.unpack_subelements %bitcast3A_379, 0 {pack_format = #tpu.pack_format<interleaved>} : vector<32xbf16> -> vector<16xf32>
        %unpack3A_389 = tpu.unpack_subelements %bitcast3A_379, 1 {pack_format = #tpu.pack_format<interleaved>} : vector<32xbf16> -> vector<16xf32>
        %unpack3A_390 = tpu.unpack_subelements %bitcast3A_383, 0 {pack_format = #tpu.pack_format<interleaved>} : vector<32xbf16> -> vector<16xf32>
        %unpack3A_391 = tpu.unpack_subelements %bitcast3A_383, 1 {pack_format = #tpu.pack_format<interleaved>} : vector<32xbf16> -> vector<16xf32>
        %unpack3A_392 = tpu.unpack_subelements %bitcast3A_387, 0 {pack_format = #tpu.pack_format<interleaved>} : vector<32xbf16> -> vector<16xf32>
        %unpack3A_393 = tpu.unpack_subelements %bitcast3A_387, 1 {pack_format = #tpu.pack_format<interleaved>} : vector<32xbf16> -> vector<16xf32>
        %mul3A_394 = arith.mulf %gather3A_367, %unpack3A_388 : vector<16xf32>
        %mul3A_395 = arith.mulf %gather3A_371, %unpack3A_390 : vector<16xf32>
        %add3A_396 = arith.addf %mul3A_394, %mul3A_395 : vector<16xf32>
        %mul3A_397 = arith.mulf %gather3A_375, %unpack3A_392 : vector<16xf32>
        %add3A_398 = arith.addf %add3A_396, %mul3A_397 : vector<16xf32>
        %swap3A_399 = arith.index_cast %scan3A_322 : i32 to index
        %swap3A_400 = arith.constant 0 : index
        %swap3A_401 = tpu.vector_load %arg16[%swap3A_399, %swap3A_400] {strides = array<i32>} : memref<64x128xf32, #tpu.memory_space<vmem>>, vector<16xf32>,
        tpu.vector_store %arg16[%swap3A_399, %swap3A_400], %add3A_398 {strides = array<i32>} : memref<64x128xf32, #tpu.memory_space<vmem>>, vector<16xf32>,
        %mul3A_402 = arith.mulf %gather3A_367, %unpack3A_389 : vector<16xf32>
        %mul3A_403 = arith.mulf %gather3A_371, %unpack3A_391 : vector<16xf32>
        %add3A_404 = arith.addf %mul3A_402, %mul3A_403 : vector<16xf32>
        %mul3A_405 = arith.mulf %gather3A_375, %unpack3A_393 : vector<16xf32>
        %add3A_406 = arith.addf %add3A_404, %mul3A_405 : vector<16xf32>
        %swap3A_407 = arith.index_cast %scan3A_322 : i32 to index
        %swap3A_408 = arith.constant 16 : index
        %swap3A_409 = tpu.vector_load %arg16[%swap3A_407, %swap3A_408] {strides = array<i32>} : memref<64x128xf32, #tpu.memory_space<vmem>>, vector<16xf32>,
        tpu.vector_store %arg16[%swap3A_407, %swap3A_408], %add3A_406 {strides = array<i32>} : memref<64x128xf32, #tpu.memory_space<vmem>>, vector<16xf32>,
        %get3A_410 = arith.index_cast %scan3A_322 : i32 to index
        %get3A_411 = arith.constant 16 : index
        %get3A_412 = tpu.vector_load %arg14[%get3A_410, %get3A_411] {strides = array<i32>} : memref<64x256xi32, #tpu.memory_space<vmem>>, vector<16xi32>,
        %bitcast3A_413 = vector.bitcast %get3A_412 : vector<16xi32> to vector<32xbf16>
        %get3A_414 = arith.index_cast %scan3A_322 : i32 to index
        %get3A_415 = arith.constant 80 : index
        %get3A_416 = tpu.vector_load %arg14[%get3A_414, %get3A_415] {strides = array<i32>} : memref<64x256xi32, #tpu.memory_space<vmem>>, vector<16xi32>,
        %bitcast3A_417 = vector.bitcast %get3A_416 : vector<16xi32> to vector<32xbf16>
        %get3A_418 = arith.index_cast %scan3A_322 : i32 to index
        %get3A_419 = arith.constant 144 : index
        %get3A_420 = tpu.vector_load %arg14[%get3A_418, %get3A_419] {strides = array<i32>} : memref<64x256xi32, #tpu.memory_space<vmem>>, vector<16xi32>,
        %bitcast3A_421 = vector.bitcast %get3A_420 : vector<16xi32> to vector<32xbf16>
        %unpack3A_422 = tpu.unpack_subelements %bitcast3A_413, 0 {pack_format = #tpu.pack_format<interleaved>} : vector<32xbf16> -> vector<16xf32>
        %unpack3A_423 = tpu.unpack_subelements %bitcast3A_413, 1 {pack_format = #tpu.pack_format<interleaved>} : vector<32xbf16> -> vector<16xf32>
        %unpack3A_424 = tpu.unpack_subelements %bitcast3A_417, 0 {pack_format = #tpu.pack_format<interleaved>} : vector<32xbf16> -> vector<16xf32>
        %unpack3A_425 = tpu.unpack_subelements %bitcast3A_417, 1 {pack_format = #tpu.pack_format<interleaved>} : vector<32xbf16> -> vector<16xf32>
        %unpack3A_426 = tpu.unpack_subelements %bitcast3A_421, 0 {pack_format = #tpu.pack_format<interleaved>} : vector<32xbf16> -> vector<16xf32>
        %unpack3A_427 = tpu.unpack_subelements %bitcast3A_421, 1 {pack_format = #tpu.pack_format<interleaved>} : vector<32xbf16> -> vector<16xf32>
        %mul3A_428 = arith.mulf %gather3A_367, %unpack3A_422 : vector<16xf32>
        %mul3A_429 = arith.mulf %gather3A_371, %unpack3A_424 : vector<16xf32>
        %add3A_430 = arith.addf %mul3A_428, %mul3A_429 : vector<16xf32>
        %mul3A_431 = arith.mulf %gather3A_375, %unpack3A_426 : vector<16xf32>
        %add3A_432 = arith.addf %add3A_430, %mul3A_431 : vector<16xf32>
        %swap3A_433 = arith.index_cast %scan3A_322 : i32 to index
        %swap3A_434 = arith.constant 32 : index
        %swap3A_435 = tpu.vector_load %arg16[%swap3A_433, %swap3A_434] {strides = array<i32>} : memref<64x128xf32, #tpu.memory_space<vmem>>, vector<16xf32>,
        tpu.vector_store %arg16[%swap3A_433, %swap3A_434], %add3A_432 {strides = array<i32>} : memref<64x128xf32, #tpu.memory_space<vmem>>, vector<16xf32>,
        %mul3A_436 = arith.mulf %gather3A_367, %unpack3A_423 : vector<16xf32>
        %mul3A_437 = arith.mulf %gather3A_371, %unpack3A_425 : vector<16xf32>
        %add3A_438 = arith.addf %mul3A_436, %mul3A_437 : vector<16xf32>
        %mul3A_439 = arith.mulf %gather3A_375, %unpack3A_427 : vector<16xf32>
        %add3A_440 = arith.addf %add3A_438, %mul3A_439 : vector<16xf32>
        %swap3A_441 = arith.index_cast %scan3A_322 : i32 to index
        %swap3A_442 = arith.constant 48 : index
        %swap3A_443 = tpu.vector_load %arg16[%swap3A_441, %swap3A_442] {strides = array<i32>} : memref<64x128xf32, #tpu.memory_space<vmem>>, vector<16xf32>,
        tpu.vector_store %arg16[%swap3A_441, %swap3A_442], %add3A_440 {strides = array<i32>} : memref<64x128xf32, #tpu.memory_space<vmem>>, vector<16xf32>,
        %get3A_444 = arith.index_cast %scan3A_322 : i32 to index
        %get3A_445 = arith.constant 32 : index
        %get3A_446 = tpu.vector_load %arg14[%get3A_444, %get3A_445] {strides = array<i32>} : memref<64x256xi32, #tpu.memory_space<vmem>>, vector<16xi32>,
        %bitcast3A_447 = vector.bitcast %get3A_446 : vector<16xi32> to vector<32xbf16>
        %get3A_448 = arith.index_cast %scan3A_322 : i32 to index
        %get3A_449 = arith.constant 96 : index
        %get3A_450 = tpu.vector_load %arg14[%get3A_448, %get3A_449] {strides = array<i32>} : memref<64x256xi32, #tpu.memory_space<vmem>>, vector<16xi32>,
        %bitcast3A_451 = vector.bitcast %get3A_450 : vector<16xi32> to vector<32xbf16>
        %get3A_452 = arith.index_cast %scan3A_322 : i32 to index
        %get3A_453 = arith.constant 160 : index
        %get3A_454 = tpu.vector_load %arg14[%get3A_452, %get3A_453] {strides = array<i32>} : memref<64x256xi32, #tpu.memory_space<vmem>>, vector<16xi32>,
        %bitcast3A_455 = vector.bitcast %get3A_454 : vector<16xi32> to vector<32xbf16>
        %unpack3A_456 = tpu.unpack_subelements %bitcast3A_447, 0 {pack_format = #tpu.pack_format<interleaved>} : vector<32xbf16> -> vector<16xf32>
        %unpack3A_457 = tpu.unpack_subelements %bitcast3A_447, 1 {pack_format = #tpu.pack_format<interleaved>} : vector<32xbf16> -> vector<16xf32>
        %unpack3A_458 = tpu.unpack_subelements %bitcast3A_451, 0 {pack_format = #tpu.pack_format<interleaved>} : vector<32xbf16> -> vector<16xf32>
        %unpack3A_459 = tpu.unpack_subelements %bitcast3A_451, 1 {pack_format = #tpu.pack_format<interleaved>} : vector<32xbf16> -> vector<16xf32>
        %unpack3A_460 = tpu.unpack_subelements %bitcast3A_455, 0 {pack_format = #tpu.pack_format<interleaved>} : vector<32xbf16> -> vector<16xf32>
        %unpack3A_461 = tpu.unpack_subelements %bitcast3A_455, 1 {pack_format = #tpu.pack_format<interleaved>} : vector<32xbf16> -> vector<16xf32>
        %mul3A_462 = arith.mulf %gather3A_367, %unpack3A_456 : vector<16xf32>
        %mul3A_463 = arith.mulf %gather3A_371, %unpack3A_458 : vector<16xf32>
        %add3A_464 = arith.addf %mul3A_462, %mul3A_463 : vector<16xf32>
        %mul3A_465 = arith.mulf %gather3A_375, %unpack3A_460 : vector<16xf32>
        %add3A_466 = arith.addf %add3A_464, %mul3A_465 : vector<16xf32>
        %swap3A_467 = arith.index_cast %scan3A_322 : i32 to index
        %swap3A_468 = arith.constant 64 : index
        %swap3A_469 = tpu.vector_load %arg16[%swap3A_467, %swap3A_468] {strides = array<i32>} : memref<64x128xf32, #tpu.memory_space<vmem>>, vector<16xf32>,
        tpu.vector_store %arg16[%swap3A_467, %swap3A_468], %add3A_466 {strides = array<i32>} : memref<64x128xf32, #tpu.memory_space<vmem>>, vector<16xf32>,
        %mul3A_470 = arith.mulf %gather3A_367, %unpack3A_457 : vector<16xf32>
        %mul3A_471 = arith.mulf %gather3A_371, %unpack3A_459 : vector<16xf32>
        %add3A_472 = arith.addf %mul3A_470, %mul3A_471 : vector<16xf32>
        %mul3A_473 = arith.mulf %gather3A_375, %unpack3A_461 : vector<16xf32>
        %add3A_474 = arith.addf %add3A_472, %mul3A_473 : vector<16xf32>
        %swap3A_475 = arith.index_cast %scan3A_322 : i32 to index
        %swap3A_476 = arith.constant 80 : index
        %swap3A_477 = tpu.vector_load %arg16[%swap3A_475, %swap3A_476] {strides = array<i32>} : memref<64x128xf32, #tpu.memory_space<vmem>>, vector<16xf32>,
        tpu.vector_store %arg16[%swap3A_475, %swap3A_476], %add3A_474 {strides = array<i32>} : memref<64x128xf32, #tpu.memory_space<vmem>>, vector<16xf32>,
        %get3A_478 = arith.index_cast %scan3A_322 : i32 to index
        %get3A_479 = arith.constant 48 : index
        %get3A_480 = tpu.vector_load %arg14[%get3A_478, %get3A_479] {strides = array<i32>} : memref<64x256xi32, #tpu.memory_space<vmem>>, vector<16xi32>,
        %bitcast3A_481 = vector.bitcast %get3A_480 : vector<16xi32> to vector<32xbf16>
        %get3A_482 = arith.index_cast %scan3A_322 : i32 to index
        %get3A_483 = arith.constant 112 : index
        %get3A_484 = tpu.vector_load %arg14[%get3A_482, %get3A_483] {strides = array<i32>} : memref<64x256xi32, #tpu.memory_space<vmem>>, vector<16xi32>,
        %bitcast3A_485 = vector.bitcast %get3A_484 : vector<16xi32> to vector<32xbf16>
        %get3A_486 = arith.index_cast %scan3A_322 : i32 to index
        %get3A_487 = arith.constant 176 : index
        %get3A_488 = tpu.vector_load %arg14[%get3A_486, %get3A_487] {strides = array<i32>} : memref<64x256xi32, #tpu.memory_space<vmem>>, vector<16xi32>,
        %bitcast3A_489 = vector.bitcast %get3A_488 : vector<16xi32> to vector<32xbf16>
        %unpack3A_490 = tpu.unpack_subelements %bitcast3A_481, 0 {pack_format = #tpu.pack_format<interleaved>} : vector<32xbf16> -> vector<16xf32>
        %unpack3A_491 = tpu.unpack_subelements %bitcast3A_481, 1 {pack_format = #tpu.pack_format<interleaved>} : vector<32xbf16> -> vector<16xf32>
        %unpack3A_492 = tpu.unpack_subelements %bitcast3A_485, 0 {pack_format = #tpu.pack_format<interleaved>} : vector<32xbf16> -> vector<16xf32>
        %unpack3A_493 = tpu.unpack_subelements %bitcast3A_485, 1 {pack_format = #tpu.pack_format<interleaved>} : vector<32xbf16> -> vector<16xf32>
        %unpack3A_494 = tpu.unpack_subelements %bitcast3A_489, 0 {pack_format = #tpu.pack_format<interleaved>} : vector<32xbf16> -> vector<16xf32>
        %unpack3A_495 = tpu.unpack_subelements %bitcast3A_489, 1 {pack_format = #tpu.pack_format<interleaved>} : vector<32xbf16> -> vector<16xf32>
        %mul3A_496 = arith.mulf %gather3A_367, %unpack3A_490 : vector<16xf32>
        %mul3A_497 = arith.mulf %gather3A_371, %unpack3A_492 : vector<16xf32>
        %add3A_498 = arith.addf %mul3A_496, %mul3A_497 : vector<16xf32>
        %mul3A_499 = arith.mulf %gather3A_375, %unpack3A_494 : vector<16xf32>
        %add3A_500 = arith.addf %add3A_498, %mul3A_499 : vector<16xf32>
        %swap3A_501 = arith.index_cast %scan3A_322 : i32 to index
        %swap3A_502 = arith.constant 96 : index
        %swap3A_503 = tpu.vector_load %arg16[%swap3A_501, %swap3A_502] {strides = array<i32>} : memref<64x128xf32, #tpu.memory_space<vmem>>, vector<16xf32>,
        tpu.vector_store %arg16[%swap3A_501, %swap3A_502], %add3A_500 {strides = array<i32>} : memref<64x128xf32, #tpu.memory_space<vmem>>, vector<16xf32>,
        %mul3A_504 = arith.mulf %gather3A_367, %unpack3A_491 : vector<16xf32>
        %mul3A_505 = arith.mulf %gather3A_371, %unpack3A_493 : vector<16xf32>
        %add3A_506 = arith.addf %mul3A_504, %mul3A_505 : vector<16xf32>
        %mul3A_507 = arith.mulf %gather3A_375, %unpack3A_495 : vector<16xf32>
        %add3A_508 = arith.addf %add3A_506, %mul3A_507 : vector<16xf32>
        %swap3A_509 = arith.index_cast %scan3A_322 : i32 to index
        %swap3A_510 = arith.constant 112 : index
        %swap3A_511 = tpu.vector_load %arg16[%swap3A_509, %swap3A_510] {strides = array<i32>} : memref<64x128xf32, #tpu.memory_space<vmem>>, vector<16xf32>,
        tpu.vector_store %arg16[%swap3A_509, %swap3A_510], %add3A_508 {strides = array<i32>} : memref<64x128xf32, #tpu.memory_space<vmem>>, vector<16xf32>,
      }
      %scan3A_128 = arith.constant 64 : i32
      "tpu.region"() ({
        %run_scoped3A = tpu.sem_alloc : memref<!tpu.dma_semaphore, #tpu.memory_space<semaphore_mem>>
        %dma_start3A_137 = arith.constant 0 : i32
        %dma_start3A_138 = arith.constant 0 : i32
        %dma_start3A_139 = tpu.memref_slice %arg7[%dma_start3A_137, %dma_start3A_138] : memref<10240x128xf32, #tpu.memory_space<vmem_shared>> -> memref<10240x128xf32, #tpu.memory_space<vmem_shared>>
        tpu.enqueue_indirect_dma source(%arg16 : memref<64x128xf32, #tpu.memory_space<vmem>>) target(%dma_start3A_139 : memref<10240x128xf32, #tpu.memory_space<vmem_shared>>) offsets(%arg12 : memref<64xi32, #tpu.memory_space<vmem>>) semaphore(%run_scoped3A : memref<!tpu.dma_semaphore, #tpu.memory_space<semaphore_mem>>) {add = true}
        %dma_wait3A_140 = arith.constant 0 : i32
        %dma_wait3A_141 = arith.constant 0 : i32
        %dma_wait3A_142 = tpu.memref_slice %arg7[%dma_wait3A_140, %dma_wait3A_141] : memref<10240x128xf32, #tpu.memory_space<vmem_shared>> -> memref<10240x128xf32, #tpu.memory_space<vmem_shared>>
        tpu.wait_indirect_dma semaphore(%run_scoped3A : memref<!tpu.dma_semaphore, #tpu.memory_space<semaphore_mem>>) src(%arg16 : memref<64x128xf32, #tpu.memory_space<vmem>>) dst(%dma_wait3A_142 : memref<10240x128xf32, #tpu.memory_space<vmem_shared>>)
        tpu.yield
      }) : () -> ()
      %lt3A_129 = arith.cmpi slt, %add3A_116, %select_n3A : i32
      %convert_element_type3A_130 = arith.extui %lt3A_129 : i1 to i32
      %cond3A_131 = arith.constant 0 : i32
      %cond3A_132 = arith.cmpi ne, %convert_element_type3A_130, %cond3A_131 : i32
      scf.if %cond3A_132 {
        %mul3A_137 = arith.constant 32 : i32
        %mul3A_138 = arith.muli %add3A_116, %mul3A_137 : i32
        %add3A_139 = arith.addi %add3A, %mul3A_138 : i32
        %mul3A_140 = arith.constant 64 : i32
        %mul3A_141 = arith.muli %add3A_139, %mul3A_140 : i32
        %mul3A_142 = arith.constant 4 : i32
        %mul3A_143 = arith.muli %mul3A_141, %mul3A_142 : i32
        %dma_start3A_144 = tpu.memref_slice %arg2[%mul3A_143] : memref<640000xf32, #tpu.memory_space<hbm>> -> memref<256xf32, #tpu.memory_space<hbm>>
        %dma_start3A_145 = tpu.memref_slice %arg2[%mul3A_143] : memref<640000xf32, #tpu.memory_space<hbm>> -> memref<256xf32, #tpu.memory_space<hbm>>
        tpu.enqueue_dma source(%dma_start3A_145 : memref<256xf32, #tpu.memory_space<hbm>>) target(%arg8 : memref<256xf32, #tpu.memory_space<vmem>>) target_semaphore(%arg17 : memref<!tpu.dma_semaphore, #tpu.memory_space<semaphore_mem>>)
        %dma_start3A_146 = tpu.memref_slice %arg3[%mul3A_141] : memref<160000xi32, #tpu.memory_space<hbm>> -> memref<64xi32, #tpu.memory_space<hbm>>
        %dma_start3A_147 = tpu.memref_slice %arg3[%mul3A_141] : memref<160000xi32, #tpu.memory_space<hbm>> -> memref<64xi32, #tpu.memory_space<hbm>>
        tpu.enqueue_dma source(%dma_start3A_147 : memref<64xi32, #tpu.memory_space<hbm>>) target(%arg10 : memref<64xi32, #tpu.memory_space<vmem>>) target_semaphore(%arg17 : memref<!tpu.dma_semaphore, #tpu.memory_space<semaphore_mem>>)
        %dma_start3A_148 = tpu.memref_slice %arg4[%mul3A_141] : memref<160000xi32, #tpu.memory_space<hbm>> -> memref<64xi32, #tpu.memory_space<hbm>>
        %dma_start3A_149 = tpu.memref_slice %arg4[%mul3A_141] : memref<160000xi32, #tpu.memory_space<hbm>> -> memref<64xi32, #tpu.memory_space<hbm>>
        tpu.enqueue_dma source(%dma_start3A_149 : memref<64xi32, #tpu.memory_space<hbm>>) target(%arg12 : memref<64xi32, #tpu.memory_space<vmem>>) target_semaphore(%arg17 : memref<!tpu.dma_semaphore, #tpu.memory_space<semaphore_mem>>)
      } else {
      }
      %lt3A_133 = arith.cmpi slt, %add3A_114, %select_n3A : i32
      %convert_element_type3A_134 = arith.extui %lt3A_133 : i1 to i32
      %cond3A_135 = arith.constant 0 : i32
      %cond3A_136 = arith.cmpi ne, %convert_element_type3A_134, %cond3A_135 : i32
      scf.if %cond3A_136 {
        %dma_wait3A_137 = arith.constant 0 : i32
        %dma_wait3A_138 = arith.constant 0 : i32
        %dma_wait3A_139 = tpu.memref_slice %arg5[%dma_wait3A_137, %dma_wait3A_138] : memref<10000x256xi32, #tpu.memory_space<hbm>> -> memref<10000x256xi32, #tpu.memory_space<hbm>>
        tpu.wait_indirect_dma semaphore(%arg20 : memref<!tpu.dma_semaphore, #tpu.memory_space<semaphore_mem>>) src(%dma_wait3A_139 : memref<10000x256xi32, #tpu.memory_space<hbm>>) dst(%arg15 : memref<64x256xi32, #tpu.memory_space<vmem>>)
        %scan3A_140 = arith.constant 0 : i32
        %scan3A_141 = arith.constant 0 : i32
        %scan3A_142 = arith.constant 64 : i32
        %scan3A_143 = arith.addi %scan3A_141, %scan3A_142 : i32
        %scan3A_144 = arith.constant 2 : i32
        scf.for %scan3A_154 = %scan3A_141 to %scan3A_143 step %scan3A_144  : i32 {
          %jit3A_155 = arith.constant 16 : i32
          %div3A_156 = arith.divsi %scan3A_154, %jit3A_155 : i32
          %sign3A_157 = arith.constant 0 : i32
          %sign3A_158 = arith.cmpi sgt, %scan3A_154, %sign3A_157 : i32
          %sign3A_159 = arith.extui %sign3A_158 : i1 to i32
          %sign3A_160 = arith.constant 0 : i32
          %sign3A_161 = arith.cmpi slt, %scan3A_154, %sign3A_160 : i32
          %sign3A_162 = arith.extui %sign3A_161 : i1 to i32
          %sign3A_163 = arith.subi %sign3A_159, %sign3A_162 : i32
          %sign3A_164 = arith.constant 0 : i32
          %sign3A_165 = arith.cmpi sgt, %jit3A_155, %sign3A_164 : i32
          %sign3A_166 = arith.extui %sign3A_165 : i1 to i32
          %sign3A_167 = arith.constant 0 : i32
          %sign3A_168 = arith.cmpi slt, %jit3A_155, %sign3A_167 : i32
          %sign3A_169 = arith.extui %sign3A_168 : i1 to i32
          %sign3A_170 = arith.subi %sign3A_166, %sign3A_169 : i32
          %ne3A_171 = arith.cmpi ne, %sign3A_163, %sign3A_170 : i32
          %rem3A_172 = arith.remsi %scan3A_154, %jit3A_155 : i32
          %ne3A_173 = arith.constant 0 : i32
          %ne3A_174 = arith.cmpi ne, %rem3A_172, %ne3A_173 : i32
          %and3A_175 = arith.andi %ne3A_171, %ne3A_174 : i1
          %sub3A_176 = arith.constant 1 : i32
          %sub3A_177 = arith.subi %div3A_156, %sub3A_176 : i32
          %select_n3A_178 = arith.select %and3A_175, %sub3A_177, %div3A_156 : i32
          %mul3A_179 = arith.constant 64 : i32
          %mul3A_180 = arith.muli %select_n3A_178, %mul3A_179 : i32
          %jit3A_181 = arith.constant 16 : i32
          %eq3A = arith.constant 0 : i32
          %eq3A_182 = arith.cmpi eq, %jit3A_181, %eq3A : i32
          %jit3A_183 = arith.constant 1 : i32
          %select_n3A_184 = arith.select %eq3A_182, %jit3A_183, %jit3A_181 : i32
          %rem3A_185 = arith.remsi %scan3A_154, %select_n3A_184 : i32
          %ne3A_186 = arith.constant 0 : i32
          %ne3A_187 = arith.cmpi ne, %rem3A_185, %ne3A_186 : i32
          %lt3A_188 = arith.constant 0 : i32
          %lt3A_189 = arith.cmpi slt, %rem3A_185, %lt3A_188 : i32
          %lt3A_190 = arith.constant 0 : i32
          %lt3A_191 = arith.cmpi slt, %select_n3A_184, %lt3A_190 : i32
          %ne3A_192 = arith.xori %lt3A_189, %lt3A_191 : i1
          %and3A_193 = arith.andi %ne3A_192, %ne3A_187 : i1
          %add3A_194 = arith.addi %rem3A_185, %select_n3A_184 : i32
          %select_n3A_195 = arith.select %and3A_193, %add3A_194, %rem3A_185 : i32
          %add3A_196 = arith.addi %mul3A_180, %select_n3A_195 : i32
          %broadcast_in_dim3A_197 = vector.broadcast %add3A_196 : i32 to vector<16xi32>
          %gather3A = tpu.vector_load_idx %arg9[%broadcast_in_dim3A_197] : memref<256xf32, #tpu.memory_space<vmem>>[vector<16xi32>], vector<16xf32>,
          %add3A_198 = arith.constant 16 : i32
          %add3A_199 = arith.addi %add3A_196, %add3A_198 : i32
          %broadcast_in_dim3A_200 = vector.broadcast %add3A_199 : i32 to vector<16xi32>
          %gather3A_201 = tpu.vector_load_idx %arg9[%broadcast_in_dim3A_200] : memref<256xf32, #tpu.memory_space<vmem>>[vector<16xi32>], vector<16xf32>,
          %add3A_202 = arith.constant 32 : i32
          %add3A_203 = arith.addi %add3A_196, %add3A_202 : i32
          %broadcast_in_dim3A_204 = vector.broadcast %add3A_203 : i32 to vector<16xi32>
          %gather3A_205 = tpu.vector_load_idx %arg9[%broadcast_in_dim3A_204] : memref<256xf32, #tpu.memory_space<vmem>>[vector<16xi32>], vector<16xf32>,
          %get3A = arith.index_cast %scan3A_154 : i32 to index
          %get3A_206 = arith.constant 0 : index
          %get3A_207 = tpu.vector_load %arg15[%get3A, %get3A_206] {strides = array<i32>} : memref<64x256xi32, #tpu.memory_space<vmem>>, vector<16xi32>,
          %bitcast3A = vector.bitcast %get3A_207 : vector<16xi32> to vector<32xbf16>
          %get3A_208 = arith.index_cast %scan3A_154 : i32 to index
          %get3A_209 = arith.constant 64 : index
          %get3A_210 = tpu.vector_load %arg15[%get3A_208, %get3A_209] {strides = array<i32>} : memref<64x256xi32, #tpu.memory_space<vmem>>, vector<16xi32>,
          %bitcast3A_211 = vector.bitcast %get3A_210 : vector<16xi32> to vector<32xbf16>
          %get3A_212 = arith.index_cast %scan3A_154 : i32 to index
          %get3A_213 = arith.constant 128 : index
          %get3A_214 = tpu.vector_load %arg15[%get3A_212, %get3A_213] {strides = array<i32>} : memref<64x256xi32, #tpu.memory_space<vmem>>, vector<16xi32>,
          %bitcast3A_215 = vector.bitcast %get3A_214 : vector<16xi32> to vector<32xbf16>
          %unpack3A = tpu.unpack_subelements %bitcast3A, 0 {pack_format = #tpu.pack_format<interleaved>} : vector<32xbf16> -> vector<16xf32>
          %unpack3A_216 = tpu.unpack_subelements %bitcast3A, 1 {pack_format = #tpu.pack_format<interleaved>} : vector<32xbf16> -> vector<16xf32>
          %unpack3A_217 = tpu.unpack_subelements %bitcast3A_211, 0 {pack_format = #tpu.pack_format<interleaved>} : vector<32xbf16> -> vector<16xf32>
          %unpack3A_218 = tpu.unpack_subelements %bitcast3A_211, 1 {pack_format = #tpu.pack_format<interleaved>} : vector<32xbf16> -> vector<16xf32>
          %unpack3A_219 = tpu.unpack_subelements %bitcast3A_215, 0 {pack_format = #tpu.pack_format<interleaved>} : vector<32xbf16> -> vector<16xf32>
          %unpack3A_220 = tpu.unpack_subelements %bitcast3A_215, 1 {pack_format = #tpu.pack_format<interleaved>} : vector<32xbf16> -> vector<16xf32>
          %mul3A_221 = arith.mulf %gather3A, %unpack3A : vector<16xf32>
          %mul3A_222 = arith.mulf %gather3A_201, %unpack3A_217 : vector<16xf32>
          %add3A_223 = arith.addf %mul3A_221, %mul3A_222 : vector<16xf32>
          %mul3A_224 = arith.mulf %gather3A_205, %unpack3A_219 : vector<16xf32>
          %add3A_225 = arith.addf %add3A_223, %mul3A_224 : vector<16xf32>
          %swap3A = arith.index_cast %scan3A_154 : i32 to index
          %swap3A_226 = arith.constant 0 : index
          %swap3A_227 = tpu.vector_load %arg16[%swap3A, %swap3A_226] {strides = array<i32>} : memref<64x128xf32, #tpu.memory_space<vmem>>, vector<16xf32>,
          tpu.vector_store %arg16[%swap3A, %swap3A_226], %add3A_225 {strides = array<i32>} : memref<64x128xf32, #tpu.memory_space<vmem>>, vector<16xf32>,
          %mul3A_228 = arith.mulf %gather3A, %unpack3A_216 : vector<16xf32>
          %mul3A_229 = arith.mulf %gather3A_201, %unpack3A_218 : vector<16xf32>
          %add3A_230 = arith.addf %mul3A_228, %mul3A_229 : vector<16xf32>
          %mul3A_231 = arith.mulf %gather3A_205, %unpack3A_220 : vector<16xf32>
          %add3A_232 = arith.addf %add3A_230, %mul3A_231 : vector<16xf32>
          %swap3A_233 = arith.index_cast %scan3A_154 : i32 to index
          %swap3A_234 = arith.constant 16 : index
          %swap3A_235 = tpu.vector_load %arg16[%swap3A_233, %swap3A_234] {strides = array<i32>} : memref<64x128xf32, #tpu.memory_space<vmem>>, vector<16xf32>,
          tpu.vector_store %arg16[%swap3A_233, %swap3A_234], %add3A_232 {strides = array<i32>} : memref<64x128xf32, #tpu.memory_space<vmem>>, vector<16xf32>,
          %get3A_236 = arith.index_cast %scan3A_154 : i32 to index
          %get3A_237 = arith.constant 16 : index
          %get3A_238 = tpu.vector_load %arg15[%get3A_236, %get3A_237] {strides = array<i32>} : memref<64x256xi32, #tpu.memory_space<vmem>>, vector<16xi32>,
          %bitcast3A_239 = vector.bitcast %get3A_238 : vector<16xi32> to vector<32xbf16>
          %get3A_240 = arith.index_cast %scan3A_154 : i32 to index
          %get3A_241 = arith.constant 80 : index
          %get3A_242 = tpu.vector_load %arg15[%get3A_240, %get3A_241] {strides = array<i32>} : memref<64x256xi32, #tpu.memory_space<vmem>>, vector<16xi32>,
          %bitcast3A_243 = vector.bitcast %get3A_242 : vector<16xi32> to vector<32xbf16>
          %get3A_244 = arith.index_cast %scan3A_154 : i32 to index
          %get3A_245 = arith.constant 144 : index
          %get3A_246 = tpu.vector_load %arg15[%get3A_244, %get3A_245] {strides = array<i32>} : memref<64x256xi32, #tpu.memory_space<vmem>>, vector<16xi32>,
          %bitcast3A_247 = vector.bitcast %get3A_246 : vector<16xi32> to vector<32xbf16>
          %unpack3A_248 = tpu.unpack_subelements %bitcast3A_239, 0 {pack_format = #tpu.pack_format<interleaved>} : vector<32xbf16> -> vector<16xf32>
          %unpack3A_249 = tpu.unpack_subelements %bitcast3A_239, 1 {pack_format = #tpu.pack_format<interleaved>} : vector<32xbf16> -> vector<16xf32>
          %unpack3A_250 = tpu.unpack_subelements %bitcast3A_243, 0 {pack_format = #tpu.pack_format<interleaved>} : vector<32xbf16> -> vector<16xf32>
          %unpack3A_251 = tpu.unpack_subelements %bitcast3A_243, 1 {pack_format = #tpu.pack_format<interleaved>} : vector<32xbf16> -> vector<16xf32>
          %unpack3A_252 = tpu.unpack_subelements %bitcast3A_247, 0 {pack_format = #tpu.pack_format<interleaved>} : vector<32xbf16> -> vector<16xf32>
          %unpack3A_253 = tpu.unpack_subelements %bitcast3A_247, 1 {pack_format = #tpu.pack_format<interleaved>} : vector<32xbf16> -> vector<16xf32>
          %mul3A_254 = arith.mulf %gather3A, %unpack3A_248 : vector<16xf32>
          %mul3A_255 = arith.mulf %gather3A_201, %unpack3A_250 : vector<16xf32>
          %add3A_256 = arith.addf %mul3A_254, %mul3A_255 : vector<16xf32>
          %mul3A_257 = arith.mulf %gather3A_205, %unpack3A_252 : vector<16xf32>
          %add3A_258 = arith.addf %add3A_256, %mul3A_257 : vector<16xf32>
          %swap3A_259 = arith.index_cast %scan3A_154 : i32 to index
          %swap3A_260 = arith.constant 32 : index
          %swap3A_261 = tpu.vector_load %arg16[%swap3A_259, %swap3A_260] {strides = array<i32>} : memref<64x128xf32, #tpu.memory_space<vmem>>, vector<16xf32>,
          tpu.vector_store %arg16[%swap3A_259, %swap3A_260], %add3A_258 {strides = array<i32>} : memref<64x128xf32, #tpu.memory_space<vmem>>, vector<16xf32>,
          %mul3A_262 = arith.mulf %gather3A, %unpack3A_249 : vector<16xf32>
          %mul3A_263 = arith.mulf %gather3A_201, %unpack3A_251 : vector<16xf32>
          %add3A_264 = arith.addf %mul3A_262, %mul3A_263 : vector<16xf32>
          %mul3A_265 = arith.mulf %gather3A_205, %unpack3A_253 : vector<16xf32>
          %add3A_266 = arith.addf %add3A_264, %mul3A_265 : vector<16xf32>
          %swap3A_267 = arith.index_cast %scan3A_154 : i32 to index
          %swap3A_268 = arith.constant 48 : index
          %swap3A_269 = tpu.vector_load %arg16[%swap3A_267, %swap3A_268] {strides = array<i32>} : memref<64x128xf32, #tpu.memory_space<vmem>>, vector<16xf32>,
          tpu.vector_store %arg16[%swap3A_267, %swap3A_268], %add3A_266 {strides = array<i32>} : memref<64x128xf32, #tpu.memory_space<vmem>>, vector<16xf32>,
          %get3A_270 = arith.index_cast %scan3A_154 : i32 to index
          %get3A_271 = arith.constant 32 : index
          %get3A_272 = tpu.vector_load %arg15[%get3A_270, %get3A_271] {strides = array<i32>} : memref<64x256xi32, #tpu.memory_space<vmem>>, vector<16xi32>,
          %bitcast3A_273 = vector.bitcast %get3A_272 : vector<16xi32> to vector<32xbf16>
          %get3A_274 = arith.index_cast %scan3A_154 : i32 to index
          %get3A_275 = arith.constant 96 : index
          %get3A_276 = tpu.vector_load %arg15[%get3A_274, %get3A_275] {strides = array<i32>} : memref<64x256xi32, #tpu.memory_space<vmem>>, vector<16xi32>,
          %bitcast3A_277 = vector.bitcast %get3A_276 : vector<16xi32> to vector<32xbf16>
          %get3A_278 = arith.index_cast %scan3A_154 : i32 to index
          %get3A_279 = arith.constant 160 : index
          %get3A_280 = tpu.vector_load %arg15[%get3A_278, %get3A_279] {strides = array<i32>} : memref<64x256xi32, #tpu.memory_space<vmem>>, vector<16xi32>,
          %bitcast3A_281 = vector.bitcast %get3A_280 : vector<16xi32> to vector<32xbf16>
          %unpack3A_282 = tpu.unpack_subelements %bitcast3A_273, 0 {pack_format = #tpu.pack_format<interleaved>} : vector<32xbf16> -> vector<16xf32>
          %unpack3A_283 = tpu.unpack_subelements %bitcast3A_273, 1 {pack_format = #tpu.pack_format<interleaved>} : vector<32xbf16> -> vector<16xf32>
          %unpack3A_284 = tpu.unpack_subelements %bitcast3A_277, 0 {pack_format = #tpu.pack_format<interleaved>} : vector<32xbf16> -> vector<16xf32>
          %unpack3A_285 = tpu.unpack_subelements %bitcast3A_277, 1 {pack_format = #tpu.pack_format<interleaved>} : vector<32xbf16> -> vector<16xf32>
          %unpack3A_286 = tpu.unpack_subelements %bitcast3A_281, 0 {pack_format = #tpu.pack_format<interleaved>} : vector<32xbf16> -> vector<16xf32>
          %unpack3A_287 = tpu.unpack_subelements %bitcast3A_281, 1 {pack_format = #tpu.pack_format<interleaved>} : vector<32xbf16> -> vector<16xf32>
          %mul3A_288 = arith.mulf %gather3A, %unpack3A_282 : vector<16xf32>
          %mul3A_289 = arith.mulf %gather3A_201, %unpack3A_284 : vector<16xf32>
          %add3A_290 = arith.addf %mul3A_288, %mul3A_289 : vector<16xf32>
          %mul3A_291 = arith.mulf %gather3A_205, %unpack3A_286 : vector<16xf32>
          %add3A_292 = arith.addf %add3A_290, %mul3A_291 : vector<16xf32>
          %swap3A_293 = arith.index_cast %scan3A_154 : i32 to index
          %swap3A_294 = arith.constant 64 : index
          %swap3A_295 = tpu.vector_load %arg16[%swap3A_293, %swap3A_294] {strides = array<i32>} : memref<64x128xf32, #tpu.memory_space<vmem>>, vector<16xf32>,
          tpu.vector_store %arg16[%swap3A_293, %swap3A_294], %add3A_292 {strides = array<i32>} : memref<64x128xf32, #tpu.memory_space<vmem>>, vector<16xf32>,
          %mul3A_296 = arith.mulf %gather3A, %unpack3A_283 : vector<16xf32>
          %mul3A_297 = arith.mulf %gather3A_201, %unpack3A_285 : vector<16xf32>
          %add3A_298 = arith.addf %mul3A_296, %mul3A_297 : vector<16xf32>
          %mul3A_299 = arith.mulf %gather3A_205, %unpack3A_287 : vector<16xf32>
          %add3A_300 = arith.addf %add3A_298, %mul3A_299 : vector<16xf32>
          %swap3A_301 = arith.index_cast %scan3A_154 : i32 to index
          %swap3A_302 = arith.constant 80 : index
          %swap3A_303 = tpu.vector_load %arg16[%swap3A_301, %swap3A_302] {strides = array<i32>} : memref<64x128xf32, #tpu.memory_space<vmem>>, vector<16xf32>,
          tpu.vector_store %arg16[%swap3A_301, %swap3A_302], %add3A_300 {strides = array<i32>} : memref<64x128xf32, #tpu.memory_space<vmem>>, vector<16xf32>,
          %get3A_304 = arith.index_cast %scan3A_154 : i32 to index
          %get3A_305 = arith.constant 48 : index
          %get3A_306 = tpu.vector_load %arg15[%get3A_304, %get3A_305] {strides = array<i32>} : memref<64x256xi32, #tpu.memory_space<vmem>>, vector<16xi32>,
          %bitcast3A_307 = vector.bitcast %get3A_306 : vector<16xi32> to vector<32xbf16>
          %get3A_308 = arith.index_cast %scan3A_154 : i32 to index
          %get3A_309 = arith.constant 112 : index
          %get3A_310 = tpu.vector_load %arg15[%get3A_308, %get3A_309] {strides = array<i32>} : memref<64x256xi32, #tpu.memory_space<vmem>>, vector<16xi32>,
          %bitcast3A_311 = vector.bitcast %get3A_310 : vector<16xi32> to vector<32xbf16>
          %get3A_312 = arith.index_cast %scan3A_154 : i32 to index
          %get3A_313 = arith.constant 176 : index
          %get3A_314 = tpu.vector_load %arg15[%get3A_312, %get3A_313] {strides = array<i32>} : memref<64x256xi32, #tpu.memory_space<vmem>>, vector<16xi32>,
          %bitcast3A_315 = vector.bitcast %get3A_314 : vector<16xi32> to vector<32xbf16>
          %unpack3A_316 = tpu.unpack_subelements %bitcast3A_307, 0 {pack_format = #tpu.pack_format<interleaved>} : vector<32xbf16> -> vector<16xf32>
          %unpack3A_317 = tpu.unpack_subelements %bitcast3A_307, 1 {pack_format = #tpu.pack_format<interleaved>} : vector<32xbf16> -> vector<16xf32>
          %unpack3A_318 = tpu.unpack_subelements %bitcast3A_311, 0 {pack_format = #tpu.pack_format<interleaved>} : vector<32xbf16> -> vector<16xf32>
          %unpack3A_319 = tpu.unpack_subelements %bitcast3A_311, 1 {pack_format = #tpu.pack_format<interleaved>} : vector<32xbf16> -> vector<16xf32>
          %unpack3A_320 = tpu.unpack_subelements %bitcast3A_315, 0 {pack_format = #tpu.pack_format<interleaved>} : vector<32xbf16> -> vector<16xf32>
          %unpack3A_321 = tpu.unpack_subelements %bitcast3A_315, 1 {pack_format = #tpu.pack_format<interleaved>} : vector<32xbf16> -> vector<16xf32>
          %mul3A_322 = arith.mulf %gather3A, %unpack3A_316 : vector<16xf32>
          %mul3A_323 = arith.mulf %gather3A_201, %unpack3A_318 : vector<16xf32>
          %add3A_324 = arith.addf %mul3A_322, %mul3A_323 : vector<16xf32>
          %mul3A_325 = arith.mulf %gather3A_205, %unpack3A_320 : vector<16xf32>
          %add3A_326 = arith.addf %add3A_324, %mul3A_325 : vector<16xf32>
          %swap3A_327 = arith.index_cast %scan3A_154 : i32 to index
          %swap3A_328 = arith.constant 96 : index
          %swap3A_329 = tpu.vector_load %arg16[%swap3A_327, %swap3A_328] {strides = array<i32>} : memref<64x128xf32, #tpu.memory_space<vmem>>, vector<16xf32>,
          tpu.vector_store %arg16[%swap3A_327, %swap3A_328], %add3A_326 {strides = array<i32>} : memref<64x128xf32, #tpu.memory_space<vmem>>, vector<16xf32>,
          %mul3A_330 = arith.mulf %gather3A, %unpack3A_317 : vector<16xf32>
          %mul3A_331 = arith.mulf %gather3A_201, %unpack3A_319 : vector<16xf32>
          %add3A_332 = arith.addf %mul3A_330, %mul3A_331 : vector<16xf32>
          %mul3A_333 = arith.mulf %gather3A_205, %unpack3A_321 : vector<16xf32>
          %add3A_334 = arith.addf %add3A_332, %mul3A_333 : vector<16xf32>
          %swap3A_335 = arith.index_cast %scan3A_154 : i32 to index
          %swap3A_336 = arith.constant 112 : index
          %swap3A_337 = tpu.vector_load %arg16[%swap3A_335, %swap3A_336] {strides = array<i32>} : memref<64x128xf32, #tpu.memory_space<vmem>>, vector<16xf32>,
          tpu.vector_store %arg16[%swap3A_335, %swap3A_336], %add3A_334 {strides = array<i32>} : memref<64x128xf32, #tpu.memory_space<vmem>>, vector<16xf32>,
          %scan3A_338 = arith.constant 1 : i32
          %scan3A_339 = arith.addi %scan3A_154, %scan3A_338 : i32
          %jit3A_340 = arith.constant 16 : i32
          %div3A_341 = arith.divsi %scan3A_339, %jit3A_340 : i32
          %sign3A_342 = arith.constant 0 : i32
          %sign3A_343 = arith.cmpi sgt, %scan3A_339, %sign3A_342 : i32
          %sign3A_344 = arith.extui %sign3A_343 : i1 to i32
          %sign3A_345 = arith.constant 0 : i32
          %sign3A_346 = arith.cmpi slt, %scan3A_339, %sign3A_345 : i32
          %sign3A_347 = arith.extui %sign3A_346 : i1 to i32
          %sign3A_348 = arith.subi %sign3A_344, %sign3A_347 : i32
          %sign3A_349 = arith.constant 0 : i32
          %sign3A_350 = arith.cmpi sgt, %jit3A_340, %sign3A_349 : i32
          %sign3A_351 = arith.extui %sign3A_350 : i1 to i32
          %sign3A_352 = arith.constant 0 : i32
          %sign3A_353 = arith.cmpi slt, %jit3A_340, %sign3A_352 : i32
          %sign3A_354 = arith.extui %sign3A_353 : i1 to i32
          %sign3A_355 = arith.subi %sign3A_351, %sign3A_354 : i32
          %ne3A_356 = arith.cmpi ne, %sign3A_348, %sign3A_355 : i32
          %rem3A_357 = arith.remsi %scan3A_339, %jit3A_340 : i32
          %ne3A_358 = arith.constant 0 : i32
          %ne3A_359 = arith.cmpi ne, %rem3A_357, %ne3A_358 : i32
          %and3A_360 = arith.andi %ne3A_356, %ne3A_359 : i1
          %sub3A_361 = arith.constant 1 : i32
          %sub3A_362 = arith.subi %div3A_341, %sub3A_361 : i32
          %select_n3A_363 = arith.select %and3A_360, %sub3A_362, %div3A_341 : i32
          %mul3A_364 = arith.constant 64 : i32
          %mul3A_365 = arith.muli %select_n3A_363, %mul3A_364 : i32
          %jit3A_366 = arith.constant 16 : i32
          %eq3A_367 = arith.constant 0 : i32
          %eq3A_368 = arith.cmpi eq, %jit3A_366, %eq3A_367 : i32
          %jit3A_369 = arith.constant 1 : i32
          %select_n3A_370 = arith.select %eq3A_368, %jit3A_369, %jit3A_366 : i32
          %rem3A_371 = arith.remsi %scan3A_339, %select_n3A_370 : i32
          %ne3A_372 = arith.constant 0 : i32
          %ne3A_373 = arith.cmpi ne, %rem3A_371, %ne3A_372 : i32
          %lt3A_374 = arith.constant 0 : i32
          %lt3A_375 = arith.cmpi slt, %rem3A_371, %lt3A_374 : i32
          %lt3A_376 = arith.constant 0 : i32
          %lt3A_377 = arith.cmpi slt, %select_n3A_370, %lt3A_376 : i32
          %ne3A_378 = arith.xori %lt3A_375, %lt3A_377 : i1
          %and3A_379 = arith.andi %ne3A_378, %ne3A_373 : i1
          %add3A_380 = arith.addi %rem3A_371, %select_n3A_370 : i32
          %select_n3A_381 = arith.select %and3A_379, %add3A_380, %rem3A_371 : i32
          %add3A_382 = arith.addi %mul3A_365, %select_n3A_381 : i32
          %broadcast_in_dim3A_383 = vector.broadcast %add3A_382 : i32 to vector<16xi32>
          %gather3A_384 = tpu.vector_load_idx %arg9[%broadcast_in_dim3A_383] : memref<256xf32, #tpu.memory_space<vmem>>[vector<16xi32>], vector<16xf32>,
          %add3A_385 = arith.constant 16 : i32
          %add3A_386 = arith.addi %add3A_382, %add3A_385 : i32
          %broadcast_in_dim3A_387 = vector.broadcast %add3A_386 : i32 to vector<16xi32>
          %gather3A_388 = tpu.vector_load_idx %arg9[%broadcast_in_dim3A_387] : memref<256xf32, #tpu.memory_space<vmem>>[vector<16xi32>], vector<16xf32>,
          %add3A_389 = arith.constant 32 : i32
          %add3A_390 = arith.addi %add3A_382, %add3A_389 : i32
          %broadcast_in_dim3A_391 = vector.broadcast %add3A_390 : i32 to vector<16xi32>
          %gather3A_392 = tpu.vector_load_idx %arg9[%broadcast_in_dim3A_391] : memref<256xf32, #tpu.memory_space<vmem>>[vector<16xi32>], vector<16xf32>,
          %get3A_393 = arith.index_cast %scan3A_339 : i32 to index
          %get3A_394 = arith.constant 0 : index
          %get3A_395 = tpu.vector_load %arg15[%get3A_393, %get3A_394] {strides = array<i32>} : memref<64x256xi32, #tpu.memory_space<vmem>>, vector<16xi32>,
          %bitcast3A_396 = vector.bitcast %get3A_395 : vector<16xi32> to vector<32xbf16>
          %get3A_397 = arith.index_cast %scan3A_339 : i32 to index
          %get3A_398 = arith.constant 64 : index
          %get3A_399 = tpu.vector_load %arg15[%get3A_397, %get3A_398] {strides = array<i32>} : memref<64x256xi32, #tpu.memory_space<vmem>>, vector<16xi32>,
          %bitcast3A_400 = vector.bitcast %get3A_399 : vector<16xi32> to vector<32xbf16>
          %get3A_401 = arith.index_cast %scan3A_339 : i32 to index
          %get3A_402 = arith.constant 128 : index
          %get3A_403 = tpu.vector_load %arg15[%get3A_401, %get3A_402] {strides = array<i32>} : memref<64x256xi32, #tpu.memory_space<vmem>>, vector<16xi32>,
          %bitcast3A_404 = vector.bitcast %get3A_403 : vector<16xi32> to vector<32xbf16>
          %unpack3A_405 = tpu.unpack_subelements %bitcast3A_396, 0 {pack_format = #tpu.pack_format<interleaved>} : vector<32xbf16> -> vector<16xf32>
          %unpack3A_406 = tpu.unpack_subelements %bitcast3A_396, 1 {pack_format = #tpu.pack_format<interleaved>} : vector<32xbf16> -> vector<16xf32>
          %unpack3A_407 = tpu.unpack_subelements %bitcast3A_400, 0 {pack_format = #tpu.pack_format<interleaved>} : vector<32xbf16> -> vector<16xf32>
          %unpack3A_408 = tpu.unpack_subelements %bitcast3A_400, 1 {pack_format = #tpu.pack_format<interleaved>} : vector<32xbf16> -> vector<16xf32>
          %unpack3A_409 = tpu.unpack_subelements %bitcast3A_404, 0 {pack_format = #tpu.pack_format<interleaved>} : vector<32xbf16> -> vector<16xf32>
          %unpack3A_410 = tpu.unpack_subelements %bitcast3A_404, 1 {pack_format = #tpu.pack_format<interleaved>} : vector<32xbf16> -> vector<16xf32>
          %mul3A_411 = arith.mulf %gather3A_384, %unpack3A_405 : vector<16xf32>
          %mul3A_412 = arith.mulf %gather3A_388, %unpack3A_407 : vector<16xf32>
          %add3A_413 = arith.addf %mul3A_411, %mul3A_412 : vector<16xf32>
          %mul3A_414 = arith.mulf %gather3A_392, %unpack3A_409 : vector<16xf32>
          %add3A_415 = arith.addf %add3A_413, %mul3A_414 : vector<16xf32>
          %swap3A_416 = arith.index_cast %scan3A_339 : i32 to index
          %swap3A_417 = arith.constant 0 : index
          %swap3A_418 = tpu.vector_load %arg16[%swap3A_416, %swap3A_417] {strides = array<i32>} : memref<64x128xf32, #tpu.memory_space<vmem>>, vector<16xf32>,
          tpu.vector_store %arg16[%swap3A_416, %swap3A_417], %add3A_415 {strides = array<i32>} : memref<64x128xf32, #tpu.memory_space<vmem>>, vector<16xf32>,
          %mul3A_419 = arith.mulf %gather3A_384, %unpack3A_406 : vector<16xf32>
          %mul3A_420 = arith.mulf %gather3A_388, %unpack3A_408 : vector<16xf32>
          %add3A_421 = arith.addf %mul3A_419, %mul3A_420 : vector<16xf32>
          %mul3A_422 = arith.mulf %gather3A_392, %unpack3A_410 : vector<16xf32>
          %add3A_423 = arith.addf %add3A_421, %mul3A_422 : vector<16xf32>
          %swap3A_424 = arith.index_cast %scan3A_339 : i32 to index
          %swap3A_425 = arith.constant 16 : index
          %swap3A_426 = tpu.vector_load %arg16[%swap3A_424, %swap3A_425] {strides = array<i32>} : memref<64x128xf32, #tpu.memory_space<vmem>>, vector<16xf32>,
          tpu.vector_store %arg16[%swap3A_424, %swap3A_425], %add3A_423 {strides = array<i32>} : memref<64x128xf32, #tpu.memory_space<vmem>>, vector<16xf32>,
          %get3A_427 = arith.index_cast %scan3A_339 : i32 to index
          %get3A_428 = arith.constant 16 : index
          %get3A_429 = tpu.vector_load %arg15[%get3A_427, %get3A_428] {strides = array<i32>} : memref<64x256xi32, #tpu.memory_space<vmem>>, vector<16xi32>,
          %bitcast3A_430 = vector.bitcast %get3A_429 : vector<16xi32> to vector<32xbf16>
          %get3A_431 = arith.index_cast %scan3A_339 : i32 to index
          %get3A_432 = arith.constant 80 : index
          %get3A_433 = tpu.vector_load %arg15[%get3A_431, %get3A_432] {strides = array<i32>} : memref<64x256xi32, #tpu.memory_space<vmem>>, vector<16xi32>,
          %bitcast3A_434 = vector.bitcast %get3A_433 : vector<16xi32> to vector<32xbf16>
          %get3A_435 = arith.index_cast %scan3A_339 : i32 to index
          %get3A_436 = arith.constant 144 : index
          %get3A_437 = tpu.vector_load %arg15[%get3A_435, %get3A_436] {strides = array<i32>} : memref<64x256xi32, #tpu.memory_space<vmem>>, vector<16xi32>,
          %bitcast3A_438 = vector.bitcast %get3A_437 : vector<16xi32> to vector<32xbf16>
          %unpack3A_439 = tpu.unpack_subelements %bitcast3A_430, 0 {pack_format = #tpu.pack_format<interleaved>} : vector<32xbf16> -> vector<16xf32>
          %unpack3A_440 = tpu.unpack_subelements %bitcast3A_430, 1 {pack_format = #tpu.pack_format<interleaved>} : vector<32xbf16> -> vector<16xf32>
          %unpack3A_441 = tpu.unpack_subelements %bitcast3A_434, 0 {pack_format = #tpu.pack_format<interleaved>} : vector<32xbf16> -> vector<16xf32>
          %unpack3A_442 = tpu.unpack_subelements %bitcast3A_434, 1 {pack_format = #tpu.pack_format<interleaved>} : vector<32xbf16> -> vector<16xf32>
          %unpack3A_443 = tpu.unpack_subelements %bitcast3A_438, 0 {pack_format = #tpu.pack_format<interleaved>} : vector<32xbf16> -> vector<16xf32>
          %unpack3A_444 = tpu.unpack_subelements %bitcast3A_438, 1 {pack_format = #tpu.pack_format<interleaved>} : vector<32xbf16> -> vector<16xf32>
          %mul3A_445 = arith.mulf %gather3A_384, %unpack3A_439 : vector<16xf32>
          %mul3A_446 = arith.mulf %gather3A_388, %unpack3A_441 : vector<16xf32>
          %add3A_447 = arith.addf %mul3A_445, %mul3A_446 : vector<16xf32>
          %mul3A_448 = arith.mulf %gather3A_392, %unpack3A_443 : vector<16xf32>
          %add3A_449 = arith.addf %add3A_447, %mul3A_448 : vector<16xf32>
          %swap3A_450 = arith.index_cast %scan3A_339 : i32 to index
          %swap3A_451 = arith.constant 32 : index
          %swap3A_452 = tpu.vector_load %arg16[%swap3A_450, %swap3A_451] {strides = array<i32>} : memref<64x128xf32, #tpu.memory_space<vmem>>, vector<16xf32>,
          tpu.vector_store %arg16[%swap3A_450, %swap3A_451], %add3A_449 {strides = array<i32>} : memref<64x128xf32, #tpu.memory_space<vmem>>, vector<16xf32>,
          %mul3A_453 = arith.mulf %gather3A_384, %unpack3A_440 : vector<16xf32>
          %mul3A_454 = arith.mulf %gather3A_388, %unpack3A_442 : vector<16xf32>
          %add3A_455 = arith.addf %mul3A_453, %mul3A_454 : vector<16xf32>
          %mul3A_456 = arith.mulf %gather3A_392, %unpack3A_444 : vector<16xf32>
          %add3A_457 = arith.addf %add3A_455, %mul3A_456 : vector<16xf32>
          %swap3A_458 = arith.index_cast %scan3A_339 : i32 to index
          %swap3A_459 = arith.constant 48 : index
          %swap3A_460 = tpu.vector_load %arg16[%swap3A_458, %swap3A_459] {strides = array<i32>} : memref<64x128xf32, #tpu.memory_space<vmem>>, vector<16xf32>,
          tpu.vector_store %arg16[%swap3A_458, %swap3A_459], %add3A_457 {strides = array<i32>} : memref<64x128xf32, #tpu.memory_space<vmem>>, vector<16xf32>,
          %get3A_461 = arith.index_cast %scan3A_339 : i32 to index
          %get3A_462 = arith.constant 32 : index
          %get3A_463 = tpu.vector_load %arg15[%get3A_461, %get3A_462] {strides = array<i32>} : memref<64x256xi32, #tpu.memory_space<vmem>>, vector<16xi32>,
          %bitcast3A_464 = vector.bitcast %get3A_463 : vector<16xi32> to vector<32xbf16>
          %get3A_465 = arith.index_cast %scan3A_339 : i32 to index
          %get3A_466 = arith.constant 96 : index
          %get3A_467 = tpu.vector_load %arg15[%get3A_465, %get3A_466] {strides = array<i32>} : memref<64x256xi32, #tpu.memory_space<vmem>>, vector<16xi32>,
          %bitcast3A_468 = vector.bitcast %get3A_467 : vector<16xi32> to vector<32xbf16>
          %get3A_469 = arith.index_cast %scan3A_339 : i32 to index
          %get3A_470 = arith.constant 160 : index
          %get3A_471 = tpu.vector_load %arg15[%get3A_469, %get3A_470] {strides = array<i32>} : memref<64x256xi32, #tpu.memory_space<vmem>>, vector<16xi32>,
          %bitcast3A_472 = vector.bitcast %get3A_471 : vector<16xi32> to vector<32xbf16>
          %unpack3A_473 = tpu.unpack_subelements %bitcast3A_464, 0 {pack_format = #tpu.pack_format<interleaved>} : vector<32xbf16> -> vector<16xf32>
          %unpack3A_474 = tpu.unpack_subelements %bitcast3A_464, 1 {pack_format = #tpu.pack_format<interleaved>} : vector<32xbf16> -> vector<16xf32>
          %unpack3A_475 = tpu.unpack_subelements %bitcast3A_468, 0 {pack_format = #tpu.pack_format<interleaved>} : vector<32xbf16> -> vector<16xf32>
          %unpack3A_476 = tpu.unpack_subelements %bitcast3A_468, 1 {pack_format = #tpu.pack_format<interleaved>} : vector<32xbf16> -> vector<16xf32>
          %unpack3A_477 = tpu.unpack_subelements %bitcast3A_472, 0 {pack_format = #tpu.pack_format<interleaved>} : vector<32xbf16> -> vector<16xf32>
          %unpack3A_478 = tpu.unpack_subelements %bitcast3A_472, 1 {pack_format = #tpu.pack_format<interleaved>} : vector<32xbf16> -> vector<16xf32>
          %mul3A_479 = arith.mulf %gather3A_384, %unpack3A_473 : vector<16xf32>
          %mul3A_480 = arith.mulf %gather3A_388, %unpack3A_475 : vector<16xf32>
          %add3A_481 = arith.addf %mul3A_479, %mul3A_480 : vector<16xf32>
          %mul3A_482 = arith.mulf %gather3A_392, %unpack3A_477 : vector<16xf32>
          %add3A_483 = arith.addf %add3A_481, %mul3A_482 : vector<16xf32>
          %swap3A_484 = arith.index_cast %scan3A_339 : i32 to index
          %swap3A_485 = arith.constant 64 : index
          %swap3A_486 = tpu.vector_load %arg16[%swap3A_484, %swap3A_485] {strides = array<i32>} : memref<64x128xf32, #tpu.memory_space<vmem>>, vector<16xf32>,
          tpu.vector_store %arg16[%swap3A_484, %swap3A_485], %add3A_483 {strides = array<i32>} : memref<64x128xf32, #tpu.memory_space<vmem>>, vector<16xf32>,
          %mul3A_487 = arith.mulf %gather3A_384, %unpack3A_474 : vector<16xf32>
          %mul3A_488 = arith.mulf %gather3A_388, %unpack3A_476 : vector<16xf32>
          %add3A_489 = arith.addf %mul3A_487, %mul3A_488 : vector<16xf32>
          %mul3A_490 = arith.mulf %gather3A_392, %unpack3A_478 : vector<16xf32>
          %add3A_491 = arith.addf %add3A_489, %mul3A_490 : vector<16xf32>
          %swap3A_492 = arith.index_cast %scan3A_339 : i32 to index
          %swap3A_493 = arith.constant 80 : index
          %swap3A_494 = tpu.vector_load %arg16[%swap3A_492, %swap3A_493] {strides = array<i32>} : memref<64x128xf32, #tpu.memory_space<vmem>>, vector<16xf32>,
          tpu.vector_store %arg16[%swap3A_492, %swap3A_493], %add3A_491 {strides = array<i32>} : memref<64x128xf32, #tpu.memory_space<vmem>>, vector<16xf32>,
          %get3A_495 = arith.index_cast %scan3A_339 : i32 to index
          %get3A_496 = arith.constant 48 : index
          %get3A_497 = tpu.vector_load %arg15[%get3A_495, %get3A_496] {strides = array<i32>} : memref<64x256xi32, #tpu.memory_space<vmem>>, vector<16xi32>,
          %bitcast3A_498 = vector.bitcast %get3A_497 : vector<16xi32> to vector<32xbf16>
          %get3A_499 = arith.index_cast %scan3A_339 : i32 to index
          %get3A_500 = arith.constant 112 : index
          %get3A_501 = tpu.vector_load %arg15[%get3A_499, %get3A_500] {strides = array<i32>} : memref<64x256xi32, #tpu.memory_space<vmem>>, vector<16xi32>,
          %bitcast3A_502 = vector.bitcast %get3A_501 : vector<16xi32> to vector<32xbf16>
          %get3A_503 = arith.index_cast %scan3A_339 : i32 to index
          %get3A_504 = arith.constant 176 : index
          %get3A_505 = tpu.vector_load %arg15[%get3A_503, %get3A_504] {strides = array<i32>} : memref<64x256xi32, #tpu.memory_space<vmem>>, vector<16xi32>,
          %bitcast3A_506 = vector.bitcast %get3A_505 : vector<16xi32> to vector<32xbf16>
          %unpack3A_507 = tpu.unpack_subelements %bitcast3A_498, 0 {pack_format = #tpu.pack_format<interleaved>} : vector<32xbf16> -> vector<16xf32>
          %unpack3A_508 = tpu.unpack_subelements %bitcast3A_498, 1 {pack_format = #tpu.pack_format<interleaved>} : vector<32xbf16> -> vector<16xf32>
          %unpack3A_509 = tpu.unpack_subelements %bitcast3A_502, 0 {pack_format = #tpu.pack_format<interleaved>} : vector<32xbf16> -> vector<16xf32>
          %unpack3A_510 = tpu.unpack_subelements %bitcast3A_502, 1 {pack_format = #tpu.pack_format<interleaved>} : vector<32xbf16> -> vector<16xf32>
          %unpack3A_511 = tpu.unpack_subelements %bitcast3A_506, 0 {pack_format = #tpu.pack_format<interleaved>} : vector<32xbf16> -> vector<16xf32>
          %unpack3A_512 = tpu.unpack_subelements %bitcast3A_506, 1 {pack_format = #tpu.pack_format<interleaved>} : vector<32xbf16> -> vector<16xf32>
          %mul3A_513 = arith.mulf %gather3A_384, %unpack3A_507 : vector<16xf32>
          %mul3A_514 = arith.mulf %gather3A_388, %unpack3A_509 : vector<16xf32>
          %add3A_515 = arith.addf %mul3A_513, %mul3A_514 : vector<16xf32>
          %mul3A_516 = arith.mulf %gather3A_392, %unpack3A_511 : vector<16xf32>
          %add3A_517 = arith.addf %add3A_515, %mul3A_516 : vector<16xf32>
          %swap3A_518 = arith.index_cast %scan3A_339 : i32 to index
          %swap3A_519 = arith.constant 96 : index
          %swap3A_520 = tpu.vector_load %arg16[%swap3A_518, %swap3A_519] {strides = array<i32>} : memref<64x128xf32, #tpu.memory_space<vmem>>, vector<16xf32>,
          tpu.vector_store %arg16[%swap3A_518, %swap3A_519], %add3A_517 {strides = array<i32>} : memref<64x128xf32, #tpu.memory_space<vmem>>, vector<16xf32>,
          %mul3A_521 = arith.mulf %gather3A_384, %unpack3A_508 : vector<16xf32>
          %mul3A_522 = arith.mulf %gather3A_388, %unpack3A_510 : vector<16xf32>
          %add3A_523 = arith.addf %mul3A_521, %mul3A_522 : vector<16xf32>
          %mul3A_524 = arith.mulf %gather3A_392, %unpack3A_512 : vector<16xf32>
          %add3A_525 = arith.addf %add3A_523, %mul3A_524 : vector<16xf32>
          %swap3A_526 = arith.index_cast %scan3A_339 : i32 to index
          %swap3A_527 = arith.constant 112 : index
          %swap3A_528 = tpu.vector_load %arg16[%swap3A_526, %swap3A_527] {strides = array<i32>} : memref<64x128xf32, #tpu.memory_space<vmem>>, vector<16xf32>,
          tpu.vector_store %arg16[%swap3A_526, %swap3A_527], %add3A_525 {strides = array<i32>} : memref<64x128xf32, #tpu.memory_space<vmem>>, vector<16xf32>,
        }
        %scan3A_145 = arith.constant 64 : i32
        "tpu.region"() ({
          %run_scoped3A = tpu.sem_alloc : memref<!tpu.dma_semaphore, #tpu.memory_space<semaphore_mem>>
          %dma_start3A_154 = arith.constant 0 : i32
          %dma_start3A_155 = arith.constant 0 : i32
          %dma_start3A_156 = tpu.memref_slice %arg7[%dma_start3A_154, %dma_start3A_155] : memref<10240x128xf32, #tpu.memory_space<vmem_shared>> -> memref<10240x128xf32, #tpu.memory_space<vmem_shared>>
          tpu.enqueue_indirect_dma source(%arg16 : memref<64x128xf32, #tpu.memory_space<vmem>>) target(%dma_start3A_156 : memref<10240x128xf32, #tpu.memory_space<vmem_shared>>) offsets(%arg13 : memref<64xi32, #tpu.memory_space<vmem>>) semaphore(%run_scoped3A : memref<!tpu.dma_semaphore, #tpu.memory_space<semaphore_mem>>) {add = true}
          %dma_wait3A_157 = arith.constant 0 : i32
          %dma_wait3A_158 = arith.constant 0 : i32
          %dma_wait3A_159 = tpu.memref_slice %arg7[%dma_wait3A_157, %dma_wait3A_158] : memref<10240x128xf32, #tpu.memory_space<vmem_shared>> -> memref<10240x128xf32, #tpu.memory_space<vmem_shared>>
          tpu.wait_indirect_dma semaphore(%run_scoped3A : memref<!tpu.dma_semaphore, #tpu.memory_space<semaphore_mem>>) src(%arg16 : memref<64x128xf32, #tpu.memory_space<vmem>>) dst(%dma_wait3A_159 : memref<10240x128xf32, #tpu.memory_space<vmem_shared>>)
          tpu.yield
        }) : () -> ()
        %lt3A_146 = arith.cmpi slt, %add3A_116, %select_n3A : i32
        %convert_element_type3A_147 = arith.extui %lt3A_146 : i1 to i32
        %cond3A_148 = arith.constant 0 : i32
        %cond3A_149 = arith.cmpi ne, %convert_element_type3A_147, %cond3A_148 : i32
        scf.if %cond3A_149 {
          %mul3A_154 = arith.constant 32 : i32
          %mul3A_155 = arith.muli %add3A_116, %mul3A_154 : i32
          %add3A_156 = arith.addi %add3A, %mul3A_155 : i32
          %mul3A_157 = arith.constant 64 : i32
          %mul3A_158 = arith.muli %add3A_156, %mul3A_157 : i32
          %mul3A_159 = arith.constant 4 : i32
          %mul3A_160 = arith.muli %mul3A_158, %mul3A_159 : i32
          %dma_wait3A_161 = tpu.memref_slice %arg2[%mul3A_160] : memref<640000xf32, #tpu.memory_space<hbm>> -> memref<256xf32, #tpu.memory_space<hbm>>
          %dma_wait3A_162 = tpu.memref_slice %arg2[%mul3A_160] : memref<640000xf32, #tpu.memory_space<hbm>> -> memref<256xf32, #tpu.memory_space<hbm>>
          tpu.wait_dma2 semaphore(%arg17 : memref<!tpu.dma_semaphore, #tpu.memory_space<semaphore_mem>>) src(%dma_wait3A_162 : memref<256xf32, #tpu.memory_space<hbm>>) dst(%arg8 : memref<256xf32, #tpu.memory_space<vmem>>)
          %dma_wait3A_163 = tpu.memref_slice %arg3[%mul3A_158] : memref<160000xi32, #tpu.memory_space<hbm>> -> memref<64xi32, #tpu.memory_space<hbm>>
          %dma_wait3A_164 = tpu.memref_slice %arg3[%mul3A_158] : memref<160000xi32, #tpu.memory_space<hbm>> -> memref<64xi32, #tpu.memory_space<hbm>>
          tpu.wait_dma2 semaphore(%arg17 : memref<!tpu.dma_semaphore, #tpu.memory_space<semaphore_mem>>) src(%dma_wait3A_164 : memref<64xi32, #tpu.memory_space<hbm>>) dst(%arg10 : memref<64xi32, #tpu.memory_space<vmem>>)
          %dma_wait3A_165 = tpu.memref_slice %arg4[%mul3A_158] : memref<160000xi32, #tpu.memory_space<hbm>> -> memref<64xi32, #tpu.memory_space<hbm>>
          %dma_wait3A_166 = tpu.memref_slice %arg4[%mul3A_158] : memref<160000xi32, #tpu.memory_space<hbm>> -> memref<64xi32, #tpu.memory_space<hbm>>
          tpu.wait_dma2 semaphore(%arg17 : memref<!tpu.dma_semaphore, #tpu.memory_space<semaphore_mem>>) src(%dma_wait3A_166 : memref<64xi32, #tpu.memory_space<hbm>>) dst(%arg12 : memref<64xi32, #tpu.memory_space<vmem>>)
          %dma_start3A_167 = arith.constant 0 : i32
          %dma_start3A_168 = arith.constant 0 : i32
          %dma_start3A_169 = tpu.memref_slice %arg5[%dma_start3A_167, %dma_start3A_168] : memref<10000x256xi32, #tpu.memory_space<hbm>> -> memref<10000x256xi32, #tpu.memory_space<hbm>>
          tpu.enqueue_indirect_dma source(%dma_start3A_169 : memref<10000x256xi32, #tpu.memory_space<hbm>>) target(%arg14 : memref<64x256xi32, #tpu.memory_space<vmem>>) offsets(%arg10 : memref<64xi32, #tpu.memory_space<vmem>>) semaphore(%arg19 : memref<!tpu.dma_semaphore, #tpu.memory_space<semaphore_mem>>)
        } else {
        }
        %lt3A_150 = arith.cmpi slt, %add3A_118, %select_n3A : i32
        %convert_element_type3A_151 = arith.extui %lt3A_150 : i1 to i32
        %cond3A_152 = arith.constant 0 : i32
        %cond3A_153 = arith.cmpi ne, %convert_element_type3A_151, %cond3A_152 : i32
        scf.if %cond3A_153 {
          %mul3A_154 = arith.constant 32 : i32
          %mul3A_155 = arith.muli %add3A_118, %mul3A_154 : i32
          %add3A_156 = arith.addi %add3A, %mul3A_155 : i32
          %mul3A_157 = arith.constant 64 : i32
          %mul3A_158 = arith.muli %add3A_156, %mul3A_157 : i32
          %mul3A_159 = arith.constant 4 : i32
          %mul3A_160 = arith.muli %mul3A_158, %mul3A_159 : i32
          %dma_start3A_161 = tpu.memref_slice %arg2[%mul3A_160] : memref<640000xf32, #tpu.memory_space<hbm>> -> memref<256xf32, #tpu.memory_space<hbm>>
          %dma_start3A_162 = tpu.memref_slice %arg2[%mul3A_160] : memref<640000xf32, #tpu.memory_space<hbm>> -> memref<256xf32, #tpu.memory_space<hbm>>
          tpu.enqueue_dma source(%dma_start3A_162 : memref<256xf32, #tpu.memory_space<hbm>>) target(%arg9 : memref<256xf32, #tpu.memory_space<vmem>>) target_semaphore(%arg18 : memref<!tpu.dma_semaphore, #tpu.memory_space<semaphore_mem>>)
          %dma_start3A_163 = tpu.memref_slice %arg3[%mul3A_158] : memref<160000xi32, #tpu.memory_space<hbm>> -> memref<64xi32, #tpu.memory_space<hbm>>
          %dma_start3A_164 = tpu.memref_slice %arg3[%mul3A_158] : memref<160000xi32, #tpu.memory_space<hbm>> -> memref<64xi32, #tpu.memory_space<hbm>>
          tpu.enqueue_dma source(%dma_start3A_164 : memref<64xi32, #tpu.memory_space<hbm>>) target(%arg11 : memref<64xi32, #tpu.memory_space<vmem>>) target_semaphore(%arg18 : memref<!tpu.dma_semaphore, #tpu.memory_space<semaphore_mem>>)
          %dma_start3A_165 = tpu.memref_slice %arg4[%mul3A_158] : memref<160000xi32, #tpu.memory_space<hbm>> -> memref<64xi32, #tpu.memory_space<hbm>>
          %dma_start3A_166 = tpu.memref_slice %arg4[%mul3A_158] : memref<160000xi32, #tpu.memory_space<hbm>> -> memref<64xi32, #tpu.memory_space<hbm>>
          tpu.enqueue_dma source(%dma_start3A_166 : memref<64xi32, #tpu.memory_space<hbm>>) target(%arg13 : memref<64xi32, #tpu.memory_space<vmem>>) target_semaphore(%arg18 : memref<!tpu.dma_semaphore, #tpu.memory_space<semaphore_mem>>)
        } else {
        }
      } else {
      }
    }
    %while3A_108 = arith.constant 1 : i32
    scf.for %while3A_110 = %while3A_106 to %while3A_102 step %while3A_108  : i32 {
      %mul3A_111 = arith.constant 2 : i32
      %mul3A_112 = arith.muli %while3A_110, %mul3A_111 : i32
      %add3A_113 = arith.constant 1 : i32
      %add3A_114 = arith.addi %mul3A_112, %add3A_113 : i32
      %add3A_115 = arith.constant 2 : i32
      %add3A_116 = arith.addi %mul3A_112, %add3A_115 : i32
      %add3A_117 = arith.constant 3 : i32
      %add3A_118 = arith.addi %mul3A_112, %add3A_117 : i32
      %lt3A = arith.cmpi slt, %add3A_114, %select_n3A : i32
      %convert_element_type3A = arith.extui %lt3A : i1 to i32
      %cond3A = arith.constant 0 : i32
      %cond3A_119 = arith.cmpi ne, %convert_element_type3A, %cond3A : i32
      scf.if %cond3A_119 {
        %mul3A_137 = arith.constant 32 : i32
        %mul3A_138 = arith.muli %add3A_114, %mul3A_137 : i32
        %add3A_139 = arith.addi %add3A, %mul3A_138 : i32
        %mul3A_140 = arith.constant 64 : i32
        %mul3A_141 = arith.muli %add3A_139, %mul3A_140 : i32
        %mul3A_142 = arith.constant 4 : i32
        %mul3A_143 = arith.muli %mul3A_141, %mul3A_142 : i32
        %dma_wait3A_144 = tpu.memref_slice %arg2[%mul3A_143] : memref<640000xf32, #tpu.memory_space<hbm>> -> memref<256xf32, #tpu.memory_space<hbm>>
        %dma_wait3A_145 = tpu.memref_slice %arg2[%mul3A_143] : memref<640000xf32, #tpu.memory_space<hbm>> -> memref<256xf32, #tpu.memory_space<hbm>>
        tpu.wait_dma2 semaphore(%arg18 : memref<!tpu.dma_semaphore, #tpu.memory_space<semaphore_mem>>) src(%dma_wait3A_145 : memref<256xf32, #tpu.memory_space<hbm>>) dst(%arg9 : memref<256xf32, #tpu.memory_space<vmem>>)
        %dma_wait3A_146 = tpu.memref_slice %arg3[%mul3A_141] : memref<160000xi32, #tpu.memory_space<hbm>> -> memref<64xi32, #tpu.memory_space<hbm>>
        %dma_wait3A_147 = tpu.memref_slice %arg3[%mul3A_141] : memref<160000xi32, #tpu.memory_space<hbm>> -> memref<64xi32, #tpu.memory_space<hbm>>
        tpu.wait_dma2 semaphore(%arg18 : memref<!tpu.dma_semaphore, #tpu.memory_space<semaphore_mem>>) src(%dma_wait3A_147 : memref<64xi32, #tpu.memory_space<hbm>>) dst(%arg11 : memref<64xi32, #tpu.memory_space<vmem>>)
        %dma_wait3A_148 = tpu.memref_slice %arg4[%mul3A_141] : memref<160000xi32, #tpu.memory_space<hbm>> -> memref<64xi32, #tpu.memory_space<hbm>>
        %dma_wait3A_149 = tpu.memref_slice %arg4[%mul3A_141] : memref<160000xi32, #tpu.memory_space<hbm>> -> memref<64xi32, #tpu.memory_space<hbm>>
        tpu.wait_dma2 semaphore(%arg18 : memref<!tpu.dma_semaphore, #tpu.memory_space<semaphore_mem>>) src(%dma_wait3A_149 : memref<64xi32, #tpu.memory_space<hbm>>) dst(%arg13 : memref<64xi32, #tpu.memory_space<vmem>>)
        %dma_start3A_150 = arith.constant 0 : i32
        %dma_start3A_151 = arith.constant 0 : i32
        %dma_start3A_152 = tpu.memref_slice %arg5[%dma_start3A_150, %dma_start3A_151] : memref<10000x256xi32, #tpu.memory_space<hbm>> -> memref<10000x256xi32, #tpu.memory_space<hbm>>
        tpu.enqueue_indirect_dma source(%dma_start3A_152 : memref<10000x256xi32, #tpu.memory_space<hbm>>) target(%arg15 : memref<64x256xi32, #tpu.memory_space<vmem>>) offsets(%arg11 : memref<64xi32, #tpu.memory_space<vmem>>) semaphore(%arg20 : memref<!tpu.dma_semaphore, #tpu.memory_space<semaphore_mem>>)
      } else {
      }
      %dma_wait3A_120 = arith.constant 0 : i32
      %dma_wait3A_121 = arith.constant 0 : i32
      %dma_wait3A_122 = tpu.memref_slice %arg5[%dma_wait3A_120, %dma_wait3A_121] : memref<10000x256xi32, #tpu.memory_space<hbm>> -> memref<10000x256xi32, #tpu.memory_space<hbm>>
      tpu.wait_indirect_dma semaphore(%arg19 : memref<!tpu.dma_semaphore, #tpu.memory_space<semaphore_mem>>) src(%dma_wait3A_122 : memref<10000x256xi32, #tpu.memory_space<hbm>>) dst(%arg14 : memref<64x256xi32, #tpu.memory_space<vmem>>)
      %scan3A_123 = arith.constant 0 : i32
      %scan3A_124 = arith.constant 0 : i32
      %scan3A_125 = arith.constant 64 : i32
      %scan3A_126 = arith.addi %scan3A_124, %scan3A_125 : i32
      %scan3A_127 = arith.constant 2 : i32
      scf.for %scan3A_137 = %scan3A_124 to %scan3A_126 step %scan3A_127  : i32 {
        %jit3A_138 = arith.constant 16 : i32
        %div3A_139 = arith.divsi %scan3A_137, %jit3A_138 : i32
        %sign3A_140 = arith.constant 0 : i32
        %sign3A_141 = arith.cmpi sgt, %scan3A_137, %sign3A_140 : i32
        %sign3A_142 = arith.extui %sign3A_141 : i1 to i32
        %sign3A_143 = arith.constant 0 : i32
        %sign3A_144 = arith.cmpi slt, %scan3A_137, %sign3A_143 : i32
        %sign3A_145 = arith.extui %sign3A_144 : i1 to i32
        %sign3A_146 = arith.subi %sign3A_142, %sign3A_145 : i32
        %sign3A_147 = arith.constant 0 : i32
        %sign3A_148 = arith.cmpi sgt, %jit3A_138, %sign3A_147 : i32
        %sign3A_149 = arith.extui %sign3A_148 : i1 to i32
        %sign3A_150 = arith.constant 0 : i32
        %sign3A_151 = arith.cmpi slt, %jit3A_138, %sign3A_150 : i32
        %sign3A_152 = arith.extui %sign3A_151 : i1 to i32
        %sign3A_153 = arith.subi %sign3A_149, %sign3A_152 : i32
        %ne3A_154 = arith.cmpi ne, %sign3A_146, %sign3A_153 : i32
        %rem3A_155 = arith.remsi %scan3A_137, %jit3A_138 : i32
        %ne3A_156 = arith.constant 0 : i32
        %ne3A_157 = arith.cmpi ne, %rem3A_155, %ne3A_156 : i32
        %and3A_158 = arith.andi %ne3A_154, %ne3A_157 : i1
        %sub3A_159 = arith.constant 1 : i32
        %sub3A_160 = arith.subi %div3A_139, %sub3A_159 : i32
        %select_n3A_161 = arith.select %and3A_158, %sub3A_160, %div3A_139 : i32
        %mul3A_162 = arith.constant 64 : i32
        %mul3A_163 = arith.muli %select_n3A_161, %mul3A_162 : i32
        %jit3A_164 = arith.constant 16 : i32
        %eq3A = arith.constant 0 : i32
        %eq3A_165 = arith.cmpi eq, %jit3A_164, %eq3A : i32
        %jit3A_166 = arith.constant 1 : i32
        %select_n3A_167 = arith.select %eq3A_165, %jit3A_166, %jit3A_164 : i32
        %rem3A_168 = arith.remsi %scan3A_137, %select_n3A_167 : i32
        %ne3A_169 = arith.constant 0 : i32
        %ne3A_170 = arith.cmpi ne, %rem3A_168, %ne3A_169 : i32
        %lt3A_171 = arith.constant 0 : i32
        %lt3A_172 = arith.cmpi slt, %rem3A_168, %lt3A_171 : i32
        %lt3A_173 = arith.constant 0 : i32
        %lt3A_174 = arith.cmpi slt, %select_n3A_167, %lt3A_173 : i32
        %ne3A_175 = arith.xori %lt3A_172, %lt3A_174 : i1
        %and3A_176 = arith.andi %ne3A_175, %ne3A_170 : i1
        %add3A_177 = arith.addi %rem3A_168, %select_n3A_167 : i32
        %select_n3A_178 = arith.select %and3A_176, %add3A_177, %rem3A_168 : i32
        %add3A_179 = arith.addi %mul3A_163, %select_n3A_178 : i32
        %broadcast_in_dim3A_180 = vector.broadcast %add3A_179 : i32 to vector<16xi32>
        %gather3A = tpu.vector_load_idx %arg8[%broadcast_in_dim3A_180] : memref<256xf32, #tpu.memory_space<vmem>>[vector<16xi32>], vector<16xf32>,
        %add3A_181 = arith.constant 16 : i32
        %add3A_182 = arith.addi %add3A_179, %add3A_181 : i32
        %broadcast_in_dim3A_183 = vector.broadcast %add3A_182 : i32 to vector<16xi32>
        %gather3A_184 = tpu.vector_load_idx %arg8[%broadcast_in_dim3A_183] : memref<256xf32, #tpu.memory_space<vmem>>[vector<16xi32>], vector<16xf32>,
        %add3A_185 = arith.constant 32 : i32
        %add3A_186 = arith.addi %add3A_179, %add3A_185 : i32
        %broadcast_in_dim3A_187 = vector.broadcast %add3A_186 : i32 to vector<16xi32>
        %gather3A_188 = tpu.vector_load_idx %arg8[%broadcast_in_dim3A_187] : memref<256xf32, #tpu.memory_space<vmem>>[vector<16xi32>], vector<16xf32>,
        %get3A = arith.index_cast %scan3A_137 : i32 to index
        %get3A_189 = arith.constant 0 : index
        %get3A_190 = tpu.vector_load %arg14[%get3A, %get3A_189] {strides = array<i32>} : memref<64x256xi32, #tpu.memory_space<vmem>>, vector<16xi32>,
        %bitcast3A = vector.bitcast %get3A_190 : vector<16xi32> to vector<32xbf16>
        %get3A_191 = arith.index_cast %scan3A_137 : i32 to index
        %get3A_192 = arith.constant 64 : index
        %get3A_193 = tpu.vector_load %arg14[%get3A_191, %get3A_192] {strides = array<i32>} : memref<64x256xi32, #tpu.memory_space<vmem>>, vector<16xi32>,
        %bitcast3A_194 = vector.bitcast %get3A_193 : vector<16xi32> to vector<32xbf16>
        %get3A_195 = arith.index_cast %scan3A_137 : i32 to index
        %get3A_196 = arith.constant 128 : index
        %get3A_197 = tpu.vector_load %arg14[%get3A_195, %get3A_196] {strides = array<i32>} : memref<64x256xi32, #tpu.memory_space<vmem>>, vector<16xi32>,
        %bitcast3A_198 = vector.bitcast %get3A_197 : vector<16xi32> to vector<32xbf16>
        %unpack3A = tpu.unpack_subelements %bitcast3A, 0 {pack_format = #tpu.pack_format<interleaved>} : vector<32xbf16> -> vector<16xf32>
        %unpack3A_199 = tpu.unpack_subelements %bitcast3A, 1 {pack_format = #tpu.pack_format<interleaved>} : vector<32xbf16> -> vector<16xf32>
        %unpack3A_200 = tpu.unpack_subelements %bitcast3A_194, 0 {pack_format = #tpu.pack_format<interleaved>} : vector<32xbf16> -> vector<16xf32>
        %unpack3A_201 = tpu.unpack_subelements %bitcast3A_194, 1 {pack_format = #tpu.pack_format<interleaved>} : vector<32xbf16> -> vector<16xf32>
        %unpack3A_202 = tpu.unpack_subelements %bitcast3A_198, 0 {pack_format = #tpu.pack_format<interleaved>} : vector<32xbf16> -> vector<16xf32>
        %unpack3A_203 = tpu.unpack_subelements %bitcast3A_198, 1 {pack_format = #tpu.pack_format<interleaved>} : vector<32xbf16> -> vector<16xf32>
        %mul3A_204 = arith.mulf %gather3A, %unpack3A : vector<16xf32>
        %mul3A_205 = arith.mulf %gather3A_184, %unpack3A_200 : vector<16xf32>
        %add3A_206 = arith.addf %mul3A_204, %mul3A_205 : vector<16xf32>
        %mul3A_207 = arith.mulf %gather3A_188, %unpack3A_202 : vector<16xf32>
        %add3A_208 = arith.addf %add3A_206, %mul3A_207 : vector<16xf32>
        %swap3A = arith.index_cast %scan3A_137 : i32 to index
        %swap3A_209 = arith.constant 0 : index
        %swap3A_210 = tpu.vector_load %arg16[%swap3A, %swap3A_209] {strides = array<i32>} : memref<64x128xf32, #tpu.memory_space<vmem>>, vector<16xf32>,
        tpu.vector_store %arg16[%swap3A, %swap3A_209], %add3A_208 {strides = array<i32>} : memref<64x128xf32, #tpu.memory_space<vmem>>, vector<16xf32>,
        %mul3A_211 = arith.mulf %gather3A, %unpack3A_199 : vector<16xf32>
        %mul3A_212 = arith.mulf %gather3A_184, %unpack3A_201 : vector<16xf32>
        %add3A_213 = arith.addf %mul3A_211, %mul3A_212 : vector<16xf32>
        %mul3A_214 = arith.mulf %gather3A_188, %unpack3A_203 : vector<16xf32>
        %add3A_215 = arith.addf %add3A_213, %mul3A_214 : vector<16xf32>
        %swap3A_216 = arith.index_cast %scan3A_137 : i32 to index
        %swap3A_217 = arith.constant 16 : index
        %swap3A_218 = tpu.vector_load %arg16[%swap3A_216, %swap3A_217] {strides = array<i32>} : memref<64x128xf32, #tpu.memory_space<vmem>>, vector<16xf32>,
        tpu.vector_store %arg16[%swap3A_216, %swap3A_217], %add3A_215 {strides = array<i32>} : memref<64x128xf32, #tpu.memory_space<vmem>>, vector<16xf32>,
        %get3A_219 = arith.index_cast %scan3A_137 : i32 to index
        %get3A_220 = arith.constant 16 : index
        %get3A_221 = tpu.vector_load %arg14[%get3A_219, %get3A_220] {strides = array<i32>} : memref<64x256xi32, #tpu.memory_space<vmem>>, vector<16xi32>,
        %bitcast3A_222 = vector.bitcast %get3A_221 : vector<16xi32> to vector<32xbf16>
        %get3A_223 = arith.index_cast %scan3A_137 : i32 to index
        %get3A_224 = arith.constant 80 : index
        %get3A_225 = tpu.vector_load %arg14[%get3A_223, %get3A_224] {strides = array<i32>} : memref<64x256xi32, #tpu.memory_space<vmem>>, vector<16xi32>,
        %bitcast3A_226 = vector.bitcast %get3A_225 : vector<16xi32> to vector<32xbf16>
        %get3A_227 = arith.index_cast %scan3A_137 : i32 to index
        %get3A_228 = arith.constant 144 : index
        %get3A_229 = tpu.vector_load %arg14[%get3A_227, %get3A_228] {strides = array<i32>} : memref<64x256xi32, #tpu.memory_space<vmem>>, vector<16xi32>,
        %bitcast3A_230 = vector.bitcast %get3A_229 : vector<16xi32> to vector<32xbf16>
        %unpack3A_231 = tpu.unpack_subelements %bitcast3A_222, 0 {pack_format = #tpu.pack_format<interleaved>} : vector<32xbf16> -> vector<16xf32>
        %unpack3A_232 = tpu.unpack_subelements %bitcast3A_222, 1 {pack_format = #tpu.pack_format<interleaved>} : vector<32xbf16> -> vector<16xf32>
        %unpack3A_233 = tpu.unpack_subelements %bitcast3A_226, 0 {pack_format = #tpu.pack_format<interleaved>} : vector<32xbf16> -> vector<16xf32>
        %unpack3A_234 = tpu.unpack_subelements %bitcast3A_226, 1 {pack_format = #tpu.pack_format<interleaved>} : vector<32xbf16> -> vector<16xf32>
        %unpack3A_235 = tpu.unpack_subelements %bitcast3A_230, 0 {pack_format = #tpu.pack_format<interleaved>} : vector<32xbf16> -> vector<16xf32>
        %unpack3A_236 = tpu.unpack_subelements %bitcast3A_230, 1 {pack_format = #tpu.pack_format<interleaved>} : vector<32xbf16> -> vector<16xf32>
        %mul3A_237 = arith.mulf %gather3A, %unpack3A_231 : vector<16xf32>
        %mul3A_238 = arith.mulf %gather3A_184, %unpack3A_233 : vector<16xf32>
        %add3A_239 = arith.addf %mul3A_237, %mul3A_238 : vector<16xf32>
        %mul3A_240 = arith.mulf %gather3A_188, %unpack3A_235 : vector<16xf32>
        %add3A_241 = arith.addf %add3A_239, %mul3A_240 : vector<16xf32>
        %swap3A_242 = arith.index_cast %scan3A_137 : i32 to index
        %swap3A_243 = arith.constant 32 : index
        %swap3A_244 = tpu.vector_load %arg16[%swap3A_242, %swap3A_243] {strides = array<i32>} : memref<64x128xf32, #tpu.memory_space<vmem>>, vector<16xf32>,
        tpu.vector_store %arg16[%swap3A_242, %swap3A_243], %add3A_241 {strides = array<i32>} : memref<64x128xf32, #tpu.memory_space<vmem>>, vector<16xf32>,
        %mul3A_245 = arith.mulf %gather3A, %unpack3A_232 : vector<16xf32>
        %mul3A_246 = arith.mulf %gather3A_184, %unpack3A_234 : vector<16xf32>
        %add3A_247 = arith.addf %mul3A_245, %mul3A_246 : vector<16xf32>
        %mul3A_248 = arith.mulf %gather3A_188, %unpack3A_236 : vector<16xf32>
        %add3A_249 = arith.addf %add3A_247, %mul3A_248 : vector<16xf32>
        %swap3A_250 = arith.index_cast %scan3A_137 : i32 to index
        %swap3A_251 = arith.constant 48 : index
        %swap3A_252 = tpu.vector_load %arg16[%swap3A_250, %swap3A_251] {strides = array<i32>} : memref<64x128xf32, #tpu.memory_space<vmem>>, vector<16xf32>,
        tpu.vector_store %arg16[%swap3A_250, %swap3A_251], %add3A_249 {strides = array<i32>} : memref<64x128xf32, #tpu.memory_space<vmem>>, vector<16xf32>,
        %get3A_253 = arith.index_cast %scan3A_137 : i32 to index
        %get3A_254 = arith.constant 32 : index
        %get3A_255 = tpu.vector_load %arg14[%get3A_253, %get3A_254] {strides = array<i32>} : memref<64x256xi32, #tpu.memory_space<vmem>>, vector<16xi32>,
        %bitcast3A_256 = vector.bitcast %get3A_255 : vector<16xi32> to vector<32xbf16>
        %get3A_257 = arith.index_cast %scan3A_137 : i32 to index
        %get3A_258 = arith.constant 96 : index
        %get3A_259 = tpu.vector_load %arg14[%get3A_257, %get3A_258] {strides = array<i32>} : memref<64x256xi32, #tpu.memory_space<vmem>>, vector<16xi32>,
        %bitcast3A_260 = vector.bitcast %get3A_259 : vector<16xi32> to vector<32xbf16>
        %get3A_261 = arith.index_cast %scan3A_137 : i32 to index
        %get3A_262 = arith.constant 160 : index
        %get3A_263 = tpu.vector_load %arg14[%get3A_261, %get3A_262] {strides = array<i32>} : memref<64x256xi32, #tpu.memory_space<vmem>>, vector<16xi32>,
        %bitcast3A_264 = vector.bitcast %get3A_263 : vector<16xi32> to vector<32xbf16>
        %unpack3A_265 = tpu.unpack_subelements %bitcast3A_256, 0 {pack_format = #tpu.pack_format<interleaved>} : vector<32xbf16> -> vector<16xf32>
        %unpack3A_266 = tpu.unpack_subelements %bitcast3A_256, 1 {pack_format = #tpu.pack_format<interleaved>} : vector<32xbf16> -> vector<16xf32>
        %unpack3A_267 = tpu.unpack_subelements %bitcast3A_260, 0 {pack_format = #tpu.pack_format<interleaved>} : vector<32xbf16> -> vector<16xf32>
        %unpack3A_268 = tpu.unpack_subelements %bitcast3A_260, 1 {pack_format = #tpu.pack_format<interleaved>} : vector<32xbf16> -> vector<16xf32>
        %unpack3A_269 = tpu.unpack_subelements %bitcast3A_264, 0 {pack_format = #tpu.pack_format<interleaved>} : vector<32xbf16> -> vector<16xf32>
        %unpack3A_270 = tpu.unpack_subelements %bitcast3A_264, 1 {pack_format = #tpu.pack_format<interleaved>} : vector<32xbf16> -> vector<16xf32>
        %mul3A_271 = arith.mulf %gather3A, %unpack3A_265 : vector<16xf32>
        %mul3A_272 = arith.mulf %gather3A_184, %unpack3A_267 : vector<16xf32>
        %add3A_273 = arith.addf %mul3A_271, %mul3A_272 : vector<16xf32>
        %mul3A_274 = arith.mulf %gather3A_188, %unpack3A_269 : vector<16xf32>
        %add3A_275 = arith.addf %add3A_273, %mul3A_274 : vector<16xf32>
        %swap3A_276 = arith.index_cast %scan3A_137 : i32 to index
        %swap3A_277 = arith.constant 64 : index
        %swap3A_278 = tpu.vector_load %arg16[%swap3A_276, %swap3A_277] {strides = array<i32>} : memref<64x128xf32, #tpu.memory_space<vmem>>, vector<16xf32>,
        tpu.vector_store %arg16[%swap3A_276, %swap3A_277], %add3A_275 {strides = array<i32>} : memref<64x128xf32, #tpu.memory_space<vmem>>, vector<16xf32>,
        %mul3A_279 = arith.mulf %gather3A, %unpack3A_266 : vector<16xf32>
        %mul3A_280 = arith.mulf %gather3A_184, %unpack3A_268 : vector<16xf32>
        %add3A_281 = arith.addf %mul3A_279, %mul3A_280 : vector<16xf32>
        %mul3A_282 = arith.mulf %gather3A_188, %unpack3A_270 : vector<16xf32>
        %add3A_283 = arith.addf %add3A_281, %mul3A_282 : vector<16xf32>
        %swap3A_284 = arith.index_cast %scan3A_137 : i32 to index
        %swap3A_285 = arith.constant 80 : index
        %swap3A_286 = tpu.vector_load %arg16[%swap3A_284, %swap3A_285] {strides = array<i32>} : memref<64x128xf32, #tpu.memory_space<vmem>>, vector<16xf32>,
        tpu.vector_store %arg16[%swap3A_284, %swap3A_285], %add3A_283 {strides = array<i32>} : memref<64x128xf32, #tpu.memory_space<vmem>>, vector<16xf32>,
        %get3A_287 = arith.index_cast %scan3A_137 : i32 to index
        %get3A_288 = arith.constant 48 : index
        %get3A_289 = tpu.vector_load %arg14[%get3A_287, %get3A_288] {strides = array<i32>} : memref<64x256xi32, #tpu.memory_space<vmem>>, vector<16xi32>,
        %bitcast3A_290 = vector.bitcast %get3A_289 : vector<16xi32> to vector<32xbf16>
        %get3A_291 = arith.index_cast %scan3A_137 : i32 to index
        %get3A_292 = arith.constant 112 : index
        %get3A_293 = tpu.vector_load %arg14[%get3A_291, %get3A_292] {strides = array<i32>} : memref<64x256xi32, #tpu.memory_space<vmem>>, vector<16xi32>,
        %bitcast3A_294 = vector.bitcast %get3A_293 : vector<16xi32> to vector<32xbf16>
        %get3A_295 = arith.index_cast %scan3A_137 : i32 to index
        %get3A_296 = arith.constant 176 : index
        %get3A_297 = tpu.vector_load %arg14[%get3A_295, %get3A_296] {strides = array<i32>} : memref<64x256xi32, #tpu.memory_space<vmem>>, vector<16xi32>,
        %bitcast3A_298 = vector.bitcast %get3A_297 : vector<16xi32> to vector<32xbf16>
        %unpack3A_299 = tpu.unpack_subelements %bitcast3A_290, 0 {pack_format = #tpu.pack_format<interleaved>} : vector<32xbf16> -> vector<16xf32>
        %unpack3A_300 = tpu.unpack_subelements %bitcast3A_290, 1 {pack_format = #tpu.pack_format<interleaved>} : vector<32xbf16> -> vector<16xf32>
        %unpack3A_301 = tpu.unpack_subelements %bitcast3A_294, 0 {pack_format = #tpu.pack_format<interleaved>} : vector<32xbf16> -> vector<16xf32>
        %unpack3A_302 = tpu.unpack_subelements %bitcast3A_294, 1 {pack_format = #tpu.pack_format<interleaved>} : vector<32xbf16> -> vector<16xf32>
        %unpack3A_303 = tpu.unpack_subelements %bitcast3A_298, 0 {pack_format = #tpu.pack_format<interleaved>} : vector<32xbf16> -> vector<16xf32>
        %unpack3A_304 = tpu.unpack_subelements %bitcast3A_298, 1 {pack_format = #tpu.pack_format<interleaved>} : vector<32xbf16> -> vector<16xf32>
        %mul3A_305 = arith.mulf %gather3A, %unpack3A_299 : vector<16xf32>
        %mul3A_306 = arith.mulf %gather3A_184, %unpack3A_301 : vector<16xf32>
        %add3A_307 = arith.addf %mul3A_305, %mul3A_306 : vector<16xf32>
        %mul3A_308 = arith.mulf %gather3A_188, %unpack3A_303 : vector<16xf32>
        %add3A_309 = arith.addf %add3A_307, %mul3A_308 : vector<16xf32>
        %swap3A_310 = arith.index_cast %scan3A_137 : i32 to index
        %swap3A_311 = arith.constant 96 : index
        %swap3A_312 = tpu.vector_load %arg16[%swap3A_310, %swap3A_311] {strides = array<i32>} : memref<64x128xf32, #tpu.memory_space<vmem>>, vector<16xf32>,
        tpu.vector_store %arg16[%swap3A_310, %swap3A_311], %add3A_309 {strides = array<i32>} : memref<64x128xf32, #tpu.memory_space<vmem>>, vector<16xf32>,
        %mul3A_313 = arith.mulf %gather3A, %unpack3A_300 : vector<16xf32>
        %mul3A_314 = arith.mulf %gather3A_184, %unpack3A_302 : vector<16xf32>
        %add3A_315 = arith.addf %mul3A_313, %mul3A_314 : vector<16xf32>
        %mul3A_316 = arith.mulf %gather3A_188, %unpack3A_304 : vector<16xf32>
        %add3A_317 = arith.addf %add3A_315, %mul3A_316 : vector<16xf32>
        %swap3A_318 = arith.index_cast %scan3A_137 : i32 to index
        %swap3A_319 = arith.constant 112 : index
        %swap3A_320 = tpu.vector_load %arg16[%swap3A_318, %swap3A_319] {strides = array<i32>} : memref<64x128xf32, #tpu.memory_space<vmem>>, vector<16xf32>,
        tpu.vector_store %arg16[%swap3A_318, %swap3A_319], %add3A_317 {strides = array<i32>} : memref<64x128xf32, #tpu.memory_space<vmem>>, vector<16xf32>,
        %scan3A_321 = arith.constant 1 : i32
        %scan3A_322 = arith.addi %scan3A_137, %scan3A_321 : i32
        %jit3A_323 = arith.constant 16 : i32
        %div3A_324 = arith.divsi %scan3A_322, %jit3A_323 : i32
        %sign3A_325 = arith.constant 0 : i32
        %sign3A_326 = arith.cmpi sgt, %scan3A_322, %sign3A_325 : i32
        %sign3A_327 = arith.extui %sign3A_326 : i1 to i32
        %sign3A_328 = arith.constant 0 : i32
        %sign3A_329 = arith.cmpi slt, %scan3A_322, %sign3A_328 : i32
        %sign3A_330 = arith.extui %sign3A_329 : i1 to i32
        %sign3A_331 = arith.subi %sign3A_327, %sign3A_330 : i32
        %sign3A_332 = arith.constant 0 : i32
        %sign3A_333 = arith.cmpi sgt, %jit3A_323, %sign3A_332 : i32
        %sign3A_334 = arith.extui %sign3A_333 : i1 to i32
        %sign3A_335 = arith.constant 0 : i32
        %sign3A_336 = arith.cmpi slt, %jit3A_323, %sign3A_335 : i32
        %sign3A_337 = arith.extui %sign3A_336 : i1 to i32
        %sign3A_338 = arith.subi %sign3A_334, %sign3A_337 : i32
        %ne3A_339 = arith.cmpi ne, %sign3A_331, %sign3A_338 : i32
        %rem3A_340 = arith.remsi %scan3A_322, %jit3A_323 : i32
        %ne3A_341 = arith.constant 0 : i32
        %ne3A_342 = arith.cmpi ne, %rem3A_340, %ne3A_341 : i32
        %and3A_343 = arith.andi %ne3A_339, %ne3A_342 : i1
        %sub3A_344 = arith.constant 1 : i32
        %sub3A_345 = arith.subi %div3A_324, %sub3A_344 : i32
        %select_n3A_346 = arith.select %and3A_343, %sub3A_345, %div3A_324 : i32
        %mul3A_347 = arith.constant 64 : i32
        %mul3A_348 = arith.muli %select_n3A_346, %mul3A_347 : i32
        %jit3A_349 = arith.constant 16 : i32
        %eq3A_350 = arith.constant 0 : i32
        %eq3A_351 = arith.cmpi eq, %jit3A_349, %eq3A_350 : i32
        %jit3A_352 = arith.constant 1 : i32
        %select_n3A_353 = arith.select %eq3A_351, %jit3A_352, %jit3A_349 : i32
        %rem3A_354 = arith.remsi %scan3A_322, %select_n3A_353 : i32
        %ne3A_355 = arith.constant 0 : i32
        %ne3A_356 = arith.cmpi ne, %rem3A_354, %ne3A_355 : i32
        %lt3A_357 = arith.constant 0 : i32
        %lt3A_358 = arith.cmpi slt, %rem3A_354, %lt3A_357 : i32
        %lt3A_359 = arith.constant 0 : i32
        %lt3A_360 = arith.cmpi slt, %select_n3A_353, %lt3A_359 : i32
        %ne3A_361 = arith.xori %lt3A_358, %lt3A_360 : i1
        %and3A_362 = arith.andi %ne3A_361, %ne3A_356 : i1
        %add3A_363 = arith.addi %rem3A_354, %select_n3A_353 : i32
        %select_n3A_364 = arith.select %and3A_362, %add3A_363, %rem3A_354 : i32
        %add3A_365 = arith.addi %mul3A_348, %select_n3A_364 : i32
        %broadcast_in_dim3A_366 = vector.broadcast %add3A_365 : i32 to vector<16xi32>
        %gather3A_367 = tpu.vector_load_idx %arg8[%broadcast_in_dim3A_366] : memref<256xf32, #tpu.memory_space<vmem>>[vector<16xi32>], vector<16xf32>,
        %add3A_368 = arith.constant 16 : i32
        %add3A_369 = arith.addi %add3A_365, %add3A_368 : i32
        %broadcast_in_dim3A_370 = vector.broadcast %add3A_369 : i32 to vector<16xi32>
        %gather3A_371 = tpu.vector_load_idx %arg8[%broadcast_in_dim3A_370] : memref<256xf32, #tpu.memory_space<vmem>>[vector<16xi32>], vector<16xf32>,
        %add3A_372 = arith.constant 32 : i32
        %add3A_373 = arith.addi %add3A_365, %add3A_372 : i32
        %broadcast_in_dim3A_374 = vector.broadcast %add3A_373 : i32 to vector<16xi32>
        %gather3A_375 = tpu.vector_load_idx %arg8[%broadcast_in_dim3A_374] : memref<256xf32, #tpu.memory_space<vmem>>[vector<16xi32>], vector<16xf32>,
        %get3A_376 = arith.index_cast %scan3A_322 : i32 to index
        %get3A_377 = arith.constant 0 : index
        %get3A_378 = tpu.vector_load %arg14[%get3A_376, %get3A_377] {strides = array<i32>} : memref<64x256xi32, #tpu.memory_space<vmem>>, vector<16xi32>,
        %bitcast3A_379 = vector.bitcast %get3A_378 : vector<16xi32> to vector<32xbf16>
        %get3A_380 = arith.index_cast %scan3A_322 : i32 to index
        %get3A_381 = arith.constant 64 : index
        %get3A_382 = tpu.vector_load %arg14[%get3A_380, %get3A_381] {strides = array<i32>} : memref<64x256xi32, #tpu.memory_space<vmem>>, vector<16xi32>,
        %bitcast3A_383 = vector.bitcast %get3A_382 : vector<16xi32> to vector<32xbf16>
        %get3A_384 = arith.index_cast %scan3A_322 : i32 to index
        %get3A_385 = arith.constant 128 : index
        %get3A_386 = tpu.vector_load %arg14[%get3A_384, %get3A_385] {strides = array<i32>} : memref<64x256xi32, #tpu.memory_space<vmem>>, vector<16xi32>,
        %bitcast3A_387 = vector.bitcast %get3A_386 : vector<16xi32> to vector<32xbf16>
        %unpack3A_388 = tpu.unpack_subelements %bitcast3A_379, 0 {pack_format = #tpu.pack_format<interleaved>} : vector<32xbf16> -> vector<16xf32>
        %unpack3A_389 = tpu.unpack_subelements %bitcast3A_379, 1 {pack_format = #tpu.pack_format<interleaved>} : vector<32xbf16> -> vector<16xf32>
        %unpack3A_390 = tpu.unpack_subelements %bitcast3A_383, 0 {pack_format = #tpu.pack_format<interleaved>} : vector<32xbf16> -> vector<16xf32>
        %unpack3A_391 = tpu.unpack_subelements %bitcast3A_383, 1 {pack_format = #tpu.pack_format<interleaved>} : vector<32xbf16> -> vector<16xf32>
        %unpack3A_392 = tpu.unpack_subelements %bitcast3A_387, 0 {pack_format = #tpu.pack_format<interleaved>} : vector<32xbf16> -> vector<16xf32>
        %unpack3A_393 = tpu.unpack_subelements %bitcast3A_387, 1 {pack_format = #tpu.pack_format<interleaved>} : vector<32xbf16> -> vector<16xf32>
        %mul3A_394 = arith.mulf %gather3A_367, %unpack3A_388 : vector<16xf32>
        %mul3A_395 = arith.mulf %gather3A_371, %unpack3A_390 : vector<16xf32>
        %add3A_396 = arith.addf %mul3A_394, %mul3A_395 : vector<16xf32>
        %mul3A_397 = arith.mulf %gather3A_375, %unpack3A_392 : vector<16xf32>
        %add3A_398 = arith.addf %add3A_396, %mul3A_397 : vector<16xf32>
        %swap3A_399 = arith.index_cast %scan3A_322 : i32 to index
        %swap3A_400 = arith.constant 0 : index
        %swap3A_401 = tpu.vector_load %arg16[%swap3A_399, %swap3A_400] {strides = array<i32>} : memref<64x128xf32, #tpu.memory_space<vmem>>, vector<16xf32>,
        tpu.vector_store %arg16[%swap3A_399, %swap3A_400], %add3A_398 {strides = array<i32>} : memref<64x128xf32, #tpu.memory_space<vmem>>, vector<16xf32>,
        %mul3A_402 = arith.mulf %gather3A_367, %unpack3A_389 : vector<16xf32>
        %mul3A_403 = arith.mulf %gather3A_371, %unpack3A_391 : vector<16xf32>
        %add3A_404 = arith.addf %mul3A_402, %mul3A_403 : vector<16xf32>
        %mul3A_405 = arith.mulf %gather3A_375, %unpack3A_393 : vector<16xf32>
        %add3A_406 = arith.addf %add3A_404, %mul3A_405 : vector<16xf32>
        %swap3A_407 = arith.index_cast %scan3A_322 : i32 to index
        %swap3A_408 = arith.constant 16 : index
        %swap3A_409 = tpu.vector_load %arg16[%swap3A_407, %swap3A_408] {strides = array<i32>} : memref<64x128xf32, #tpu.memory_space<vmem>>, vector<16xf32>,
        tpu.vector_store %arg16[%swap3A_407, %swap3A_408], %add3A_406 {strides = array<i32>} : memref<64x128xf32, #tpu.memory_space<vmem>>, vector<16xf32>,
        %get3A_410 = arith.index_cast %scan3A_322 : i32 to index
        %get3A_411 = arith.constant 16 : index
        %get3A_412 = tpu.vector_load %arg14[%get3A_410, %get3A_411] {strides = array<i32>} : memref<64x256xi32, #tpu.memory_space<vmem>>, vector<16xi32>,
        %bitcast3A_413 = vector.bitcast %get3A_412 : vector<16xi32> to vector<32xbf16>
        %get3A_414 = arith.index_cast %scan3A_322 : i32 to index
        %get3A_415 = arith.constant 80 : index
        %get3A_416 = tpu.vector_load %arg14[%get3A_414, %get3A_415] {strides = array<i32>} : memref<64x256xi32, #tpu.memory_space<vmem>>, vector<16xi32>,
        %bitcast3A_417 = vector.bitcast %get3A_416 : vector<16xi32> to vector<32xbf16>
        %get3A_418 = arith.index_cast %scan3A_322 : i32 to index
        %get3A_419 = arith.constant 144 : index
        %get3A_420 = tpu.vector_load %arg14[%get3A_418, %get3A_419] {strides = array<i32>} : memref<64x256xi32, #tpu.memory_space<vmem>>, vector<16xi32>,
        %bitcast3A_421 = vector.bitcast %get3A_420 : vector<16xi32> to vector<32xbf16>
        %unpack3A_422 = tpu.unpack_subelements %bitcast3A_413, 0 {pack_format = #tpu.pack_format<interleaved>} : vector<32xbf16> -> vector<16xf32>
        %unpack3A_423 = tpu.unpack_subelements %bitcast3A_413, 1 {pack_format = #tpu.pack_format<interleaved>} : vector<32xbf16> -> vector<16xf32>
        %unpack3A_424 = tpu.unpack_subelements %bitcast3A_417, 0 {pack_format = #tpu.pack_format<interleaved>} : vector<32xbf16> -> vector<16xf32>
        %unpack3A_425 = tpu.unpack_subelements %bitcast3A_417, 1 {pack_format = #tpu.pack_format<interleaved>} : vector<32xbf16> -> vector<16xf32>
        %unpack3A_426 = tpu.unpack_subelements %bitcast3A_421, 0 {pack_format = #tpu.pack_format<interleaved>} : vector<32xbf16> -> vector<16xf32>
        %unpack3A_427 = tpu.unpack_subelements %bitcast3A_421, 1 {pack_format = #tpu.pack_format<interleaved>} : vector<32xbf16> -> vector<16xf32>
        %mul3A_428 = arith.mulf %gather3A_367, %unpack3A_422 : vector<16xf32>
        %mul3A_429 = arith.mulf %gather3A_371, %unpack3A_424 : vector<16xf32>
        %add3A_430 = arith.addf %mul3A_428, %mul3A_429 : vector<16xf32>
        %mul3A_431 = arith.mulf %gather3A_375, %unpack3A_426 : vector<16xf32>
        %add3A_432 = arith.addf %add3A_430, %mul3A_431 : vector<16xf32>
        %swap3A_433 = arith.index_cast %scan3A_322 : i32 to index
        %swap3A_434 = arith.constant 32 : index
        %swap3A_435 = tpu.vector_load %arg16[%swap3A_433, %swap3A_434] {strides = array<i32>} : memref<64x128xf32, #tpu.memory_space<vmem>>, vector<16xf32>,
        tpu.vector_store %arg16[%swap3A_433, %swap3A_434], %add3A_432 {strides = array<i32>} : memref<64x128xf32, #tpu.memory_space<vmem>>, vector<16xf32>,
        %mul3A_436 = arith.mulf %gather3A_367, %unpack3A_423 : vector<16xf32>
        %mul3A_437 = arith.mulf %gather3A_371, %unpack3A_425 : vector<16xf32>
        %add3A_438 = arith.addf %mul3A_436, %mul3A_437 : vector<16xf32>
        %mul3A_439 = arith.mulf %gather3A_375, %unpack3A_427 : vector<16xf32>
        %add3A_440 = arith.addf %add3A_438, %mul3A_439 : vector<16xf32>
        %swap3A_441 = arith.index_cast %scan3A_322 : i32 to index
        %swap3A_442 = arith.constant 48 : index
        %swap3A_443 = tpu.vector_load %arg16[%swap3A_441, %swap3A_442] {strides = array<i32>} : memref<64x128xf32, #tpu.memory_space<vmem>>, vector<16xf32>,
        tpu.vector_store %arg16[%swap3A_441, %swap3A_442], %add3A_440 {strides = array<i32>} : memref<64x128xf32, #tpu.memory_space<vmem>>, vector<16xf32>,
        %get3A_444 = arith.index_cast %scan3A_322 : i32 to index
        %get3A_445 = arith.constant 32 : index
        %get3A_446 = tpu.vector_load %arg14[%get3A_444, %get3A_445] {strides = array<i32>} : memref<64x256xi32, #tpu.memory_space<vmem>>, vector<16xi32>,
        %bitcast3A_447 = vector.bitcast %get3A_446 : vector<16xi32> to vector<32xbf16>
        %get3A_448 = arith.index_cast %scan3A_322 : i32 to index
        %get3A_449 = arith.constant 96 : index
        %get3A_450 = tpu.vector_load %arg14[%get3A_448, %get3A_449] {strides = array<i32>} : memref<64x256xi32, #tpu.memory_space<vmem>>, vector<16xi32>,
        %bitcast3A_451 = vector.bitcast %get3A_450 : vector<16xi32> to vector<32xbf16>
        %get3A_452 = arith.index_cast %scan3A_322 : i32 to index
        %get3A_453 = arith.constant 160 : index
        %get3A_454 = tpu.vector_load %arg14[%get3A_452, %get3A_453] {strides = array<i32>} : memref<64x256xi32, #tpu.memory_space<vmem>>, vector<16xi32>,
        %bitcast3A_455 = vector.bitcast %get3A_454 : vector<16xi32> to vector<32xbf16>
        %unpack3A_456 = tpu.unpack_subelements %bitcast3A_447, 0 {pack_format = #tpu.pack_format<interleaved>} : vector<32xbf16> -> vector<16xf32>
        %unpack3A_457 = tpu.unpack_subelements %bitcast3A_447, 1 {pack_format = #tpu.pack_format<interleaved>} : vector<32xbf16> -> vector<16xf32>
        %unpack3A_458 = tpu.unpack_subelements %bitcast3A_451, 0 {pack_format = #tpu.pack_format<interleaved>} : vector<32xbf16> -> vector<16xf32>
        %unpack3A_459 = tpu.unpack_subelements %bitcast3A_451, 1 {pack_format = #tpu.pack_format<interleaved>} : vector<32xbf16> -> vector<16xf32>
        %unpack3A_460 = tpu.unpack_subelements %bitcast3A_455, 0 {pack_format = #tpu.pack_format<interleaved>} : vector<32xbf16> -> vector<16xf32>
        %unpack3A_461 = tpu.unpack_subelements %bitcast3A_455, 1 {pack_format = #tpu.pack_format<interleaved>} : vector<32xbf16> -> vector<16xf32>
        %mul3A_462 = arith.mulf %gather3A_367, %unpack3A_456 : vector<16xf32>
        %mul3A_463 = arith.mulf %gather3A_371, %unpack3A_458 : vector<16xf32>
        %add3A_464 = arith.addf %mul3A_462, %mul3A_463 : vector<16xf32>
        %mul3A_465 = arith.mulf %gather3A_375, %unpack3A_460 : vector<16xf32>
        %add3A_466 = arith.addf %add3A_464, %mul3A_465 : vector<16xf32>
        %swap3A_467 = arith.index_cast %scan3A_322 : i32 to index
        %swap3A_468 = arith.constant 64 : index
        %swap3A_469 = tpu.vector_load %arg16[%swap3A_467, %swap3A_468] {strides = array<i32>} : memref<64x128xf32, #tpu.memory_space<vmem>>, vector<16xf32>,
        tpu.vector_store %arg16[%swap3A_467, %swap3A_468], %add3A_466 {strides = array<i32>} : memref<64x128xf32, #tpu.memory_space<vmem>>, vector<16xf32>,
        %mul3A_470 = arith.mulf %gather3A_367, %unpack3A_457 : vector<16xf32>
        %mul3A_471 = arith.mulf %gather3A_371, %unpack3A_459 : vector<16xf32>
        %add3A_472 = arith.addf %mul3A_470, %mul3A_471 : vector<16xf32>
        %mul3A_473 = arith.mulf %gather3A_375, %unpack3A_461 : vector<16xf32>
        %add3A_474 = arith.addf %add3A_472, %mul3A_473 : vector<16xf32>
        %swap3A_475 = arith.index_cast %scan3A_322 : i32 to index
        %swap3A_476 = arith.constant 80 : index
        %swap3A_477 = tpu.vector_load %arg16[%swap3A_475, %swap3A_476] {strides = array<i32>} : memref<64x128xf32, #tpu.memory_space<vmem>>, vector<16xf32>,
        tpu.vector_store %arg16[%swap3A_475, %swap3A_476], %add3A_474 {strides = array<i32>} : memref<64x128xf32, #tpu.memory_space<vmem>>, vector<16xf32>,
        %get3A_478 = arith.index_cast %scan3A_322 : i32 to index
        %get3A_479 = arith.constant 48 : index
        %get3A_480 = tpu.vector_load %arg14[%get3A_478, %get3A_479] {strides = array<i32>} : memref<64x256xi32, #tpu.memory_space<vmem>>, vector<16xi32>,
        %bitcast3A_481 = vector.bitcast %get3A_480 : vector<16xi32> to vector<32xbf16>
        %get3A_482 = arith.index_cast %scan3A_322 : i32 to index
        %get3A_483 = arith.constant 112 : index
        %get3A_484 = tpu.vector_load %arg14[%get3A_482, %get3A_483] {strides = array<i32>} : memref<64x256xi32, #tpu.memory_space<vmem>>, vector<16xi32>,
        %bitcast3A_485 = vector.bitcast %get3A_484 : vector<16xi32> to vector<32xbf16>
        %get3A_486 = arith.index_cast %scan3A_322 : i32 to index
        %get3A_487 = arith.constant 176 : index
        %get3A_488 = tpu.vector_load %arg14[%get3A_486, %get3A_487] {strides = array<i32>} : memref<64x256xi32, #tpu.memory_space<vmem>>, vector<16xi32>,
        %bitcast3A_489 = vector.bitcast %get3A_488 : vector<16xi32> to vector<32xbf16>
        %unpack3A_490 = tpu.unpack_subelements %bitcast3A_481, 0 {pack_format = #tpu.pack_format<interleaved>} : vector<32xbf16> -> vector<16xf32>
        %unpack3A_491 = tpu.unpack_subelements %bitcast3A_481, 1 {pack_format = #tpu.pack_format<interleaved>} : vector<32xbf16> -> vector<16xf32>
        %unpack3A_492 = tpu.unpack_subelements %bitcast3A_485, 0 {pack_format = #tpu.pack_format<interleaved>} : vector<32xbf16> -> vector<16xf32>
        %unpack3A_493 = tpu.unpack_subelements %bitcast3A_485, 1 {pack_format = #tpu.pack_format<interleaved>} : vector<32xbf16> -> vector<16xf32>
        %unpack3A_494 = tpu.unpack_subelements %bitcast3A_489, 0 {pack_format = #tpu.pack_format<interleaved>} : vector<32xbf16> -> vector<16xf32>
        %unpack3A_495 = tpu.unpack_subelements %bitcast3A_489, 1 {pack_format = #tpu.pack_format<interleaved>} : vector<32xbf16> -> vector<16xf32>
        %mul3A_496 = arith.mulf %gather3A_367, %unpack3A_490 : vector<16xf32>
        %mul3A_497 = arith.mulf %gather3A_371, %unpack3A_492 : vector<16xf32>
        %add3A_498 = arith.addf %mul3A_496, %mul3A_497 : vector<16xf32>
        %mul3A_499 = arith.mulf %gather3A_375, %unpack3A_494 : vector<16xf32>
        %add3A_500 = arith.addf %add3A_498, %mul3A_499 : vector<16xf32>
        %swap3A_501 = arith.index_cast %scan3A_322 : i32 to index
        %swap3A_502 = arith.constant 96 : index
        %swap3A_503 = tpu.vector_load %arg16[%swap3A_501, %swap3A_502] {strides = array<i32>} : memref<64x128xf32, #tpu.memory_space<vmem>>, vector<16xf32>,
        tpu.vector_store %arg16[%swap3A_501, %swap3A_502], %add3A_500 {strides = array<i32>} : memref<64x128xf32, #tpu.memory_space<vmem>>, vector<16xf32>,
        %mul3A_504 = arith.mulf %gather3A_367, %unpack3A_491 : vector<16xf32>
        %mul3A_505 = arith.mulf %gather3A_371, %unpack3A_493 : vector<16xf32>
        %add3A_506 = arith.addf %mul3A_504, %mul3A_505 : vector<16xf32>
        %mul3A_507 = arith.mulf %gather3A_375, %unpack3A_495 : vector<16xf32>
        %add3A_508 = arith.addf %add3A_506, %mul3A_507 : vector<16xf32>
        %swap3A_509 = arith.index_cast %scan3A_322 : i32 to index
        %swap3A_510 = arith.constant 112 : index
        %swap3A_511 = tpu.vector_load %arg16[%swap3A_509, %swap3A_510] {strides = array<i32>} : memref<64x128xf32, #tpu.memory_space<vmem>>, vector<16xf32>,
        tpu.vector_store %arg16[%swap3A_509, %swap3A_510], %add3A_508 {strides = array<i32>} : memref<64x128xf32, #tpu.memory_space<vmem>>, vector<16xf32>,
      }
      %scan3A_128 = arith.constant 64 : i32
      "tpu.region"() ({
        %run_scoped3A = tpu.sem_alloc : memref<!tpu.dma_semaphore, #tpu.memory_space<semaphore_mem>>
        %dma_start3A_137 = arith.constant 0 : i32
        %dma_start3A_138 = arith.constant 0 : i32
        %dma_start3A_139 = tpu.memref_slice %arg7[%dma_start3A_137, %dma_start3A_138] : memref<10240x128xf32, #tpu.memory_space<vmem_shared>> -> memref<10240x128xf32, #tpu.memory_space<vmem_shared>>
        tpu.enqueue_indirect_dma source(%arg16 : memref<64x128xf32, #tpu.memory_space<vmem>>) target(%dma_start3A_139 : memref<10240x128xf32, #tpu.memory_space<vmem_shared>>) offsets(%arg12 : memref<64xi32, #tpu.memory_space<vmem>>) semaphore(%run_scoped3A : memref<!tpu.dma_semaphore, #tpu.memory_space<semaphore_mem>>) {add = true}
        %dma_wait3A_140 = arith.constant 0 : i32
        %dma_wait3A_141 = arith.constant 0 : i32
        %dma_wait3A_142 = tpu.memref_slice %arg7[%dma_wait3A_140, %dma_wait3A_141] : memref<10240x128xf32, #tpu.memory_space<vmem_shared>> -> memref<10240x128xf32, #tpu.memory_space<vmem_shared>>
        tpu.wait_indirect_dma semaphore(%run_scoped3A : memref<!tpu.dma_semaphore, #tpu.memory_space<semaphore_mem>>) src(%arg16 : memref<64x128xf32, #tpu.memory_space<vmem>>) dst(%dma_wait3A_142 : memref<10240x128xf32, #tpu.memory_space<vmem_shared>>)
        tpu.yield
      }) : () -> ()
      %lt3A_129 = arith.cmpi slt, %add3A_116, %select_n3A : i32
      %convert_element_type3A_130 = arith.extui %lt3A_129 : i1 to i32
      %cond3A_131 = arith.constant 0 : i32
      %cond3A_132 = arith.cmpi ne, %convert_element_type3A_130, %cond3A_131 : i32
      scf.if %cond3A_132 {
        %mul3A_137 = arith.constant 32 : i32
        %mul3A_138 = arith.muli %add3A_116, %mul3A_137 : i32
        %add3A_139 = arith.addi %add3A, %mul3A_138 : i32
        %mul3A_140 = arith.constant 64 : i32
        %mul3A_141 = arith.muli %add3A_139, %mul3A_140 : i32
        %mul3A_142 = arith.constant 4 : i32
        %mul3A_143 = arith.muli %mul3A_141, %mul3A_142 : i32
        %dma_start3A_144 = tpu.memref_slice %arg2[%mul3A_143] : memref<640000xf32, #tpu.memory_space<hbm>> -> memref<256xf32, #tpu.memory_space<hbm>>
        %dma_start3A_145 = tpu.memref_slice %arg2[%mul3A_143] : memref<640000xf32, #tpu.memory_space<hbm>> -> memref<256xf32, #tpu.memory_space<hbm>>
        tpu.enqueue_dma source(%dma_start3A_145 : memref<256xf32, #tpu.memory_space<hbm>>) target(%arg8 : memref<256xf32, #tpu.memory_space<vmem>>) target_semaphore(%arg17 : memref<!tpu.dma_semaphore, #tpu.memory_space<semaphore_mem>>)
        %dma_start3A_146 = tpu.memref_slice %arg3[%mul3A_141] : memref<160000xi32, #tpu.memory_space<hbm>> -> memref<64xi32, #tpu.memory_space<hbm>>
        %dma_start3A_147 = tpu.memref_slice %arg3[%mul3A_141] : memref<160000xi32, #tpu.memory_space<hbm>> -> memref<64xi32, #tpu.memory_space<hbm>>
        tpu.enqueue_dma source(%dma_start3A_147 : memref<64xi32, #tpu.memory_space<hbm>>) target(%arg10 : memref<64xi32, #tpu.memory_space<vmem>>) target_semaphore(%arg17 : memref<!tpu.dma_semaphore, #tpu.memory_space<semaphore_mem>>)
        %dma_start3A_148 = tpu.memref_slice %arg4[%mul3A_141] : memref<160000xi32, #tpu.memory_space<hbm>> -> memref<64xi32, #tpu.memory_space<hbm>>
        %dma_start3A_149 = tpu.memref_slice %arg4[%mul3A_141] : memref<160000xi32, #tpu.memory_space<hbm>> -> memref<64xi32, #tpu.memory_space<hbm>>
        tpu.enqueue_dma source(%dma_start3A_149 : memref<64xi32, #tpu.memory_space<hbm>>) target(%arg12 : memref<64xi32, #tpu.memory_space<vmem>>) target_semaphore(%arg17 : memref<!tpu.dma_semaphore, #tpu.memory_space<semaphore_mem>>)
      } else {
      }
      %lt3A_133 = arith.cmpi slt, %add3A_114, %select_n3A : i32
      %convert_element_type3A_134 = arith.extui %lt3A_133 : i1 to i32
      %cond3A_135 = arith.constant 0 : i32
      %cond3A_136 = arith.cmpi ne, %convert_element_type3A_134, %cond3A_135 : i32
      scf.if %cond3A_136 {
        %dma_wait3A_137 = arith.constant 0 : i32
        %dma_wait3A_138 = arith.constant 0 : i32
        %dma_wait3A_139 = tpu.memref_slice %arg5[%dma_wait3A_137, %dma_wait3A_138] : memref<10000x256xi32, #tpu.memory_space<hbm>> -> memref<10000x256xi32, #tpu.memory_space<hbm>>
        tpu.wait_indirect_dma semaphore(%arg20 : memref<!tpu.dma_semaphore, #tpu.memory_space<semaphore_mem>>) src(%dma_wait3A_139 : memref<10000x256xi32, #tpu.memory_space<hbm>>) dst(%arg15 : memref<64x256xi32, #tpu.memory_space<vmem>>)
        %scan3A_140 = arith.constant 0 : i32
        %scan3A_141 = arith.constant 0 : i32
        %scan3A_142 = arith.constant 64 : i32
        %scan3A_143 = arith.addi %scan3A_141, %scan3A_142 : i32
        %scan3A_144 = arith.constant 2 : i32
        scf.for %scan3A_154 = %scan3A_141 to %scan3A_143 step %scan3A_144  : i32 {
          %jit3A_155 = arith.constant 16 : i32
          %div3A_156 = arith.divsi %scan3A_154, %jit3A_155 : i32
          %sign3A_157 = arith.constant 0 : i32
          %sign3A_158 = arith.cmpi sgt, %scan3A_154, %sign3A_157 : i32
          %sign3A_159 = arith.extui %sign3A_158 : i1 to i32
          %sign3A_160 = arith.constant 0 : i32
          %sign3A_161 = arith.cmpi slt, %scan3A_154, %sign3A_160 : i32
          %sign3A_162 = arith.extui %sign3A_161 : i1 to i32
          %sign3A_163 = arith.subi %sign3A_159, %sign3A_162 : i32
          %sign3A_164 = arith.constant 0 : i32
          %sign3A_165 = arith.cmpi sgt, %jit3A_155, %sign3A_164 : i32
          %sign3A_166 = arith.extui %sign3A_165 : i1 to i32
          %sign3A_167 = arith.constant 0 : i32
          %sign3A_168 = arith.cmpi slt, %jit3A_155, %sign3A_167 : i32
          %sign3A_169 = arith.extui %sign3A_168 : i1 to i32
          %sign3A_170 = arith.subi %sign3A_166, %sign3A_169 : i32
          %ne3A_171 = arith.cmpi ne, %sign3A_163, %sign3A_170 : i32
          %rem3A_172 = arith.remsi %scan3A_154, %jit3A_155 : i32
          %ne3A_173 = arith.constant 0 : i32
          %ne3A_174 = arith.cmpi ne, %rem3A_172, %ne3A_173 : i32
          %and3A_175 = arith.andi %ne3A_171, %ne3A_174 : i1
          %sub3A_176 = arith.constant 1 : i32
          %sub3A_177 = arith.subi %div3A_156, %sub3A_176 : i32
          %select_n3A_178 = arith.select %and3A_175, %sub3A_177, %div3A_156 : i32
          %mul3A_179 = arith.constant 64 : i32
          %mul3A_180 = arith.muli %select_n3A_178, %mul3A_179 : i32
          %jit3A_181 = arith.constant 16 : i32
          %eq3A = arith.constant 0 : i32
          %eq3A_182 = arith.cmpi eq, %jit3A_181, %eq3A : i32
          %jit3A_183 = arith.constant 1 : i32
          %select_n3A_184 = arith.select %eq3A_182, %jit3A_183, %jit3A_181 : i32
          %rem3A_185 = arith.remsi %scan3A_154, %select_n3A_184 : i32
          %ne3A_186 = arith.constant 0 : i32
          %ne3A_187 = arith.cmpi ne, %rem3A_185, %ne3A_186 : i32
          %lt3A_188 = arith.constant 0 : i32
          %lt3A_189 = arith.cmpi slt, %rem3A_185, %lt3A_188 : i32
          %lt3A_190 = arith.constant 0 : i32
          %lt3A_191 = arith.cmpi slt, %select_n3A_184, %lt3A_190 : i32
          %ne3A_192 = arith.xori %lt3A_189, %lt3A_191 : i1
          %and3A_193 = arith.andi %ne3A_192, %ne3A_187 : i1
          %add3A_194 = arith.addi %rem3A_185, %select_n3A_184 : i32
          %select_n3A_195 = arith.select %and3A_193, %add3A_194, %rem3A_185 : i32
          %add3A_196 = arith.addi %mul3A_180, %select_n3A_195 : i32
          %broadcast_in_dim3A_197 = vector.broadcast %add3A_196 : i32 to vector<16xi32>
          %gather3A = tpu.vector_load_idx %arg9[%broadcast_in_dim3A_197] : memref<256xf32, #tpu.memory_space<vmem>>[vector<16xi32>], vector<16xf32>,
          %add3A_198 = arith.constant 16 : i32
          %add3A_199 = arith.addi %add3A_196, %add3A_198 : i32
          %broadcast_in_dim3A_200 = vector.broadcast %add3A_199 : i32 to vector<16xi32>
          %gather3A_201 = tpu.vector_load_idx %arg9[%broadcast_in_dim3A_200] : memref<256xf32, #tpu.memory_space<vmem>>[vector<16xi32>], vector<16xf32>,
          %add3A_202 = arith.constant 32 : i32
          %add3A_203 = arith.addi %add3A_196, %add3A_202 : i32
          %broadcast_in_dim3A_204 = vector.broadcast %add3A_203 : i32 to vector<16xi32>
          %gather3A_205 = tpu.vector_load_idx %arg9[%broadcast_in_dim3A_204] : memref<256xf32, #tpu.memory_space<vmem>>[vector<16xi32>], vector<16xf32>,
          %get3A = arith.index_cast %scan3A_154 : i32 to index
          %get3A_206 = arith.constant 0 : index
          %get3A_207 = tpu.vector_load %arg15[%get3A, %get3A_206] {strides = array<i32>} : memref<64x256xi32, #tpu.memory_space<vmem>>, vector<16xi32>,
          %bitcast3A = vector.bitcast %get3A_207 : vector<16xi32> to vector<32xbf16>
          %get3A_208 = arith.index_cast %scan3A_154 : i32 to index
          %get3A_209 = arith.constant 64 : index
          %get3A_210 = tpu.vector_load %arg15[%get3A_208, %get3A_209] {strides = array<i32>} : memref<64x256xi32, #tpu.memory_space<vmem>>, vector<16xi32>,
          %bitcast3A_211 = vector.bitcast %get3A_210 : vector<16xi32> to vector<32xbf16>
          %get3A_212 = arith.index_cast %scan3A_154 : i32 to index
          %get3A_213 = arith.constant 128 : index
          %get3A_214 = tpu.vector_load %arg15[%get3A_212, %get3A_213] {strides = array<i32>} : memref<64x256xi32, #tpu.memory_space<vmem>>, vector<16xi32>,
          %bitcast3A_215 = vector.bitcast %get3A_214 : vector<16xi32> to vector<32xbf16>
          %unpack3A = tpu.unpack_subelements %bitcast3A, 0 {pack_format = #tpu.pack_format<interleaved>} : vector<32xbf16> -> vector<16xf32>
          %unpack3A_216 = tpu.unpack_subelements %bitcast3A, 1 {pack_format = #tpu.pack_format<interleaved>} : vector<32xbf16> -> vector<16xf32>
          %unpack3A_217 = tpu.unpack_subelements %bitcast3A_211, 0 {pack_format = #tpu.pack_format<interleaved>} : vector<32xbf16> -> vector<16xf32>
          %unpack3A_218 = tpu.unpack_subelements %bitcast3A_211, 1 {pack_format = #tpu.pack_format<interleaved>} : vector<32xbf16> -> vector<16xf32>
          %unpack3A_219 = tpu.unpack_subelements %bitcast3A_215, 0 {pack_format = #tpu.pack_format<interleaved>} : vector<32xbf16> -> vector<16xf32>
          %unpack3A_220 = tpu.unpack_subelements %bitcast3A_215, 1 {pack_format = #tpu.pack_format<interleaved>} : vector<32xbf16> -> vector<16xf32>
          %mul3A_221 = arith.mulf %gather3A, %unpack3A : vector<16xf32>
          %mul3A_222 = arith.mulf %gather3A_201, %unpack3A_217 : vector<16xf32>
          %add3A_223 = arith.addf %mul3A_221, %mul3A_222 : vector<16xf32>
          %mul3A_224 = arith.mulf %gather3A_205, %unpack3A_219 : vector<16xf32>
          %add3A_225 = arith.addf %add3A_223, %mul3A_224 : vector<16xf32>
          %swap3A = arith.index_cast %scan3A_154 : i32 to index
          %swap3A_226 = arith.constant 0 : index
          %swap3A_227 = tpu.vector_load %arg16[%swap3A, %swap3A_226] {strides = array<i32>} : memref<64x128xf32, #tpu.memory_space<vmem>>, vector<16xf32>,
          tpu.vector_store %arg16[%swap3A, %swap3A_226], %add3A_225 {strides = array<i32>} : memref<64x128xf32, #tpu.memory_space<vmem>>, vector<16xf32>,
          %mul3A_228 = arith.mulf %gather3A, %unpack3A_216 : vector<16xf32>
          %mul3A_229 = arith.mulf %gather3A_201, %unpack3A_218 : vector<16xf32>
          %add3A_230 = arith.addf %mul3A_228, %mul3A_229 : vector<16xf32>
          %mul3A_231 = arith.mulf %gather3A_205, %unpack3A_220 : vector<16xf32>
          %add3A_232 = arith.addf %add3A_230, %mul3A_231 : vector<16xf32>
          %swap3A_233 = arith.index_cast %scan3A_154 : i32 to index
          %swap3A_234 = arith.constant 16 : index
          %swap3A_235 = tpu.vector_load %arg16[%swap3A_233, %swap3A_234] {strides = array<i32>} : memref<64x128xf32, #tpu.memory_space<vmem>>, vector<16xf32>,
          tpu.vector_store %arg16[%swap3A_233, %swap3A_234], %add3A_232 {strides = array<i32>} : memref<64x128xf32, #tpu.memory_space<vmem>>, vector<16xf32>,
          %get3A_236 = arith.index_cast %scan3A_154 : i32 to index
          %get3A_237 = arith.constant 16 : index
          %get3A_238 = tpu.vector_load %arg15[%get3A_236, %get3A_237] {strides = array<i32>} : memref<64x256xi32, #tpu.memory_space<vmem>>, vector<16xi32>,
          %bitcast3A_239 = vector.bitcast %get3A_238 : vector<16xi32> to vector<32xbf16>
          %get3A_240 = arith.index_cast %scan3A_154 : i32 to index
          %get3A_241 = arith.constant 80 : index
          %get3A_242 = tpu.vector_load %arg15[%get3A_240, %get3A_241] {strides = array<i32>} : memref<64x256xi32, #tpu.memory_space<vmem>>, vector<16xi32>,
          %bitcast3A_243 = vector.bitcast %get3A_242 : vector<16xi32> to vector<32xbf16>
          %get3A_244 = arith.index_cast %scan3A_154 : i32 to index
          %get3A_245 = arith.constant 144 : index
          %get3A_246 = tpu.vector_load %arg15[%get3A_244, %get3A_245] {strides = array<i32>} : memref<64x256xi32, #tpu.memory_space<vmem>>, vector<16xi32>,
          %bitcast3A_247 = vector.bitcast %get3A_246 : vector<16xi32> to vector<32xbf16>
          %unpack3A_248 = tpu.unpack_subelements %bitcast3A_239, 0 {pack_format = #tpu.pack_format<interleaved>} : vector<32xbf16> -> vector<16xf32>
          %unpack3A_249 = tpu.unpack_subelements %bitcast3A_239, 1 {pack_format = #tpu.pack_format<interleaved>} : vector<32xbf16> -> vector<16xf32>
          %unpack3A_250 = tpu.unpack_subelements %bitcast3A_243, 0 {pack_format = #tpu.pack_format<interleaved>} : vector<32xbf16> -> vector<16xf32>
          %unpack3A_251 = tpu.unpack_subelements %bitcast3A_243, 1 {pack_format = #tpu.pack_format<interleaved>} : vector<32xbf16> -> vector<16xf32>
          %unpack3A_252 = tpu.unpack_subelements %bitcast3A_247, 0 {pack_format = #tpu.pack_format<interleaved>} : vector<32xbf16> -> vector<16xf32>
          %unpack3A_253 = tpu.unpack_subelements %bitcast3A_247, 1 {pack_format = #tpu.pack_format<interleaved>} : vector<32xbf16> -> vector<16xf32>
          %mul3A_254 = arith.mulf %gather3A, %unpack3A_248 : vector<16xf32>
          %mul3A_255 = arith.mulf %gather3A_201, %unpack3A_250 : vector<16xf32>
          %add3A_256 = arith.addf %mul3A_254, %mul3A_255 : vector<16xf32>
          %mul3A_257 = arith.mulf %gather3A_205, %unpack3A_252 : vector<16xf32>
          %add3A_258 = arith.addf %add3A_256, %mul3A_257 : vector<16xf32>
          %swap3A_259 = arith.index_cast %scan3A_154 : i32 to index
          %swap3A_260 = arith.constant 32 : index
          %swap3A_261 = tpu.vector_load %arg16[%swap3A_259, %swap3A_260] {strides = array<i32>} : memref<64x128xf32, #tpu.memory_space<vmem>>, vector<16xf32>,
          tpu.vector_store %arg16[%swap3A_259, %swap3A_260], %add3A_258 {strides = array<i32>} : memref<64x128xf32, #tpu.memory_space<vmem>>, vector<16xf32>,
          %mul3A_262 = arith.mulf %gather3A, %unpack3A_249 : vector<16xf32>
          %mul3A_263 = arith.mulf %gather3A_201, %unpack3A_251 : vector<16xf32>
          %add3A_264 = arith.addf %mul3A_262, %mul3A_263 : vector<16xf32>
          %mul3A_265 = arith.mulf %gather3A_205, %unpack3A_253 : vector<16xf32>
          %add3A_266 = arith.addf %add3A_264, %mul3A_265 : vector<16xf32>
          %swap3A_267 = arith.index_cast %scan3A_154 : i32 to index
          %swap3A_268 = arith.constant 48 : index
          %swap3A_269 = tpu.vector_load %arg16[%swap3A_267, %swap3A_268] {strides = array<i32>} : memref<64x128xf32, #tpu.memory_space<vmem>>, vector<16xf32>,
          tpu.vector_store %arg16[%swap3A_267, %swap3A_268], %add3A_266 {strides = array<i32>} : memref<64x128xf32, #tpu.memory_space<vmem>>, vector<16xf32>,
          %get3A_270 = arith.index_cast %scan3A_154 : i32 to index
          %get3A_271 = arith.constant 32 : index
          %get3A_272 = tpu.vector_load %arg15[%get3A_270, %get3A_271] {strides = array<i32>} : memref<64x256xi32, #tpu.memory_space<vmem>>, vector<16xi32>,
          %bitcast3A_273 = vector.bitcast %get3A_272 : vector<16xi32> to vector<32xbf16>
          %get3A_274 = arith.index_cast %scan3A_154 : i32 to index
          %get3A_275 = arith.constant 96 : index
          %get3A_276 = tpu.vector_load %arg15[%get3A_274, %get3A_275] {strides = array<i32>} : memref<64x256xi32, #tpu.memory_space<vmem>>, vector<16xi32>,
          %bitcast3A_277 = vector.bitcast %get3A_276 : vector<16xi32> to vector<32xbf16>
          %get3A_278 = arith.index_cast %scan3A_154 : i32 to index
          %get3A_279 = arith.constant 160 : index
          %get3A_280 = tpu.vector_load %arg15[%get3A_278, %get3A_279] {strides = array<i32>} : memref<64x256xi32, #tpu.memory_space<vmem>>, vector<16xi32>,
          %bitcast3A_281 = vector.bitcast %get3A_280 : vector<16xi32> to vector<32xbf16>
          %unpack3A_282 = tpu.unpack_subelements %bitcast3A_273, 0 {pack_format = #tpu.pack_format<interleaved>} : vector<32xbf16> -> vector<16xf32>
          %unpack3A_283 = tpu.unpack_subelements %bitcast3A_273, 1 {pack_format = #tpu.pack_format<interleaved>} : vector<32xbf16> -> vector<16xf32>
          %unpack3A_284 = tpu.unpack_subelements %bitcast3A_277, 0 {pack_format = #tpu.pack_format<interleaved>} : vector<32xbf16> -> vector<16xf32>
          %unpack3A_285 = tpu.unpack_subelements %bitcast3A_277, 1 {pack_format = #tpu.pack_format<interleaved>} : vector<32xbf16> -> vector<16xf32>
          %unpack3A_286 = tpu.unpack_subelements %bitcast3A_281, 0 {pack_format = #tpu.pack_format<interleaved>} : vector<32xbf16> -> vector<16xf32>
          %unpack3A_287 = tpu.unpack_subelements %bitcast3A_281, 1 {pack_format = #tpu.pack_format<interleaved>} : vector<32xbf16> -> vector<16xf32>
          %mul3A_288 = arith.mulf %gather3A, %unpack3A_282 : vector<16xf32>
          %mul3A_289 = arith.mulf %gather3A_201, %unpack3A_284 : vector<16xf32>
          %add3A_290 = arith.addf %mul3A_288, %mul3A_289 : vector<16xf32>
          %mul3A_291 = arith.mulf %gather3A_205, %unpack3A_286 : vector<16xf32>
          %add3A_292 = arith.addf %add3A_290, %mul3A_291 : vector<16xf32>
          %swap3A_293 = arith.index_cast %scan3A_154 : i32 to index
          %swap3A_294 = arith.constant 64 : index
          %swap3A_295 = tpu.vector_load %arg16[%swap3A_293, %swap3A_294] {strides = array<i32>} : memref<64x128xf32, #tpu.memory_space<vmem>>, vector<16xf32>,
          tpu.vector_store %arg16[%swap3A_293, %swap3A_294], %add3A_292 {strides = array<i32>} : memref<64x128xf32, #tpu.memory_space<vmem>>, vector<16xf32>,
          %mul3A_296 = arith.mulf %gather3A, %unpack3A_283 : vector<16xf32>
          %mul3A_297 = arith.mulf %gather3A_201, %unpack3A_285 : vector<16xf32>
          %add3A_298 = arith.addf %mul3A_296, %mul3A_297 : vector<16xf32>
          %mul3A_299 = arith.mulf %gather3A_205, %unpack3A_287 : vector<16xf32>
          %add3A_300 = arith.addf %add3A_298, %mul3A_299 : vector<16xf32>
          %swap3A_301 = arith.index_cast %scan3A_154 : i32 to index
          %swap3A_302 = arith.constant 80 : index
          %swap3A_303 = tpu.vector_load %arg16[%swap3A_301, %swap3A_302] {strides = array<i32>} : memref<64x128xf32, #tpu.memory_space<vmem>>, vector<16xf32>,
          tpu.vector_store %arg16[%swap3A_301, %swap3A_302], %add3A_300 {strides = array<i32>} : memref<64x128xf32, #tpu.memory_space<vmem>>, vector<16xf32>,
          %get3A_304 = arith.index_cast %scan3A_154 : i32 to index
          %get3A_305 = arith.constant 48 : index
          %get3A_306 = tpu.vector_load %arg15[%get3A_304, %get3A_305] {strides = array<i32>} : memref<64x256xi32, #tpu.memory_space<vmem>>, vector<16xi32>,
          %bitcast3A_307 = vector.bitcast %get3A_306 : vector<16xi32> to vector<32xbf16>
          %get3A_308 = arith.index_cast %scan3A_154 : i32 to index
          %get3A_309 = arith.constant 112 : index
          %get3A_310 = tpu.vector_load %arg15[%get3A_308, %get3A_309] {strides = array<i32>} : memref<64x256xi32, #tpu.memory_space<vmem>>, vector<16xi32>,
          %bitcast3A_311 = vector.bitcast %get3A_310 : vector<16xi32> to vector<32xbf16>
          %get3A_312 = arith.index_cast %scan3A_154 : i32 to index
          %get3A_313 = arith.constant 176 : index
          %get3A_314 = tpu.vector_load %arg15[%get3A_312, %get3A_313] {strides = array<i32>} : memref<64x256xi32, #tpu.memory_space<vmem>>, vector<16xi32>,
          %bitcast3A_315 = vector.bitcast %get3A_314 : vector<16xi32> to vector<32xbf16>
          %unpack3A_316 = tpu.unpack_subelements %bitcast3A_307, 0 {pack_format = #tpu.pack_format<interleaved>} : vector<32xbf16> -> vector<16xf32>
          %unpack3A_317 = tpu.unpack_subelements %bitcast3A_307, 1 {pack_format = #tpu.pack_format<interleaved>} : vector<32xbf16> -> vector<16xf32>
          %unpack3A_318 = tpu.unpack_subelements %bitcast3A_311, 0 {pack_format = #tpu.pack_format<interleaved>} : vector<32xbf16> -> vector<16xf32>
          %unpack3A_319 = tpu.unpack_subelements %bitcast3A_311, 1 {pack_format = #tpu.pack_format<interleaved>} : vector<32xbf16> -> vector<16xf32>
          %unpack3A_320 = tpu.unpack_subelements %bitcast3A_315, 0 {pack_format = #tpu.pack_format<interleaved>} : vector<32xbf16> -> vector<16xf32>
          %unpack3A_321 = tpu.unpack_subelements %bitcast3A_315, 1 {pack_format = #tpu.pack_format<interleaved>} : vector<32xbf16> -> vector<16xf32>
          %mul3A_322 = arith.mulf %gather3A, %unpack3A_316 : vector<16xf32>
          %mul3A_323 = arith.mulf %gather3A_201, %unpack3A_318 : vector<16xf32>
          %add3A_324 = arith.addf %mul3A_322, %mul3A_323 : vector<16xf32>
          %mul3A_325 = arith.mulf %gather3A_205, %unpack3A_320 : vector<16xf32>
          %add3A_326 = arith.addf %add3A_324, %mul3A_325 : vector<16xf32>
          %swap3A_327 = arith.index_cast %scan3A_154 : i32 to index
          %swap3A_328 = arith.constant 96 : index
          %swap3A_329 = tpu.vector_load %arg16[%swap3A_327, %swap3A_328] {strides = array<i32>} : memref<64x128xf32, #tpu.memory_space<vmem>>, vector<16xf32>,
          tpu.vector_store %arg16[%swap3A_327, %swap3A_328], %add3A_326 {strides = array<i32>} : memref<64x128xf32, #tpu.memory_space<vmem>>, vector<16xf32>,
          %mul3A_330 = arith.mulf %gather3A, %unpack3A_317 : vector<16xf32>
          %mul3A_331 = arith.mulf %gather3A_201, %unpack3A_319 : vector<16xf32>
          %add3A_332 = arith.addf %mul3A_330, %mul3A_331 : vector<16xf32>
          %mul3A_333 = arith.mulf %gather3A_205, %unpack3A_321 : vector<16xf32>
          %add3A_334 = arith.addf %add3A_332, %mul3A_333 : vector<16xf32>
          %swap3A_335 = arith.index_cast %scan3A_154 : i32 to index
          %swap3A_336 = arith.constant 112 : index
          %swap3A_337 = tpu.vector_load %arg16[%swap3A_335, %swap3A_336] {strides = array<i32>} : memref<64x128xf32, #tpu.memory_space<vmem>>, vector<16xf32>,
          tpu.vector_store %arg16[%swap3A_335, %swap3A_336], %add3A_334 {strides = array<i32>} : memref<64x128xf32, #tpu.memory_space<vmem>>, vector<16xf32>,
          %scan3A_338 = arith.constant 1 : i32
          %scan3A_339 = arith.addi %scan3A_154, %scan3A_338 : i32
          %jit3A_340 = arith.constant 16 : i32
          %div3A_341 = arith.divsi %scan3A_339, %jit3A_340 : i32
          %sign3A_342 = arith.constant 0 : i32
          %sign3A_343 = arith.cmpi sgt, %scan3A_339, %sign3A_342 : i32
          %sign3A_344 = arith.extui %sign3A_343 : i1 to i32
          %sign3A_345 = arith.constant 0 : i32
          %sign3A_346 = arith.cmpi slt, %scan3A_339, %sign3A_345 : i32
          %sign3A_347 = arith.extui %sign3A_346 : i1 to i32
          %sign3A_348 = arith.subi %sign3A_344, %sign3A_347 : i32
          %sign3A_349 = arith.constant 0 : i32
          %sign3A_350 = arith.cmpi sgt, %jit3A_340, %sign3A_349 : i32
          %sign3A_351 = arith.extui %sign3A_350 : i1 to i32
          %sign3A_352 = arith.constant 0 : i32
          %sign3A_353 = arith.cmpi slt, %jit3A_340, %sign3A_352 : i32
          %sign3A_354 = arith.extui %sign3A_353 : i1 to i32
          %sign3A_355 = arith.subi %sign3A_351, %sign3A_354 : i32
          %ne3A_356 = arith.cmpi ne, %sign3A_348, %sign3A_355 : i32
          %rem3A_357 = arith.remsi %scan3A_339, %jit3A_340 : i32
          %ne3A_358 = arith.constant 0 : i32
          %ne3A_359 = arith.cmpi ne, %rem3A_357, %ne3A_358 : i32
          %and3A_360 = arith.andi %ne3A_356, %ne3A_359 : i1
          %sub3A_361 = arith.constant 1 : i32
          %sub3A_362 = arith.subi %div3A_341, %sub3A_361 : i32
          %select_n3A_363 = arith.select %and3A_360, %sub3A_362, %div3A_341 : i32
          %mul3A_364 = arith.constant 64 : i32
          %mul3A_365 = arith.muli %select_n3A_363, %mul3A_364 : i32
          %jit3A_366 = arith.constant 16 : i32
          %eq3A_367 = arith.constant 0 : i32
          %eq3A_368 = arith.cmpi eq, %jit3A_366, %eq3A_367 : i32
          %jit3A_369 = arith.constant 1 : i32
          %select_n3A_370 = arith.select %eq3A_368, %jit3A_369, %jit3A_366 : i32
          %rem3A_371 = arith.remsi %scan3A_339, %select_n3A_370 : i32
          %ne3A_372 = arith.constant 0 : i32
          %ne3A_373 = arith.cmpi ne, %rem3A_371, %ne3A_372 : i32
          %lt3A_374 = arith.constant 0 : i32
          %lt3A_375 = arith.cmpi slt, %rem3A_371, %lt3A_374 : i32
          %lt3A_376 = arith.constant 0 : i32
          %lt3A_377 = arith.cmpi slt, %select_n3A_370, %lt3A_376 : i32
          %ne3A_378 = arith.xori %lt3A_375, %lt3A_377 : i1
          %and3A_379 = arith.andi %ne3A_378, %ne3A_373 : i1
          %add3A_380 = arith.addi %rem3A_371, %select_n3A_370 : i32
          %select_n3A_381 = arith.select %and3A_379, %add3A_380, %rem3A_371 : i32
          %add3A_382 = arith.addi %mul3A_365, %select_n3A_381 : i32
          %broadcast_in_dim3A_383 = vector.broadcast %add3A_382 : i32 to vector<16xi32>
          %gather3A_384 = tpu.vector_load_idx %arg9[%broadcast_in_dim3A_383] : memref<256xf32, #tpu.memory_space<vmem>>[vector<16xi32>], vector<16xf32>,
          %add3A_385 = arith.constant 16 : i32
          %add3A_386 = arith.addi %add3A_382, %add3A_385 : i32
          %broadcast_in_dim3A_387 = vector.broadcast %add3A_386 : i32 to vector<16xi32>
          %gather3A_388 = tpu.vector_load_idx %arg9[%broadcast_in_dim3A_387] : memref<256xf32, #tpu.memory_space<vmem>>[vector<16xi32>], vector<16xf32>,
          %add3A_389 = arith.constant 32 : i32
          %add3A_390 = arith.addi %add3A_382, %add3A_389 : i32
          %broadcast_in_dim3A_391 = vector.broadcast %add3A_390 : i32 to vector<16xi32>
          %gather3A_392 = tpu.vector_load_idx %arg9[%broadcast_in_dim3A_391] : memref<256xf32, #tpu.memory_space<vmem>>[vector<16xi32>], vector<16xf32>,
          %get3A_393 = arith.index_cast %scan3A_339 : i32 to index
          %get3A_394 = arith.constant 0 : index
          %get3A_395 = tpu.vector_load %arg15[%get3A_393, %get3A_394] {strides = array<i32>} : memref<64x256xi32, #tpu.memory_space<vmem>>, vector<16xi32>,
          %bitcast3A_396 = vector.bitcast %get3A_395 : vector<16xi32> to vector<32xbf16>
          %get3A_397 = arith.index_cast %scan3A_339 : i32 to index
          %get3A_398 = arith.constant 64 : index
          %get3A_399 = tpu.vector_load %arg15[%get3A_397, %get3A_398] {strides = array<i32>} : memref<64x256xi32, #tpu.memory_space<vmem>>, vector<16xi32>,
          %bitcast3A_400 = vector.bitcast %get3A_399 : vector<16xi32> to vector<32xbf16>
          %get3A_401 = arith.index_cast %scan3A_339 : i32 to index
          %get3A_402 = arith.constant 128 : index
          %get3A_403 = tpu.vector_load %arg15[%get3A_401, %get3A_402] {strides = array<i32>} : memref<64x256xi32, #tpu.memory_space<vmem>>, vector<16xi32>,
          %bitcast3A_404 = vector.bitcast %get3A_403 : vector<16xi32> to vector<32xbf16>
          %unpack3A_405 = tpu.unpack_subelements %bitcast3A_396, 0 {pack_format = #tpu.pack_format<interleaved>} : vector<32xbf16> -> vector<16xf32>
          %unpack3A_406 = tpu.unpack_subelements %bitcast3A_396, 1 {pack_format = #tpu.pack_format<interleaved>} : vector<32xbf16> -> vector<16xf32>
          %unpack3A_407 = tpu.unpack_subelements %bitcast3A_400, 0 {pack_format = #tpu.pack_format<interleaved>} : vector<32xbf16> -> vector<16xf32>
          %unpack3A_408 = tpu.unpack_subelements %bitcast3A_400, 1 {pack_format = #tpu.pack_format<interleaved>} : vector<32xbf16> -> vector<16xf32>
          %unpack3A_409 = tpu.unpack_subelements %bitcast3A_404, 0 {pack_format = #tpu.pack_format<interleaved>} : vector<32xbf16> -> vector<16xf32>
          %unpack3A_410 = tpu.unpack_subelements %bitcast3A_404, 1 {pack_format = #tpu.pack_format<interleaved>} : vector<32xbf16> -> vector<16xf32>
          %mul3A_411 = arith.mulf %gather3A_384, %unpack3A_405 : vector<16xf32>
          %mul3A_412 = arith.mulf %gather3A_388, %unpack3A_407 : vector<16xf32>
          %add3A_413 = arith.addf %mul3A_411, %mul3A_412 : vector<16xf32>
          %mul3A_414 = arith.mulf %gather3A_392, %unpack3A_409 : vector<16xf32>
          %add3A_415 = arith.addf %add3A_413, %mul3A_414 : vector<16xf32>
          %swap3A_416 = arith.index_cast %scan3A_339 : i32 to index
          %swap3A_417 = arith.constant 0 : index
          %swap3A_418 = tpu.vector_load %arg16[%swap3A_416, %swap3A_417] {strides = array<i32>} : memref<64x128xf32, #tpu.memory_space<vmem>>, vector<16xf32>,
          tpu.vector_store %arg16[%swap3A_416, %swap3A_417], %add3A_415 {strides = array<i32>} : memref<64x128xf32, #tpu.memory_space<vmem>>, vector<16xf32>,
          %mul3A_419 = arith.mulf %gather3A_384, %unpack3A_406 : vector<16xf32>
          %mul3A_420 = arith.mulf %gather3A_388, %unpack3A_408 : vector<16xf32>
          %add3A_421 = arith.addf %mul3A_419, %mul3A_420 : vector<16xf32>
          %mul3A_422 = arith.mulf %gather3A_392, %unpack3A_410 : vector<16xf32>
          %add3A_423 = arith.addf %add3A_421, %mul3A_422 : vector<16xf32>
          %swap3A_424 = arith.index_cast %scan3A_339 : i32 to index
          %swap3A_425 = arith.constant 16 : index
          %swap3A_426 = tpu.vector_load %arg16[%swap3A_424, %swap3A_425] {strides = array<i32>} : memref<64x128xf32, #tpu.memory_space<vmem>>, vector<16xf32>,
          tpu.vector_store %arg16[%swap3A_424, %swap3A_425], %add3A_423 {strides = array<i32>} : memref<64x128xf32, #tpu.memory_space<vmem>>, vector<16xf32>,
          %get3A_427 = arith.index_cast %scan3A_339 : i32 to index
          %get3A_428 = arith.constant 16 : index
          %get3A_429 = tpu.vector_load %arg15[%get3A_427, %get3A_428] {strides = array<i32>} : memref<64x256xi32, #tpu.memory_space<vmem>>, vector<16xi32>,
          %bitcast3A_430 = vector.bitcast %get3A_429 : vector<16xi32> to vector<32xbf16>
          %get3A_431 = arith.index_cast %scan3A_339 : i32 to index
          %get3A_432 = arith.constant 80 : index
          %get3A_433 = tpu.vector_load %arg15[%get3A_431, %get3A_432] {strides = array<i32>} : memref<64x256xi32, #tpu.memory_space<vmem>>, vector<16xi32>,
          %bitcast3A_434 = vector.bitcast %get3A_433 : vector<16xi32> to vector<32xbf16>
          %get3A_435 = arith.index_cast %scan3A_339 : i32 to index
          %get3A_436 = arith.constant 144 : index
          %get3A_437 = tpu.vector_load %arg15[%get3A_435, %get3A_436] {strides = array<i32>} : memref<64x256xi32, #tpu.memory_space<vmem>>, vector<16xi32>,
          %bitcast3A_438 = vector.bitcast %get3A_437 : vector<16xi32> to vector<32xbf16>
          %unpack3A_439 = tpu.unpack_subelements %bitcast3A_430, 0 {pack_format = #tpu.pack_format<interleaved>} : vector<32xbf16> -> vector<16xf32>
          %unpack3A_440 = tpu.unpack_subelements %bitcast3A_430, 1 {pack_format = #tpu.pack_format<interleaved>} : vector<32xbf16> -> vector<16xf32>
          %unpack3A_441 = tpu.unpack_subelements %bitcast3A_434, 0 {pack_format = #tpu.pack_format<interleaved>} : vector<32xbf16> -> vector<16xf32>
          %unpack3A_442 = tpu.unpack_subelements %bitcast3A_434, 1 {pack_format = #tpu.pack_format<interleaved>} : vector<32xbf16> -> vector<16xf32>
          %unpack3A_443 = tpu.unpack_subelements %bitcast3A_438, 0 {pack_format = #tpu.pack_format<interleaved>} : vector<32xbf16> -> vector<16xf32>
          %unpack3A_444 = tpu.unpack_subelements %bitcast3A_438, 1 {pack_format = #tpu.pack_format<interleaved>} : vector<32xbf16> -> vector<16xf32>
          %mul3A_445 = arith.mulf %gather3A_384, %unpack3A_439 : vector<16xf32>
          %mul3A_446 = arith.mulf %gather3A_388, %unpack3A_441 : vector<16xf32>
          %add3A_447 = arith.addf %mul3A_445, %mul3A_446 : vector<16xf32>
          %mul3A_448 = arith.mulf %gather3A_392, %unpack3A_443 : vector<16xf32>
          %add3A_449 = arith.addf %add3A_447, %mul3A_448 : vector<16xf32>
          %swap3A_450 = arith.index_cast %scan3A_339 : i32 to index
          %swap3A_451 = arith.constant 32 : index
          %swap3A_452 = tpu.vector_load %arg16[%swap3A_450, %swap3A_451] {strides = array<i32>} : memref<64x128xf32, #tpu.memory_space<vmem>>, vector<16xf32>,
          tpu.vector_store %arg16[%swap3A_450, %swap3A_451], %add3A_449 {strides = array<i32>} : memref<64x128xf32, #tpu.memory_space<vmem>>, vector<16xf32>,
          %mul3A_453 = arith.mulf %gather3A_384, %unpack3A_440 : vector<16xf32>
          %mul3A_454 = arith.mulf %gather3A_388, %unpack3A_442 : vector<16xf32>
          %add3A_455 = arith.addf %mul3A_453, %mul3A_454 : vector<16xf32>
          %mul3A_456 = arith.mulf %gather3A_392, %unpack3A_444 : vector<16xf32>
          %add3A_457 = arith.addf %add3A_455, %mul3A_456 : vector<16xf32>
          %swap3A_458 = arith.index_cast %scan3A_339 : i32 to index
          %swap3A_459 = arith.constant 48 : index
          %swap3A_460 = tpu.vector_load %arg16[%swap3A_458, %swap3A_459] {strides = array<i32>} : memref<64x128xf32, #tpu.memory_space<vmem>>, vector<16xf32>,
          tpu.vector_store %arg16[%swap3A_458, %swap3A_459], %add3A_457 {strides = array<i32>} : memref<64x128xf32, #tpu.memory_space<vmem>>, vector<16xf32>,
          %get3A_461 = arith.index_cast %scan3A_339 : i32 to index
          %get3A_462 = arith.constant 32 : index
          %get3A_463 = tpu.vector_load %arg15[%get3A_461, %get3A_462] {strides = array<i32>} : memref<64x256xi32, #tpu.memory_space<vmem>>, vector<16xi32>,
          %bitcast3A_464 = vector.bitcast %get3A_463 : vector<16xi32> to vector<32xbf16>
          %get3A_465 = arith.index_cast %scan3A_339 : i32 to index
          %get3A_466 = arith.constant 96 : index
          %get3A_467 = tpu.vector_load %arg15[%get3A_465, %get3A_466] {strides = array<i32>} : memref<64x256xi32, #tpu.memory_space<vmem>>, vector<16xi32>,
          %bitcast3A_468 = vector.bitcast %get3A_467 : vector<16xi32> to vector<32xbf16>
          %get3A_469 = arith.index_cast %scan3A_339 : i32 to index
          %get3A_470 = arith.constant 160 : index
          %get3A_471 = tpu.vector_load %arg15[%get3A_469, %get3A_470] {strides = array<i32>} : memref<64x256xi32, #tpu.memory_space<vmem>>, vector<16xi32>,
          %bitcast3A_472 = vector.bitcast %get3A_471 : vector<16xi32> to vector<32xbf16>
          %unpack3A_473 = tpu.unpack_subelements %bitcast3A_464, 0 {pack_format = #tpu.pack_format<interleaved>} : vector<32xbf16> -> vector<16xf32>
          %unpack3A_474 = tpu.unpack_subelements %bitcast3A_464, 1 {pack_format = #tpu.pack_format<interleaved>} : vector<32xbf16> -> vector<16xf32>
          %unpack3A_475 = tpu.unpack_subelements %bitcast3A_468, 0 {pack_format = #tpu.pack_format<interleaved>} : vector<32xbf16> -> vector<16xf32>
          %unpack3A_476 = tpu.unpack_subelements %bitcast3A_468, 1 {pack_format = #tpu.pack_format<interleaved>} : vector<32xbf16> -> vector<16xf32>
          %unpack3A_477 = tpu.unpack_subelements %bitcast3A_472, 0 {pack_format = #tpu.pack_format<interleaved>} : vector<32xbf16> -> vector<16xf32>
          %unpack3A_478 = tpu.unpack_subelements %bitcast3A_472, 1 {pack_format = #tpu.pack_format<interleaved>} : vector<32xbf16> -> vector<16xf32>
          %mul3A_479 = arith.mulf %gather3A_384, %unpack3A_473 : vector<16xf32>
          %mul3A_480 = arith.mulf %gather3A_388, %unpack3A_475 : vector<16xf32>
          %add3A_481 = arith.addf %mul3A_479, %mul3A_480 : vector<16xf32>
          %mul3A_482 = arith.mulf %gather3A_392, %unpack3A_477 : vector<16xf32>
          %add3A_483 = arith.addf %add3A_481, %mul3A_482 : vector<16xf32>
          %swap3A_484 = arith.index_cast %scan3A_339 : i32 to index
          %swap3A_485 = arith.constant 64 : index
          %swap3A_486 = tpu.vector_load %arg16[%swap3A_484, %swap3A_485] {strides = array<i32>} : memref<64x128xf32, #tpu.memory_space<vmem>>, vector<16xf32>,
          tpu.vector_store %arg16[%swap3A_484, %swap3A_485], %add3A_483 {strides = array<i32>} : memref<64x128xf32, #tpu.memory_space<vmem>>, vector<16xf32>,
          %mul3A_487 = arith.mulf %gather3A_384, %unpack3A_474 : vector<16xf32>
          %mul3A_488 = arith.mulf %gather3A_388, %unpack3A_476 : vector<16xf32>
          %add3A_489 = arith.addf %mul3A_487, %mul3A_488 : vector<16xf32>
          %mul3A_490 = arith.mulf %gather3A_392, %unpack3A_478 : vector<16xf32>
          %add3A_491 = arith.addf %add3A_489, %mul3A_490 : vector<16xf32>
          %swap3A_492 = arith.index_cast %scan3A_339 : i32 to index
          %swap3A_493 = arith.constant 80 : index
          %swap3A_494 = tpu.vector_load %arg16[%swap3A_492, %swap3A_493] {strides = array<i32>} : memref<64x128xf32, #tpu.memory_space<vmem>>, vector<16xf32>,
          tpu.vector_store %arg16[%swap3A_492, %swap3A_493], %add3A_491 {strides = array<i32>} : memref<64x128xf32, #tpu.memory_space<vmem>>, vector<16xf32>,
          %get3A_495 = arith.index_cast %scan3A_339 : i32 to index
          %get3A_496 = arith.constant 48 : index
          %get3A_497 = tpu.vector_load %arg15[%get3A_495, %get3A_496] {strides = array<i32>} : memref<64x256xi32, #tpu.memory_space<vmem>>, vector<16xi32>,
          %bitcast3A_498 = vector.bitcast %get3A_497 : vector<16xi32> to vector<32xbf16>
          %get3A_499 = arith.index_cast %scan3A_339 : i32 to index
          %get3A_500 = arith.constant 112 : index
          %get3A_501 = tpu.vector_load %arg15[%get3A_499, %get3A_500] {strides = array<i32>} : memref<64x256xi32, #tpu.memory_space<vmem>>, vector<16xi32>,
          %bitcast3A_502 = vector.bitcast %get3A_501 : vector<16xi32> to vector<32xbf16>
          %get3A_503 = arith.index_cast %scan3A_339 : i32 to index
          %get3A_504 = arith.constant 176 : index
          %get3A_505 = tpu.vector_load %arg15[%get3A_503, %get3A_504] {strides = array<i32>} : memref<64x256xi32, #tpu.memory_space<vmem>>, vector<16xi32>,
          %bitcast3A_506 = vector.bitcast %get3A_505 : vector<16xi32> to vector<32xbf16>
          %unpack3A_507 = tpu.unpack_subelements %bitcast3A_498, 0 {pack_format = #tpu.pack_format<interleaved>} : vector<32xbf16> -> vector<16xf32>
          %unpack3A_508 = tpu.unpack_subelements %bitcast3A_498, 1 {pack_format = #tpu.pack_format<interleaved>} : vector<32xbf16> -> vector<16xf32>
          %unpack3A_509 = tpu.unpack_subelements %bitcast3A_502, 0 {pack_format = #tpu.pack_format<interleaved>} : vector<32xbf16> -> vector<16xf32>
          %unpack3A_510 = tpu.unpack_subelements %bitcast3A_502, 1 {pack_format = #tpu.pack_format<interleaved>} : vector<32xbf16> -> vector<16xf32>
          %unpack3A_511 = tpu.unpack_subelements %bitcast3A_506, 0 {pack_format = #tpu.pack_format<interleaved>} : vector<32xbf16> -> vector<16xf32>
          %unpack3A_512 = tpu.unpack_subelements %bitcast3A_506, 1 {pack_format = #tpu.pack_format<interleaved>} : vector<32xbf16> -> vector<16xf32>
          %mul3A_513 = arith.mulf %gather3A_384, %unpack3A_507 : vector<16xf32>
          %mul3A_514 = arith.mulf %gather3A_388, %unpack3A_509 : vector<16xf32>
          %add3A_515 = arith.addf %mul3A_513, %mul3A_514 : vector<16xf32>
          %mul3A_516 = arith.mulf %gather3A_392, %unpack3A_511 : vector<16xf32>
          %add3A_517 = arith.addf %add3A_515, %mul3A_516 : vector<16xf32>
          %swap3A_518 = arith.index_cast %scan3A_339 : i32 to index
          %swap3A_519 = arith.constant 96 : index
          %swap3A_520 = tpu.vector_load %arg16[%swap3A_518, %swap3A_519] {strides = array<i32>} : memref<64x128xf32, #tpu.memory_space<vmem>>, vector<16xf32>,
          tpu.vector_store %arg16[%swap3A_518, %swap3A_519], %add3A_517 {strides = array<i32>} : memref<64x128xf32, #tpu.memory_space<vmem>>, vector<16xf32>,
          %mul3A_521 = arith.mulf %gather3A_384, %unpack3A_508 : vector<16xf32>
          %mul3A_522 = arith.mulf %gather3A_388, %unpack3A_510 : vector<16xf32>
          %add3A_523 = arith.addf %mul3A_521, %mul3A_522 : vector<16xf32>
          %mul3A_524 = arith.mulf %gather3A_392, %unpack3A_512 : vector<16xf32>
          %add3A_525 = arith.addf %add3A_523, %mul3A_524 : vector<16xf32>
          %swap3A_526 = arith.index_cast %scan3A_339 : i32 to index
          %swap3A_527 = arith.constant 112 : index
          %swap3A_528 = tpu.vector_load %arg16[%swap3A_526, %swap3A_527] {strides = array<i32>} : memref<64x128xf32, #tpu.memory_space<vmem>>, vector<16xf32>,
          tpu.vector_store %arg16[%swap3A_526, %swap3A_527], %add3A_525 {strides = array<i32>} : memref<64x128xf32, #tpu.memory_space<vmem>>, vector<16xf32>,
        }
        %scan3A_145 = arith.constant 64 : i32
        "tpu.region"() ({
          %run_scoped3A = tpu.sem_alloc : memref<!tpu.dma_semaphore, #tpu.memory_space<semaphore_mem>>
          %dma_start3A_154 = arith.constant 0 : i32
          %dma_start3A_155 = arith.constant 0 : i32
          %dma_start3A_156 = tpu.memref_slice %arg7[%dma_start3A_154, %dma_start3A_155] : memref<10240x128xf32, #tpu.memory_space<vmem_shared>> -> memref<10240x128xf32, #tpu.memory_space<vmem_shared>>
          tpu.enqueue_indirect_dma source(%arg16 : memref<64x128xf32, #tpu.memory_space<vmem>>) target(%dma_start3A_156 : memref<10240x128xf32, #tpu.memory_space<vmem_shared>>) offsets(%arg13 : memref<64xi32, #tpu.memory_space<vmem>>) semaphore(%run_scoped3A : memref<!tpu.dma_semaphore, #tpu.memory_space<semaphore_mem>>) {add = true}
          %dma_wait3A_157 = arith.constant 0 : i32
          %dma_wait3A_158 = arith.constant 0 : i32
          %dma_wait3A_159 = tpu.memref_slice %arg7[%dma_wait3A_157, %dma_wait3A_158] : memref<10240x128xf32, #tpu.memory_space<vmem_shared>> -> memref<10240x128xf32, #tpu.memory_space<vmem_shared>>
          tpu.wait_indirect_dma semaphore(%run_scoped3A : memref<!tpu.dma_semaphore, #tpu.memory_space<semaphore_mem>>) src(%arg16 : memref<64x128xf32, #tpu.memory_space<vmem>>) dst(%dma_wait3A_159 : memref<10240x128xf32, #tpu.memory_space<vmem_shared>>)
          tpu.yield
        }) : () -> ()
        %lt3A_146 = arith.cmpi slt, %add3A_116, %select_n3A : i32
        %convert_element_type3A_147 = arith.extui %lt3A_146 : i1 to i32
        %cond3A_148 = arith.constant 0 : i32
        %cond3A_149 = arith.cmpi ne, %convert_element_type3A_147, %cond3A_148 : i32
        scf.if %cond3A_149 {
          %mul3A_154 = arith.constant 32 : i32
          %mul3A_155 = arith.muli %add3A_116, %mul3A_154 : i32
          %add3A_156 = arith.addi %add3A, %mul3A_155 : i32
          %mul3A_157 = arith.constant 64 : i32
          %mul3A_158 = arith.muli %add3A_156, %mul3A_157 : i32
          %mul3A_159 = arith.constant 4 : i32
          %mul3A_160 = arith.muli %mul3A_158, %mul3A_159 : i32
          %dma_wait3A_161 = tpu.memref_slice %arg2[%mul3A_160] : memref<640000xf32, #tpu.memory_space<hbm>> -> memref<256xf32, #tpu.memory_space<hbm>>
          %dma_wait3A_162 = tpu.memref_slice %arg2[%mul3A_160] : memref<640000xf32, #tpu.memory_space<hbm>> -> memref<256xf32, #tpu.memory_space<hbm>>
          tpu.wait_dma2 semaphore(%arg17 : memref<!tpu.dma_semaphore, #tpu.memory_space<semaphore_mem>>) src(%dma_wait3A_162 : memref<256xf32, #tpu.memory_space<hbm>>) dst(%arg8 : memref<256xf32, #tpu.memory_space<vmem>>)
          %dma_wait3A_163 = tpu.memref_slice %arg3[%mul3A_158] : memref<160000xi32, #tpu.memory_space<hbm>> -> memref<64xi32, #tpu.memory_space<hbm>>
          %dma_wait3A_164 = tpu.memref_slice %arg3[%mul3A_158] : memref<160000xi32, #tpu.memory_space<hbm>> -> memref<64xi32, #tpu.memory_space<hbm>>
          tpu.wait_dma2 semaphore(%arg17 : memref<!tpu.dma_semaphore, #tpu.memory_space<semaphore_mem>>) src(%dma_wait3A_164 : memref<64xi32, #tpu.memory_space<hbm>>) dst(%arg10 : memref<64xi32, #tpu.memory_space<vmem>>)
          %dma_wait3A_165 = tpu.memref_slice %arg4[%mul3A_158] : memref<160000xi32, #tpu.memory_space<hbm>> -> memref<64xi32, #tpu.memory_space<hbm>>
          %dma_wait3A_166 = tpu.memref_slice %arg4[%mul3A_158] : memref<160000xi32, #tpu.memory_space<hbm>> -> memref<64xi32, #tpu.memory_space<hbm>>
          tpu.wait_dma2 semaphore(%arg17 : memref<!tpu.dma_semaphore, #tpu.memory_space<semaphore_mem>>) src(%dma_wait3A_166 : memref<64xi32, #tpu.memory_space<hbm>>) dst(%arg12 : memref<64xi32, #tpu.memory_space<vmem>>)
          %dma_start3A_167 = arith.constant 0 : i32
          %dma_start3A_168 = arith.constant 0 : i32
          %dma_start3A_169 = tpu.memref_slice %arg5[%dma_start3A_167, %dma_start3A_168] : memref<10000x256xi32, #tpu.memory_space<hbm>> -> memref<10000x256xi32, #tpu.memory_space<hbm>>
          tpu.enqueue_indirect_dma source(%dma_start3A_169 : memref<10000x256xi32, #tpu.memory_space<hbm>>) target(%arg14 : memref<64x256xi32, #tpu.memory_space<vmem>>) offsets(%arg10 : memref<64xi32, #tpu.memory_space<vmem>>) semaphore(%arg19 : memref<!tpu.dma_semaphore, #tpu.memory_space<semaphore_mem>>)
        } else {
        }
        %lt3A_150 = arith.cmpi slt, %add3A_118, %select_n3A : i32
        %convert_element_type3A_151 = arith.extui %lt3A_150 : i1 to i32
        %cond3A_152 = arith.constant 0 : i32
        %cond3A_153 = arith.cmpi ne, %convert_element_type3A_151, %cond3A_152 : i32
        scf.if %cond3A_153 {
          %mul3A_154 = arith.constant 32 : i32
          %mul3A_155 = arith.muli %add3A_118, %mul3A_154 : i32
          %add3A_156 = arith.addi %add3A, %mul3A_155 : i32
          %mul3A_157 = arith.constant 64 : i32
          %mul3A_158 = arith.muli %add3A_156, %mul3A_157 : i32
          %mul3A_159 = arith.constant 4 : i32
          %mul3A_160 = arith.muli %mul3A_158, %mul3A_159 : i32
          %dma_start3A_161 = tpu.memref_slice %arg2[%mul3A_160] : memref<640000xf32, #tpu.memory_space<hbm>> -> memref<256xf32, #tpu.memory_space<hbm>>
          %dma_start3A_162 = tpu.memref_slice %arg2[%mul3A_160] : memref<640000xf32, #tpu.memory_space<hbm>> -> memref<256xf32, #tpu.memory_space<hbm>>
          tpu.enqueue_dma source(%dma_start3A_162 : memref<256xf32, #tpu.memory_space<hbm>>) target(%arg9 : memref<256xf32, #tpu.memory_space<vmem>>) target_semaphore(%arg18 : memref<!tpu.dma_semaphore, #tpu.memory_space<semaphore_mem>>)
          %dma_start3A_163 = tpu.memref_slice %arg3[%mul3A_158] : memref<160000xi32, #tpu.memory_space<hbm>> -> memref<64xi32, #tpu.memory_space<hbm>>
          %dma_start3A_164 = tpu.memref_slice %arg3[%mul3A_158] : memref<160000xi32, #tpu.memory_space<hbm>> -> memref<64xi32, #tpu.memory_space<hbm>>
          tpu.enqueue_dma source(%dma_start3A_164 : memref<64xi32, #tpu.memory_space<hbm>>) target(%arg11 : memref<64xi32, #tpu.memory_space<vmem>>) target_semaphore(%arg18 : memref<!tpu.dma_semaphore, #tpu.memory_space<semaphore_mem>>)
          %dma_start3A_165 = tpu.memref_slice %arg4[%mul3A_158] : memref<160000xi32, #tpu.memory_space<hbm>> -> memref<64xi32, #tpu.memory_space<hbm>>
          %dma_start3A_166 = tpu.memref_slice %arg4[%mul3A_158] : memref<160000xi32, #tpu.memory_space<hbm>> -> memref<64xi32, #tpu.memory_space<hbm>>
          tpu.enqueue_dma source(%dma_start3A_166 : memref<64xi32, #tpu.memory_space<hbm>>) target(%arg13 : memref<64xi32, #tpu.memory_space<vmem>>) target_semaphore(%arg18 : memref<!tpu.dma_semaphore, #tpu.memory_space<semaphore_mem>>)
        } else {
        }
      } else {
      }
    }
    %barrier3A_109 = arith.constant 0 : index
    tpu.barrier barrier_id(%barrier3A_109)
    "tpu.region"() ({
      %run_scoped3A = tpu.sem_alloc : memref<!tpu.dma_semaphore, #tpu.memory_space<semaphore_mem>>
      %dma_start3A_110 = arith.constant 0 : i32
      %dma_start3A_111 = tpu.memref_slice %arg6[%arg0, %mul3A_8, %dma_start3A_110] : memref<2x10240x128xf32, #tpu.memory_space<hbm>> -> memref<1x640x128xf32, #tpu.memory_space<hbm>>
      %dma_start3A_112 = tpu.memref_squeeze %dma_start3A_111 : memref<1x640x128xf32, #tpu.memory_space<hbm>> -> memref<640x128xf32, #tpu.memory_space<hbm>>
      %dma_start3A_113 = arith.constant 0 : i32
      %dma_start3A_114 = tpu.memref_slice %arg7[%mul3A_8, %dma_start3A_113] : memref<10240x128xf32, #tpu.memory_space<vmem_shared>> -> memref<640x128xf32, #tpu.memory_space<vmem_shared>>
      tpu.enqueue_dma source(%dma_start3A_114 : memref<640x128xf32, #tpu.memory_space<vmem_shared>>) target(%dma_start3A_112 : memref<640x128xf32, #tpu.memory_space<hbm>>) target_semaphore(%run_scoped3A : memref<!tpu.dma_semaphore, #tpu.memory_space<semaphore_mem>>)
      %dma_wait3A_115 = arith.constant 0 : i32
      %dma_wait3A_116 = tpu.memref_slice %arg6[%arg0, %mul3A_8, %dma_wait3A_115] : memref<2x10240x128xf32, #tpu.memory_space<hbm>> -> memref<1x640x128xf32, #tpu.memory_space<hbm>>
      %dma_wait3A_117 = tpu.memref_squeeze %dma_wait3A_116 : memref<1x640x128xf32, #tpu.memory_space<hbm>> -> memref<640x128xf32, #tpu.memory_space<hbm>>
      %dma_wait3A_118 = arith.constant 0 : i32
      %dma_wait3A_119 = tpu.memref_slice %arg7[%mul3A_8, %dma_wait3A_118] : memref<10240x128xf32, #tpu.memory_space<vmem_shared>> -> memref<640x128xf32, #tpu.memory_space<vmem_shared>>
      tpu.wait_dma2 semaphore(%run_scoped3A : memref<!tpu.dma_semaphore, #tpu.memory_space<semaphore_mem>>) src(%dma_wait3A_119 : memref<640x128xf32, #tpu.memory_space<vmem_shared>>) dst(%dma_wait3A_117 : memref<640x128xf32, #tpu.memory_space<hbm>>)
      tpu.yield
    }) : () -> ()
    return
  }
}

#map = affine_map<(d0, d1) -> (0)>
#map1 = affine_map<(d0, d1) -> (0, 0)>
module attributes {stable_mosaic.version = 14 : i64} {
  func.func @_pass1_body(%arg0: i32, %arg1: i32, %arg2: memref<160000xi32, #tpu.memory_space<hbm>>, %arg3: memref<160000xi32, #tpu.memory_space<hbm>>, %arg4: memref<160000xf32, #tpu.memory_space<hbm>>, %arg5: memref<160000xf32, #tpu.memory_space<hbm>>, %arg6: memref<160000xf32, #tpu.memory_space<hbm>>, %arg7: memref<10000xf32, #tpu.memory_space<hbm>>, %arg8: memref<10000xf32, #tpu.memory_space<hbm>>, %arg9: memref<640000xf32, #tpu.memory_space<hbm>>, %arg10: memref<32x30720xf32, #tpu.memory_space<hbm>>, %arg11: memref<10000xf32, #tpu.memory_space<vmem>>, %arg12: memref<10000xf32, #tpu.memory_space<vmem>>, %arg13: memref<30720xf32, #tpu.memory_space<vmem>>, %arg14: memref<640xi32, #tpu.memory_space<vmem>>, %arg15: memref<640xi32, #tpu.memory_space<vmem>>, %arg16: memref<640xf32, #tpu.memory_space<vmem>>, %arg17: memref<640xf32, #tpu.memory_space<vmem>>, %arg18: memref<640xf32, #tpu.memory_space<vmem>>, %arg19: memref<2560xf32, #tpu.memory_space<vmem>>, %arg20: memref<!tpu.dma_semaphore, #tpu.memory_space<semaphore_mem>>) attributes {dimension_semantics = [#tpu.dimension_semantics<core_parallel>, #tpu.dimension_semantics<subcore_parallel>], iteration_bounds = array<i64: 2, 16>, scalar_prefetch = 0 : i64, scratch_operands = 10 : i64, tpu.core_type = #tpu.core_type<sc_vector_subcore>, window_params = [{transform_indices = #map}, {transform_indices = #map}, {transform_indices = #map}, {transform_indices = #map}, {transform_indices = #map}, {transform_indices = #map}, {transform_indices = #map}, {transform_indices = #map}, {transform_indices = #map1}]} {
    %mul3A = arith.constant 2 : i32
    %mul3A_0 = arith.muli %arg1, %mul3A : i32
    %add3A = arith.addi %mul3A_0, %arg0 : i32
    "tpu.region"() ({
      %run_scoped3A = tpu.sem_alloc : memref<!tpu.dma_semaphore, #tpu.memory_space<semaphore_mem>>
      tpu.enqueue_dma source(%arg7 : memref<10000xf32, #tpu.memory_space<hbm>>) target(%arg11 : memref<10000xf32, #tpu.memory_space<vmem>>) target_semaphore(%run_scoped3A : memref<!tpu.dma_semaphore, #tpu.memory_space<semaphore_mem>>)
      tpu.wait_dma2 semaphore(%run_scoped3A : memref<!tpu.dma_semaphore, #tpu.memory_space<semaphore_mem>>) src(%arg7 : memref<10000xf32, #tpu.memory_space<hbm>>) dst(%arg11 : memref<10000xf32, #tpu.memory_space<vmem>>)
      tpu.yield
    }) : () -> ()
    "tpu.region"() ({
      %run_scoped3A = tpu.sem_alloc : memref<!tpu.dma_semaphore, #tpu.memory_space<semaphore_mem>>
      tpu.enqueue_dma source(%arg8 : memref<10000xf32, #tpu.memory_space<hbm>>) target(%arg12 : memref<10000xf32, #tpu.memory_space<vmem>>) target_semaphore(%run_scoped3A : memref<!tpu.dma_semaphore, #tpu.memory_space<semaphore_mem>>)
      tpu.wait_dma2 semaphore(%run_scoped3A : memref<!tpu.dma_semaphore, #tpu.memory_space<semaphore_mem>>) src(%arg8 : memref<10000xf32, #tpu.memory_space<hbm>>) dst(%arg12 : memref<10000xf32, #tpu.memory_space<vmem>>)
      tpu.yield
    }) : () -> ()
    %broadcast_in_dim3A = arith.constant 0.000000e+00 : f32
    %broadcast_in_dim3A_1 = vector.broadcast %broadcast_in_dim3A : f32 to vector<16xf32>
    %scan3A = arith.constant 0 : i32
    %scan3A_2 = arith.constant 0 : i32
    %scan3A_3 = arith.constant 1920 : i32
    %scan3A_4 = arith.addi %scan3A_2, %scan3A_3 : i32
    %scan3A_5 = arith.constant 8 : i32
    scf.for %scan3A_38 = %scan3A_2 to %scan3A_4 step %scan3A_5  : i32 {
      %mul3A_39 = arith.constant 16 : i32
      %mul3A_40 = arith.muli %scan3A_38, %mul3A_39 : i32
      %swap3A = arith.index_cast %mul3A_40 : i32 to index
      %swap3A_41 = tpu.vector_load %arg13[%swap3A] {strides = array<i32>} : memref<30720xf32, #tpu.memory_space<vmem>>, vector<16xf32>,
      tpu.vector_store %arg13[%swap3A], %broadcast_in_dim3A_1 {strides = array<i32>} : memref<30720xf32, #tpu.memory_space<vmem>>, vector<16xf32>,
      %scan3A_42 = arith.constant 1 : i32
      %scan3A_43 = arith.addi %scan3A_38, %scan3A_42 : i32
      %mul3A_44 = arith.constant 16 : i32
      %mul3A_45 = arith.muli %scan3A_43, %mul3A_44 : i32
      %swap3A_46 = arith.index_cast %mul3A_45 : i32 to index
      %swap3A_47 = tpu.vector_load %arg13[%swap3A_46] {strides = array<i32>} : memref<30720xf32, #tpu.memory_space<vmem>>, vector<16xf32>,
      tpu.vector_store %arg13[%swap3A_46], %broadcast_in_dim3A_1 {strides = array<i32>} : memref<30720xf32, #tpu.memory_space<vmem>>, vector<16xf32>,
      %scan3A_48 = arith.constant 2 : i32
      %scan3A_49 = arith.addi %scan3A_38, %scan3A_48 : i32
      %mul3A_50 = arith.constant 16 : i32
      %mul3A_51 = arith.muli %scan3A_49, %mul3A_50 : i32
      %swap3A_52 = arith.index_cast %mul3A_51 : i32 to index
      %swap3A_53 = tpu.vector_load %arg13[%swap3A_52] {strides = array<i32>} : memref<30720xf32, #tpu.memory_space<vmem>>, vector<16xf32>,
      tpu.vector_store %arg13[%swap3A_52], %broadcast_in_dim3A_1 {strides = array<i32>} : memref<30720xf32, #tpu.memory_space<vmem>>, vector<16xf32>,
      %scan3A_54 = arith.constant 3 : i32
      %scan3A_55 = arith.addi %scan3A_38, %scan3A_54 : i32
      %mul3A_56 = arith.constant 16 : i32
      %mul3A_57 = arith.muli %scan3A_55, %mul3A_56 : i32
      %swap3A_58 = arith.index_cast %mul3A_57 : i32 to index
      %swap3A_59 = tpu.vector_load %arg13[%swap3A_58] {strides = array<i32>} : memref<30720xf32, #tpu.memory_space<vmem>>, vector<16xf32>,
      tpu.vector_store %arg13[%swap3A_58], %broadcast_in_dim3A_1 {strides = array<i32>} : memref<30720xf32, #tpu.memory_space<vmem>>, vector<16xf32>,
      %scan3A_60 = arith.constant 4 : i32
      %scan3A_61 = arith.addi %scan3A_38, %scan3A_60 : i32
      %mul3A_62 = arith.constant 16 : i32
      %mul3A_63 = arith.muli %scan3A_61, %mul3A_62 : i32
      %swap3A_64 = arith.index_cast %mul3A_63 : i32 to index
      %swap3A_65 = tpu.vector_load %arg13[%swap3A_64] {strides = array<i32>} : memref<30720xf32, #tpu.memory_space<vmem>>, vector<16xf32>,
      tpu.vector_store %arg13[%swap3A_64], %broadcast_in_dim3A_1 {strides = array<i32>} : memref<30720xf32, #tpu.memory_space<vmem>>, vector<16xf32>,
      %scan3A_66 = arith.constant 5 : i32
      %scan3A_67 = arith.addi %scan3A_38, %scan3A_66 : i32
      %mul3A_68 = arith.constant 16 : i32
      %mul3A_69 = arith.muli %scan3A_67, %mul3A_68 : i32
      %swap3A_70 = arith.index_cast %mul3A_69 : i32 to index
      %swap3A_71 = tpu.vector_load %arg13[%swap3A_70] {strides = array<i32>} : memref<30720xf32, #tpu.memory_space<vmem>>, vector<16xf32>,
      tpu.vector_store %arg13[%swap3A_70], %broadcast_in_dim3A_1 {strides = array<i32>} : memref<30720xf32, #tpu.memory_space<vmem>>, vector<16xf32>,
      %scan3A_72 = arith.constant 6 : i32
      %scan3A_73 = arith.addi %scan3A_38, %scan3A_72 : i32
      %mul3A_74 = arith.constant 16 : i32
      %mul3A_75 = arith.muli %scan3A_73, %mul3A_74 : i32
      %swap3A_76 = arith.index_cast %mul3A_75 : i32 to index
      %swap3A_77 = tpu.vector_load %arg13[%swap3A_76] {strides = array<i32>} : memref<30720xf32, #tpu.memory_space<vmem>>, vector<16xf32>,
      tpu.vector_store %arg13[%swap3A_76], %broadcast_in_dim3A_1 {strides = array<i32>} : memref<30720xf32, #tpu.memory_space<vmem>>, vector<16xf32>,
      %scan3A_78 = arith.constant 7 : i32
      %scan3A_79 = arith.addi %scan3A_38, %scan3A_78 : i32
      %mul3A_80 = arith.constant 16 : i32
      %mul3A_81 = arith.muli %scan3A_79, %mul3A_80 : i32
      %swap3A_82 = arith.index_cast %mul3A_81 : i32 to index
      %swap3A_83 = tpu.vector_load %arg13[%swap3A_82] {strides = array<i32>} : memref<30720xf32, #tpu.memory_space<vmem>>, vector<16xf32>,
      tpu.vector_store %arg13[%swap3A_82], %broadcast_in_dim3A_1 {strides = array<i32>} : memref<30720xf32, #tpu.memory_space<vmem>>, vector<16xf32>,
    }
    %scan3A_6 = arith.constant 1920 : i32
    %sub3A = arith.constant 250 : i32
    %sub3A_7 = arith.subi %sub3A, %add3A : i32
    %add3A_8 = arith.constant 32 : i32
    %add3A_9 = arith.addi %sub3A_7, %add3A_8 : i32
    %sub3A_10 = arith.constant 1 : i32
    %sub3A_11 = arith.subi %add3A_9, %sub3A_10 : i32
    %jit3A = arith.constant 32 : i32
    %div3A = arith.divsi %sub3A_11, %jit3A : i32
    %sign3A = arith.constant 0 : i32
    %sign3A_12 = arith.cmpi sgt, %sub3A_11, %sign3A : i32
    %sign3A_13 = arith.extui %sign3A_12 : i1 to i32
    %sign3A_14 = arith.constant 0 : i32
    %sign3A_15 = arith.cmpi slt, %sub3A_11, %sign3A_14 : i32
    %sign3A_16 = arith.extui %sign3A_15 : i1 to i32
    %sign3A_17 = arith.subi %sign3A_13, %sign3A_16 : i32
    %sign3A_18 = arith.constant 0 : i32
    %sign3A_19 = arith.cmpi sgt, %jit3A, %sign3A_18 : i32
    %sign3A_20 = arith.extui %sign3A_19 : i1 to i32
    %sign3A_21 = arith.constant 0 : i32
    %sign3A_22 = arith.cmpi slt, %jit3A, %sign3A_21 : i32
    %sign3A_23 = arith.extui %sign3A_22 : i1 to i32
    %sign3A_24 = arith.subi %sign3A_20, %sign3A_23 : i32
    %ne3A = arith.cmpi ne, %sign3A_17, %sign3A_24 : i32
    %rem3A = arith.remsi %sub3A_11, %jit3A : i32
    %ne3A_25 = arith.constant 0 : i32
    %ne3A_26 = arith.cmpi ne, %rem3A, %ne3A_25 : i32
    %and3A = arith.andi %ne3A, %ne3A_26 : i1
    %sub3A_27 = arith.constant 1 : i32
    %sub3A_28 = arith.subi %div3A, %sub3A_27 : i32
    %select_n3A = arith.select %and3A, %sub3A_28, %div3A : i32
    %while3A = arith.constant 0 : i32
    %while3A_29 = arith.constant 0 : i32
    %while3A_30 = arith.subi %select_n3A, %while3A_29 : i32
    %while3A_31 = arith.addi %while3A_29, %while3A_30 : i32
    %while3A_32 = arith.constant 1 : i32
    %while3A_33 = arith.divsi %while3A_30, %while3A_32 : i32
    %while3A_34 = arith.muli %while3A_33, %while3A_32 : i32
    %while3A_35 = arith.addi %while3A_29, %while3A_34 : i32
    %while3A_36 = arith.constant 1 : i32
    scf.for %while3A_38 = %while3A_29 to %while3A_35 step %while3A_36  : i32 {
      %mul3A_39 = arith.constant 32 : i32
      %mul3A_40 = arith.muli %while3A_38, %mul3A_39 : i32
      %add3A_41 = arith.addi %add3A, %mul3A_40 : i32
      %mul3A_42 = arith.constant 640 : i32
      %mul3A_43 = arith.muli %add3A_41, %mul3A_42 : i32
      %dma_start3A = tpu.memref_slice %arg2[%mul3A_43] : memref<160000xi32, #tpu.memory_space<hbm>> -> memref<640xi32, #tpu.memory_space<hbm>>
      %dma_start3A_44 = tpu.memref_slice %arg2[%mul3A_43] : memref<160000xi32, #tpu.memory_space<hbm>> -> memref<640xi32, #tpu.memory_space<hbm>>
      tpu.enqueue_dma source(%dma_start3A_44 : memref<640xi32, #tpu.memory_space<hbm>>) target(%arg14 : memref<640xi32, #tpu.memory_space<vmem>>) target_semaphore(%arg20 : memref<!tpu.dma_semaphore, #tpu.memory_space<semaphore_mem>>)
      %dma_start3A_45 = tpu.memref_slice %arg3[%mul3A_43] : memref<160000xi32, #tpu.memory_space<hbm>> -> memref<640xi32, #tpu.memory_space<hbm>>
      %dma_start3A_46 = tpu.memref_slice %arg3[%mul3A_43] : memref<160000xi32, #tpu.memory_space<hbm>> -> memref<640xi32, #tpu.memory_space<hbm>>
      tpu.enqueue_dma source(%dma_start3A_46 : memref<640xi32, #tpu.memory_space<hbm>>) target(%arg15 : memref<640xi32, #tpu.memory_space<vmem>>) target_semaphore(%arg20 : memref<!tpu.dma_semaphore, #tpu.memory_space<semaphore_mem>>)
      %dma_start3A_47 = tpu.memref_slice %arg4[%mul3A_43] : memref<160000xf32, #tpu.memory_space<hbm>> -> memref<640xf32, #tpu.memory_space<hbm>>
      %dma_start3A_48 = tpu.memref_slice %arg4[%mul3A_43] : memref<160000xf32, #tpu.memory_space<hbm>> -> memref<640xf32, #tpu.memory_space<hbm>>
      tpu.enqueue_dma source(%dma_start3A_48 : memref<640xf32, #tpu.memory_space<hbm>>) target(%arg16 : memref<640xf32, #tpu.memory_space<vmem>>) target_semaphore(%arg20 : memref<!tpu.dma_semaphore, #tpu.memory_space<semaphore_mem>>)
      %dma_start3A_49 = tpu.memref_slice %arg5[%mul3A_43] : memref<160000xf32, #tpu.memory_space<hbm>> -> memref<640xf32, #tpu.memory_space<hbm>>
      %dma_start3A_50 = tpu.memref_slice %arg5[%mul3A_43] : memref<160000xf32, #tpu.memory_space<hbm>> -> memref<640xf32, #tpu.memory_space<hbm>>
      tpu.enqueue_dma source(%dma_start3A_50 : memref<640xf32, #tpu.memory_space<hbm>>) target(%arg17 : memref<640xf32, #tpu.memory_space<vmem>>) target_semaphore(%arg20 : memref<!tpu.dma_semaphore, #tpu.memory_space<semaphore_mem>>)
      %dma_start3A_51 = tpu.memref_slice %arg6[%mul3A_43] : memref<160000xf32, #tpu.memory_space<hbm>> -> memref<640xf32, #tpu.memory_space<hbm>>
      %dma_start3A_52 = tpu.memref_slice %arg6[%mul3A_43] : memref<160000xf32, #tpu.memory_space<hbm>> -> memref<640xf32, #tpu.memory_space<hbm>>
      tpu.enqueue_dma source(%dma_start3A_52 : memref<640xf32, #tpu.memory_space<hbm>>) target(%arg18 : memref<640xf32, #tpu.memory_space<vmem>>) target_semaphore(%arg20 : memref<!tpu.dma_semaphore, #tpu.memory_space<semaphore_mem>>)
      %dma_wait3A = tpu.memref_slice %arg2[%mul3A_43] : memref<160000xi32, #tpu.memory_space<hbm>> -> memref<640xi32, #tpu.memory_space<hbm>>
      %dma_wait3A_53 = tpu.memref_slice %arg2[%mul3A_43] : memref<160000xi32, #tpu.memory_space<hbm>> -> memref<640xi32, #tpu.memory_space<hbm>>
      tpu.wait_dma2 semaphore(%arg20 : memref<!tpu.dma_semaphore, #tpu.memory_space<semaphore_mem>>) src(%dma_wait3A_53 : memref<640xi32, #tpu.memory_space<hbm>>) dst(%arg14 : memref<640xi32, #tpu.memory_space<vmem>>)
      %dma_wait3A_54 = tpu.memref_slice %arg3[%mul3A_43] : memref<160000xi32, #tpu.memory_space<hbm>> -> memref<640xi32, #tpu.memory_space<hbm>>
      %dma_wait3A_55 = tpu.memref_slice %arg3[%mul3A_43] : memref<160000xi32, #tpu.memory_space<hbm>> -> memref<640xi32, #tpu.memory_space<hbm>>
      tpu.wait_dma2 semaphore(%arg20 : memref<!tpu.dma_semaphore, #tpu.memory_space<semaphore_mem>>) src(%dma_wait3A_55 : memref<640xi32, #tpu.memory_space<hbm>>) dst(%arg15 : memref<640xi32, #tpu.memory_space<vmem>>)
      %dma_wait3A_56 = tpu.memref_slice %arg4[%mul3A_43] : memref<160000xf32, #tpu.memory_space<hbm>> -> memref<640xf32, #tpu.memory_space<hbm>>
      %dma_wait3A_57 = tpu.memref_slice %arg4[%mul3A_43] : memref<160000xf32, #tpu.memory_space<hbm>> -> memref<640xf32, #tpu.memory_space<hbm>>
      tpu.wait_dma2 semaphore(%arg20 : memref<!tpu.dma_semaphore, #tpu.memory_space<semaphore_mem>>) src(%dma_wait3A_57 : memref<640xf32, #tpu.memory_space<hbm>>) dst(%arg16 : memref<640xf32, #tpu.memory_space<vmem>>)
      %dma_wait3A_58 = tpu.memref_slice %arg5[%mul3A_43] : memref<160000xf32, #tpu.memory_space<hbm>> -> memref<640xf32, #tpu.memory_space<hbm>>
      %dma_wait3A_59 = tpu.memref_slice %arg5[%mul3A_43] : memref<160000xf32, #tpu.memory_space<hbm>> -> memref<640xf32, #tpu.memory_space<hbm>>
      tpu.wait_dma2 semaphore(%arg20 : memref<!tpu.dma_semaphore, #tpu.memory_space<semaphore_mem>>) src(%dma_wait3A_59 : memref<640xf32, #tpu.memory_space<hbm>>) dst(%arg17 : memref<640xf32, #tpu.memory_space<vmem>>)
      %dma_wait3A_60 = tpu.memref_slice %arg6[%mul3A_43] : memref<160000xf32, #tpu.memory_space<hbm>> -> memref<640xf32, #tpu.memory_space<hbm>>
      %dma_wait3A_61 = tpu.memref_slice %arg6[%mul3A_43] : memref<160000xf32, #tpu.memory_space<hbm>> -> memref<640xf32, #tpu.memory_space<hbm>>
      tpu.wait_dma2 semaphore(%arg20 : memref<!tpu.dma_semaphore, #tpu.memory_space<semaphore_mem>>) src(%dma_wait3A_61 : memref<640xf32, #tpu.memory_space<hbm>>) dst(%arg18 : memref<640xf32, #tpu.memory_space<vmem>>)
      %scan3A_62 = arith.constant 0 : i32
      %scan3A_63 = arith.constant 0 : i32
      %scan3A_64 = arith.constant 40 : i32
      %scan3A_65 = arith.addi %scan3A_63, %scan3A_64 : i32
      %scan3A_66 = arith.constant 1 : i32
      scf.for %scan3A_70 = %scan3A_63 to %scan3A_65 step %scan3A_66  : i32 {
        %mul3A_71 = arith.constant 16 : i32
        %mul3A_72 = arith.muli %scan3A_70, %mul3A_71 : i32
        %get3A = arith.index_cast %mul3A_72 : i32 to index
        %get3A_73 = tpu.vector_load %arg14[%get3A] {strides = array<i32>} : memref<640xi32, #tpu.memory_space<vmem>>, vector<16xi32>,
        %get3A_74 = arith.index_cast %mul3A_72 : i32 to index
        %get3A_75 = tpu.vector_load %arg15[%get3A_74] {strides = array<i32>} : memref<640xi32, #tpu.memory_space<vmem>>, vector<16xi32>,
        %gather3A = tpu.vector_load_idx %arg11[%get3A_73] : memref<10000xf32, #tpu.memory_space<vmem>>[vector<16xi32>], vector<16xf32>,
        %gather3A_76 = tpu.vector_load_idx %arg12[%get3A_75] : memref<10000xf32, #tpu.memory_space<vmem>>[vector<16xi32>], vector<16xf32>,
        %add3A_77 = arith.addf %gather3A, %gather3A_76 : vector<16xf32>
        %mul3A_78 = arith.constant 2.000000e-01 : f32
        %mul3A_79 = vector.broadcast %mul3A_78 : f32 to vector<16xf32>
        %mul3A_80 = arith.mulf %mul3A_79, %add3A_77 : vector<16xf32>
        %max3A = arith.maximumf %add3A_77, %mul3A_80 : vector<16xf32>
        %get3A_81 = arith.index_cast %mul3A_72 : i32 to index
        %get3A_82 = tpu.vector_load %arg16[%get3A_81] {strides = array<i32>} : memref<640xf32, #tpu.memory_space<vmem>>, vector<16xf32>,
        %mul3A_83 = arith.mulf %max3A, %get3A_82 : vector<16xf32>
        %exp3A = math.exp %mul3A_83 : vector<16xf32>
        %mul3A_84 = arith.constant 64 : i32
        %mul3A_85 = arith.muli %scan3A_70, %mul3A_84 : i32
        %add3A_86 = arith.constant 0 : i32
        %add3A_87 = arith.addi %mul3A_85, %add3A_86 : i32
        %swap3A = arith.index_cast %add3A_87 : i32 to index
        %swap3A_88 = tpu.vector_load %arg19[%swap3A] {strides = array<i32>} : memref<2560xf32, #tpu.memory_space<vmem>>, vector<16xf32>,
        tpu.vector_store %arg19[%swap3A], %exp3A {strides = array<i32>} : memref<2560xf32, #tpu.memory_space<vmem>>, vector<16xf32>,
        %add3A_89 = arith.constant 0 : i32
        %add3A_90 = vector.broadcast %add3A_89 : i32 to vector<16xi32>
        %add3A_91 = arith.addi %get3A_75, %add3A_90 : vector<16xi32>
        tpu.vector_store_idx %arg13[%add3A_91], %exp3A {add = true} : memref<30720xf32, #tpu.memory_space<vmem>>[vector<16xi32>], vector<16xf32>,
        %get3A_92 = arith.index_cast %mul3A_72 : i32 to index
        %get3A_93 = tpu.vector_load %arg17[%get3A_92] {strides = array<i32>} : memref<640xf32, #tpu.memory_space<vmem>>, vector<16xf32>,
        %mul3A_94 = arith.mulf %max3A, %get3A_93 : vector<16xf32>
        %exp3A_95 = math.exp %mul3A_94 : vector<16xf32>
        %mul3A_96 = arith.constant 64 : i32
        %mul3A_97 = arith.muli %scan3A_70, %mul3A_96 : i32
        %add3A_98 = arith.constant 16 : i32
        %add3A_99 = arith.addi %mul3A_97, %add3A_98 : i32
        %swap3A_100 = arith.index_cast %add3A_99 : i32 to index
        %swap3A_101 = tpu.vector_load %arg19[%swap3A_100] {strides = array<i32>} : memref<2560xf32, #tpu.memory_space<vmem>>, vector<16xf32>,
        tpu.vector_store %arg19[%swap3A_100], %exp3A_95 {strides = array<i32>} : memref<2560xf32, #tpu.memory_space<vmem>>, vector<16xf32>,
        %add3A_102 = arith.constant 10000 : i32
        %add3A_103 = vector.broadcast %add3A_102 : i32 to vector<16xi32>
        %add3A_104 = arith.addi %get3A_75, %add3A_103 : vector<16xi32>
        tpu.vector_store_idx %arg13[%add3A_104], %exp3A_95 {add = true} : memref<30720xf32, #tpu.memory_space<vmem>>[vector<16xi32>], vector<16xf32>,
        %get3A_105 = arith.index_cast %mul3A_72 : i32 to index
        %get3A_106 = tpu.vector_load %arg18[%get3A_105] {strides = array<i32>} : memref<640xf32, #tpu.memory_space<vmem>>, vector<16xf32>,
        %mul3A_107 = arith.mulf %max3A, %get3A_106 : vector<16xf32>
        %exp3A_108 = math.exp %mul3A_107 : vector<16xf32>
        %mul3A_109 = arith.constant 64 : i32
        %mul3A_110 = arith.muli %scan3A_70, %mul3A_109 : i32
        %add3A_111 = arith.constant 32 : i32
        %add3A_112 = arith.addi %mul3A_110, %add3A_111 : i32
        %swap3A_113 = arith.index_cast %add3A_112 : i32 to index
        %swap3A_114 = tpu.vector_load %arg19[%swap3A_113] {strides = array<i32>} : memref<2560xf32, #tpu.memory_space<vmem>>, vector<16xf32>,
        tpu.vector_store %arg19[%swap3A_113], %exp3A_108 {strides = array<i32>} : memref<2560xf32, #tpu.memory_space<vmem>>, vector<16xf32>,
        %add3A_115 = arith.constant 20000 : i32
        %add3A_116 = vector.broadcast %add3A_115 : i32 to vector<16xi32>
        %add3A_117 = arith.addi %get3A_75, %add3A_116 : vector<16xi32>
        tpu.vector_store_idx %arg13[%add3A_117], %exp3A_108 {add = true} : memref<30720xf32, #tpu.memory_space<vmem>>[vector<16xi32>], vector<16xf32>,
      }
      %scan3A_67 = arith.constant 40 : i32
      %mul3A_68 = arith.constant 4 : i32
      %mul3A_69 = arith.muli %mul3A_43, %mul3A_68 : i32
      "tpu.region"() ({
        %run_scoped3A = tpu.sem_alloc : memref<!tpu.dma_semaphore, #tpu.memory_space<semaphore_mem>>
        %dma_start3A_70 = tpu.memref_slice %arg9[%mul3A_69] : memref<640000xf32, #tpu.memory_space<hbm>> -> memref<2560xf32, #tpu.memory_space<hbm>>
        %dma_start3A_71 = tpu.memref_slice %arg9[%mul3A_69] : memref<640000xf32, #tpu.memory_space<hbm>> -> memref<2560xf32, #tpu.memory_space<hbm>>
        tpu.enqueue_dma source(%arg19 : memref<2560xf32, #tpu.memory_space<vmem>>) target(%dma_start3A_71 : memref<2560xf32, #tpu.memory_space<hbm>>) target_semaphore(%run_scoped3A : memref<!tpu.dma_semaphore, #tpu.memory_space<semaphore_mem>>)
        %dma_wait3A_72 = tpu.memref_slice %arg9[%mul3A_69] : memref<640000xf32, #tpu.memory_space<hbm>> -> memref<2560xf32, #tpu.memory_space<hbm>>
        %dma_wait3A_73 = tpu.memref_slice %arg9[%mul3A_69] : memref<640000xf32, #tpu.memory_space<hbm>> -> memref<2560xf32, #tpu.memory_space<hbm>>
        tpu.wait_dma2 semaphore(%run_scoped3A : memref<!tpu.dma_semaphore, #tpu.memory_space<semaphore_mem>>) src(%arg19 : memref<2560xf32, #tpu.memory_space<vmem>>) dst(%dma_wait3A_73 : memref<2560xf32, #tpu.memory_space<hbm>>)
        tpu.yield
      }) : () -> ()
    }
    %while3A_37 = arith.constant 1 : i32
    scf.for %while3A_38 = %while3A_35 to %while3A_31 step %while3A_37  : i32 {
      %mul3A_39 = arith.constant 32 : i32
      %mul3A_40 = arith.muli %while3A_38, %mul3A_39 : i32
      %add3A_41 = arith.addi %add3A, %mul3A_40 : i32
      %mul3A_42 = arith.constant 640 : i32
      %mul3A_43 = arith.muli %add3A_41, %mul3A_42 : i32
      %dma_start3A = tpu.memref_slice %arg2[%mul3A_43] : memref<160000xi32, #tpu.memory_space<hbm>> -> memref<640xi32, #tpu.memory_space<hbm>>
      %dma_start3A_44 = tpu.memref_slice %arg2[%mul3A_43] : memref<160000xi32, #tpu.memory_space<hbm>> -> memref<640xi32, #tpu.memory_space<hbm>>
      tpu.enqueue_dma source(%dma_start3A_44 : memref<640xi32, #tpu.memory_space<hbm>>) target(%arg14 : memref<640xi32, #tpu.memory_space<vmem>>) target_semaphore(%arg20 : memref<!tpu.dma_semaphore, #tpu.memory_space<semaphore_mem>>)
      %dma_start3A_45 = tpu.memref_slice %arg3[%mul3A_43] : memref<160000xi32, #tpu.memory_space<hbm>> -> memref<640xi32, #tpu.memory_space<hbm>>
      %dma_start3A_46 = tpu.memref_slice %arg3[%mul3A_43] : memref<160000xi32, #tpu.memory_space<hbm>> -> memref<640xi32, #tpu.memory_space<hbm>>
      tpu.enqueue_dma source(%dma_start3A_46 : memref<640xi32, #tpu.memory_space<hbm>>) target(%arg15 : memref<640xi32, #tpu.memory_space<vmem>>) target_semaphore(%arg20 : memref<!tpu.dma_semaphore, #tpu.memory_space<semaphore_mem>>)
      %dma_start3A_47 = tpu.memref_slice %arg4[%mul3A_43] : memref<160000xf32, #tpu.memory_space<hbm>> -> memref<640xf32, #tpu.memory_space<hbm>>
      %dma_start3A_48 = tpu.memref_slice %arg4[%mul3A_43] : memref<160000xf32, #tpu.memory_space<hbm>> -> memref<640xf32, #tpu.memory_space<hbm>>
      tpu.enqueue_dma source(%dma_start3A_48 : memref<640xf32, #tpu.memory_space<hbm>>) target(%arg16 : memref<640xf32, #tpu.memory_space<vmem>>) target_semaphore(%arg20 : memref<!tpu.dma_semaphore, #tpu.memory_space<semaphore_mem>>)
      %dma_start3A_49 = tpu.memref_slice %arg5[%mul3A_43] : memref<160000xf32, #tpu.memory_space<hbm>> -> memref<640xf32, #tpu.memory_space<hbm>>
      %dma_start3A_50 = tpu.memref_slice %arg5[%mul3A_43] : memref<160000xf32, #tpu.memory_space<hbm>> -> memref<640xf32, #tpu.memory_space<hbm>>
      tpu.enqueue_dma source(%dma_start3A_50 : memref<640xf32, #tpu.memory_space<hbm>>) target(%arg17 : memref<640xf32, #tpu.memory_space<vmem>>) target_semaphore(%arg20 : memref<!tpu.dma_semaphore, #tpu.memory_space<semaphore_mem>>)
      %dma_start3A_51 = tpu.memref_slice %arg6[%mul3A_43] : memref<160000xf32, #tpu.memory_space<hbm>> -> memref<640xf32, #tpu.memory_space<hbm>>
      %dma_start3A_52 = tpu.memref_slice %arg6[%mul3A_43] : memref<160000xf32, #tpu.memory_space<hbm>> -> memref<640xf32, #tpu.memory_space<hbm>>
      tpu.enqueue_dma source(%dma_start3A_52 : memref<640xf32, #tpu.memory_space<hbm>>) target(%arg18 : memref<640xf32, #tpu.memory_space<vmem>>) target_semaphore(%arg20 : memref<!tpu.dma_semaphore, #tpu.memory_space<semaphore_mem>>)
      %dma_wait3A = tpu.memref_slice %arg2[%mul3A_43] : memref<160000xi32, #tpu.memory_space<hbm>> -> memref<640xi32, #tpu.memory_space<hbm>>
      %dma_wait3A_53 = tpu.memref_slice %arg2[%mul3A_43] : memref<160000xi32, #tpu.memory_space<hbm>> -> memref<640xi32, #tpu.memory_space<hbm>>
      tpu.wait_dma2 semaphore(%arg20 : memref<!tpu.dma_semaphore, #tpu.memory_space<semaphore_mem>>) src(%dma_wait3A_53 : memref<640xi32, #tpu.memory_space<hbm>>) dst(%arg14 : memref<640xi32, #tpu.memory_space<vmem>>)
      %dma_wait3A_54 = tpu.memref_slice %arg3[%mul3A_43] : memref<160000xi32, #tpu.memory_space<hbm>> -> memref<640xi32, #tpu.memory_space<hbm>>
      %dma_wait3A_55 = tpu.memref_slice %arg3[%mul3A_43] : memref<160000xi32, #tpu.memory_space<hbm>> -> memref<640xi32, #tpu.memory_space<hbm>>
      tpu.wait_dma2 semaphore(%arg20 : memref<!tpu.dma_semaphore, #tpu.memory_space<semaphore_mem>>) src(%dma_wait3A_55 : memref<640xi32, #tpu.memory_space<hbm>>) dst(%arg15 : memref<640xi32, #tpu.memory_space<vmem>>)
      %dma_wait3A_56 = tpu.memref_slice %arg4[%mul3A_43] : memref<160000xf32, #tpu.memory_space<hbm>> -> memref<640xf32, #tpu.memory_space<hbm>>
      %dma_wait3A_57 = tpu.memref_slice %arg4[%mul3A_43] : memref<160000xf32, #tpu.memory_space<hbm>> -> memref<640xf32, #tpu.memory_space<hbm>>
      tpu.wait_dma2 semaphore(%arg20 : memref<!tpu.dma_semaphore, #tpu.memory_space<semaphore_mem>>) src(%dma_wait3A_57 : memref<640xf32, #tpu.memory_space<hbm>>) dst(%arg16 : memref<640xf32, #tpu.memory_space<vmem>>)
      %dma_wait3A_58 = tpu.memref_slice %arg5[%mul3A_43] : memref<160000xf32, #tpu.memory_space<hbm>> -> memref<640xf32, #tpu.memory_space<hbm>>
      %dma_wait3A_59 = tpu.memref_slice %arg5[%mul3A_43] : memref<160000xf32, #tpu.memory_space<hbm>> -> memref<640xf32, #tpu.memory_space<hbm>>
      tpu.wait_dma2 semaphore(%arg20 : memref<!tpu.dma_semaphore, #tpu.memory_space<semaphore_mem>>) src(%dma_wait3A_59 : memref<640xf32, #tpu.memory_space<hbm>>) dst(%arg17 : memref<640xf32, #tpu.memory_space<vmem>>)
      %dma_wait3A_60 = tpu.memref_slice %arg6[%mul3A_43] : memref<160000xf32, #tpu.memory_space<hbm>> -> memref<640xf32, #tpu.memory_space<hbm>>
      %dma_wait3A_61 = tpu.memref_slice %arg6[%mul3A_43] : memref<160000xf32, #tpu.memory_space<hbm>> -> memref<640xf32, #tpu.memory_space<hbm>>
      tpu.wait_dma2 semaphore(%arg20 : memref<!tpu.dma_semaphore, #tpu.memory_space<semaphore_mem>>) src(%dma_wait3A_61 : memref<640xf32, #tpu.memory_space<hbm>>) dst(%arg18 : memref<640xf32, #tpu.memory_space<vmem>>)
      %scan3A_62 = arith.constant 0 : i32
      %scan3A_63 = arith.constant 0 : i32
      %scan3A_64 = arith.constant 40 : i32
      %scan3A_65 = arith.addi %scan3A_63, %scan3A_64 : i32
      %scan3A_66 = arith.constant 1 : i32
      scf.for %scan3A_70 = %scan3A_63 to %scan3A_65 step %scan3A_66  : i32 {
        %mul3A_71 = arith.constant 16 : i32
        %mul3A_72 = arith.muli %scan3A_70, %mul3A_71 : i32
        %get3A = arith.index_cast %mul3A_72 : i32 to index
        %get3A_73 = tpu.vector_load %arg14[%get3A] {strides = array<i32>} : memref<640xi32, #tpu.memory_space<vmem>>, vector<16xi32>,
        %get3A_74 = arith.index_cast %mul3A_72 : i32 to index
        %get3A_75 = tpu.vector_load %arg15[%get3A_74] {strides = array<i32>} : memref<640xi32, #tpu.memory_space<vmem>>, vector<16xi32>,
        %gather3A = tpu.vector_load_idx %arg11[%get3A_73] : memref<10000xf32, #tpu.memory_space<vmem>>[vector<16xi32>], vector<16xf32>,
        %gather3A_76 = tpu.vector_load_idx %arg12[%get3A_75] : memref<10000xf32, #tpu.memory_space<vmem>>[vector<16xi32>], vector<16xf32>,
        %add3A_77 = arith.addf %gather3A, %gather3A_76 : vector<16xf32>
        %mul3A_78 = arith.constant 2.000000e-01 : f32
        %mul3A_79 = vector.broadcast %mul3A_78 : f32 to vector<16xf32>
        %mul3A_80 = arith.mulf %mul3A_79, %add3A_77 : vector<16xf32>
        %max3A = arith.maximumf %add3A_77, %mul3A_80 : vector<16xf32>
        %get3A_81 = arith.index_cast %mul3A_72 : i32 to index
        %get3A_82 = tpu.vector_load %arg16[%get3A_81] {strides = array<i32>} : memref<640xf32, #tpu.memory_space<vmem>>, vector<16xf32>,
        %mul3A_83 = arith.mulf %max3A, %get3A_82 : vector<16xf32>
        %exp3A = math.exp %mul3A_83 : vector<16xf32>
        %mul3A_84 = arith.constant 64 : i32
        %mul3A_85 = arith.muli %scan3A_70, %mul3A_84 : i32
        %add3A_86 = arith.constant 0 : i32
        %add3A_87 = arith.addi %mul3A_85, %add3A_86 : i32
        %swap3A = arith.index_cast %add3A_87 : i32 to index
        %swap3A_88 = tpu.vector_load %arg19[%swap3A] {strides = array<i32>} : memref<2560xf32, #tpu.memory_space<vmem>>, vector<16xf32>,
        tpu.vector_store %arg19[%swap3A], %exp3A {strides = array<i32>} : memref<2560xf32, #tpu.memory_space<vmem>>, vector<16xf32>,
        %add3A_89 = arith.constant 0 : i32
        %add3A_90 = vector.broadcast %add3A_89 : i32 to vector<16xi32>
        %add3A_91 = arith.addi %get3A_75, %add3A_90 : vector<16xi32>
        tpu.vector_store_idx %arg13[%add3A_91], %exp3A {add = true} : memref<30720xf32, #tpu.memory_space<vmem>>[vector<16xi32>], vector<16xf32>,
        %get3A_92 = arith.index_cast %mul3A_72 : i32 to index
        %get3A_93 = tpu.vector_load %arg17[%get3A_92] {strides = array<i32>} : memref<640xf32, #tpu.memory_space<vmem>>, vector<16xf32>,
        %mul3A_94 = arith.mulf %max3A, %get3A_93 : vector<16xf32>
        %exp3A_95 = math.exp %mul3A_94 : vector<16xf32>
        %mul3A_96 = arith.constant 64 : i32
        %mul3A_97 = arith.muli %scan3A_70, %mul3A_96 : i32
        %add3A_98 = arith.constant 16 : i32
        %add3A_99 = arith.addi %mul3A_97, %add3A_98 : i32
        %swap3A_100 = arith.index_cast %add3A_99 : i32 to index
        %swap3A_101 = tpu.vector_load %arg19[%swap3A_100] {strides = array<i32>} : memref<2560xf32, #tpu.memory_space<vmem>>, vector<16xf32>,
        tpu.vector_store %arg19[%swap3A_100], %exp3A_95 {strides = array<i32>} : memref<2560xf32, #tpu.memory_space<vmem>>, vector<16xf32>,
        %add3A_102 = arith.constant 10000 : i32
        %add3A_103 = vector.broadcast %add3A_102 : i32 to vector<16xi32>
        %add3A_104 = arith.addi %get3A_75, %add3A_103 : vector<16xi32>
        tpu.vector_store_idx %arg13[%add3A_104], %exp3A_95 {add = true} : memref<30720xf32, #tpu.memory_space<vmem>>[vector<16xi32>], vector<16xf32>,
        %get3A_105 = arith.index_cast %mul3A_72 : i32 to index
        %get3A_106 = tpu.vector_load %arg18[%get3A_105] {strides = array<i32>} : memref<640xf32, #tpu.memory_space<vmem>>, vector<16xf32>,
        %mul3A_107 = arith.mulf %max3A, %get3A_106 : vector<16xf32>
        %exp3A_108 = math.exp %mul3A_107 : vector<16xf32>
        %mul3A_109 = arith.constant 64 : i32
        %mul3A_110 = arith.muli %scan3A_70, %mul3A_109 : i32
        %add3A_111 = arith.constant 32 : i32
        %add3A_112 = arith.addi %mul3A_110, %add3A_111 : i32
        %swap3A_113 = arith.index_cast %add3A_112 : i32 to index
        %swap3A_114 = tpu.vector_load %arg19[%swap3A_113] {strides = array<i32>} : memref<2560xf32, #tpu.memory_space<vmem>>, vector<16xf32>,
        tpu.vector_store %arg19[%swap3A_113], %exp3A_108 {strides = array<i32>} : memref<2560xf32, #tpu.memory_space<vmem>>, vector<16xf32>,
        %add3A_115 = arith.constant 20000 : i32
        %add3A_116 = vector.broadcast %add3A_115 : i32 to vector<16xi32>
        %add3A_117 = arith.addi %get3A_75, %add3A_116 : vector<16xi32>
        tpu.vector_store_idx %arg13[%add3A_117], %exp3A_108 {add = true} : memref<30720xf32, #tpu.memory_space<vmem>>[vector<16xi32>], vector<16xf32>,
      }
      %scan3A_67 = arith.constant 40 : i32
      %mul3A_68 = arith.constant 4 : i32
      %mul3A_69 = arith.muli %mul3A_43, %mul3A_68 : i32
      "tpu.region"() ({
        %run_scoped3A = tpu.sem_alloc : memref<!tpu.dma_semaphore, #tpu.memory_space<semaphore_mem>>
        %dma_start3A_70 = tpu.memref_slice %arg9[%mul3A_69] : memref<640000xf32, #tpu.memory_space<hbm>> -> memref<2560xf32, #tpu.memory_space<hbm>>
        %dma_start3A_71 = tpu.memref_slice %arg9[%mul3A_69] : memref<640000xf32, #tpu.memory_space<hbm>> -> memref<2560xf32, #tpu.memory_space<hbm>>
        tpu.enqueue_dma source(%arg19 : memref<2560xf32, #tpu.memory_space<vmem>>) target(%dma_start3A_71 : memref<2560xf32, #tpu.memory_space<hbm>>) target_semaphore(%run_scoped3A : memref<!tpu.dma_semaphore, #tpu.memory_space<semaphore_mem>>)
        %dma_wait3A_72 = tpu.memref_slice %arg9[%mul3A_69] : memref<640000xf32, #tpu.memory_space<hbm>> -> memref<2560xf32, #tpu.memory_space<hbm>>
        %dma_wait3A_73 = tpu.memref_slice %arg9[%mul3A_69] : memref<640000xf32, #tpu.memory_space<hbm>> -> memref<2560xf32, #tpu.memory_space<hbm>>
        tpu.wait_dma2 semaphore(%run_scoped3A : memref<!tpu.dma_semaphore, #tpu.memory_space<semaphore_mem>>) src(%arg19 : memref<2560xf32, #tpu.memory_space<vmem>>) dst(%dma_wait3A_73 : memref<2560xf32, #tpu.memory_space<hbm>>)
        tpu.yield
      }) : () -> ()
    }
    "tpu.region"() ({
      %run_scoped3A = tpu.sem_alloc : memref<!tpu.dma_semaphore, #tpu.memory_space<semaphore_mem>>
      %dma_start3A = arith.constant 0 : i32
      %dma_start3A_38 = tpu.memref_slice %arg10[%add3A, %dma_start3A] : memref<32x30720xf32, #tpu.memory_space<hbm>> -> memref<1x30720xf32, #tpu.memory_space<hbm>>
      %dma_start3A_39 = tpu.memref_squeeze %dma_start3A_38 : memref<1x30720xf32, #tpu.memory_space<hbm>> -> memref<30720xf32, #tpu.memory_space<hbm>>
      %dma_start3A_40 = arith.constant 0 : i32
      %dma_start3A_41 = tpu.memref_slice %arg10[%add3A, %dma_start3A_40] : memref<32x30720xf32, #tpu.memory_space<hbm>> -> memref<1x30720xf32, #tpu.memory_space<hbm>>
      %dma_start3A_42 = tpu.memref_squeeze %dma_start3A_41 : memref<1x30720xf32, #tpu.memory_space<hbm>> -> memref<30720xf32, #tpu.memory_space<hbm>>
      tpu.enqueue_dma source(%arg13 : memref<30720xf32, #tpu.memory_space<vmem>>) target(%dma_start3A_42 : memref<30720xf32, #tpu.memory_space<hbm>>) target_semaphore(%run_scoped3A : memref<!tpu.dma_semaphore, #tpu.memory_space<semaphore_mem>>)
      %dma_wait3A = arith.constant 0 : i32
      %dma_wait3A_43 = tpu.memref_slice %arg10[%add3A, %dma_wait3A] : memref<32x30720xf32, #tpu.memory_space<hbm>> -> memref<1x30720xf32, #tpu.memory_space<hbm>>
      %dma_wait3A_44 = tpu.memref_squeeze %dma_wait3A_43 : memref<1x30720xf32, #tpu.memory_space<hbm>> -> memref<30720xf32, #tpu.memory_space<hbm>>
      %dma_wait3A_45 = arith.constant 0 : i32
      %dma_wait3A_46 = tpu.memref_slice %arg10[%add3A, %dma_wait3A_45] : memref<32x30720xf32, #tpu.memory_space<hbm>> -> memref<1x30720xf32, #tpu.memory_space<hbm>>
      %dma_wait3A_47 = tpu.memref_squeeze %dma_wait3A_46 : memref<1x30720xf32, #tpu.memory_space<hbm>> -> memref<30720xf32, #tpu.memory_space<hbm>>
      tpu.wait_dma2 semaphore(%run_scoped3A : memref<!tpu.dma_semaphore, #tpu.memory_space<semaphore_mem>>) src(%arg13 : memref<30720xf32, #tpu.memory_space<vmem>>) dst(%dma_wait3A_47 : memref<30720xf32, #tpu.memory_space<hbm>>)
      tpu.yield
    }) : () -> ()
    return
  }
}

#map = affine_map<(d0, d1) -> (0)>
module attributes {stable_mosaic.version = 14 : i64} {
  func.func @_p15_body(%arg0: i32, %arg1: i32, %arg2: memref<640000xf32, #tpu.memory_space<hbm>>, %arg3: memref<160000xi32, #tpu.memory_space<hbm>>, %arg4: memref<30720xf32, #tpu.memory_space<hbm>>, %arg5: memref<640000xf32, #tpu.memory_space<hbm>>, %arg6: memref<30720xf32, #tpu.memory_space<vmem>>, %arg7: memref<1280xf32, #tpu.memory_space<vmem>>, %arg8: memref<320xi32, #tpu.memory_space<vmem>>, %arg9: memref<!tpu.dma_semaphore, #tpu.memory_space<semaphore_mem>>) attributes {dimension_semantics = [#tpu.dimension_semantics<core_parallel>, #tpu.dimension_semantics<subcore_parallel>], iteration_bounds = array<i64: 2, 16>, scalar_prefetch = 0 : i64, scratch_operands = 4 : i64, tpu.core_type = #tpu.core_type<sc_vector_subcore>, window_params = [{transform_indices = #map}, {transform_indices = #map}, {transform_indices = #map}, {transform_indices = #map}]} {
    %mul3A = arith.constant 2 : i32
    %mul3A_0 = arith.muli %arg1, %mul3A : i32
    %add3A = arith.addi %mul3A_0, %arg0 : i32
    "tpu.region"() ({
      %run_scoped3A = tpu.sem_alloc : memref<!tpu.dma_semaphore, #tpu.memory_space<semaphore_mem>>
      tpu.enqueue_dma source(%arg4 : memref<30720xf32, #tpu.memory_space<hbm>>) target(%arg6 : memref<30720xf32, #tpu.memory_space<vmem>>) target_semaphore(%run_scoped3A : memref<!tpu.dma_semaphore, #tpu.memory_space<semaphore_mem>>)
      tpu.wait_dma2 semaphore(%run_scoped3A : memref<!tpu.dma_semaphore, #tpu.memory_space<semaphore_mem>>) src(%arg4 : memref<30720xf32, #tpu.memory_space<hbm>>) dst(%arg6 : memref<30720xf32, #tpu.memory_space<vmem>>)
      tpu.yield
    }) : () -> ()
    %sub3A = arith.constant 500 : i32
    %sub3A_1 = arith.subi %sub3A, %add3A : i32
    %add3A_2 = arith.constant 32 : i32
    %add3A_3 = arith.addi %sub3A_1, %add3A_2 : i32
    %sub3A_4 = arith.constant 1 : i32
    %sub3A_5 = arith.subi %add3A_3, %sub3A_4 : i32
    %jit3A = arith.constant 32 : i32
    %div3A = arith.divsi %sub3A_5, %jit3A : i32
    %sign3A = arith.constant 0 : i32
    %sign3A_6 = arith.cmpi sgt, %sub3A_5, %sign3A : i32
    %sign3A_7 = arith.extui %sign3A_6 : i1 to i32
    %sign3A_8 = arith.constant 0 : i32
    %sign3A_9 = arith.cmpi slt, %sub3A_5, %sign3A_8 : i32
    %sign3A_10 = arith.extui %sign3A_9 : i1 to i32
    %sign3A_11 = arith.subi %sign3A_7, %sign3A_10 : i32
    %sign3A_12 = arith.constant 0 : i32
    %sign3A_13 = arith.cmpi sgt, %jit3A, %sign3A_12 : i32
    %sign3A_14 = arith.extui %sign3A_13 : i1 to i32
    %sign3A_15 = arith.constant 0 : i32
    %sign3A_16 = arith.cmpi slt, %jit3A, %sign3A_15 : i32
    %sign3A_17 = arith.extui %sign3A_16 : i1 to i32
    %sign3A_18 = arith.subi %sign3A_14, %sign3A_17 : i32
    %ne3A = arith.cmpi ne, %sign3A_11, %sign3A_18 : i32
    %rem3A = arith.remsi %sub3A_5, %jit3A : i32
    %ne3A_19 = arith.constant 0 : i32
    %ne3A_20 = arith.cmpi ne, %rem3A, %ne3A_19 : i32
    %and3A = arith.andi %ne3A, %ne3A_20 : i1
    %sub3A_21 = arith.constant 1 : i32
    %sub3A_22 = arith.subi %div3A, %sub3A_21 : i32
    %select_n3A = arith.select %and3A, %sub3A_22, %div3A : i32
    %while3A = arith.constant 0 : i32
    %while3A_23 = arith.constant 0 : i32
    %while3A_24 = arith.subi %select_n3A, %while3A_23 : i32
    %while3A_25 = arith.addi %while3A_23, %while3A_24 : i32
    %while3A_26 = arith.constant 1 : i32
    %while3A_27 = arith.divsi %while3A_24, %while3A_26 : i32
    %while3A_28 = arith.muli %while3A_27, %while3A_26 : i32
    %while3A_29 = arith.addi %while3A_23, %while3A_28 : i32
    %while3A_30 = arith.constant 1 : i32
    scf.for %while3A_32 = %while3A_23 to %while3A_29 step %while3A_30  : i32 {
      %mul3A_33 = arith.constant 32 : i32
      %mul3A_34 = arith.muli %while3A_32, %mul3A_33 : i32
      %add3A_35 = arith.addi %add3A, %mul3A_34 : i32
      %mul3A_36 = arith.constant 320 : i32
      %mul3A_37 = arith.muli %add3A_35, %mul3A_36 : i32
      %mul3A_38 = arith.constant 4 : i32
      %mul3A_39 = arith.muli %mul3A_37, %mul3A_38 : i32
      %dma_start3A = tpu.memref_slice %arg2[%mul3A_39] : memref<640000xf32, #tpu.memory_space<hbm>> -> memref<1280xf32, #tpu.memory_space<hbm>>
      %dma_start3A_40 = tpu.memref_slice %arg2[%mul3A_39] : memref<640000xf32, #tpu.memory_space<hbm>> -> memref<1280xf32, #tpu.memory_space<hbm>>
      tpu.enqueue_dma source(%dma_start3A_40 : memref<1280xf32, #tpu.memory_space<hbm>>) target(%arg7 : memref<1280xf32, #tpu.memory_space<vmem>>) target_semaphore(%arg9 : memref<!tpu.dma_semaphore, #tpu.memory_space<semaphore_mem>>)
      %dma_start3A_41 = tpu.memref_slice %arg3[%mul3A_37] : memref<160000xi32, #tpu.memory_space<hbm>> -> memref<320xi32, #tpu.memory_space<hbm>>
      %dma_start3A_42 = tpu.memref_slice %arg3[%mul3A_37] : memref<160000xi32, #tpu.memory_space<hbm>> -> memref<320xi32, #tpu.memory_space<hbm>>
      tpu.enqueue_dma source(%dma_start3A_42 : memref<320xi32, #tpu.memory_space<hbm>>) target(%arg8 : memref<320xi32, #tpu.memory_space<vmem>>) target_semaphore(%arg9 : memref<!tpu.dma_semaphore, #tpu.memory_space<semaphore_mem>>)
      %mul3A_43 = arith.constant 4 : i32
      %mul3A_44 = arith.muli %mul3A_37, %mul3A_43 : i32
      %dma_wait3A = tpu.memref_slice %arg2[%mul3A_44] : memref<640000xf32, #tpu.memory_space<hbm>> -> memref<1280xf32, #tpu.memory_space<hbm>>
      %dma_wait3A_45 = tpu.memref_slice %arg2[%mul3A_44] : memref<640000xf32, #tpu.memory_space<hbm>> -> memref<1280xf32, #tpu.memory_space<hbm>>
      tpu.wait_dma2 semaphore(%arg9 : memref<!tpu.dma_semaphore, #tpu.memory_space<semaphore_mem>>) src(%dma_wait3A_45 : memref<1280xf32, #tpu.memory_space<hbm>>) dst(%arg7 : memref<1280xf32, #tpu.memory_space<vmem>>)
      %dma_wait3A_46 = tpu.memref_slice %arg3[%mul3A_37] : memref<160000xi32, #tpu.memory_space<hbm>> -> memref<320xi32, #tpu.memory_space<hbm>>
      %dma_wait3A_47 = tpu.memref_slice %arg3[%mul3A_37] : memref<160000xi32, #tpu.memory_space<hbm>> -> memref<320xi32, #tpu.memory_space<hbm>>
      tpu.wait_dma2 semaphore(%arg9 : memref<!tpu.dma_semaphore, #tpu.memory_space<semaphore_mem>>) src(%dma_wait3A_47 : memref<320xi32, #tpu.memory_space<hbm>>) dst(%arg8 : memref<320xi32, #tpu.memory_space<vmem>>)
      %scan3A = arith.constant 0 : i32
      %scan3A_48 = arith.constant 0 : i32
      %scan3A_49 = arith.constant 20 : i32
      %scan3A_50 = arith.addi %scan3A_48, %scan3A_49 : i32
      %scan3A_51 = arith.constant 1 : i32
      scf.for %scan3A_55 = %scan3A_48 to %scan3A_50 step %scan3A_51  : i32 {
        %mul3A_56 = arith.constant 16 : i32
        %mul3A_57 = arith.muli %scan3A_55, %mul3A_56 : i32
        %get3A = arith.index_cast %mul3A_57 : i32 to index
        %get3A_58 = tpu.vector_load %arg8[%get3A] {strides = array<i32>} : memref<320xi32, #tpu.memory_space<vmem>>, vector<16xi32>,
        %mul3A_59 = arith.constant 64 : i32
        %mul3A_60 = arith.muli %scan3A_55, %mul3A_59 : i32
        %add3A_61 = arith.constant 0 : i32
        %add3A_62 = arith.addi %mul3A_60, %add3A_61 : i32
        %get3A_63 = arith.index_cast %add3A_62 : i32 to index
        %get3A_64 = tpu.vector_load %arg7[%get3A_63] {strides = array<i32>} : memref<1280xf32, #tpu.memory_space<vmem>>, vector<16xf32>,
        %add3A_65 = arith.constant 0 : i32
        %add3A_66 = vector.broadcast %add3A_65 : i32 to vector<16xi32>
        %add3A_67 = arith.addi %get3A_58, %add3A_66 : vector<16xi32>
        %gather3A = tpu.vector_load_idx %arg6[%add3A_67] : memref<30720xf32, #tpu.memory_space<vmem>>[vector<16xi32>], vector<16xf32>,
        %mul3A_68 = arith.mulf %get3A_64, %gather3A : vector<16xf32>
        %mul3A_69 = arith.constant 64 : i32
        %mul3A_70 = arith.muli %scan3A_55, %mul3A_69 : i32
        %add3A_71 = arith.constant 0 : i32
        %add3A_72 = arith.addi %mul3A_70, %add3A_71 : i32
        %swap3A = arith.index_cast %add3A_72 : i32 to index
        %swap3A_73 = tpu.vector_load %arg7[%swap3A] {strides = array<i32>} : memref<1280xf32, #tpu.memory_space<vmem>>, vector<16xf32>,
        tpu.vector_store %arg7[%swap3A], %mul3A_68 {strides = array<i32>} : memref<1280xf32, #tpu.memory_space<vmem>>, vector<16xf32>,
        %mul3A_74 = arith.constant 64 : i32
        %mul3A_75 = arith.muli %scan3A_55, %mul3A_74 : i32
        %add3A_76 = arith.constant 16 : i32
        %add3A_77 = arith.addi %mul3A_75, %add3A_76 : i32
        %get3A_78 = arith.index_cast %add3A_77 : i32 to index
        %get3A_79 = tpu.vector_load %arg7[%get3A_78] {strides = array<i32>} : memref<1280xf32, #tpu.memory_space<vmem>>, vector<16xf32>,
        %add3A_80 = arith.constant 10000 : i32
        %add3A_81 = vector.broadcast %add3A_80 : i32 to vector<16xi32>
        %add3A_82 = arith.addi %get3A_58, %add3A_81 : vector<16xi32>
        %gather3A_83 = tpu.vector_load_idx %arg6[%add3A_82] : memref<30720xf32, #tpu.memory_space<vmem>>[vector<16xi32>], vector<16xf32>,
        %mul3A_84 = arith.mulf %get3A_79, %gather3A_83 : vector<16xf32>
        %mul3A_85 = arith.constant 64 : i32
        %mul3A_86 = arith.muli %scan3A_55, %mul3A_85 : i32
        %add3A_87 = arith.constant 16 : i32
        %add3A_88 = arith.addi %mul3A_86, %add3A_87 : i32
        %swap3A_89 = arith.index_cast %add3A_88 : i32 to index
        %swap3A_90 = tpu.vector_load %arg7[%swap3A_89] {strides = array<i32>} : memref<1280xf32, #tpu.memory_space<vmem>>, vector<16xf32>,
        tpu.vector_store %arg7[%swap3A_89], %mul3A_84 {strides = array<i32>} : memref<1280xf32, #tpu.memory_space<vmem>>, vector<16xf32>,
        %mul3A_91 = arith.constant 64 : i32
        %mul3A_92 = arith.muli %scan3A_55, %mul3A_91 : i32
        %add3A_93 = arith.constant 32 : i32
        %add3A_94 = arith.addi %mul3A_92, %add3A_93 : i32
        %get3A_95 = arith.index_cast %add3A_94 : i32 to index
        %get3A_96 = tpu.vector_load %arg7[%get3A_95] {strides = array<i32>} : memref<1280xf32, #tpu.memory_space<vmem>>, vector<16xf32>,
        %add3A_97 = arith.constant 20000 : i32
        %add3A_98 = vector.broadcast %add3A_97 : i32 to vector<16xi32>
        %add3A_99 = arith.addi %get3A_58, %add3A_98 : vector<16xi32>
        %gather3A_100 = tpu.vector_load_idx %arg6[%add3A_99] : memref<30720xf32, #tpu.memory_space<vmem>>[vector<16xi32>], vector<16xf32>,
        %mul3A_101 = arith.mulf %get3A_96, %gather3A_100 : vector<16xf32>
        %mul3A_102 = arith.constant 64 : i32
        %mul3A_103 = arith.muli %scan3A_55, %mul3A_102 : i32
        %add3A_104 = arith.constant 32 : i32
        %add3A_105 = arith.addi %mul3A_103, %add3A_104 : i32
        %swap3A_106 = arith.index_cast %add3A_105 : i32 to index
        %swap3A_107 = tpu.vector_load %arg7[%swap3A_106] {strides = array<i32>} : memref<1280xf32, #tpu.memory_space<vmem>>, vector<16xf32>,
        tpu.vector_store %arg7[%swap3A_106], %mul3A_101 {strides = array<i32>} : memref<1280xf32, #tpu.memory_space<vmem>>, vector<16xf32>,
      }
      %scan3A_52 = arith.constant 20 : i32
      %mul3A_53 = arith.constant 4 : i32
      %mul3A_54 = arith.muli %mul3A_37, %mul3A_53 : i32
      "tpu.region"() ({
        %run_scoped3A = tpu.sem_alloc : memref<!tpu.dma_semaphore, #tpu.memory_space<semaphore_mem>>
        %dma_start3A_55 = tpu.memref_slice %arg5[%mul3A_54] : memref<640000xf32, #tpu.memory_space<hbm>> -> memref<1280xf32, #tpu.memory_space<hbm>>
        %dma_start3A_56 = tpu.memref_slice %arg5[%mul3A_54] : memref<640000xf32, #tpu.memory_space<hbm>> -> memref<1280xf32, #tpu.memory_space<hbm>>
        tpu.enqueue_dma source(%arg7 : memref<1280xf32, #tpu.memory_space<vmem>>) target(%dma_start3A_56 : memref<1280xf32, #tpu.memory_space<hbm>>) target_semaphore(%run_scoped3A : memref<!tpu.dma_semaphore, #tpu.memory_space<semaphore_mem>>)
        %dma_wait3A_57 = tpu.memref_slice %arg5[%mul3A_54] : memref<640000xf32, #tpu.memory_space<hbm>> -> memref<1280xf32, #tpu.memory_space<hbm>>
        %dma_wait3A_58 = tpu.memref_slice %arg5[%mul3A_54] : memref<640000xf32, #tpu.memory_space<hbm>> -> memref<1280xf32, #tpu.memory_space<hbm>>
        tpu.wait_dma2 semaphore(%run_scoped3A : memref<!tpu.dma_semaphore, #tpu.memory_space<semaphore_mem>>) src(%arg7 : memref<1280xf32, #tpu.memory_space<vmem>>) dst(%dma_wait3A_58 : memref<1280xf32, #tpu.memory_space<hbm>>)
        tpu.yield
      }) : () -> ()
    }
    %while3A_31 = arith.constant 1 : i32
    scf.for %while3A_32 = %while3A_29 to %while3A_25 step %while3A_31  : i32 {
      %mul3A_33 = arith.constant 32 : i32
      %mul3A_34 = arith.muli %while3A_32, %mul3A_33 : i32
      %add3A_35 = arith.addi %add3A, %mul3A_34 : i32
      %mul3A_36 = arith.constant 320 : i32
      %mul3A_37 = arith.muli %add3A_35, %mul3A_36 : i32
      %mul3A_38 = arith.constant 4 : i32
      %mul3A_39 = arith.muli %mul3A_37, %mul3A_38 : i32
      %dma_start3A = tpu.memref_slice %arg2[%mul3A_39] : memref<640000xf32, #tpu.memory_space<hbm>> -> memref<1280xf32, #tpu.memory_space<hbm>>
      %dma_start3A_40 = tpu.memref_slice %arg2[%mul3A_39] : memref<640000xf32, #tpu.memory_space<hbm>> -> memref<1280xf32, #tpu.memory_space<hbm>>
      tpu.enqueue_dma source(%dma_start3A_40 : memref<1280xf32, #tpu.memory_space<hbm>>) target(%arg7 : memref<1280xf32, #tpu.memory_space<vmem>>) target_semaphore(%arg9 : memref<!tpu.dma_semaphore, #tpu.memory_space<semaphore_mem>>)
      %dma_start3A_41 = tpu.memref_slice %arg3[%mul3A_37] : memref<160000xi32, #tpu.memory_space<hbm>> -> memref<320xi32, #tpu.memory_space<hbm>>
      %dma_start3A_42 = tpu.memref_slice %arg3[%mul3A_37] : memref<160000xi32, #tpu.memory_space<hbm>> -> memref<320xi32, #tpu.memory_space<hbm>>
      tpu.enqueue_dma source(%dma_start3A_42 : memref<320xi32, #tpu.memory_space<hbm>>) target(%arg8 : memref<320xi32, #tpu.memory_space<vmem>>) target_semaphore(%arg9 : memref<!tpu.dma_semaphore, #tpu.memory_space<semaphore_mem>>)
      %mul3A_43 = arith.constant 4 : i32
      %mul3A_44 = arith.muli %mul3A_37, %mul3A_43 : i32
      %dma_wait3A = tpu.memref_slice %arg2[%mul3A_44] : memref<640000xf32, #tpu.memory_space<hbm>> -> memref<1280xf32, #tpu.memory_space<hbm>>
      %dma_wait3A_45 = tpu.memref_slice %arg2[%mul3A_44] : memref<640000xf32, #tpu.memory_space<hbm>> -> memref<1280xf32, #tpu.memory_space<hbm>>
      tpu.wait_dma2 semaphore(%arg9 : memref<!tpu.dma_semaphore, #tpu.memory_space<semaphore_mem>>) src(%dma_wait3A_45 : memref<1280xf32, #tpu.memory_space<hbm>>) dst(%arg7 : memref<1280xf32, #tpu.memory_space<vmem>>)
      %dma_wait3A_46 = tpu.memref_slice %arg3[%mul3A_37] : memref<160000xi32, #tpu.memory_space<hbm>> -> memref<320xi32, #tpu.memory_space<hbm>>
      %dma_wait3A_47 = tpu.memref_slice %arg3[%mul3A_37] : memref<160000xi32, #tpu.memory_space<hbm>> -> memref<320xi32, #tpu.memory_space<hbm>>
      tpu.wait_dma2 semaphore(%arg9 : memref<!tpu.dma_semaphore, #tpu.memory_space<semaphore_mem>>) src(%dma_wait3A_47 : memref<320xi32, #tpu.memory_space<hbm>>) dst(%arg8 : memref<320xi32, #tpu.memory_space<vmem>>)
      %scan3A = arith.constant 0 : i32
      %scan3A_48 = arith.constant 0 : i32
      %scan3A_49 = arith.constant 20 : i32
      %scan3A_50 = arith.addi %scan3A_48, %scan3A_49 : i32
      %scan3A_51 = arith.constant 1 : i32
      scf.for %scan3A_55 = %scan3A_48 to %scan3A_50 step %scan3A_51  : i32 {
        %mul3A_56 = arith.constant 16 : i32
        %mul3A_57 = arith.muli %scan3A_55, %mul3A_56 : i32
        %get3A = arith.index_cast %mul3A_57 : i32 to index
        %get3A_58 = tpu.vector_load %arg8[%get3A] {strides = array<i32>} : memref<320xi32, #tpu.memory_space<vmem>>, vector<16xi32>,
        %mul3A_59 = arith.constant 64 : i32
        %mul3A_60 = arith.muli %scan3A_55, %mul3A_59 : i32
        %add3A_61 = arith.constant 0 : i32
        %add3A_62 = arith.addi %mul3A_60, %add3A_61 : i32
        %get3A_63 = arith.index_cast %add3A_62 : i32 to index
        %get3A_64 = tpu.vector_load %arg7[%get3A_63] {strides = array<i32>} : memref<1280xf32, #tpu.memory_space<vmem>>, vector<16xf32>,
        %add3A_65 = arith.constant 0 : i32
        %add3A_66 = vector.broadcast %add3A_65 : i32 to vector<16xi32>
        %add3A_67 = arith.addi %get3A_58, %add3A_66 : vector<16xi32>
        %gather3A = tpu.vector_load_idx %arg6[%add3A_67] : memref<30720xf32, #tpu.memory_space<vmem>>[vector<16xi32>], vector<16xf32>,
        %mul3A_68 = arith.mulf %get3A_64, %gather3A : vector<16xf32>
        %mul3A_69 = arith.constant 64 : i32
        %mul3A_70 = arith.muli %scan3A_55, %mul3A_69 : i32
        %add3A_71 = arith.constant 0 : i32
        %add3A_72 = arith.addi %mul3A_70, %add3A_71 : i32
        %swap3A = arith.index_cast %add3A_72 : i32 to index
        %swap3A_73 = tpu.vector_load %arg7[%swap3A] {strides = array<i32>} : memref<1280xf32, #tpu.memory_space<vmem>>, vector<16xf32>,
        tpu.vector_store %arg7[%swap3A], %mul3A_68 {strides = array<i32>} : memref<1280xf32, #tpu.memory_space<vmem>>, vector<16xf32>,
        %mul3A_74 = arith.constant 64 : i32
        %mul3A_75 = arith.muli %scan3A_55, %mul3A_74 : i32
        %add3A_76 = arith.constant 16 : i32
        %add3A_77 = arith.addi %mul3A_75, %add3A_76 : i32
        %get3A_78 = arith.index_cast %add3A_77 : i32 to index
        %get3A_79 = tpu.vector_load %arg7[%get3A_78] {strides = array<i32>} : memref<1280xf32, #tpu.memory_space<vmem>>, vector<16xf32>,
        %add3A_80 = arith.constant 10000 : i32
        %add3A_81 = vector.broadcast %add3A_80 : i32 to vector<16xi32>
        %add3A_82 = arith.addi %get3A_58, %add3A_81 : vector<16xi32>
        %gather3A_83 = tpu.vector_load_idx %arg6[%add3A_82] : memref<30720xf32, #tpu.memory_space<vmem>>[vector<16xi32>], vector<16xf32>,
        %mul3A_84 = arith.mulf %get3A_79, %gather3A_83 : vector<16xf32>
        %mul3A_85 = arith.constant 64 : i32
        %mul3A_86 = arith.muli %scan3A_55, %mul3A_85 : i32
        %add3A_87 = arith.constant 16 : i32
        %add3A_88 = arith.addi %mul3A_86, %add3A_87 : i32
        %swap3A_89 = arith.index_cast %add3A_88 : i32 to index
        %swap3A_90 = tpu.vector_load %arg7[%swap3A_89] {strides = array<i32>} : memref<1280xf32, #tpu.memory_space<vmem>>, vector<16xf32>,
        tpu.vector_store %arg7[%swap3A_89], %mul3A_84 {strides = array<i32>} : memref<1280xf32, #tpu.memory_space<vmem>>, vector<16xf32>,
        %mul3A_91 = arith.constant 64 : i32
        %mul3A_92 = arith.muli %scan3A_55, %mul3A_91 : i32
        %add3A_93 = arith.constant 32 : i32
        %add3A_94 = arith.addi %mul3A_92, %add3A_93 : i32
        %get3A_95 = arith.index_cast %add3A_94 : i32 to index
        %get3A_96 = tpu.vector_load %arg7[%get3A_95] {strides = array<i32>} : memref<1280xf32, #tpu.memory_space<vmem>>, vector<16xf32>,
        %add3A_97 = arith.constant 20000 : i32
        %add3A_98 = vector.broadcast %add3A_97 : i32 to vector<16xi32>
        %add3A_99 = arith.addi %get3A_58, %add3A_98 : vector<16xi32>
        %gather3A_100 = tpu.vector_load_idx %arg6[%add3A_99] : memref<30720xf32, #tpu.memory_space<vmem>>[vector<16xi32>], vector<16xf32>,
        %mul3A_101 = arith.mulf %get3A_96, %gather3A_100 : vector<16xf32>
        %mul3A_102 = arith.constant 64 : i32
        %mul3A_103 = arith.muli %scan3A_55, %mul3A_102 : i32
        %add3A_104 = arith.constant 32 : i32
        %add3A_105 = arith.addi %mul3A_103, %add3A_104 : i32
        %swap3A_106 = arith.index_cast %add3A_105 : i32 to index
        %swap3A_107 = tpu.vector_load %arg7[%swap3A_106] {strides = array<i32>} : memref<1280xf32, #tpu.memory_space<vmem>>, vector<16xf32>,
        tpu.vector_store %arg7[%swap3A_106], %mul3A_101 {strides = array<i32>} : memref<1280xf32, #tpu.memory_space<vmem>>, vector<16xf32>,
      }
      %scan3A_52 = arith.constant 20 : i32
      %mul3A_53 = arith.constant 4 : i32
      %mul3A_54 = arith.muli %mul3A_37, %mul3A_53 : i32
      "tpu.region"() ({
        %run_scoped3A = tpu.sem_alloc : memref<!tpu.dma_semaphore, #tpu.memory_space<semaphore_mem>>
        %dma_start3A_55 = tpu.memref_slice %arg5[%mul3A_54] : memref<640000xf32, #tpu.memory_space<hbm>> -> memref<1280xf32, #tpu.memory_space<hbm>>
        %dma_start3A_56 = tpu.memref_slice %arg5[%mul3A_54] : memref<640000xf32, #tpu.memory_space<hbm>> -> memref<1280xf32, #tpu.memory_space<hbm>>
        tpu.enqueue_dma source(%arg7 : memref<1280xf32, #tpu.memory_space<vmem>>) target(%dma_start3A_56 : memref<1280xf32, #tpu.memory_space<hbm>>) target_semaphore(%run_scoped3A : memref<!tpu.dma_semaphore, #tpu.memory_space<semaphore_mem>>)
        %dma_wait3A_57 = tpu.memref_slice %arg5[%mul3A_54] : memref<640000xf32, #tpu.memory_space<hbm>> -> memref<1280xf32, #tpu.memory_space<hbm>>
        %dma_wait3A_58 = tpu.memref_slice %arg5[%mul3A_54] : memref<640000xf32, #tpu.memory_space<hbm>> -> memref<1280xf32, #tpu.memory_space<hbm>>
        tpu.wait_dma2 semaphore(%run_scoped3A : memref<!tpu.dma_semaphore, #tpu.memory_space<semaphore_mem>>) src(%arg7 : memref<1280xf32, #tpu.memory_space<vmem>>) dst(%dma_wait3A_58 : memref<1280xf32, #tpu.memory_space<hbm>>)
        tpu.yield
      }) : () -> ()
    }
    return
  }
}

module attributes {stable_mosaic.version = 14 : i64} {
  func.func @_mm_body(%arg0: i32, %arg1: memref<1000x128xf32, #tpu.memory_space<vmem>>, %arg2: memref<128x128xf32, #tpu.memory_space<vmem>>, %arg3: memref<128x8xf32, #tpu.memory_space<vmem>>, %arg4: memref<384x128xf32, #tpu.memory_space<vmem>>, %arg5: memref<1000x384xf32, #tpu.memory_space<vmem>>, %arg6: memref<1000x8xf32, #tpu.memory_space<vmem>>) attributes {dimension_semantics = [#tpu.dimension_semantics<arbitrary>], iteration_bounds = array<i64: 10>, scalar_prefetch = 0 : i64, scratch_operands = 0 : i64, tpu.core_type = #tpu.core_type<tc>, window_params = [{transform_indices = @transform_0, window_bounds = array<i64: 1000, 128>}, {pipeline_mode = #tpu.pipeline_mode<synchronous>, transform_indices = @transform_1, window_bounds = array<i64: 128, 128>}, {pipeline_mode = #tpu.pipeline_mode<synchronous>, transform_indices = @transform_2, window_bounds = array<i64: 128, 8>}, {pipeline_mode = #tpu.pipeline_mode<synchronous>, transform_indices = @transform_3, window_bounds = array<i64: 384, 128>}, {transform_indices = @transform_4, window_bounds = array<i64: 1000, 384>}, {transform_indices = @transform_5, window_bounds = array<i64: 1000, 8>}]} {
    %get3A = arith.constant 0 : index
    %get3A_0 = arith.constant 0 : index
    %get3A_1 = vector.load %arg2[%get3A, %get3A_0] : memref<128x128xf32, #tpu.memory_space<vmem>>, vector<128x128xf32>
    %get3A_2 = arith.constant 0 : index
    %get3A_3 = arith.constant 0 : index
    %get3A_4 = vector.load %arg1[%get3A_2, %get3A_3] : memref<1000x128xf32, #tpu.memory_space<vmem>>, vector<1000x128xf32>
    %get3A_5 = arith.constant 0 : index
    %get3A_6 = arith.constant 0 : index
    %get3A_7 = vector.load %arg4[%get3A_5, %get3A_6] : memref<384x128xf32, #tpu.memory_space<vmem>>, vector<128x128xf32>
    %dot_general3A = arith.constant dense<0.000000e+00> : vector<128x128xf32>
    %dot_general3A_8 = tpu.matmul %get3A_1, %get3A_7, %dot_general3A {dimension_numbers = #tpu.dot_dimension_numbers<[1], [0], [0], [1], [0, 0, 1, 1], [], []>, transpose_lhs_hint = false} : vector<128x128xf32>, vector<128x128xf32>, vector<128x128xf32> -> vector<128x128xf32>
    %dot_general3A_9 = arith.constant dense<0.000000e+00> : vector<1000x128xf32>
    %dot_general3A_10 = tpu.matmul %get3A_4, %dot_general3A_8, %dot_general3A_9 {dimension_numbers = #tpu.dot_dimension_numbers<[1], [0], [0], [1], [0, 0, 1, 1], [], []>, transpose_lhs_hint = false} : vector<1000x128xf32>, vector<128x128xf32>, vector<1000x128xf32> -> vector<1000x128xf32>
    %swap3A = arith.constant 0 : index
    %swap3A_11 = arith.constant 0 : index
    %swap3A_12 = vector.load %arg5[%swap3A, %swap3A_11] : memref<1000x384xf32, #tpu.memory_space<vmem>>, vector<1000x128xf32>
    tpu.vector_store %arg5[%swap3A, %swap3A_11], %dot_general3A_10 {strides = array<i32>} : memref<1000x384xf32, #tpu.memory_space<vmem>>, vector<1000x128xf32>,
    %get3A_13 = arith.constant 128 : index
    %get3A_14 = arith.constant 0 : index
    %get3A_15 = vector.load %arg4[%get3A_13, %get3A_14] : memref<384x128xf32, #tpu.memory_space<vmem>>, vector<128x128xf32>
    %dot_general3A_16 = arith.constant dense<0.000000e+00> : vector<128x128xf32>
    %dot_general3A_17 = tpu.matmul %get3A_1, %get3A_15, %dot_general3A_16 {dimension_numbers = #tpu.dot_dimension_numbers<[1], [0], [0], [1], [0, 0, 1, 1], [], []>, transpose_lhs_hint = false} : vector<128x128xf32>, vector<128x128xf32>, vector<128x128xf32> -> vector<128x128xf32>
    %dot_general3A_18 = arith.constant dense<0.000000e+00> : vector<1000x128xf32>
    %dot_general3A_19 = tpu.matmul %get3A_4, %dot_general3A_17, %dot_general3A_18 {dimension_numbers = #tpu.dot_dimension_numbers<[1], [0], [0], [1], [0, 0, 1, 1], [], []>, transpose_lhs_hint = false} : vector<1000x128xf32>, vector<128x128xf32>, vector<1000x128xf32> -> vector<1000x128xf32>
    %swap3A_20 = arith.constant 0 : index
    %swap3A_21 = arith.constant 128 : index
    %swap3A_22 = vector.load %arg5[%swap3A_20, %swap3A_21] : memref<1000x384xf32, #tpu.memory_space<vmem>>, vector<1000x128xf32>
    tpu.vector_store %arg5[%swap3A_20, %swap3A_21], %dot_general3A_19 {strides = array<i32>} : memref<1000x384xf32, #tpu.memory_space<vmem>>, vector<1000x128xf32>,
    %get3A_23 = arith.constant 256 : index
    %get3A_24 = arith.constant 0 : index
    %get3A_25 = vector.load %arg4[%get3A_23, %get3A_24] : memref<384x128xf32, #tpu.memory_space<vmem>>, vector<128x128xf32>
    %dot_general3A_26 = arith.constant dense<0.000000e+00> : vector<128x128xf32>
    %dot_general3A_27 = tpu.matmul %get3A_1, %get3A_25, %dot_general3A_26 {dimension_numbers = #tpu.dot_dimension_numbers<[1], [0], [0], [1], [0, 0, 1, 1], [], []>, transpose_lhs_hint = false} : vector<128x128xf32>, vector<128x128xf32>, vector<128x128xf32> -> vector<128x128xf32>
    %dot_general3A_28 = arith.constant dense<0.000000e+00> : vector<1000x128xf32>
    %dot_general3A_29 = tpu.matmul %get3A_4, %dot_general3A_27, %dot_general3A_28 {dimension_numbers = #tpu.dot_dimension_numbers<[1], [0], [0], [1], [0, 0, 1, 1], [], []>, transpose_lhs_hint = false} : vector<1000x128xf32>, vector<128x128xf32>, vector<1000x128xf32> -> vector<1000x128xf32>
    %swap3A_30 = arith.constant 0 : index
    %swap3A_31 = arith.constant 256 : index
    %swap3A_32 = vector.load %arg5[%swap3A_30, %swap3A_31] : memref<1000x384xf32, #tpu.memory_space<vmem>>, vector<1000x128xf32>
    tpu.vector_store %arg5[%swap3A_30, %swap3A_31], %dot_general3A_29 {strides = array<i32>} : memref<1000x384xf32, #tpu.memory_space<vmem>>, vector<1000x128xf32>,
    %get3A_33 = arith.constant 0 : index
    %get3A_34 = arith.constant 0 : index
    %get3A_35 = vector.load %arg3[%get3A_33, %get3A_34] : memref<128x8xf32, #tpu.memory_space<vmem>>, vector<128x8xf32>
    %dot_general3A_36 = arith.constant dense<0.000000e+00> : vector<128x8xf32>
    %dot_general3A_37 = tpu.matmul %get3A_1, %get3A_35, %dot_general3A_36 {dimension_numbers = #tpu.dot_dimension_numbers<[1], [0], [0], [1], [0, 0, 1, 1], [], []>, transpose_lhs_hint = false} : vector<128x128xf32>, vector<128x8xf32>, vector<128x8xf32> -> vector<128x8xf32>
    %dot_general3A_38 = arith.constant dense<0.000000e+00> : vector<1000x8xf32>
    %dot_general3A_39 = tpu.matmul %get3A_4, %dot_general3A_37, %dot_general3A_38 {dimension_numbers = #tpu.dot_dimension_numbers<[1], [0], [0], [1], [0, 0, 1, 1], [], []>, transpose_lhs_hint = false} : vector<1000x128xf32>, vector<128x8xf32>, vector<1000x8xf32> -> vector<1000x8xf32>
    %swap3A_40 = arith.constant 0 : index
    %swap3A_41 = arith.constant 0 : index
    %swap3A_42 = vector.load %arg6[%swap3A_40, %swap3A_41] : memref<1000x8xf32, #tpu.memory_space<vmem>>, vector<1000x8xf32>
    tpu.vector_store %arg6[%swap3A_40, %swap3A_41], %dot_general3A_39 {strides = array<i32>} : memref<1000x8xf32, #tpu.memory_space<vmem>>, vector<1000x8xf32>,
    return
  }
  func.func @transform_0(%arg0: i32) -> (i32, i32) {
    %c0_i32 = arith.constant 0 : i32
    %c0_i32_0 = arith.constant 0 : i32
    return %arg0, %c0_i32 : i32, i32
  }
  func.func @transform_1(%arg0: i32) -> (i32, i32) {
    %c0_i32 = arith.constant 0 : i32
    %c0_i32_0 = arith.constant 0 : i32
    %c0_i32_1 = arith.constant 0 : i32
    return %c0_i32, %c0_i32_0 : i32, i32
  }
  func.func @transform_2(%arg0: i32) -> (i32, i32) {
    %c0_i32 = arith.constant 0 : i32
    %c0_i32_0 = arith.constant 0 : i32
    %c0_i32_1 = arith.constant 0 : i32
    return %c0_i32, %c0_i32_0 : i32, i32
  }
  func.func @transform_3(%arg0: i32) -> (i32, i32) {
    %c0_i32 = arith.constant 0 : i32
    %c0_i32_0 = arith.constant 0 : i32
    %c0_i32_1 = arith.constant 0 : i32
    return %c0_i32, %c0_i32_0 : i32, i32
  }
  func.func @transform_4(%arg0: i32) -> (i32, i32) {
    %c0_i32 = arith.constant 0 : i32
    %c0_i32_0 = arith.constant 0 : i32
    return %arg0, %c0_i32 : i32, i32
  }
  func.func @transform_5(%arg0: i32) -> (i32, i32) {
    %c0_i32 = arith.constant 0 : i32
    %c0_i32_0 = arith.constant 0 : i32
    return %arg0, %c0_i32 : i32, i32
  }
}

module attributes {stable_mosaic.version = 14 : i64} {
  func.func @_rcp_body(%arg0: memref<32x240x128xf32, #tpu.memory_space<vmem>>, %arg1: memref<240x128xf32, #tpu.memory_space<vmem>>) attributes {dimension_semantics = [], scalar_prefetch = 0 : i64, scratch_operands = 0 : i64, tpu.core_type = #tpu.core_type<tc>} {
    %get3A = arith.constant 0 : index
    %get3A_0 = arith.constant 0 : index
    %get3A_1 = arith.constant 0 : index
    %get3A_2 = vector.load %arg0[%get3A, %get3A_0, %get3A_1] : memref<32x240x128xf32, #tpu.memory_space<vmem>>, vector<32x240x128xf32>
    %reduce_sum3A = arith.constant dense<0.000000e+00> : vector<240x128xf32>
    %reduce_sum3A_3 = vector.multi_reduction <add>, %get3A_2, %reduce_sum3A [0] : vector<32x240x128xf32> to vector<240x128xf32>
    %add3A = arith.constant 1.000000e-30 : f32
    %add3A_4 = vector.broadcast %add3A : f32 to vector<240x128xf32>
    %add3A_5 = arith.addf %reduce_sum3A_3, %add3A_4 : vector<240x128xf32>
    %div3A = arith.constant 1.000000e+00 : f32
    %div3A_6 = vector.broadcast %div3A : f32 to vector<240x128xf32>
    %div3A_7 = arith.divf %div3A_6, %add3A_5 : vector<240x128xf32>
    %swap3A = arith.constant 0 : index
    %swap3A_8 = arith.constant 0 : index
    %swap3A_9 = vector.load %arg1[%swap3A, %swap3A_8] : memref<240x128xf32, #tpu.memory_space<vmem>>, vector<240x128xf32>
    tpu.vector_store %arg1[%swap3A, %swap3A_8], %div3A_7 {strides = array<i32>} : memref<240x128xf32, #tpu.memory_space<vmem>>, vector<240x128xf32>,
    return
  }
}

module attributes {stable_mosaic.version = 14 : i64} {
  func.func @_add_body(%arg0: i32, %arg1: memref<1000x128xf32, #tpu.memory_space<vmem>>, %arg2: memref<1000x128xf32, #tpu.memory_space<vmem>>, %arg3: memref<1000x128xf32, #tpu.memory_space<vmem>>) attributes {dimension_semantics = [#tpu.dimension_semantics<arbitrary>], iteration_bounds = array<i64: 10>, scalar_prefetch = 0 : i64, scratch_operands = 0 : i64, tpu.core_type = #tpu.core_type<tc>, window_params = [{transform_indices = @transform_0, window_bounds = array<i64: 1000, 128>}, {transform_indices = @transform_1, window_bounds = array<i64: 1000, 128>}, {transform_indices = @transform_2, window_bounds = array<i64: 1000, 128>}]} {
    %get3A = arith.constant 0 : index
    %get3A_0 = arith.constant 0 : index
    %get3A_1 = vector.load %arg1[%get3A, %get3A_0] : memref<1000x128xf32, #tpu.memory_space<vmem>>, vector<1000x128xf32>
    %get3A_2 = arith.constant 0 : index
    %get3A_3 = arith.constant 0 : index
    %get3A_4 = vector.load %arg2[%get3A_2, %get3A_3] : memref<1000x128xf32, #tpu.memory_space<vmem>>, vector<1000x128xf32>
    %add3A = arith.addf %get3A_1, %get3A_4 : vector<1000x128xf32>
    %swap3A = arith.constant 0 : index
    %swap3A_5 = arith.constant 0 : index
    %swap3A_6 = vector.load %arg3[%swap3A, %swap3A_5] : memref<1000x128xf32, #tpu.memory_space<vmem>>, vector<1000x128xf32>
    tpu.vector_store %arg3[%swap3A, %swap3A_5], %add3A {strides = array<i32>} : memref<1000x128xf32, #tpu.memory_space<vmem>>, vector<1000x128xf32>,
    return
  }
  func.func @transform_0(%arg0: i32) -> (i32, i32) {
    %c0_i32 = arith.constant 0 : i32
    %c0_i32_0 = arith.constant 0 : i32
    return %arg0, %c0_i32 : i32, i32
  }
  func.func @transform_1(%arg0: i32) -> (i32, i32) {
    %c0_i32 = arith.constant 0 : i32
    %c0_i32_0 = arith.constant 0 : i32
    return %arg0, %c0_i32 : i32, i32
  }
  func.func @transform_2(%arg0: i32) -> (i32, i32) {
    %c0_i32 = arith.constant 0 : i32
    %c0_i32_0 = arith.constant 0 : i32
    return %arg0, %c0_i32 : i32, i32
  }
}

</mosaic_0001>

<sc_bundles>
// kernel: kernel.11.cloned.1.call-start
scs
__scs_entry_jumppad:
0x0: {  	(pc) =	sbr.rel $0x88, $3  }
0x1: {  	(tag) =	ssettag $0x0;
	lr =	simm.s32 $0x1  }
0x2: {  	[smem:$0x3F9A] =	sst lr;
	_ =	strace $0xD0000000  }
0x3: {  	_ = 	snop  }
0x4: {  	_ = 	snop  }
0x5: {  	_ = 	snop  }
0x6: {  	_ = 	snop  }
0x7: {  	_ = 	snop  }
__scs_overlays_trampoline_lowered:
0x8: {  	[smem:$0x3FA9] =	sst s0  }
0x9: {  	[smem:$0x3FAA] =	sst s1  }
0xa: {  	[smem:$0x3FAB] =	sst s2  }
0xb: {  	[smem:$0x3FAC] =	sst s3  }
0xc: {  	[smem:$0x3FAD] =	sst s4  }
0xd: {  	[smem:$0x3FAE] =	sst s5  }
0xe: {  	[smem:$0x3FAF] =	sst s6  }
0xf: {  	[smem:$0x3FB0] =	sst s7  }
0x10: {  	[smem:$0x3FB1] =	sst s8  }
0x11: {  	[smem:$0x3FB2] =	sst s9;
	s0 =	simm.s32 @!p0 $0x0  }
0x12: {  	s1 =	sld [smem:$0x3F98];
	s0 =	simm.s32 @p0 $0x1  }
0x13: {  	[smem:$0x3FB3] =	sst s0;
	s0 =	simm.s32 @!p1 $0x0  }
0x14: {  	s2 =	sld [smem:$0x3F97];
	s0 =	simm.s32 @p1 $0x1  }
0x15: {  	[smem:$0x3FB4] =	sst s0;
	s0 =	simm.s32 @!p2 $0x0  }
0x16: {  	s3 =	sld [smem:$0x3FDB];
	s0 =	simm.s32 @p2 $0x1  }
0x17: {  	s4 =	simm.s32 $0x1BF5;
	[smem:$0x3FB6] =	sst s0  }
0x18: {  	s0 =	sld [smem:$0x3F99];
	_ =	swait.ge [sflag:s4], $0x0  }
0x19: {  	s7 =	sld [smem:$0x3F9A]  }
0x1a: {  	s8 =	sadd.s32 $0xFFFFE003, lr  }
0x1b: {  	s9 =	sadd.s32 $0xFFFFFEF7, lr;
	s5 =	simm.s32 $0xFFFFFFFF;
	p2 =	slt.u32 s8, $0xFFFFF086  }
0x1c: {  	p1 =	slt.u32 s9, $0xF7A;
	s5 =	simm.s32 @!p2 $0x0  }
0x1d: {  	s5 =	simm.s32 @p1 $0x1;
	p0 =	seq.s32 s7, s2  }
0x1e: {  	s7 =	smul.u32 @!p0 $0xF7A, s2;
	p2 =	seq.s32 @!p0 s5, $0x0  }
0x1f: {  	s9 =	smul.u32 $0xF7A, s1;
	s8 =	simm.s32 @!p0 $0x1BF5;
	p2 =	por !p2, p0  }
0x20: {  	[sflag:s8] =	ssyncset.s32 @!p0 $0xFFFFF086;
	s6 =	sadd.s32 @!p0 s3, s7;
	s7 =	simm.s32 @!p0 $0x108  }
0x21: {  	s3 =	sadd.s32 s3, s9;
	s6 =	sadd.s32 @!p0 $0x88, s6;
	s7 =	simm.s32 @p2 $0x1082  }
0x22: {  	[simem:s7], [sflag:s8] =	dma.local @!p0 [hbm:s6], $0xF7A  }
0x23: {  	s9 =	sor.u32 $0xD0000000, s2;
	s6 =	simm.s32 $0x108;
	_ =	swait.ge @!p0 [sflag:s8], $0x0  }
0x24: {  	s3 =	sadd.s32 $0x88, s3;
	s6 =	simm.s32 @!p1 $0x1082;
	[sflag:s4] =	ssyncset.s32 $0xFFFFF086  }
0x25: {  	[simem:s6], [sflag:s4] =	dma.local [hbm:s3], $0xF7A  }
0x26: {  	[smem:$0x3F9A] =	sst s1;
	(tag) =	ssettag s2;
	_ =	strace s9  }
0x27: {  	s1 =	sld [smem:$0x3FAA]  }
0x28: {  	s2 =	sld [smem:$0x3FAB]  }
0x29: {  	s4 =	sld [smem:$0x3FAD]  }
0x2a: {  	p0 =	seq.s32 s5, $0x0;
	s5 =	sld [smem:$0x3FAE]  }
0x2b: {  	s6 =	sld [smem:$0x3FAF]  }
0x2c: {  	s7 =	sld [smem:$0x3FB0]  }
0x2d: {  	s3 =	simm.s32 $0x108;
	s8 =	sld [smem:$0x3FB1]  }
0x2e: {  	s3 =	simm.s32 @!p0 $0x1082;
	s9 =	sld [smem:$0x3FB2]  }
0x2f: {  	lr =	sadd.s32 s0, s3;
	s0 =	sld [smem:$0x3FA9]  }
0x30: {  	s3 =	sld [smem:$0x3FAC]  }
0x31: {  	[smem:$0x3FB5] =	sst s10  }
0x32: {  	s10 =	sld [smem:$0x3FB3];
	_ =	sdelay $0x3  }
0x33: {  	p0 =	seq.s32 s10, $0x1;
	s10 =	sld [smem:$0x3FB5];
	_ =	sdelay $0x3  }
0x34: {  	[smem:$0x3FB5] =	sst s10  }
0x35: {  	s10 =	sld [smem:$0x3FB4];
	_ =	sdelay $0x3  }
0x36: {  	p1 =	seq.s32 s10, $0x1;
	s10 =	sld [smem:$0x3FB5];
	_ =	sdelay $0x3  }
0x37: {  	[smem:$0x3FB5] =	sst s10  }
0x38: {  	s10 =	sld [smem:$0x3FB6]  }
0x39: {  	_ = 	snop;
	(pc) =	sbr.ind lr, $3  }
0x3a: {  	_ = 	snop  }
0x3b: {  	_ = 	snop  }
0x3c: {  	p2 =	seq.s32 s10, $0x1;
	s10 =	sld [smem:$0x3FB5]  }
0x3d: {  	_ =	shalt  }
0x3e: {  	_ =	shalt  }
0x3f: {  	_ =	shalt  }
0x40: {  	_ =	shalt  }
0x41: {  	_ =	shalt  }
0x42: {  	_ =	shalt  }
0x43: {  	_ =	shalt  }
0x44: {  	_ =	shalt  }
0x45: {  	_ =	shalt  }
0x46: {  	_ =	shalt  }
0x47: {  	_ =	shalt  }
0x48: {  	_ =	shalt  }
0x49: {  	_ =	shalt  }
0x4a: {  	_ =	shalt  }
0x4b: {  	_ =	shalt  }
0x4c: {  	_ =	shalt  }
0x4d: {  	_ =	shalt  }
0x4e: {  	_ =	shalt  }
0x4f: {  	_ =	shalt  }
0x50: {  	_ =	shalt  }
0x51: {  	_ =	shalt  }
0x52: {  	_ =	shalt  }
0x53: {  	_ =	shalt  }
0x54: {  	_ =	shalt  }
0x55: {  	_ =	shalt  }
0x56: {  	_ =	shalt  }
0x57: {  	_ =	shalt  }
0x58: {  	_ =	shalt  }
0x59: {  	_ =	shalt  }
0x5a: {  	_ =	shalt  }
0x5b: {  	_ =	shalt  }
0x5c: {  	_ =	shalt  }
0x5d: {  	_ =	shalt  }
0x5e: {  	_ =	shalt  }
0x5f: {  	_ =	shalt  }
0x60: {  	_ =	shalt  }
0x61: {  	_ =	shalt  }
0x62: {  	_ =	shalt  }
0x63: {  	_ =	shalt  }
0x64: {  	_ =	shalt  }
0x65: {  	_ =	shalt  }
0x66: {  	_ =	shalt  }
0x67: {  	_ =	shalt  }
0x68: {  	_ =	shalt  }
0x69: {  	_ =	shalt  }
0x6a: {  	_ =	shalt  }
0x6b: {  	_ =	shalt  }
0x6c: {  	_ =	shalt  }
0x6d: {  	_ =	shalt  }
0x6e: {  	_ =	shalt  }
0x6f: {  	_ =	shalt  }
0x70: {  	_ =	shalt  }
0x71: {  	_ =	shalt  }
0x72: {  	_ =	shalt  }
0x73: {  	_ =	shalt  }
0x74: {  	_ =	shalt  }
0x75: {  	_ =	shalt  }
0x76: {  	_ =	shalt  }
0x77: {  	_ =	shalt  }
0x78: {  	_ =	shalt  }
0x79: {  	_ =	shalt  }
0x7a: {  	_ =	shalt  }
0x7b: {  	_ =	shalt  }
0x7c: {  	_ =	shalt  }
0x7d: {  	_ =	shalt  }
0x7e: {  	_ =	shalt  }
0x7f: {  	_ =	shalt  }
0x80: {  	_ =	shalt  }
0x81: {  	_ =	shalt  }
0x82: {  	_ =	shalt  }
0x83: {  	_ =	shalt  }
0x84: {  	_ =	shalt  }
0x85: {  	_ =	shalt  }
0x86: {  	_ =	shalt  }
0x87: {  	_ =	shalt  }
.Lfunc_end0:
.L_simem_size_0:
called_computation.1_lowered:
.L_overlay_start_0:
0x88: {  	s2 =	sld [smem:$0x3FD9]  }
0x89: {  	s3 =	sld [smem:$0x3FFE];
	_ =	sdelay $0x1  }
0x8a: {  	s1 =	srdreg.scid  }
0x8b: {  	s0 =	sand.u32 $0x1, s1  }
0x8c: {  	s17 =	sshll.u32 s0, $0xA;
	s2 =	sadd.s32 s3, s2  }
0x8d: {  	s2 =	sadd.s32 s2, s17  }
0x8e: {  	[smem:$0x3FC1] =	sst s2  }
0x8f: {  	_ = 	snop  }
0x90: {  	s2 =	sld [smem:$0x3FD0];
	(tm) =	ssettm $0x1  }
0x91: {  	s18 =	sld [smem:$0x3FFB];
	_ =	sdelay $0x3  }
0x92: {  	_ =	strace s18  }
0x93: {  	s3 =	sld [smem:$0x3FFC];
	_ =	sdelay $0x3  }
0x94: {  	_ =	strace s3  }
0x95: {  	s3 =	sld [smem:$0x3FFD];
	_ =	sdelay $0x3  }
0x96: {  	_ =	strace s3  }
0x97: {  	_ =	strace $0x8FFFFFFF  }
0x98: {  	s19 =	sld [smem:$0x3FDB];
	_ =	sdelay $0x1  }
0x99: {  	s4 =	simm.s32 $_scs_section_size  }
0x9a: {  	s5 =	simm.s32 $_size__tile_overlayer_lowered;
	s6 =	simm.s32 $_tile_overlayer_lowered  }
0x9b: {  	s22 =	simm.s32 $0x1BFF;
	s21 =	sshll.u32 s6, $0x1;
	s3 =	sadd.s32 s4, s19  }
0x9c: {  	s7 =	simm.s32 $0x0;
	s20 =	sshll.u32 s5, $0x1;
	s5 =	sadd.s32 s21, s3  }
0x9d: {  	[timem:s7], [sflag:s22] =	dma.local [hbm:s5], s20  }
0x9e: {  	_ =	swait.ge [sflag:s22], s20  }
0x9f: {  	s4 =	ssub.s32 $0x0, s20;
	[sflag:s22] =	ssyncset.done $0x0  }
0xa0: {  	[sflag:s22] =	ssyncadd.s32 s4;
	_ =	sdelay $0x1  }
0xa1: {  	s23 =	simm.s32 $0x1B8B  }
0xa2: {  	_ =	swait.ge [sflag:s23], $0x1  }
0xa3: {  	[sflag:s23] =	ssyncset.done $0x0  }
0xa4: {  	s25 =	simm.s32 $0x1B8E;
	s24 =	sld [smem:$0x3FFE];
	[sflag:s23] =	ssyncadd.s32 $0xFFFFFFFF  }
0xa5: {  	s26 =	simm.s32 $execute0_lowered;
	[smem:$0x3FD2] =	sst s25  }
0xa6: {  	s5 =	sshll.u32 s26, $0x1;
	_ =	strace $0x80000049;
	[dreg:$0x1] =	wrdreg $0xFFFFFFFF  }
0xa7: {  	s28 =	simm.s32 $_size_execute0_lowered;
	s3 =	sadd.s32 s3, s5;
	[dreg:$0x0] =	wrdreg $0x0  }
0xa8: {  	s5 =	sshll.u32 s28, $0x1;
	[dreg:$0x2] =	wrdreg s3  }
0xa9: {  	[dreg:$0x3] =	wrdreg s5  }
0xaa: {  	[dreg:$0x4] =	wrdreg $0xC0  }
0xab: {  	_ =	task [dreg:s7], $0x5FFFF  }
0xac: {  	[dreg:$0x1] =	wrdreg $0xFFFFFFFF  }
0xad: {  	[dreg:$0x0] =	wrdreg $0x60  }
0xae: {  	[dreg:$0x2] =	wrdreg s24  }
0xaf: {  	[dreg:$0x3] =	wrdreg s2  }
0xb0: {  	[dreg:$0x4] =	wrdreg $0x9  }
0xb1: {  	_ =	task.clear_ibuf [dreg:s7], $0x5FFFF;
	_ =	strace $0x90000049  }
0xb2: {  	s29 =	simm.s32 $0x9;
	_ =	strace $0x8000004B  }
0xb3: {  	_ =	swait.ge [sflag:s29], $0x1  }
0xb4: {  	[sflag:s29] =	ssyncadd.s32 $0xFFFFFFFF  }
0xb5: {  	_ =	strace $0x9000004B  }
0xb6: {  	_ =	sfence  }
0xb7: {  	s30 =	sld [smem:$0x0];
	_ =	sdelay $0x2  }
0xb8: {  	s31 =	sshll.u32 s1, $0xD;
	s1 =	sshrl.u32 s1, $0x2  }
0xb9: {  	s3 =	sand.u32 $0x4000, s31;
	s1 =	sadd.s32 s1, s30  }
0xba: {  	s0 =	sor.u32 s3, s0;
	s1 =	sshll.u32 s1, $0x11  }
0xbb: {  	s0 =	sor.u32 s1, s0  }
0xbc: {  	s0 =	sadd.s32 $0x8F2B, s0  }
0xbd: {  	[sflag:s0] =	ssyncadd.remote.s32 $0x1  }
0xbe: {  	_ =	sfence.sel $0xFFFF  }
0xbf: {  	[dreg:$0x0] =	wrdreg $0xFFFFFFFF;
	(pc) =	sbr.abs _section_cstart, $3  }
0xc0: {  	[dreg:$0x1] =	wrdreg $0xFFFFFFFF  }
0xc1: {  	_ =	task.clear_ibuf [dreg:s7], $0x2FFFF;
	_ =	strace $0x9FFFFFFF  }
0xc2: {  	(tm) =	ssettm $0x7FFFFFFF  }
0xc3: {  	_ =	shalt  }
tec
execute0_lowered:
.L_overlay_start_1:
0x0: {  	(tag) =	ssettag $0x1  }
0x1: {  	s7 =	rddreg [dreg:$0x0]  }
0x2: {  	s1 =	rddreg [dreg:$0x1]  }
0x3: {  	s0 =	rddreg [dreg:$0x2];
	s3 =	simm.s32 $0x0  }
0x4: {  	s4 =	srdreg.scid;
	s2 =	stileid.u32;
	s11 =	simm.s32 $0x7800  }
0x5: {  	s12 =	simm.s32 $0x7D00;
	s13 =	simm.s32 $0x1;
	s14 =	simm.s32 $0x0  }
0x6: {  	[smem:$0x7FF] =	sst s3;
	s5 =	sand.u32 $0x1, s4;
	s6 =	sshll.u32 s2, $0x1  }
0x7: {  	s4 =	sadd.s32 $0x8F400, s7;
	_ =	strace $0x8000004A;
	s8 =	ssub.s32 $0x2, s5  }
0x8: {  	s5 =	sor.u32 s6, s5;
	s6 =	sadd.s32 $0x400, s7;
	s9 =	sshrl.u32 s8, $0x1  }
0x9: {  	s7 =	sadd.s32 $0xA400, s7;
	s10 =	ssub.s32 $0x213, s5;
	s9 =	ssub.s32 s8, s9  }
0xa: {  	s8 =	sshrl.u32 s10, $0x5;
	s10 =	simm.s32 $0x2;
	s9 =	smax.u32 s9, $0x1  }
.LBB2_1:
0xb: {  	[tilespmem:s3], [sflag:$0x2] =	stream.linear.gather [hbm4b:s7+s3], $0x7800, $0x38;
	[tilespmem:$0x7E80] =	vst v63  }
0xc: {  	_ =	swait.ge [sflag:s10], $0x7800  }
0xd: {  	[sflag:s10] =	ssyncset.done $0x0  }
0xe: {  	s15 =	simm.s32 $0x0;
	[sflag:s10] =	ssyncadd.s32 $0xFFFF8800  }
.LBB2_2:
0xf: {  	s16 =	sshll.u32 s15, $0x5  }
0x10: {  	s17 =	sor.u32 s5, s16  }
0x11: {  	s16 =	smul.u32 $0x500, s17  }
0x12: {  	s17 =	smul.u32 $0x140, s17  }
0x13: {  	s16 =	sshrl.u32 s16, $0x3  }
0x14: {  	s19 =	simm.s32 $0x0;
	s17 =	sshrl.u32 s17, $0x3;
	s18 =	sadd.s32 s4, s16  }
0x15: {  	[tilespmem:s11], [sflag:$0x1] =	stream.linear.gather [hbm4b:s18+s19], $0x500, $0x38;
	[tilespmem:$0x7E80] =	vst v63  }
0x16: {  	s17 =	sadd.s32 s6, s17  }
0x17: {  	[tilespmem:s12], [sflag:$0x1] =	stream.linear.gather [hbm4b:s17+s19], $0x140, $0x38;
	[tilespmem:$0x7E80] =	vst v63  }
0x18: {  	_ =	swait.ge [sflag:s13], $0x500  }
0x19: {  	[sflag:s13] =	ssyncset.done $0x0  }
0x1a: {  	[sflag:s13] =	ssyncadd.s32 $0xFFFFFB00  }
0x1b: {  	_ =	swait.ge [sflag:s13], $0x140  }
0x1c: {  	[sflag:s13] =	ssyncset.done $0x0  }
0x1d: {  	s31 =	simm.s32 $0x0;
	[sflag:s13] =	ssyncadd.s32 $0xFFFFFEC0  }
0x1e: {  	v0 =	vld [tilespmem:s31+$0x7D00];
	_ =	sdelay $0x5  }
0x1f: {  	s17 =	simm.s32 $0x7820  }
0x20: {  	v2 =	vld [tilespmem:s17+$0xFFFFFFE0]  }
0x21: {  	v1 =	vld.idx.msk [tilespmem:v0+s3+$0x0], $0xffff;
	_ =	sdelay $0x2  }
0x22: {  	v3 =	vadd.s32 $0x2710, v0;
	_ =	sdelay $0x1  }
0x23: {  	v1 =	vmul.f32 v1, v2;
	_ =	sdelay $0x1  }
0x24: {  	v62 =	vld [tilespmem:s17+$0xFFFFFFF0];
	[tilespmem:s17+$0xFFFFFFE0] =	vst v1  }
0x25: {  	v1 =	vld.idx.msk [tilespmem:v3+s3+$0x0], $0xffff;
	_ =	sdelay $0x2  }
0x26: {  	v0 =	vadd.s32 $0x4E20, v0;
	_ =	sdelay $0x1  }
0x27: {  	v1 =	vmul.f32 v1, v62;
	_ =	sdelay $0x1  }
0x28: {  	v63 =	vld [tilespmem:s17+$0x0];
	[tilespmem:s17+$0xFFFFFFF0] =	vst v1  }
0x29: {  	v0 =	vld.idx.msk [tilespmem:v0+s3+$0x0], $0xffff;
	_ =	sdelay $0x4  }
0x2a: {  	v0 =	vmul.f32 v0, v63;
	_ =	sdelay $0x1  }
0x2b: {  	s18 =	simm.s32 $0x80;
	s19 =	simm.s32 $0x10;
	[tilespmem:s17+$0x0] =	vst v0  }
.LBB2_3:
0x2c: {  	p0 =	sne.s32 s18, $0x4C0;
	v0 =	vld [tilespmem:s19+$0x7D00];
	_ =	sdelay $0x4  }
0x2d: {  	v1 =	vadd.s32 $0x2710, v0;
	v2 =	vadd.s32 $0x4E20, v0;
	_ =	sdelay $0x2  }
0x2e: {  	s17 =	sadd.s32 $0x40, s17;
	v0 =	vld.idx.msk [tilespmem:v0+s3+$0x0], $0xffff  }
0x2f: {  	v3 =	vld [tilespmem:s17+$0xFFFFFFE0];
	_ =	sdelay $0x4  }
0x30: {  	v0 =	vmul.f32 v0, v3;
	_ =	sdelay $0x1  }
0x31: {  	[tilespmem:s17+$0xFFFFFFE0] =	vst v0  }
0x32: {  	v0 =	vld.idx.msk [tilespmem:v1+s3+$0x0], $0xffff  }
0x33: {  	v1 =	vld [tilespmem:s17+$0xFFFFFFF0];
	_ =	sdelay $0x4  }
0x34: {  	v0 =	vmul.f32 v0, v1;
	_ =	sdelay $0x1  }
0x35: {  	[tilespmem:s17+$0xFFFFFFF0] =	vst v0  }
0x36: {  	v0 =	vld.idx.msk [tilespmem:v2+s3+$0x0], $0xffff  }
0x37: {  	v1 =	vld [tilespmem:s17+$0x0];
	_ =	sdelay $0x2  }
.Ltmp0:
0x38: {  	(pc) =	sbr.rel @p0 .LBB2_3-.Ltmp0, $3  }
0x39: {  	_ = 	snop  }
0x3a: {  	v0 =	vmul.f32 v0, v1;
	_ =	sdelay $0x1  }
0x3b: {  	s19 =	sshra.s32 s18, $0x2;
	s18 =	sadd.s32 $0x40, s18;
	[tilespmem:s17+$0x0] =	vst v0  }
0x3c: {  	v0 =	vld [tilespmem:s19+$0x7D00];
	_ =	sdelay $0x5  }
0x3d: {  	s17 =	sadd.s32 $0x40, s17  }
0x3e: {  	v2 =	vld [tilespmem:s17+$0xFFFFFFE0]  }
0x3f: {  	v1 =	vld.idx.msk [tilespmem:v0+s3+$0x0], $0xffff;
	_ =	sdelay $0x2  }
0x40: {  	v3 =	vadd.s32 $0x2710, v0;
	_ =	sdelay $0x1  }
0x41: {  	v1 =	vmul.f32 v1, v2;
	_ =	sdelay $0x1  }
0x42: {  	v62 =	vld [tilespmem:s17+$0xFFFFFFF0];
	[tilespmem:s17+$0xFFFFFFE0] =	vst v1  }
0x43: {  	v1 =	vld.idx.msk [tilespmem:v3+s3+$0x0], $0xffff;
	_ =	sdelay $0x2  }
0x44: {  	v0 =	vadd.s32 $0x4E20, v0;
	_ =	sdelay $0x1  }
0x45: {  	v1 =	vmul.f32 v1, v62;
	_ =	sdelay $0x1  }
0x46: {  	v63 =	vld [tilespmem:s17+$0x0];
	[tilespmem:s17+$0xFFFFFFF0] =	vst v1  }
0x47: {  	v0 =	vld.idx.msk [tilespmem:v0+s3+$0x0], $0xffff;
	_ =	sdelay $0x4  }
0x48: {  	s15 =	sadd.s32 $0x1, s15;
	v0 =	vmul.f32 v0, v63  }
0x49: {  	p0 =	sne.s32 s15, s8  }
.Ltmp1:
0x4a: {  	s16 =	sadd.s32 s1, s16;
	[tilespmem:s17+$0x0] =	vst v0;
	(pc) =	sbr.rel @p0 .LBB2_2-.Ltmp1, $4  }
0x4b: {  	[hbm4b:s16+s3] =	stream.linear.scatter [tilespmem:s11], [sflag:$0x2], $0x500, $0x38;
	[tilespmem:$0x7E80] =	vst v63  }
0x4c: {  	_ =	swait.ge [sflag:s10], $0x500  }
0x4d: {  	[sflag:s10] =	ssyncset.done $0x0  }
0x4e: {  	[sflag:s10] =	ssyncadd.s32 $0xFFFFFB00  }
0x4f: {  	s14 =	sadd.s32 $0x1, s14  }
0x50: {  	p0 =	sne.s32 s14, s9  }
.Ltmp2:
0x51: {  	_ = 	snop;
	(pc) =	sbr.rel @p0 .LBB2_1-.Ltmp2, $1  }
0x52: {  	_ =	sdelay $0x3  }
0x53: {  	_ =	sfence.sel $0x180000  }
0x54: {  	[bflag:$0x0] =	sbarrier.arrive $0xFFFF  }
0x55: {  	p0 =	sne.s32 s2, $0x0;
	_ =	strace $0x9000004A  }
0x56: {  	s0 =	sadd.s32 @!p0 $0x100000, s0;
	[bflag:$0x2] =	sbarrier.arrive $0xFFFF  }
0x57: {  	[sflag:s0] =	ssyncadd.tile.s32 @!p0 $0x1;
	_ =	shalt  }
.Lfunc_end2:
_tile_overlayer_lowered:
.L_overlay_start_2:
0x58: {  	(tag) =	ssettag $0x2  }
0x59: {  	s0 =	rddreg [dreg:$0x0];
	s2 =	stileid.u32  }
0x5a: {  	s1 =	rddreg [dreg:$0x1];
	p0 =	sne.s32 s2, $0x0  }
0x5b: {  	s3 =	rddreg [dreg:$0x2];
	[bflag:$0x3] =	sbarrier.arrive $0xFFFF;
	s2 =	simm.s32 @!p0 $0x1C02  }
0x5c: {  	[timem:s3], [sflag:s2] =	dma.local @!p0 [hbm:s0], s1  }
0x5d: {  	s0 =	simm.s32 @!p0 $0x2  }
0x5e: {  	_ =	swait.ge @!p0 [sflag:s0], s1  }
0x5f: {  	s1 =	ssub.s32 @!p0 $0x0, s1;
	[sflag:s0] =	ssyncset.done @!p0 $0x0  }
0x60: {  	[sflag:s0] =	ssyncadd.s32 @!p0 s1  }
0x61: {  	[bflag:$0x3] =	sbarrier.arrive $0xFFFF  }
0x62: {  	_ =	shalt  }

// kernel: kernel.14.cloned.1.call-start
scs
__scs_entry_jumppad:
0x0: {  	(pc) =	sbr.rel $0x88, $3  }
0x1: {  	(tag) =	ssettag $0x0;
	lr =	simm.s32 $0x1  }
0x2: {  	[smem:$0x3F9A] =	sst lr;
	_ =	strace $0xD0000000  }
0x3: {  	_ = 	snop  }
0x4: {  	_ = 	snop  }
0x5: {  	_ = 	snop  }
0x6: {  	_ = 	snop  }
0x7: {  	_ = 	snop  }
__scs_overlays_trampoline_lowered:
0x8: {  	[smem:$0x3FA9] =	sst s0  }
0x9: {  	[smem:$0x3FAA] =	sst s1  }
0xa: {  	[smem:$0x3FAB] =	sst s2  }
0xb: {  	[smem:$0x3FAC] =	sst s3  }
0xc: {  	[smem:$0x3FAD] =	sst s4  }
0xd: {  	[smem:$0x3FAE] =	sst s5  }
0xe: {  	[smem:$0x3FAF] =	sst s6  }
0xf: {  	[smem:$0x3FB0] =	sst s7  }
0x10: {  	[smem:$0x3FB1] =	sst s8  }
0x11: {  	[smem:$0x3FB2] =	sst s9;
	s0 =	simm.s32 @!p0 $0x0  }
0x12: {  	s1 =	sld [smem:$0x3F98];
	s0 =	simm.s32 @p0 $0x1  }
0x13: {  	[smem:$0x3FB3] =	sst s0;
	s0 =	simm.s32 @!p1 $0x0  }
0x14: {  	s2 =	sld [smem:$0x3F97];
	s0 =	simm.s32 @p1 $0x1  }
0x15: {  	[smem:$0x3FB4] =	sst s0;
	s0 =	simm.s32 @!p2 $0x0  }
0x16: {  	s3 =	sld [smem:$0x3FDB];
	s0 =	simm.s32 @p2 $0x1  }
0x17: {  	s4 =	simm.s32 $0x1BF5;
	[smem:$0x3FB6] =	sst s0  }
0x18: {  	s0 =	sld [smem:$0x3F99];
	_ =	swait.ge [sflag:s4], $0x0  }
0x19: {  	s7 =	sld [smem:$0x3F9A]  }
0x1a: {  	s8 =	sadd.s32 $0xFFFFE003, lr  }
0x1b: {  	s9 =	sadd.s32 $0xFFFFFEF7, lr;
	s5 =	simm.s32 $0xFFFFFFFF;
	p2 =	slt.u32 s8, $0xFFFFF086  }
0x1c: {  	p1 =	slt.u32 s9, $0xF7A;
	s5 =	simm.s32 @!p2 $0x0  }
0x1d: {  	s5 =	simm.s32 @p1 $0x1;
	p0 =	seq.s32 s7, s2  }
0x1e: {  	s7 =	smul.u32 @!p0 $0xF7A, s2;
	p2 =	seq.s32 @!p0 s5, $0x0  }
0x1f: {  	s9 =	smul.u32 $0xF7A, s1;
	s8 =	simm.s32 @!p0 $0x1BF5;
	p2 =	por !p2, p0  }
0x20: {  	[sflag:s8] =	ssyncset.s32 @!p0 $0xFFFFF086;
	s6 =	sadd.s32 @!p0 s3, s7;
	s7 =	simm.s32 @!p0 $0x108  }
0x21: {  	s3 =	sadd.s32 s3, s9;
	s6 =	sadd.s32 @!p0 $0x88, s6;
	s7 =	simm.s32 @p2 $0x1082  }
0x22: {  	[simem:s7], [sflag:s8] =	dma.local @!p0 [hbm:s6], $0xF7A  }
0x23: {  	s9 =	sor.u32 $0xD0000000, s2;
	s6 =	simm.s32 $0x108;
	_ =	swait.ge @!p0 [sflag:s8], $0x0  }
0x24: {  	s3 =	sadd.s32 $0x88, s3;
	s6 =	simm.s32 @!p1 $0x1082;
	[sflag:s4] =	ssyncset.s32 $0xFFFFF086  }
0x25: {  	[simem:s6], [sflag:s4] =	dma.local [hbm:s3], $0xF7A  }
0x26: {  	[smem:$0x3F9A] =	sst s1;
	(tag) =	ssettag s2;
	_ =	strace s9  }
0x27: {  	s1 =	sld [smem:$0x3FAA]  }
0x28: {  	s2 =	sld [smem:$0x3FAB]  }
0x29: {  	s4 =	sld [smem:$0x3FAD]  }
0x2a: {  	p0 =	seq.s32 s5, $0x0;
	s5 =	sld [smem:$0x3FAE]  }
0x2b: {  	s6 =	sld [smem:$0x3FAF]  }
0x2c: {  	s7 =	sld [smem:$0x3FB0]  }
0x2d: {  	s3 =	simm.s32 $0x108;
	s8 =	sld [smem:$0x3FB1]  }
0x2e: {  	s3 =	simm.s32 @!p0 $0x1082;
	s9 =	sld [smem:$0x3FB2]  }
0x2f: {  	lr =	sadd.s32 s0, s3;
	s0 =	sld [smem:$0x3FA9]  }
0x30: {  	s3 =	sld [smem:$0x3FAC]  }
0x31: {  	[smem:$0x3FB5] =	sst s10  }
0x32: {  	s10 =	sld [smem:$0x3FB3];
	_ =	sdelay $0x3  }
0x33: {  	p0 =	seq.s32 s10, $0x1;
	s10 =	sld [smem:$0x3FB5];
	_ =	sdelay $0x3  }
0x34: {  	[smem:$0x3FB5] =	sst s10  }
0x35: {  	s10 =	sld [smem:$0x3FB4];
	_ =	sdelay $0x3  }
0x36: {  	p1 =	seq.s32 s10, $0x1;
	s10 =	sld [smem:$0x3FB5];
	_ =	sdelay $0x3  }
0x37: {  	[smem:$0x3FB5] =	sst s10  }
0x38: {  	s10 =	sld [smem:$0x3FB6]  }
0x39: {  	_ = 	snop;
	(pc) =	sbr.ind lr, $3  }
0x3a: {  	_ = 	snop  }
0x3b: {  	_ = 	snop  }
0x3c: {  	p2 =	seq.s32 s10, $0x1;
	s10 =	sld [smem:$0x3FB5]  }
0x3d: {  	_ =	shalt  }
0x3e: {  	_ =	shalt  }
0x3f: {  	_ =	shalt  }
0x40: {  	_ =	shalt  }
0x41: {  	_ =	shalt  }
0x42: {  	_ =	shalt  }
0x43: {  	_ =	shalt  }
0x44: {  	_ =	shalt  }
0x45: {  	_ =	shalt  }
0x46: {  	_ =	shalt  }
0x47: {  	_ =	shalt  }
0x48: {  	_ =	shalt  }
0x49: {  	_ =	shalt  }
0x4a: {  	_ =	shalt  }
0x4b: {  	_ =	shalt  }
0x4c: {  	_ =	shalt  }
0x4d: {  	_ =	shalt  }
0x4e: {  	_ =	shalt  }
0x4f: {  	_ =	shalt  }
0x50: {  	_ =	shalt  }
0x51: {  	_ =	shalt  }
0x52: {  	_ =	shalt  }
0x53: {  	_ =	shalt  }
0x54: {  	_ =	shalt  }
0x55: {  	_ =	shalt  }
0x56: {  	_ =	shalt  }
0x57: {  	_ =	shalt  }
0x58: {  	_ =	shalt  }
0x59: {  	_ =	shalt  }
0x5a: {  	_ =	shalt  }
0x5b: {  	_ =	shalt  }
0x5c: {  	_ =	shalt  }
0x5d: {  	_ =	shalt  }
0x5e: {  	_ =	shalt  }
0x5f: {  	_ =	shalt  }
0x60: {  	_ =	shalt  }
0x61: {  	_ =	shalt  }
0x62: {  	_ =	shalt  }
0x63: {  	_ =	shalt  }
0x64: {  	_ =	shalt  }
0x65: {  	_ =	shalt  }
0x66: {  	_ =	shalt  }
0x67: {  	_ =	shalt  }
0x68: {  	_ =	shalt  }
0x69: {  	_ =	shalt  }
0x6a: {  	_ =	shalt  }
0x6b: {  	_ =	shalt  }
0x6c: {  	_ =	shalt  }
0x6d: {  	_ =	shalt  }
0x6e: {  	_ =	shalt  }
0x6f: {  	_ =	shalt  }
0x70: {  	_ =	shalt  }
0x71: {  	_ =	shalt  }
0x72: {  	_ =	shalt  }
0x73: {  	_ =	shalt  }
0x74: {  	_ =	shalt  }
0x75: {  	_ =	shalt  }
0x76: {  	_ =	shalt  }
0x77: {  	_ =	shalt  }
0x78: {  	_ =	shalt  }
0x79: {  	_ =	shalt  }
0x7a: {  	_ =	shalt  }
0x7b: {  	_ =	shalt  }
0x7c: {  	_ =	shalt  }
0x7d: {  	_ =	shalt  }
0x7e: {  	_ =	shalt  }
0x7f: {  	_ =	shalt  }
0x80: {  	_ =	shalt  }
0x81: {  	_ =	shalt  }
0x82: {  	_ =	shalt  }
0x83: {  	_ =	shalt  }
0x84: {  	_ =	shalt  }
0x85: {  	_ =	shalt  }
0x86: {  	_ =	shalt  }
0x87: {  	_ =	shalt  }
.Lfunc_end0:
.L_simem_size_0:
called_computation.2_lowered:
.L_overlay_start_0:
0x88: {  	s2 =	sld [smem:$0x3FD9]  }
0x89: {  	s3 =	sld [smem:$0x3FFE];
	_ =	sdelay $0x1  }
0x8a: {  	s1 =	srdreg.scid  }
0x8b: {  	s0 =	sand.u32 $0x1, s1  }
0x8c: {  	s17 =	sshll.u32 s0, $0xA;
	s2 =	sadd.s32 s3, s2  }
0x8d: {  	s2 =	sadd.s32 s2, s17  }
0x8e: {  	[smem:$0x3FC1] =	sst s2  }
0x8f: {  	_ = 	snop  }
0x90: {  	s2 =	sld [smem:$0x3FD0];
	(tm) =	ssettm $0x1  }
0x91: {  	s18 =	sld [smem:$0x3FFB];
	_ =	sdelay $0x3  }
0x92: {  	_ =	strace s18  }
0x93: {  	s3 =	sld [smem:$0x3FFC];
	_ =	sdelay $0x3  }
0x94: {  	_ =	strace s3  }
0x95: {  	s3 =	sld [smem:$0x3FFD];
	_ =	sdelay $0x3  }
0x96: {  	_ =	strace s3  }
0x97: {  	_ =	strace $0x8FFFFFFF  }
0x98: {  	s19 =	sld [smem:$0x3FDB];
	_ =	sdelay $0x1  }
0x99: {  	s4 =	simm.s32 $_scs_section_size  }
0x9a: {  	s5 =	simm.s32 $_size__tile_overlayer_lowered;
	s6 =	simm.s32 $_tile_overlayer_lowered  }
0x9b: {  	s22 =	simm.s32 $0x1BFF;
	s21 =	sshll.u32 s6, $0x1;
	s3 =	sadd.s32 s4, s19  }
0x9c: {  	s7 =	simm.s32 $0x0;
	s20 =	sshll.u32 s5, $0x1;
	s5 =	sadd.s32 s21, s3  }
0x9d: {  	[timem:s7], [sflag:s22] =	dma.local [hbm:s5], s20  }
0x9e: {  	_ =	swait.ge [sflag:s22], s20  }
0x9f: {  	s4 =	ssub.s32 $0x0, s20;
	[sflag:s22] =	ssyncset.done $0x0  }
0xa0: {  	[sflag:s22] =	ssyncadd.s32 s4;
	_ =	sdelay $0x1  }
0xa1: {  	s23 =	simm.s32 $0x1B8B  }
0xa2: {  	_ =	swait.ge [sflag:s23], $0x1  }
0xa3: {  	[sflag:s23] =	ssyncset.done $0x0  }
0xa4: {  	s25 =	simm.s32 $0x1B8E;
	s24 =	sld [smem:$0x3FFE];
	[sflag:s23] =	ssyncadd.s32 $0xFFFFFFFF  }
0xa5: {  	s26 =	simm.s32 $execute0_lowered;
	[smem:$0x3FD2] =	sst s25  }
0xa6: {  	s5 =	sshll.u32 s26, $0x1;
	_ =	strace $0x8000004C;
	[dreg:$0x1] =	wrdreg $0xFFFFFFFF  }
0xa7: {  	s28 =	simm.s32 $_size_execute0_lowered;
	s3 =	sadd.s32 s3, s5;
	[dreg:$0x0] =	wrdreg $0x0  }
0xa8: {  	s5 =	sshll.u32 s28, $0x1;
	[dreg:$0x2] =	wrdreg s3  }
0xa9: {  	[dreg:$0x3] =	wrdreg s5  }
0xaa: {  	[dreg:$0x4] =	wrdreg $0xC0  }
0xab: {  	_ =	task [dreg:s7], $0x5FFFF  }
0xac: {  	[dreg:$0x1] =	wrdreg $0xFFFFFFFF  }
0xad: {  	[dreg:$0x0] =	wrdreg $0x60  }
0xae: {  	[dreg:$0x2] =	wrdreg s2  }
0xaf: {  	[dreg:$0x3] =	wrdreg s24  }
0xb0: {  	[dreg:$0x4] =	wrdreg $0x0  }
0xb1: {  	[dreg:$0x5] =	wrdreg $0x9  }
0xb2: {  	_ =	task.clear_ibuf [dreg:s7], $0x6FFFF;
	_ =	strace $0x9000004C  }
0xb3: {  	s29 =	simm.s32 $0x9;
	_ =	strace $0x8000004E  }
0xb4: {  	_ =	swait.ge [sflag:s29], $0x1  }
0xb5: {  	[sflag:s29] =	ssyncadd.s32 $0xFFFFFFFF  }
0xb6: {  	_ =	strace $0x9000004E  }
0xb7: {  	_ =	sfence  }
0xb8: {  	s30 =	sld [smem:$0x0];
	_ =	sdelay $0x2  }
0xb9: {  	s31 =	sshll.u32 s1, $0xD;
	s1 =	sshrl.u32 s1, $0x2  }
0xba: {  	s3 =	sand.u32 $0x4000, s31;
	s1 =	sadd.s32 s1, s30  }
0xbb: {  	s0 =	sor.u32 s3, s0;
	s1 =	sshll.u32 s1, $0x11  }
0xbc: {  	s0 =	sor.u32 s1, s0  }
0xbd: {  	s0 =	sadd.s32 $0x8F2B, s0  }
0xbe: {  	[sflag:s0] =	ssyncadd.remote.s32 $0x1  }
0xbf: {  	_ =	sfence.sel $0xFFFF  }
0xc0: {  	[dreg:$0x0] =	wrdreg $0xFFFFFFFF;
	(pc) =	sbr.abs _section_cstart, $3  }
0xc1: {  	[dreg:$0x1] =	wrdreg $0xFFFFFFFF  }
0xc2: {  	_ =	task.clear_ibuf [dreg:s7], $0x2FFFF;
	_ =	strace $0x9FFFFFFF  }
0xc3: {  	(tm) =	ssettm $0x7FFFFFFF  }
tec
execute0_lowered:
.L_overlay_start_1:
0x0: {  	(tag) =	ssettag $0x1  }
0x1: {  	s3 =	rddreg [dreg:$0x0]  }
0x2: {  	s0 =	rddreg [dreg:$0x1];
	s1 =	srdreg.scid  }
0x3: {  	s11 =	rddreg [dreg:$0x2];
	s10 =	stileid.u32  }
0x4: {  	s4 =	simm.s32 $0x0;
	s31 =	simm.s32 $0x1C400;
	s1 =	sand.u32 $0x1, s1  }
0x5: {  	s6 =	smul.u32 $0x14000, s10;
	[smem:$0x7FF] =	sst s4;
	s5 =	sadd.s32 $0x5400, s0  }
0x6: {  	s7 =	sadd.s32 $0xB400, s0;
	s8 =	sshll.u32 s10, $0x1;
	s10 =	smul.u32 $0x50000, s10  }
0x7: {  	s2 =	smul.u32 $0x140000, s1;
	_ =	strace $0x8000004D;
	s9 =	ssub.s32 $0x2, s1  }
0x8: {  	s8 =	sor.u32 s1, s8;
	s1 =	simm.s32 $0x5;
	s24 =	sshrl.u32 s9, $0x1  }
0x9: {  	s26 =	sshrl.u32 s10, $0x2;
	s30 =	sshll.u32 s8, $0x3;
	s12 =	sor.u32 $0x20, s8  }
0xa: {  	s2 =	sadd.s32 s6, s2;
	s25 =	ssub.s32 s9, s24;
	s13 =	sadd.s32 s5, s30  }
0xb: {  	s15 =	sadd.s32 s26, s11;
	s14 =	sshll.u32 s12, $0x5;
	[dreg:$0x6] =	wrdreg s13  }
0xc: {  	s9 =	sshll.u32 s12, $0x3;
	s16 =	sadd.s32 s3, s14;
	[dreg:$0x4] =	wrdreg s15  }
0xd: {  	s6 =	sadd.s32 $0x400, s0;
	s17 =	sadd.s32 s5, s9;
	[dreg:$0x8] =	wrdreg s16  }
0xe: {  	s28 =	ssub.s32 $0x9E3, s8;
	s18 =	sadd.s32 s6, s9;
	[dreg:$0x9] =	wrdreg s17  }
0xf: {  	s29 =	sshll.u32 s8, $0x5;
	s20 =	smax.u32 s25, $0x1;
	[dreg:$0xa] =	wrdreg s18  }
0x10: {  	s10 =	sshrl.u32 s28, $0x5;
	s21 =	sadd.s32 $0x2000, s15;
	[dreg:$0xc] =	wrdreg s20  }
0x11: {  	s12 =	simm.s32 $0x14100;
	s22 =	sadd.s32 $0x4000, s15;
	[dreg:$0xd] =	wrdreg s21  }
0x12: {  	s2 =	sshrl.u32 s2, $0x3;
	s23 =	sadd.s32 $0x6000, s15;
	[dreg:$0xe] =	wrdreg s22  }
0x13: {  	s19 =	sadd.s32 $0x1, s10;
	s24 =	sadd.s32 $0x8000, s15;
	[dreg:$0xf] =	wrdreg s23  }
0x14: {  	s25 =	sadd.s32 $0xA000, s15;
	s26 =	sadd.s32 $0xC000, s15;
	[dreg:$0x10] =	wrdreg s24  }
0x15: {  	s28 =	sadd.s32 $0xE000, s15;
	s14 =	simm.s32 $0x1;
	[dreg:$0x11] =	wrdreg s25  }
0x16: {  	s0 =	sadd.s32 s2, s0;
	s2 =	sadd.s32 s3, s29;
	[dreg:$0x12] =	wrdreg s26  }
0x17: {  	s17 =	sadd.s32 $0xFFFFFFFF, s10;
	s19 =	sshrl.u32 s19, $0x1;
	[dreg:$0x13] =	wrdreg s28  }
.Ltmp0:
0x18: {  	s29 =	sadd.s32 $0x10000, s15;
	[dreg:$0x5] =	wrdreg s2;
	(pc) =	sbr.rel .LBB2_1-.Ltmp0, $4  }
0x19: {  	s25 =	simm.s32 $0x2;
	s2 =	sadd.s32 s6, s30;
	[dreg:$0x14] =	wrdreg s29  }
0x1a: {  	v3 =	vlaneseq.u32;
	s20 =	simm.s32 $0x3;
	s0 =	sadd.s32 $0x59600, s0;
	[dreg:$0x7] =	wrdreg s2  }
0x1b: {  	v0 =	vimm.f32 $0.0e+00;
	vm0 =	vmmov $0xffff;
	v2 =	vshrl.u32 v3, $0x3;
	s22 =	simm.s32 $0x4;
	s30 =	sadd.s32 $0x12000, s15;
	[dreg:$0xb] =	wrdreg s0  }
0x1c: {  	v1 =	vand.u32 $0x7, v3;
	v3 =	vor.u32 $0x8, v3;
	v2 =	vmul.u32 $0x8, v2;
	s3 =	simm.s32 $0x0;
	[dreg:$0x15] =	wrdreg s30;
	s2 =	simm.s32 $0x14000  }
.LBB2_15:
0x1d: {  	s0 =	stileid.u32;
	[bflag:$0x0] =	sbarrier.arrive $0xFFFF  }
0x1e: {  	s0 =	sshll.u32 s0, $0x6;
	s15 =	rddreg [dreg:$0x4]  }
0x1f: {  	s9 =	rddreg [dreg:$0xb];
	s0 =	sor.u32 $0x1C05, s0;
	s3 =	sshrl.u32 s15, $0x3  }
0x20: {  	[hbm:s9], [sflag:s0] =	dma.local [spmem:s3], $0x2800  }
0x21: {  	_ =	swait.ge [sflag:s1], $0x2800  }
0x22: {  	s29 =	rddreg [dreg:$0x16]  }
0x23: {  	s30 =	rddreg [dreg:$0xc];
	s3 =	sadd.s32 $0x1, s29  }
0x24: {  	p0 =	sne.s32 s3, s30  }
.Ltmp1:
0x25: {  	_ = 	snop;
	(pc) =	sbr.rel @!p0 .LBB2_16-.Ltmp1, $3  }
0x26: {  	_ =	sdelay $0x1  }
0x27: {  	[sflag:s1] =	ssyncset.done $0x0  }
0x28: {  	[sflag:s1] =	ssyncadd.s32 $0xFFFFD800  }
.LBB2_1:
0x29: {  	s0 =	sand.u32 $0x7E00, s4  }
0x2a: {  	[dreg:$0x16] =	wrdreg s3;
	s9 =	sand.u32 $0x70, s4;
	s11 =	sshrl.u32 s0, $0x2  }
0x2b: {  	s0 =	simm.s32 $0x40;
	s11 =	sor.u32 s9, s11;
	s9 =	simm.s32 $0x0  }
.LBB2_2:
0x2c: {  	p0 =	sne.s32 s0, $0x7FC0  }
0x2d: {  	[tilespmem:s11+$0x1C400] =	vst v0;
	s9 =	sadd.s32 $0x10, s9;
	s11 =	smov.u32 s0;
	s0 =	sadd.s32 $0x40, s0  }
.Ltmp2:
0x2e: {  	(pc) =	sbr.rel @p0 .LBB2_2-.Ltmp2, $4  }
0x2f: {  	_ = 	snop  }
0x30: {  	s11 =	sand.u32 $0x7E00, s11  }
0x31: {  	s13 =	sand.u32 $0x70, s9;
	s11 =	sshrl.u32 s11, $0x2  }
0x32: {  	s11 =	sor.u32 s13, s11  }
0x33: {  	[tilespmem:s11+$0x1C400] =	vst v0  }
0x34: {  	[spmem:s15] =	stream.linear.scatter [tilespmem:s31], [sflag:$0x5], $0x2000, $0x38;
	[tilespmem:$0x1E400] =	vst v63  }
0x35: {  	_ =	swait.ge [sflag:s1], $0x2000  }
0x36: {  	[sflag:s1] =	ssyncset.done $0x0  }
0x37: {  	s0 =	rddreg [dreg:$0xd];
	[sflag:s1] =	ssyncadd.s32 $0xFFFFE000  }
0x38: {  	[spmem:s0] =	stream.linear.scatter [tilespmem:s31], [sflag:$0x5], $0x2000, $0x38;
	[tilespmem:$0x1E400] =	vst v63  }
0x39: {  	_ =	swait.ge [sflag:s1], $0x2000  }
0x3a: {  	[sflag:s1] =	ssyncset.done $0x0  }
0x3b: {  	s11 =	rddreg [dreg:$0xe];
	[sflag:s1] =	ssyncadd.s32 $0xFFFFE000  }
0x3c: {  	[spmem:s11] =	stream.linear.scatter [tilespmem:s31], [sflag:$0x5], $0x2000, $0x38;
	[tilespmem:$0x1E400] =	vst v63  }
0x3d: {  	_ =	swait.ge [sflag:s1], $0x2000  }
0x3e: {  	[sflag:s1] =	ssyncset.done $0x0  }
0x3f: {  	s13 =	rddreg [dreg:$0xf];
	[sflag:s1] =	ssyncadd.s32 $0xFFFFE000  }
0x40: {  	[spmem:s13] =	stream.linear.scatter [tilespmem:s31], [sflag:$0x5], $0x2000, $0x38;
	[tilespmem:$0x1E400] =	vst v63  }
0x41: {  	_ =	swait.ge [sflag:s1], $0x2000  }
0x42: {  	[sflag:s1] =	ssyncset.done $0x0  }
0x43: {  	s15 =	rddreg [dreg:$0x10];
	[sflag:s1] =	ssyncadd.s32 $0xFFFFE000  }
0x44: {  	[spmem:s15] =	stream.linear.scatter [tilespmem:s31], [sflag:$0x5], $0x2000, $0x38;
	[tilespmem:$0x1E400] =	vst v63  }
0x45: {  	_ =	swait.ge [sflag:s1], $0x2000  }
0x46: {  	[sflag:s1] =	ssyncset.done $0x0  }
0x47: {  	s16 =	rddreg [dreg:$0x11];
	[sflag:s1] =	ssyncadd.s32 $0xFFFFE000  }
0x48: {  	[spmem:s16] =	stream.linear.scatter [tilespmem:s31], [sflag:$0x5], $0x2000, $0x38;
	[tilespmem:$0x1E400] =	vst v63  }
0x49: {  	_ =	swait.ge [sflag:s1], $0x2000  }
0x4a: {  	[sflag:s1] =	ssyncset.done $0x0  }
0x4b: {  	s18 =	rddreg [dreg:$0x12];
	[sflag:s1] =	ssyncadd.s32 $0xFFFFE000  }
0x4c: {  	[spmem:s18] =	stream.linear.scatter [tilespmem:s31], [sflag:$0x5], $0x2000, $0x38;
	[tilespmem:$0x1E400] =	vst v63  }
0x4d: {  	_ =	swait.ge [sflag:s1], $0x2000  }
0x4e: {  	[sflag:s1] =	ssyncset.done $0x0  }
0x4f: {  	s21 =	rddreg [dreg:$0x13];
	[sflag:s1] =	ssyncadd.s32 $0xFFFFE000  }
0x50: {  	[spmem:s21] =	stream.linear.scatter [tilespmem:s31], [sflag:$0x5], $0x2000, $0x38;
	[tilespmem:$0x1E400] =	vst v63  }
0x51: {  	_ =	swait.ge [sflag:s1], $0x2000  }
0x52: {  	[sflag:s1] =	ssyncset.done $0x0  }
0x53: {  	s23 =	rddreg [dreg:$0x14];
	[sflag:s1] =	ssyncadd.s32 $0xFFFFE000  }
0x54: {  	[spmem:s23] =	stream.linear.scatter [tilespmem:s31], [sflag:$0x5], $0x2000, $0x38;
	[tilespmem:$0x1E400] =	vst v63  }
0x55: {  	_ =	swait.ge [sflag:s1], $0x2000  }
0x56: {  	[sflag:s1] =	ssyncset.done $0x0  }
0x57: {  	s24 =	rddreg [dreg:$0x15];
	[sflag:s1] =	ssyncadd.s32 $0xFFFFE000  }
0x58: {  	[spmem:s24] =	stream.linear.scatter [tilespmem:s31], [sflag:$0x5], $0x2000, $0x38;
	[tilespmem:$0x1E400] =	vst v63  }
0x59: {  	_ =	swait.ge [sflag:s1], $0x2000  }
0x5a: {  	[sflag:s1] =	ssyncset.done $0x0  }
0x5b: {  	[sflag:s1] =	ssyncadd.s32 $0xFFFFE000  }
0x5c: {  	[bflag:$0x0] =	sbarrier.arrive $0xFFFF  }
0x5d: {  	s24 =	simm.s32 $0x0;
	s26 =	rddreg [dreg:$0x5]  }
0x5e: {  	[tilespmem:s2], [sflag:$0x1] =	stream.linear.gather [hbm4b:s26+s24], $0x100, $0x38;
	[tilespmem:$0x1E400] =	vst v63  }
0x5f: {  	s3 =	simm.s32 $0x14200;
	s28 =	rddreg [dreg:$0x6]  }
0x60: {  	[tilespmem:s3], [sflag:$0x1] =	stream.linear.gather [hbm4b:s28+s24], $0x40, $0x38;
	[tilespmem:$0x1E400] =	vst v63  }
0x61: {  	s30 =	simm.s32 $0x14300;
	s29 =	rddreg [dreg:$0x7]  }
0x62: {  	[tilespmem:s30], [sflag:$0x1] =	stream.linear.gather [hbm4b:s29+s24], $0x40, $0x38;
	[tilespmem:$0x1E400] =	vst v63  }
0x63: {  	s3 =	rddreg [dreg:$0x8]  }
0x64: {  	[tilespmem:s12], [sflag:$0x2] =	stream.linear.gather [hbm4b:s3+s24], $0x100, $0x38;
	[tilespmem:$0x1E400] =	vst v63  }
0x65: {  	s11 =	simm.s32 $0x14280;
	s9 =	rddreg [dreg:$0x9]  }
0x66: {  	[tilespmem:s11], [sflag:$0x2] =	stream.linear.gather [hbm4b:s9+s24], $0x40, $0x38;
	[tilespmem:$0x1E400] =	vst v63  }
0x67: {  	s15 =	simm.s32 $0x14380;
	s13 =	rddreg [dreg:$0xa]  }
0x68: {  	[tilespmem:s15], [sflag:$0x2] =	stream.linear.gather [hbm4b:s13+s24], $0x40, $0x38;
	[tilespmem:$0x1E400] =	vst v63  }
0x69: {  	_ =	swait.ge [sflag:s14], $0x100  }
0x6a: {  	[sflag:s14] =	ssyncset.done $0x0  }
0x6b: {  	[sflag:s14] =	ssyncadd.s32 $0xFFFFFF00  }
0x6c: {  	_ =	swait.ge [sflag:s14], $0x40  }
0x6d: {  	[sflag:s14] =	ssyncset.done $0x0  }
0x6e: {  	[sflag:s14] =	ssyncadd.s32 $0xFFFFFFC0  }
0x6f: {  	_ =	swait.ge [sflag:s14], $0x40  }
0x70: {  	[sflag:s14] =	ssyncset.done $0x0  }
0x71: {  	[sflag:s14] =	ssyncadd.s32 $0xFFFFFFC0  }
0x72: {  	v4 =	vld [tilespmem:$0x14200];
	_ =	sdelay $0x4  }
0x73: {  	v5 =	vshll.u32 v4, $0x1  }
0x74: {  	v4 =	vand.u32 $0x7, v4;
	v5 =	vand.u32 $0xFFFFFFF0, v5  }
0x75: {  	v4 =	vor.u32 v4, v5  }
0x76: {  	v5 =	vperm.xlane v4, v1;
	_ =	sdelay $0x1  }
0x77: {  	v4 =	vperm.xlane v4, v3;
	v5 =	vadd.s32 v2, v5;
	_ =	sdelay $0x1  }
0x78: {  	v4 =	vadd.s32 v2, v4;
	_ =	sdelay $0x1  }
0x79: {  	s16 =	simm.s32 $0x14400  }
0x7a: {  	[tilespmem:s16], [sflag:$0x3] =	stream.indirect_vreg.gather [hbm4b:s7+s24], $0x80, v5, vm0, $0xb8;
	[tilespmem:$0x1E400] =	vst v63  }
0x7b: {  	s18 =	simm.s32 $0x14C00  }
0x7c: {  	[tilespmem:s18], [sflag:$0x3] =	stream.indirect_vreg.gather [hbm4b:s7+s24], $0x80, v4, vm0, $0xb8;
	[tilespmem:$0x1E400] =	vst v63  }
0x7d: {  	v4 =	vld [tilespmem:$0x14210];
	_ =	sdelay $0x4  }
0x7e: {  	v5 =	vshll.u32 v4, $0x1  }
0x7f: {  	v4 =	vand.u32 $0x7, v4;
	v5 =	vand.u32 $0xFFFFFFF0, v5  }
0x80: {  	v4 =	vor.u32 v4, v5  }
0x81: {  	v5 =	vperm.xlane v4, v1;
	_ =	sdelay $0x1  }
0x82: {  	v4 =	vperm.xlane v4, v3;
	v5 =	vadd.s32 v2, v5;
	_ =	sdelay $0x1  }
0x83: {  	v4 =	vadd.s32 v2, v4;
	_ =	sdelay $0x1  }
0x84: {  	s21 =	simm.s32 $0x15400  }
0x85: {  	[tilespmem:s21], [sflag:$0x3] =	stream.indirect_vreg.gather [hbm4b:s7+s24], $0x80, v5, vm0, $0xb8;
	[tilespmem:$0x1E400] =	vst v63  }
0x86: {  	s23 =	simm.s32 $0x15C00  }
0x87: {  	[tilespmem:s23], [sflag:$0x3] =	stream.indirect_vreg.gather [hbm4b:s7+s24], $0x80, v4, vm0, $0xb8;
	[tilespmem:$0x1E400] =	vst v63  }
0x88: {  	v4 =	vld [tilespmem:$0x14220];
	_ =	sdelay $0x4  }
0x89: {  	v5 =	vshll.u32 v4, $0x1  }
0x8a: {  	v4 =	vand.u32 $0x7, v4;
	v5 =	vand.u32 $0xFFFFFFF0, v5  }
0x8b: {  	v4 =	vor.u32 v4, v5  }
0x8c: {  	v5 =	vperm.xlane v4, v1;
	_ =	sdelay $0x1  }
0x8d: {  	v4 =	vperm.xlane v4, v3;
	v5 =	vadd.s32 v2, v5;
	_ =	sdelay $0x1  }
0x8e: {  	v4 =	vadd.s32 v2, v4;
	_ =	sdelay $0x1  }
0x8f: {  	s26 =	simm.s32 $0x16400  }
0x90: {  	[tilespmem:s26], [sflag:$0x3] =	stream.indirect_vreg.gather [hbm4b:s7+s24], $0x80, v5, vm0, $0xb8;
	[tilespmem:$0x1E400] =	vst v63  }
0x91: {  	s28 =	simm.s32 $0x16C00  }
0x92: {  	[tilespmem:s28], [sflag:$0x3] =	stream.indirect_vreg.gather [hbm4b:s7+s24], $0x80, v4, vm0, $0xb8;
	[tilespmem:$0x1E400] =	vst v63  }
0x93: {  	v4 =	vld [tilespmem:$0x14230];
	_ =	sdelay $0x4  }
0x94: {  	v5 =	vshll.u32 v4, $0x1  }
0x95: {  	v4 =	vand.u32 $0x7, v4;
	v5 =	vand.u32 $0xFFFFFFF0, v5  }
0x96: {  	v4 =	vor.u32 v4, v5  }
0x97: {  	v5 =	vperm.xlane v4, v1;
	_ =	sdelay $0x1  }
0x98: {  	v4 =	vperm.xlane v4, v3;
	v5 =	vadd.s32 v2, v5;
	_ =	sdelay $0x1  }
0x99: {  	v4 =	vadd.s32 v2, v4  }
.Ltmp3:
0x9a: {  	_ = 	snop;
	(pc) =	sbr.rel .LBB2_4-.Ltmp3, $4  }
0x9b: {  	s29 =	simm.s32 $0x17400  }
0x9c: {  	[tilespmem:s29], [sflag:$0x3] =	stream.indirect_vreg.gather [hbm4b:s7+s24], $0x80, v5, vm0, $0xb8;
	[tilespmem:$0x1E400] =	vst v63  }
0x9d: {  	s30 =	simm.s32 $0x17C00  }
0x9e: {  	[tilespmem:s30], [sflag:$0x3] =	stream.indirect_vreg.gather [hbm4b:s7+s24], $0x80, v4, vm0, $0xb8;
	[tilespmem:$0x1E400] =	vst v63  }
.LBB2_13:
0x9f: {  	p0 =	sge.u32 s23, s10  }
0xa0: {  	s0 =	sshll.u32 @!p0 s23, $0x5  }
0xa1: {  	s0 =	sor.u32 @!p0 s8, s0  }
0xa2: {  	s9 =	rddreg [dreg:$0x0];
	s3 =	sshll.u32 @!p0 s0, $0x5  }
0xa3: {  	s11 =	simm.s32 @!p0 $0x14100;
	s0 =	sshll.u32 @!p0 s0, $0x3;
	s3 =	sand.u32 @!p0 $0x1FFFFFE0, s3  }
0xa4: {  	s0 =	sand.u32 @!p0 $0x1FFFFFF8, s0;
	s3 =	sadd.s32 @!p0 s9, s3;
	s9 =	simm.s32 @!p0 $0x0  }
0xa5: {  	[tilespmem:s11], [sflag:$0x2] =	stream.linear.gather @!p0 [hbm4b:s3+s9], $0x100, $0x38;
	[tilespmem:$0x1E400] =	vst v63  }
0xa6: {  	s3 =	sadd.s32 @!p0 s5, s0;
	s11 =	simm.s32 @!p0 $0x14280  }
0xa7: {  	[tilespmem:s11], [sflag:$0x2] =	stream.linear.gather @!p0 [hbm4b:s3+s9], $0x40, $0x38;
	[tilespmem:$0x1E400] =	vst v63  }
0xa8: {  	s0 =	sadd.s32 @!p0 s6, s0;
	s3 =	simm.s32 @!p0 $0x14380  }
0xa9: {  	[tilespmem:s3], [sflag:$0x2] =	stream.linear.gather @!p0 [hbm4b:s0+s9], $0x40, $0x38;
	[tilespmem:$0x1E400] =	vst v63  }
.LBB2_14:
0xaa: {  	s24 =	sadd.s32 $0x1, s24  }
0xab: {  	p0 =	sne.s32 s24, s19  }
.Ltmp4:
0xac: {  	_ = 	snop;
	(pc) =	sbr.rel @!p0 .LBB2_15-.Ltmp4, $1  }
0xad: {  	_ =	sdelay $0x3  }
.LBB2_4:
0xae: {  	s9 =	sshll.u32 s24, $0x1  }
0xaf: {  	p0 =	sge.u32 s9, s17  }
.Ltmp5:
0xb0: {  	_ = 	snop;
	(pc) =	sbr.rel @p0 .LBB2_6-.Ltmp5, $1  }
0xb1: {  	_ =	sdelay $0x3  }
0xb2: {  	_ =	swait.ge [sflag:s25], $0x100  }
0xb3: {  	[sflag:s25] =	ssyncset.done $0x0  }
0xb4: {  	[sflag:s25] =	ssyncadd.s32 $0xFFFFFF00  }
0xb5: {  	_ =	swait.ge [sflag:s25], $0x40  }
0xb6: {  	[sflag:s25] =	ssyncset.done $0x0  }
0xb7: {  	[sflag:s25] =	ssyncadd.s32 $0xFFFFFFC0  }
0xb8: {  	_ =	swait.ge [sflag:s25], $0x40  }
0xb9: {  	[sflag:s25] =	ssyncset.done $0x0  }
0xba: {  	[sflag:s25] =	ssyncadd.s32 $0xFFFFFFC0  }
0xbb: {  	v4 =	vld [tilespmem:$0x14280];
	_ =	sdelay $0x4  }
0xbc: {  	v5 =	vshll.u32 v4, $0x1  }
0xbd: {  	v4 =	vand.u32 $0x7, v4;
	v5 =	vand.u32 $0xFFFFFFF0, v5  }
0xbe: {  	v4 =	vor.u32 v4, v5  }
0xbf: {  	v5 =	vperm.xlane v4, v1;
	_ =	sdelay $0x1  }
0xc0: {  	v4 =	vperm.xlane v4, v3;
	v5 =	vadd.s32 v2, v5;
	_ =	sdelay $0x1  }
0xc1: {  	v4 =	vadd.s32 v2, v4;
	_ =	sdelay $0x1  }
0xc2: {  	s0 =	simm.s32 $0x18400  }
0xc3: {  	[tilespmem:s0], [sflag:$0x4] =	stream.indirect_vreg.gather [hbm4b:s7+s4], $0x80, v5, vm0, $0xb8;
	[tilespmem:$0x1E400] =	vst v63  }
0xc4: {  	s18 =	simm.s32 $0x18C00  }
0xc5: {  	[tilespmem:s18], [sflag:$0x4] =	stream.indirect_vreg.gather [hbm4b:s7+s4], $0x80, v4, vm0, $0xb8;
	[tilespmem:$0x1E400] =	vst v63  }
0xc6: {  	v4 =	vld [tilespmem:$0x14290];
	_ =	sdelay $0x4  }
0xc7: {  	v5 =	vshll.u32 v4, $0x1  }
0xc8: {  	v4 =	vand.u32 $0x7, v4;
	v5 =	vand.u32 $0xFFFFFFF0, v5  }
0xc9: {  	v4 =	vor.u32 v4, v5  }
0xca: {  	v5 =	vperm.xlane v4, v1;
	_ =	sdelay $0x1  }
0xcb: {  	v4 =	vperm.xlane v4, v3;
	v5 =	vadd.s32 v2, v5;
	_ =	sdelay $0x1  }
0xcc: {  	v4 =	vadd.s32 v2, v4;
	_ =	sdelay $0x1  }
0xcd: {  	s21 =	simm.s32 $0x19400  }
0xce: {  	[tilespmem:s21], [sflag:$0x4] =	stream.indirect_vreg.gather [hbm4b:s7+s4], $0x80, v5, vm0, $0xb8;
	[tilespmem:$0x1E400] =	vst v63  }
0xcf: {  	s23 =	simm.s32 $0x19C00  }
0xd0: {  	[tilespmem:s23], [sflag:$0x4] =	stream.indirect_vreg.gather [hbm4b:s7+s4], $0x80, v4, vm0, $0xb8;
	[tilespmem:$0x1E400] =	vst v63  }
0xd1: {  	v4 =	vld [tilespmem:$0x142A0];
	_ =	sdelay $0x4  }
0xd2: {  	v5 =	vshll.u32 v4, $0x1  }
0xd3: {  	v4 =	vand.u32 $0x7, v4;
	v5 =	vand.u32 $0xFFFFFFF0, v5  }
0xd4: {  	v4 =	vor.u32 v4, v5  }
0xd5: {  	v5 =	vperm.xlane v4, v1;
	_ =	sdelay $0x1  }
0xd6: {  	v4 =	vperm.xlane v4, v3;
	v5 =	vadd.s32 v2, v5;
	_ =	sdelay $0x1  }
0xd7: {  	v4 =	vadd.s32 v2, v4;
	_ =	sdelay $0x1  }
0xd8: {  	s26 =	simm.s32 $0x1A400  }
0xd9: {  	[tilespmem:s26], [sflag:$0x4] =	stream.indirect_vreg.gather [hbm4b:s7+s4], $0x80, v5, vm0, $0xb8;
	[tilespmem:$0x1E400] =	vst v63  }
0xda: {  	s28 =	simm.s32 $0x1AC00  }
0xdb: {  	[tilespmem:s28], [sflag:$0x4] =	stream.indirect_vreg.gather [hbm4b:s7+s4], $0x80, v4, vm0, $0xb8;
	[tilespmem:$0x1E400] =	vst v63  }
0xdc: {  	v4 =	vld [tilespmem:$0x142B0];
	_ =	sdelay $0x4  }
0xdd: {  	v5 =	vshll.u32 v4, $0x1  }
0xde: {  	v4 =	vand.u32 $0x7, v4;
	v5 =	vand.u32 $0xFFFFFFF0, v5  }
0xdf: {  	v4 =	vor.u32 v4, v5  }
0xe0: {  	v5 =	vperm.xlane v4, v1;
	_ =	sdelay $0x1  }
0xe1: {  	v4 =	vperm.xlane v4, v3;
	v5 =	vadd.s32 v2, v5;
	_ =	sdelay $0x1  }
0xe2: {  	v4 =	vadd.s32 v2, v4;
	_ =	sdelay $0x1  }
0xe3: {  	s29 =	simm.s32 $0x1B400  }
0xe4: {  	[tilespmem:s29], [sflag:$0x4] =	stream.indirect_vreg.gather [hbm4b:s7+s4], $0x80, v5, vm0, $0xb8;
	[tilespmem:$0x1E400] =	vst v63  }
0xe5: {  	s30 =	simm.s32 $0x1BC00  }
0xe6: {  	[tilespmem:s30], [sflag:$0x4] =	stream.indirect_vreg.gather [hbm4b:s7+s4], $0x80, v4, vm0, $0xb8;
	[tilespmem:$0x1E400] =	vst v63  }
.LBB2_6:
0xe7: {  	s0 =	simm.s32 $0x0;
	s26 =	simm.s32 $0x0  }
0xe8: {  	s13 =	sand.u32 $0xE, s26;
	s11 =	sand.u32 $0xC0, s0  }
0xe9: {  	s13 =	sor.u32 s13, s11  }
0xea: {  	v4 =	vmov s13;
	s15 =	sor.u32 $0x10, s13  }
0xeb: {  	v4 =	vbroadcast v4, $0x0;
	v5 =	vmov s15  }
0xec: {  	_ =	swait.ge [sflag:s20], $0x4000;
	s3 =	sand.u32 $0x3800, s0;
	s13 =	sor.u32 $0x20, s13;
	v5 =	vbroadcast v5, $0x0  }
0xed: {  	[sflag:s20] =	ssyncset.done $0x0;
	s16 =	sand.u32 $0x300, s0;
	s15 =	sor.u32 $0x14400, s3;
	v6 =	vmov s13  }
0xee: {  	[sflag:s20] =	ssyncadd.s32 $0xFFFFC000;
	s16 =	sor.u32 s16, s15;
	v6 =	vbroadcast v6, $0x0  }
0xef: {  	v7 =	vld [tilespmem:s16+$0x0]  }
0xf0: {  	v8 =	vld [tilespmem:s16+$0x40]  }
0xf1: {  	v4 =	vld.idx.msk [tilespmem:v4+s2+$0x0], $0xffff  }
0xf2: {  	v5 =	vld.idx.msk [tilespmem:v5+s2+$0x0], $0xffff  }
0xf3: {  	v9 =	vld [tilespmem:s16+$0x400]  }
0xf4: {  	v6 =	vld.idx.msk [tilespmem:v6+s2+$0x0], $0xffff;
	_ =	sdelay $0x1  }
0xf5: {  	v10 =	vunpack.i.l.bf16.f32 v7;
	v11 =	vunpack.i.l.bf16.f32 v8;
	v8 =	vunpack.i.u.bf16.f32 v8  }
0xf6: {  	v7 =	vunpack.i.u.bf16.f32 v7;
	v10 =	vmul.f32 v10, v4;
	v11 =	vmul.f32 v11, v5  }
0xf7: {  	v12 =	vunpack.i.l.bf16.f32 v9;
	v7 =	vmul.f32 v7, v4;
	v8 =	vmul.f32 v8, v5  }
0xf8: {  	v9 =	vunpack.i.u.bf16.f32 v9;
	v10 =	vadd.f32 v11, v10;
	v11 =	vmul.f32 v12, v6  }
0xf9: {  	v7 =	vadd.f32 v8, v7;
	v8 =	vmul.f32 v9, v6  }
0xfa: {  	v9 =	vadd.f32 v11, v10  }
0xfb: {  	s28 =	simm.s32 $0x1C480;
	v7 =	vadd.f32 v8, v7  }
0xfc: {  	[tilespmem:s28+$0xFFFFFF80] =	vst v9  }
0xfd: {  	[tilespmem:s28+$0xFFFFFF90] =	vst v7  }
0xfe: {  	v7 =	vld [tilespmem:s16+$0x10]  }
0xff: {  	v8 =	vld [tilespmem:s16+$0x50];
	_ =	sdelay $0x1  }
0x100: {  	v9 =	vld [tilespmem:s16+$0x410];
	_ =	sdelay $0x2  }
0x101: {  	v10 =	vunpack.i.u.bf16.f32 v7;
	v7 =	vunpack.i.l.bf16.f32 v7;
	v11 =	vunpack.i.u.bf16.f32 v8  }
0x102: {  	v8 =	vunpack.i.l.bf16.f32 v8;
	v10 =	vmul.f32 v10, v4;
	v11 =	vmul.f32 v11, v5  }
0x103: {  	v57 =	vunpack.i.u.bf16.f32 v9;
	v7 =	vmul.f32 v7, v4;
	v8 =	vmul.f32 v8, v5  }
0x104: {  	v9 =	vunpack.i.l.bf16.f32 v9;
	v12 =	vmul.f32 v57, v6;
	v10 =	vadd.f32 v11, v10  }
0x105: {  	v9 =	vmul.f32 v9, v6;
	v7 =	vadd.f32 v8, v7  }
0x106: {  	v8 =	vadd.f32 v12, v10  }
0x107: {  	v7 =	vadd.f32 v9, v7  }
0x108: {  	[tilespmem:s28+$0xFFFFFFB0] =	vst v8  }
0x109: {  	[tilespmem:s28+$0xFFFFFFA0] =	vst v7  }
0x10a: {  	v7 =	vld [tilespmem:s16+$0x20]  }
0x10b: {  	v8 =	vld [tilespmem:s16+$0x60];
	_ =	sdelay $0x1  }
0x10c: {  	v9 =	vld [tilespmem:s16+$0x420];
	_ =	sdelay $0x2  }
0x10d: {  	v10 =	vunpack.i.u.bf16.f32 v7;
	v7 =	vunpack.i.l.bf16.f32 v7;
	v11 =	vunpack.i.u.bf16.f32 v8  }
0x10e: {  	v8 =	vunpack.i.l.bf16.f32 v8;
	v10 =	vmul.f32 v10, v4;
	v11 =	vmul.f32 v11, v5  }
0x10f: {  	v58 =	vunpack.i.u.bf16.f32 v9;
	v8 =	vmul.f32 v8, v5;
	v7 =	vmul.f32 v7, v4  }
0x110: {  	v9 =	vunpack.i.l.bf16.f32 v9;
	v12 =	vmul.f32 v58, v6;
	v10 =	vadd.f32 v11, v10  }
0x111: {  	v7 =	vadd.f32 v8, v7;
	v8 =	vmul.f32 v9, v6  }
0x112: {  	v9 =	vadd.f32 v12, v10  }
0x113: {  	v7 =	vadd.f32 v8, v7  }
0x114: {  	[tilespmem:s28+$0xFFFFFFD0] =	vst v9  }
0x115: {  	[tilespmem:s28+$0xFFFFFFC0] =	vst v7  }
0x116: {  	v7 =	vld [tilespmem:s16+$0x30]  }
0x117: {  	v8 =	vld [tilespmem:s16+$0x70];
	_ =	sdelay $0x1  }
0x118: {  	v9 =	vld [tilespmem:s16+$0x430];
	_ =	sdelay $0x2  }
0x119: {  	v10 =	vunpack.i.u.bf16.f32 v7;
	v7 =	vunpack.i.l.bf16.f32 v7;
	v11 =	vunpack.i.u.bf16.f32 v8  }
0x11a: {  	s18 =	simm.s32 $0x1;
	v8 =	vunpack.i.l.bf16.f32 v8;
	v10 =	vmul.f32 v10, v4;
	v11 =	vmul.f32 v11, v5  }
0x11b: {  	s13 =	sand.u32 $0xF, s18;
	v59 =	vunpack.i.u.bf16.f32 v9;
	v5 =	vmul.f32 v8, v5;
	v4 =	vmul.f32 v7, v4  }
0x11c: {  	s11 =	sor.u32 s13, s11;
	v8 =	vunpack.i.l.bf16.f32 v9;
	v7 =	vmul.f32 v59, v6;
	v9 =	vadd.f32 v11, v10  }
0x11d: {  	s13 =	sor.u32 $0x10, s11;
	v6 =	vmul.f32 v8, v6;
	v10 =	vmov s11;
	v4 =	vadd.f32 v5, v4  }
0x11e: {  	v8 =	vmov s13;
	v5 =	vbroadcast v10, $0x0;
	v7 =	vadd.f32 v7, v9  }
0x11f: {  	s21 =	simm.s32 $0x80;
	s11 =	sor.u32 $0x20, s11;
	v4 =	vadd.f32 v6, v4;
	v6 =	vbroadcast v8, $0x0  }
0x120: {  	s23 =	sand.u32 $0x380, s21;
	v8 =	vmov s11;
	[tilespmem:s28+$0xFFFFFFF0] =	vst v7  }
0x121: {  	s0 =	sor.u32 s23, s15;
	v7 =	vbroadcast v8, $0x0;
	[tilespmem:s28+$0xFFFFFFE0] =	vst v4  }
0x122: {  	v8 =	vld [tilespmem:s0+$0x0]  }
0x123: {  	v9 =	vld [tilespmem:s0+$0x40]  }
0x124: {  	v11 =	vld.idx.msk [tilespmem:v5+s2+$0x0], $0xffff  }
0x125: {  	v5 =	vld.idx.msk [tilespmem:v6+s2+$0x0], $0xffff  }
0x126: {  	v6 =	vld [tilespmem:s0+$0x400]  }
0x127: {  	v4 =	vld.idx.msk [tilespmem:v7+s2+$0x0], $0xffff;
	_ =	sdelay $0x1  }
0x128: {  	v7 =	vunpack.i.u.bf16.f32 v8;
	v8 =	vunpack.i.l.bf16.f32 v8;
	v10 =	vunpack.i.u.bf16.f32 v9  }
0x129: {  	v9 =	vunpack.i.l.bf16.f32 v9;
	v7 =	vmul.f32 v7, v11;
	v10 =	vmul.f32 v10, v5  }
0x12a: {  	v8 =	vmul.f32 v8, v11;
	v9 =	vmul.f32 v9, v5;
	v60 =	vunpack.i.u.bf16.f32 v6  }
0x12b: {  	v6 =	vunpack.i.l.bf16.f32 v6;
	v7 =	vadd.f32 v10, v7;
	v10 =	vmul.f32 v60, v4  }
0x12c: {  	v8 =	vadd.f32 v9, v8;
	v6 =	vmul.f32 v6, v4  }
0x12d: {  	v7 =	vadd.f32 v10, v7  }
0x12e: {  	v6 =	vadd.f32 v6, v8  }
0x12f: {  	[tilespmem:s28+$0x10] =	vst v7  }
0x130: {  	[tilespmem:s28+$0x0] =	vst v6  }
0x131: {  	v6 =	vld [tilespmem:s0+$0x10]  }
0x132: {  	v7 =	vld [tilespmem:s0+$0x50];
	_ =	sdelay $0x1  }
0x133: {  	v8 =	vld [tilespmem:s0+$0x410];
	_ =	sdelay $0x2  }
0x134: {  	v9 =	vunpack.i.u.bf16.f32 v6;
	v6 =	vunpack.i.l.bf16.f32 v6;
	v10 =	vunpack.i.l.bf16.f32 v7  }
0x135: {  	v7 =	vunpack.i.u.bf16.f32 v7;
	v6 =	vmul.f32 v6, v11;
	v10 =	vmul.f32 v10, v5  }
0x136: {  	v61 =	vunpack.i.l.bf16.f32 v8;
	v9 =	vmul.f32 v9, v11;
	v7 =	vmul.f32 v7, v5  }
0x137: {  	v8 =	vunpack.i.u.bf16.f32 v8;
	v12 =	vmul.f32 v61, v4;
	v6 =	vadd.f32 v10, v6  }
0x138: {  	v8 =	vmul.f32 v8, v4;
	v7 =	vadd.f32 v7, v9  }
0x139: {  	v6 =	vadd.f32 v12, v6  }
0x13a: {  	v7 =	vadd.f32 v8, v7  }
0x13b: {  	[tilespmem:s28+$0x20] =	vst v6  }
0x13c: {  	[tilespmem:s28+$0x30] =	vst v7  }
0x13d: {  	v6 =	vld [tilespmem:s0+$0x20]  }
0x13e: {  	v7 =	vld [tilespmem:s0+$0x60];
	_ =	sdelay $0x1  }
0x13f: {  	v8 =	vld [tilespmem:s0+$0x420];
	_ =	sdelay $0x2  }
0x140: {  	v9 =	vunpack.i.u.bf16.f32 v6;
	v6 =	vunpack.i.l.bf16.f32 v6;
	v10 =	vunpack.i.u.bf16.f32 v7  }
0x141: {  	v7 =	vunpack.i.l.bf16.f32 v7;
	v9 =	vmul.f32 v9, v11;
	v10 =	vmul.f32 v10, v5  }
0x142: {  	v62 =	vunpack.i.u.bf16.f32 v8;
	v7 =	vmul.f32 v7, v5;
	v6 =	vmul.f32 v6, v11  }
0x143: {  	v8 =	vunpack.i.l.bf16.f32 v8;
	v12 =	vmul.f32 v62, v4;
	v9 =	vadd.f32 v10, v9  }
0x144: {  	v8 =	vmul.f32 v8, v4;
	v6 =	vadd.f32 v7, v6  }
0x145: {  	v7 =	vadd.f32 v12, v9  }
0x146: {  	v6 =	vadd.f32 v8, v6  }
0x147: {  	[tilespmem:s28+$0x50] =	vst v7  }
0x148: {  	[tilespmem:s28+$0x40] =	vst v6  }
0x149: {  	v7 =	vld [tilespmem:s0+$0x30]  }
0x14a: {  	v8 =	vld [tilespmem:s0+$0x70]  }
0x14b: {  	v6 =	vld [tilespmem:s0+$0x430];
	_ =	sdelay $0x2  }
0x14c: {  	v9 =	vunpack.i.u.bf16.f32 v7;
	v7 =	vunpack.i.l.bf16.f32 v7  }
0x14d: {  	s29 =	sadd.s32 $0x2, s9;
	s30 =	simm.s32 $0x1C580;
	s23 =	sadd.s32 $0x3, s9;
	v63 =	vunpack.i.u.bf16.f32 v8;
	v10 =	vunpack.i.l.bf16.f32 v8;
	v8 =	vmul.f32 v9, v11  }
0x14e: {  	s9 =	simm.s32 $0x8;
	s15 =	simm.s32 $0x200;
	s16 =	simm.s32 $0x100;
	v9 =	vunpack.i.u.bf16.f32 v6;
	v7 =	vmul.f32 v7, v11;
	v11 =	vmul.f32 v63, v5  }
.LBB2_7:
0x14f: {  	s0 =	sand.u32 $0x3800, s15  }
0x150: {  	s3 =	sand.u32 $0x300, s16;
	v6 =	vunpack.i.l.bf16.f32 v6;
	v5 =	vmul.f32 v10, v5;
	s11 =	smov.u32 s26;
	s26 =	sadd.s32 $0x2, s26  }
0x151: {  	s13 =	sand.u32 $0xC0, s9;
	s21 =	sand.u32 $0xE, s26;
	s18 =	sor.u32 $0x14400, s0;
	v6 =	vmul.f32 v6, v4;
	v8 =	vadd.f32 v11, v8;
	v4 =	vmul.f32 v9, v4  }
0x152: {  	p1 =	slt.u32 s26, $0x3E;
	s21 =	sor.u32 s21, s13;
	s0 =	sor.u32 s3, s18;
	v5 =	vadd.f32 v5, v7  }
0x153: {  	v7 =	vmov s21;
	s3 =	sor.u32 $0x10, s21;
	s21 =	sor.u32 $0x20, s21;
	v4 =	vadd.f32 v4, v8  }
0x154: {  	v7 =	vbroadcast v7, $0x0;
	v8 =	vmov s3;
	v9 =	vmov s21  }
0x155: {  	v5 =	vadd.f32 v6, v5;
	v8 =	vbroadcast v8, $0x0;
	v9 =	vbroadcast v9, $0x0;
	[tilespmem:s28+$0x70] =	vst v4;
	_ =	sdelay $0x1  }
0x156: {  	[tilespmem:s28+$0x60] =	vst v5;
	s28 =	smov.u32 s30  }
0x157: {  	v6 =	vld [tilespmem:s0+$0x0]  }
0x158: {  	v10 =	vld [tilespmem:s0+$0x40]  }
0x159: {  	v4 =	vld.idx.msk [tilespmem:v7+s2+$0x0], $0xffff  }
0x15a: {  	v7 =	vld.idx.msk [tilespmem:v8+s2+$0x0], $0xffff  }
0x15b: {  	v8 =	vld [tilespmem:s0+$0x400]  }
0x15c: {  	v5 =	vld.idx.msk [tilespmem:v9+s2+$0x0], $0xffff;
	_ =	sdelay $0x1  }
0x15d: {  	v9 =	vunpack.i.l.bf16.f32 v6;
	v11 =	vunpack.i.l.bf16.f32 v10  }
0x15e: {  	v10 =	vunpack.i.u.bf16.f32 v10;
	v9 =	vmul.f32 v9, v4  }
0x15f: {  	v6 =	vunpack.i.u.bf16.f32 v6;
	v11 =	vmul.f32 v11, v7;
	v10 =	vmul.f32 v10, v7  }
0x160: {  	v6 =	vmul.f32 v6, v4;
	v12 =	vunpack.i.u.bf16.f32 v8;
	v8 =	vunpack.i.l.bf16.f32 v8  }
0x161: {  	v9 =	vadd.f32 v11, v9;
	v8 =	vmul.f32 v8, v5  }
0x162: {  	v6 =	vadd.f32 v10, v6;
	v10 =	vmul.f32 v12, v5  }
0x163: {  	v8 =	vadd.f32 v8, v9  }
0x164: {  	v6 =	vadd.f32 v10, v6  }
0x165: {  	[tilespmem:s30+$0xFFFFFF80] =	vst v8  }
0x166: {  	[tilespmem:s30+$0xFFFFFF90] =	vst v6  }
0x167: {  	v6 =	vld [tilespmem:s0+$0x10]  }
0x168: {  	v8 =	vld [tilespmem:s0+$0x50]  }
0x169: {  	v9 =	vld [tilespmem:s0+$0x410];
	_ =	sdelay $0x2  }
0x16a: {  	v10 =	vunpack.i.u.bf16.f32 v6;
	v6 =	vunpack.i.l.bf16.f32 v6  }
0x16b: {  	v11 =	vunpack.i.u.bf16.f32 v8;
	v6 =	vmul.f32 v6, v4;
	v10 =	vmul.f32 v10, v4  }
0x16c: {  	v12 =	vunpack.i.u.bf16.f32 v9;
	v9 =	vunpack.i.l.bf16.f32 v9;
	v11 =	vmul.f32 v11, v7  }
0x16d: {  	v8 =	vunpack.i.l.bf16.f32 v8;
	v9 =	vmul.f32 v9, v5;
	v12 =	vmul.f32 v12, v5  }
0x16e: {  	v8 =	vmul.f32 v8, v7;
	v10 =	vadd.f32 v11, v10;
	_ =	sdelay $0x1  }
0x16f: {  	v6 =	vadd.f32 v8, v6;
	v8 =	vadd.f32 v12, v10;
	_ =	sdelay $0x1  }
0x170: {  	v6 =	vadd.f32 v9, v6;
	[tilespmem:s30+$0xFFFFFFB0] =	vst v8;
	_ =	sdelay $0x1  }
0x171: {  	[tilespmem:s30+$0xFFFFFFA0] =	vst v6  }
0x172: {  	v6 =	vld [tilespmem:s0+$0x20]  }
0x173: {  	v8 =	vld [tilespmem:s0+$0x60]  }
0x174: {  	v9 =	vld [tilespmem:s0+$0x420];
	_ =	sdelay $0x2  }
0x175: {  	v10 =	vunpack.i.u.bf16.f32 v6;
	v6 =	vunpack.i.l.bf16.f32 v6  }
0x176: {  	v11 =	vunpack.i.u.bf16.f32 v8;
	v8 =	vunpack.i.l.bf16.f32 v8;
	v10 =	vmul.f32 v10, v4  }
0x177: {  	v12 =	vunpack.i.u.bf16.f32 v9;
	v8 =	vmul.f32 v8, v7;
	v11 =	vmul.f32 v11, v7  }
0x178: {  	v6 =	vmul.f32 v6, v4;
	v12 =	vmul.f32 v12, v5  }
0x179: {  	v9 =	vunpack.i.l.bf16.f32 v9;
	v10 =	vadd.f32 v11, v10  }
0x17a: {  	v6 =	vadd.f32 v8, v6;
	v8 =	vmul.f32 v9, v5  }
0x17b: {  	v9 =	vadd.f32 v12, v10  }
0x17c: {  	v6 =	vadd.f32 v8, v6  }
0x17d: {  	[tilespmem:s30+$0xFFFFFFD0] =	vst v9  }
0x17e: {  	[tilespmem:s30+$0xFFFFFFC0] =	vst v6  }
0x17f: {  	v6 =	vld [tilespmem:s0+$0x30]  }
0x180: {  	v8 =	vld [tilespmem:s0+$0x70]  }
0x181: {  	v9 =	vld [tilespmem:s0+$0x430];
	_ =	sdelay $0x2  }
0x182: {  	v10 =	vunpack.i.u.bf16.f32 v6;
	v6 =	vunpack.i.l.bf16.f32 v6  }
0x183: {  	s0 =	sadd.s32 $0x3, s11;
	v11 =	vunpack.i.u.bf16.f32 v8;
	v8 =	vunpack.i.l.bf16.f32 v8;
	v10 =	vmul.f32 v10, v4  }
0x184: {  	s0 =	sand.u32 $0xF, s0;
	v12 =	vunpack.i.u.bf16.f32 v9;
	v8 =	vmul.f32 v8, v7;
	v7 =	vmul.f32 v11, v7  }
0x185: {  	s0 =	sor.u32 s0, s13;
	v4 =	vmul.f32 v6, v4;
	v9 =	vunpack.i.l.bf16.f32 v9;
	v6 =	vmul.f32 v12, v5  }
0x186: {  	s3 =	sor.u32 $0x10, s0;
	v5 =	vmul.f32 v9, v5;
	v9 =	vmov s0;
	s0 =	sor.u32 $0x20, s0;
	v7 =	vadd.f32 v7, v10  }
0x187: {  	v4 =	vadd.f32 v8, v4;
	v8 =	vbroadcast v9, $0x0;
	v9 =	vmov s3  }
0x188: {  	v6 =	vadd.f32 v6, v7;
	v7 =	vmov s0  }
0x189: {  	v4 =	vadd.f32 v5, v4;
	v5 =	vbroadcast v9, $0x0;
	s0 =	sadd.s32 $0x80, s16  }
0x18a: {  	s0 =	sand.u32 $0x380, s0;
	[tilespmem:s30+$0xFFFFFFF0] =	vst v6;
	v6 =	vbroadcast v7, $0x0  }
0x18b: {  	s0 =	sor.u32 s0, s18;
	[tilespmem:s30+$0xFFFFFFE0] =	vst v4  }
0x18c: {  	v7 =	vld [tilespmem:s0+$0x0]  }
0x18d: {  	v11 =	vld.idx.msk [tilespmem:v8+s2+$0x0], $0xffff  }
0x18e: {  	v8 =	vld [tilespmem:s0+$0x40]  }
0x18f: {  	v5 =	vld.idx.msk [tilespmem:v5+s2+$0x0], $0xffff  }
0x190: {  	v4 =	vld.idx.msk [tilespmem:v6+s2+$0x0], $0xffff  }
0x191: {  	v6 =	vld [tilespmem:s0+$0x400]  }
0x192: {  	v9 =	vunpack.i.u.bf16.f32 v7  }
0x193: {  	v7 =	vunpack.i.l.bf16.f32 v7;
	v10 =	vunpack.i.u.bf16.f32 v8;
	v8 =	vunpack.i.l.bf16.f32 v8  }
0x194: {  	v7 =	vmul.f32 v7, v11;
	v9 =	vmul.f32 v9, v11  }
0x195: {  	v8 =	vmul.f32 v8, v5;
	v10 =	vmul.f32 v10, v5  }
0x196: {  	v12 =	vunpack.i.u.bf16.f32 v6;
	v6 =	vunpack.i.l.bf16.f32 v6  }
0x197: {  	v7 =	vadd.f32 v8, v7;
	v8 =	vadd.f32 v10, v9;
	v9 =	vmul.f32 v12, v4  }
0x198: {  	v6 =	vmul.f32 v6, v4  }
0x199: {  	v8 =	vadd.f32 v9, v8  }
0x19a: {  	v6 =	vadd.f32 v6, v7  }
0x19b: {  	[tilespmem:s30+$0x10] =	vst v8  }
0x19c: {  	[tilespmem:s30+$0x0] =	vst v6  }
0x19d: {  	v6 =	vld [tilespmem:s0+$0x10]  }
0x19e: {  	v7 =	vld [tilespmem:s0+$0x50]  }
0x19f: {  	v8 =	vld [tilespmem:s0+$0x410];
	_ =	sdelay $0x2  }
0x1a0: {  	v9 =	vunpack.i.u.bf16.f32 v6;
	v6 =	vunpack.i.l.bf16.f32 v6  }
0x1a1: {  	v10 =	vunpack.i.u.bf16.f32 v7;
	v7 =	vunpack.i.l.bf16.f32 v7;
	v6 =	vmul.f32 v6, v11  }
0x1a2: {  	v9 =	vmul.f32 v9, v11;
	v12 =	vunpack.i.l.bf16.f32 v8;
	v7 =	vmul.f32 v7, v5  }
0x1a3: {  	v10 =	vmul.f32 v10, v5;
	v12 =	vmul.f32 v12, v4  }
0x1a4: {  	v8 =	vunpack.i.u.bf16.f32 v8;
	v6 =	vadd.f32 v7, v6  }
0x1a5: {  	v8 =	vmul.f32 v8, v4;
	v7 =	vadd.f32 v10, v9  }
0x1a6: {  	v6 =	vadd.f32 v12, v6  }
0x1a7: {  	v7 =	vadd.f32 v8, v7  }
0x1a8: {  	[tilespmem:s30+$0x20] =	vst v6  }
0x1a9: {  	[tilespmem:s30+$0x30] =	vst v7  }
0x1aa: {  	v6 =	vld [tilespmem:s0+$0x20]  }
0x1ab: {  	v7 =	vld [tilespmem:s0+$0x60]  }
0x1ac: {  	v8 =	vld [tilespmem:s0+$0x420];
	_ =	sdelay $0x2  }
0x1ad: {  	v9 =	vunpack.i.u.bf16.f32 v6;
	v6 =	vunpack.i.l.bf16.f32 v6  }
0x1ae: {  	v10 =	vunpack.i.u.bf16.f32 v7;
	v7 =	vunpack.i.l.bf16.f32 v7;
	v9 =	vmul.f32 v9, v11  }
0x1af: {  	v12 =	vunpack.i.u.bf16.f32 v8;
	v7 =	vmul.f32 v7, v5;
	v10 =	vmul.f32 v10, v5  }
0x1b0: {  	v6 =	vmul.f32 v6, v11;
	v8 =	vunpack.i.l.bf16.f32 v8;
	v12 =	vmul.f32 v12, v4  }
0x1b1: {  	v8 =	vmul.f32 v8, v4;
	v9 =	vadd.f32 v10, v9  }
0x1b2: {  	v6 =	vadd.f32 v7, v6  }
0x1b3: {  	v7 =	vadd.f32 v12, v9  }
0x1b4: {  	v6 =	vadd.f32 v8, v6  }
0x1b5: {  	[tilespmem:s30+$0x50] =	vst v7  }
0x1b6: {  	[tilespmem:s30+$0x40] =	vst v6  }
0x1b7: {  	v7 =	vld [tilespmem:s0+$0x30]  }
0x1b8: {  	v8 =	vld [tilespmem:s0+$0x70]  }
0x1b9: {  	v6 =	vld [tilespmem:s0+$0x430]  }
.Ltmp6:
0x1ba: {  	(pc) =	sbr.rel @p1 .LBB2_7-.Ltmp6, $4  }
0x1bb: {  	_ = 	snop  }
0x1bc: {  	v9 =	vunpack.i.u.bf16.f32 v7;
	v7 =	vunpack.i.l.bf16.f32 v7  }
0x1bd: {  	s30 =	sadd.s32 $0x100, s30;
	v12 =	vunpack.i.u.bf16.f32 v8;
	v10 =	vunpack.i.l.bf16.f32 v8;
	v8 =	vmul.f32 v9, v11  }
0x1be: {  	s9 =	sadd.s32 $0x8, s9;
	s15 =	sadd.s32 $0x200, s15;
	s16 =	sadd.s32 $0x100, s16;
	v7 =	vmul.f32 v7, v11;
	v9 =	vunpack.i.u.bf16.f32 v6;
	v11 =	vmul.f32 v12, v5  }
0x1bf: {  	v5 =	vmul.f32 v10, v5  }
0x1c0: {  	v6 =	vunpack.i.l.bf16.f32 v6;
	v9 =	vmul.f32 v9, v4;
	v8 =	vadd.f32 v11, v8  }
0x1c1: {  	v4 =	vmul.f32 v6, v4;
	v5 =	vadd.f32 v5, v7  }
0x1c2: {  	v63 =	vadd.f32 v9, v8  }
0x1c3: {  	v4 =	vadd.f32 v4, v5  }
0x1c4: {  	s0 =	rddreg [dreg:$0x2];
	[tilespmem:s28+$0x70] =	vst v63  }
0x1c5: {  	s3 =	simm.s32 $0x14300;
	s9 =	simm.s32 $0x40;
	p1 =	sge.u32 s29, s10;
	[tilespmem:s28+$0x60] =	vst v4  }
0x1c6: {  	[spmem:s0] =	stream.indirect.scatter.add.f32 [tilespmem:s31], [sflag:$0x5], $0x80, s3, s9, $0xb8;
	[tilespmem:$0x1E400] =	vst v63  }
0x1c7: {  	s0 =	sshll.u32 @!p1 s29, $0x5;
	_ =	swait.ge [sflag:s1], $0x2000  }
0x1c8: {  	s0 =	sor.u32 @!p1 s8, s0;
	[sflag:s1] =	ssyncset.done $0x0  }
0x1c9: {  	s3 =	sshll.u32 @!p1 s0, $0x5;
	[sflag:s1] =	ssyncadd.s32 $0xFFFFE000  }
0x1ca: {  	s11 =	simm.s32 @!p1 $0x14000;
	s3 =	sand.u32 @!p1 $0x1FFFFBE0, s3;
	s9 =	rddreg [dreg:$0x0]  }
0x1cb: {  	s0 =	sshll.u32 @!p1 s0, $0x3;
	s3 =	sadd.s32 @!p1 s9, s3;
	s9 =	simm.s32 @!p1 $0x0  }
0x1cc: {  	[tilespmem:s11], [sflag:$0x1] =	stream.linear.gather @!p1 [hbm4b:s3+s9], $0x100, $0x38;
	[tilespmem:$0x1E400] =	vst v63  }
.Ltmp7:
0x1cd: {  	s0 =	sand.u32 @!p1 $0x1FFFFEF8, s0;
	(pc) =	sbr.rel @p0 .LBB2_14-.Ltmp7, $4  }
0x1ce: {  	s3 =	sadd.s32 @!p1 s5, s0;
	s11 =	simm.s32 @!p1 $0x14200  }
0x1cf: {  	[tilespmem:s11], [sflag:$0x1] =	stream.linear.gather @!p1 [hbm4b:s3+s9], $0x40, $0x38;
	[tilespmem:$0x1E400] =	vst v63  }
0x1d0: {  	s0 =	sadd.s32 @!p1 s6, s0;
	s3 =	simm.s32 @!p1 $0x14300  }
0x1d1: {  	[tilespmem:s3], [sflag:$0x1] =	stream.linear.gather @!p1 [hbm4b:s0+s9], $0x40, $0x38;
	[tilespmem:$0x1E400] =	vst v63  }
0x1d2: {  	s0 =	simm.s32 $0x0;
	s26 =	simm.s32 $0x0  }
0x1d3: {  	s3 =	sand.u32 $0xE, s26;
	s9 =	sand.u32 $0xC0, s0  }
0x1d4: {  	s3 =	sor.u32 s3, s9  }
0x1d5: {  	v4 =	vmov s3;
	s11 =	sor.u32 $0x10, s3  }
0x1d6: {  	v4 =	vbroadcast v4, $0x0;
	v5 =	vmov s11  }
0x1d7: {  	_ =	swait.ge [sflag:s22], $0x4000;
	s15 =	sand.u32 $0x3800, s0;
	s3 =	sor.u32 $0x20, s3;
	v5 =	vbroadcast v5, $0x0  }
0x1d8: {  	[sflag:s22] =	ssyncset.done $0x0;
	s13 =	sand.u32 $0x300, s0;
	s16 =	sor.u32 $0x18400, s15;
	v6 =	vmov s3  }
0x1d9: {  	[sflag:s22] =	ssyncadd.s32 $0xFFFFC000;
	s11 =	sor.u32 s13, s16;
	v6 =	vbroadcast v6, $0x0  }
0x1da: {  	v7 =	vld [tilespmem:s11+$0x0]  }
0x1db: {  	v8 =	vld [tilespmem:s11+$0x40]  }
0x1dc: {  	v4 =	vld.idx.msk [tilespmem:v4+s12+$0x0], $0xffff  }
0x1dd: {  	v5 =	vld.idx.msk [tilespmem:v5+s12+$0x0], $0xffff  }
0x1de: {  	v9 =	vld [tilespmem:s11+$0x400]  }
0x1df: {  	v6 =	vld.idx.msk [tilespmem:v6+s12+$0x0], $0xffff;
	_ =	sdelay $0x1  }
0x1e0: {  	v10 =	vunpack.i.l.bf16.f32 v7;
	v11 =	vunpack.i.l.bf16.f32 v8;
	v8 =	vunpack.i.u.bf16.f32 v8  }
0x1e1: {  	v7 =	vunpack.i.u.bf16.f32 v7;
	v10 =	vmul.f32 v10, v4;
	v11 =	vmul.f32 v11, v5  }
0x1e2: {  	v12 =	vunpack.i.l.bf16.f32 v9;
	v7 =	vmul.f32 v7, v4;
	v8 =	vmul.f32 v8, v5  }
0x1e3: {  	v9 =	vunpack.i.u.bf16.f32 v9;
	v10 =	vadd.f32 v11, v10;
	v11 =	vmul.f32 v12, v6  }
0x1e4: {  	v7 =	vadd.f32 v8, v7;
	v8 =	vmul.f32 v9, v6  }
0x1e5: {  	v9 =	vadd.f32 v11, v10  }
0x1e6: {  	s28 =	simm.s32 $0x1C480;
	v7 =	vadd.f32 v8, v7  }
0x1e7: {  	[tilespmem:s28+$0xFFFFFF80] =	vst v9  }
0x1e8: {  	[tilespmem:s28+$0xFFFFFF90] =	vst v7  }
0x1e9: {  	v7 =	vld [tilespmem:s11+$0x10]  }
0x1ea: {  	v8 =	vld [tilespmem:s11+$0x50];
	_ =	sdelay $0x1  }
0x1eb: {  	v9 =	vld [tilespmem:s11+$0x410];
	_ =	sdelay $0x2  }
0x1ec: {  	v10 =	vunpack.i.u.bf16.f32 v7;
	v7 =	vunpack.i.l.bf16.f32 v7;
	v11 =	vunpack.i.u.bf16.f32 v8  }
0x1ed: {  	v8 =	vunpack.i.l.bf16.f32 v8;
	v10 =	vmul.f32 v10, v4;
	v11 =	vmul.f32 v11, v5  }
0x1ee: {  	v57 =	vunpack.i.u.bf16.f32 v9;
	v7 =	vmul.f32 v7, v4;
	v8 =	vmul.f32 v8, v5  }
0x1ef: {  	v9 =	vunpack.i.l.bf16.f32 v9;
	v12 =	vmul.f32 v57, v6;
	v10 =	vadd.f32 v11, v10  }
0x1f0: {  	v9 =	vmul.f32 v9, v6;
	v7 =	vadd.f32 v8, v7  }
0x1f1: {  	v8 =	vadd.f32 v12, v10  }
0x1f2: {  	v7 =	vadd.f32 v9, v7  }
0x1f3: {  	[tilespmem:s28+$0xFFFFFFB0] =	vst v8  }
0x1f4: {  	[tilespmem:s28+$0xFFFFFFA0] =	vst v7  }
0x1f5: {  	v7 =	vld [tilespmem:s11+$0x20]  }
0x1f6: {  	v8 =	vld [tilespmem:s11+$0x60];
	_ =	sdelay $0x1  }
0x1f7: {  	v9 =	vld [tilespmem:s11+$0x420];
	_ =	sdelay $0x2  }
0x1f8: {  	v10 =	vunpack.i.u.bf16.f32 v7;
	v7 =	vunpack.i.l.bf16.f32 v7;
	v11 =	vunpack.i.u.bf16.f32 v8  }
0x1f9: {  	v8 =	vunpack.i.l.bf16.f32 v8;
	v10 =	vmul.f32 v10, v4;
	v11 =	vmul.f32 v11, v5  }
0x1fa: {  	v58 =	vunpack.i.u.bf16.f32 v9;
	v8 =	vmul.f32 v8, v5;
	v7 =	vmul.f32 v7, v4  }
0x1fb: {  	v9 =	vunpack.i.l.bf16.f32 v9;
	v12 =	vmul.f32 v58, v6;
	v10 =	vadd.f32 v11, v10  }
0x1fc: {  	v7 =	vadd.f32 v8, v7;
	v8 =	vmul.f32 v9, v6  }
0x1fd: {  	v9 =	vadd.f32 v12, v10  }
0x1fe: {  	v7 =	vadd.f32 v8, v7  }
0x1ff: {  	[tilespmem:s28+$0xFFFFFFD0] =	vst v9  }
0x200: {  	[tilespmem:s28+$0xFFFFFFC0] =	vst v7  }
0x201: {  	v7 =	vld [tilespmem:s11+$0x30]  }
0x202: {  	v8 =	vld [tilespmem:s11+$0x70];
	_ =	sdelay $0x1  }
0x203: {  	v9 =	vld [tilespmem:s11+$0x430];
	_ =	sdelay $0x2  }
0x204: {  	v10 =	vunpack.i.u.bf16.f32 v7;
	v7 =	vunpack.i.l.bf16.f32 v7;
	v11 =	vunpack.i.u.bf16.f32 v8  }
0x205: {  	s18 =	simm.s32 $0x1;
	v8 =	vunpack.i.l.bf16.f32 v8;
	v10 =	vmul.f32 v10, v4;
	v11 =	vmul.f32 v11, v5  }
0x206: {  	s3 =	sand.u32 $0xF, s18;
	v59 =	vunpack.i.u.bf16.f32 v9;
	v5 =	vmul.f32 v8, v5;
	v4 =	vmul.f32 v7, v4  }
0x207: {  	s3 =	sor.u32 s3, s9;
	v8 =	vunpack.i.l.bf16.f32 v9;
	v7 =	vmul.f32 v59, v6;
	v9 =	vadd.f32 v11, v10  }
0x208: {  	s9 =	sor.u32 $0x10, s3;
	v6 =	vmul.f32 v8, v6;
	v10 =	vmov s3;
	v4 =	vadd.f32 v5, v4  }
0x209: {  	v8 =	vmov s9;
	v5 =	vbroadcast v10, $0x0;
	v7 =	vadd.f32 v7, v9  }
0x20a: {  	s21 =	simm.s32 $0x80;
	s3 =	sor.u32 $0x20, s3;
	v4 =	vadd.f32 v6, v4;
	v6 =	vbroadcast v8, $0x0  }
0x20b: {  	s30 =	sand.u32 $0x380, s21;
	v8 =	vmov s3;
	[tilespmem:s28+$0xFFFFFFF0] =	vst v7  }
0x20c: {  	s0 =	sor.u32 s30, s16;
	v7 =	vbroadcast v8, $0x0;
	[tilespmem:s28+$0xFFFFFFE0] =	vst v4  }
0x20d: {  	v8 =	vld [tilespmem:s0+$0x0]  }
0x20e: {  	v9 =	vld [tilespmem:s0+$0x40]  }
0x20f: {  	v11 =	vld.idx.msk [tilespmem:v5+s12+$0x0], $0xffff  }
0x210: {  	v5 =	vld.idx.msk [tilespmem:v6+s12+$0x0], $0xffff  }
0x211: {  	v6 =	vld [tilespmem:s0+$0x400]  }
0x212: {  	v4 =	vld.idx.msk [tilespmem:v7+s12+$0x0], $0xffff;
	_ =	sdelay $0x1  }
0x213: {  	v7 =	vunpack.i.u.bf16.f32 v8;
	v8 =	vunpack.i.l.bf16.f32 v8;
	v10 =	vunpack.i.u.bf16.f32 v9  }
0x214: {  	v9 =	vunpack.i.l.bf16.f32 v9;
	v7 =	vmul.f32 v7, v11;
	v10 =	vmul.f32 v10, v5  }
0x215: {  	v8 =	vmul.f32 v8, v11;
	v9 =	vmul.f32 v9, v5;
	v60 =	vunpack.i.u.bf16.f32 v6  }
0x216: {  	v6 =	vunpack.i.l.bf16.f32 v6;
	v7 =	vadd.f32 v10, v7;
	v10 =	vmul.f32 v60, v4  }
0x217: {  	v8 =	vadd.f32 v9, v8;
	v6 =	vmul.f32 v6, v4  }
0x218: {  	v7 =	vadd.f32 v10, v7  }
0x219: {  	v6 =	vadd.f32 v6, v8  }
0x21a: {  	[tilespmem:s28+$0x10] =	vst v7  }
0x21b: {  	[tilespmem:s28+$0x0] =	vst v6  }
0x21c: {  	v6 =	vld [tilespmem:s0+$0x10]  }
0x21d: {  	v7 =	vld [tilespmem:s0+$0x50];
	_ =	sdelay $0x1  }
0x21e: {  	v8 =	vld [tilespmem:s0+$0x410];
	_ =	sdelay $0x2  }
0x21f: {  	v9 =	vunpack.i.u.bf16.f32 v6;
	v6 =	vunpack.i.l.bf16.f32 v6;
	v10 =	vunpack.i.l.bf16.f32 v7  }
0x220: {  	v7 =	vunpack.i.u.bf16.f32 v7;
	v6 =	vmul.f32 v6, v11;
	v10 =	vmul.f32 v10, v5  }
0x221: {  	v61 =	vunpack.i.l.bf16.f32 v8;
	v9 =	vmul.f32 v9, v11;
	v7 =	vmul.f32 v7, v5  }
0x222: {  	v8 =	vunpack.i.u.bf16.f32 v8;
	v12 =	vmul.f32 v61, v4;
	v6 =	vadd.f32 v10, v6  }
0x223: {  	v8 =	vmul.f32 v8, v4;
	v7 =	vadd.f32 v7, v9  }
0x224: {  	v6 =	vadd.f32 v12, v6  }
0x225: {  	v7 =	vadd.f32 v8, v7  }
0x226: {  	[tilespmem:s28+$0x20] =	vst v6  }
0x227: {  	[tilespmem:s28+$0x30] =	vst v7  }
0x228: {  	v6 =	vld [tilespmem:s0+$0x20]  }
0x229: {  	v7 =	vld [tilespmem:s0+$0x60];
	_ =	sdelay $0x1  }
0x22a: {  	v8 =	vld [tilespmem:s0+$0x420];
	_ =	sdelay $0x2  }
0x22b: {  	v9 =	vunpack.i.u.bf16.f32 v6;
	v6 =	vunpack.i.l.bf16.f32 v6;
	v10 =	vunpack.i.u.bf16.f32 v7  }
0x22c: {  	v7 =	vunpack.i.l.bf16.f32 v7;
	v9 =	vmul.f32 v9, v11;
	v10 =	vmul.f32 v10, v5  }
0x22d: {  	v62 =	vunpack.i.u.bf16.f32 v8;
	v7 =	vmul.f32 v7, v5;
	v6 =	vmul.f32 v6, v11  }
0x22e: {  	v8 =	vunpack.i.l.bf16.f32 v8;
	v12 =	vmul.f32 v62, v4;
	v9 =	vadd.f32 v10, v9  }
0x22f: {  	v8 =	vmul.f32 v8, v4;
	v6 =	vadd.f32 v7, v6  }
0x230: {  	v7 =	vadd.f32 v12, v9  }
0x231: {  	v6 =	vadd.f32 v8, v6  }
0x232: {  	[tilespmem:s28+$0x50] =	vst v7  }
0x233: {  	[tilespmem:s28+$0x40] =	vst v6  }
0x234: {  	v7 =	vld [tilespmem:s0+$0x30]  }
0x235: {  	v8 =	vld [tilespmem:s0+$0x70]  }
0x236: {  	v6 =	vld [tilespmem:s0+$0x430];
	_ =	sdelay $0x2  }
0x237: {  	v9 =	vunpack.i.u.bf16.f32 v7;
	v7 =	vunpack.i.l.bf16.f32 v7  }
0x238: {  	s29 =	simm.s32 $0x1C580;
	v63 =	vunpack.i.u.bf16.f32 v8;
	v10 =	vunpack.i.l.bf16.f32 v8;
	v8 =	vmul.f32 v9, v11  }
0x239: {  	s15 =	simm.s32 $0x200;
	s16 =	simm.s32 $0x100;
	s9 =	simm.s32 $0x8;
	v9 =	vunpack.i.u.bf16.f32 v6;
	v7 =	vmul.f32 v7, v11;
	v11 =	vmul.f32 v63, v5  }
.LBB2_10:
0x23a: {  	s0 =	sand.u32 $0x3800, s15  }
0x23b: {  	s3 =	sand.u32 $0x300, s16;
	v6 =	vunpack.i.l.bf16.f32 v6;
	v5 =	vmul.f32 v10, v5;
	s11 =	smov.u32 s26;
	s26 =	sadd.s32 $0x2, s26  }
0x23c: {  	s13 =	sand.u32 $0xC0, s9;
	s21 =	sand.u32 $0xE, s26;
	s18 =	sor.u32 $0x18400, s0;
	v6 =	vmul.f32 v6, v4;
	v8 =	vadd.f32 v11, v8;
	v4 =	vmul.f32 v9, v4  }
0x23d: {  	p0 =	slt.u32 s26, $0x3E;
	s21 =	sor.u32 s21, s13;
	s0 =	sor.u32 s3, s18;
	v5 =	vadd.f32 v5, v7  }
0x23e: {  	v7 =	vmov s21;
	s3 =	sor.u32 $0x10, s21;
	s21 =	sor.u32 $0x20, s21;
	v4 =	vadd.f32 v4, v8  }
0x23f: {  	v7 =	vbroadcast v7, $0x0;
	v8 =	vmov s3;
	v9 =	vmov s21  }
0x240: {  	v5 =	vadd.f32 v6, v5;
	v8 =	vbroadcast v8, $0x0;
	v9 =	vbroadcast v9, $0x0;
	[tilespmem:s28+$0x70] =	vst v4;
	_ =	sdelay $0x1  }
0x241: {  	[tilespmem:s28+$0x60] =	vst v5;
	s28 =	smov.u32 s29  }
0x242: {  	v6 =	vld [tilespmem:s0+$0x0]  }
0x243: {  	v10 =	vld [tilespmem:s0+$0x40]  }
0x244: {  	v4 =	vld.idx.msk [tilespmem:v7+s12+$0x0], $0xffff  }
0x245: {  	v7 =	vld.idx.msk [tilespmem:v8+s12+$0x0], $0xffff  }
0x246: {  	v8 =	vld [tilespmem:s0+$0x400]  }
0x247: {  	v5 =	vld.idx.msk [tilespmem:v9+s12+$0x0], $0xffff;
	_ =	sdelay $0x1  }
0x248: {  	v9 =	vunpack.i.l.bf16.f32 v6;
	v11 =	vunpack.i.l.bf16.f32 v10  }
0x249: {  	v10 =	vunpack.i.u.bf16.f32 v10;
	v9 =	vmul.f32 v9, v4  }
0x24a: {  	v6 =	vunpack.i.u.bf16.f32 v6;
	v11 =	vmul.f32 v11, v7;
	v10 =	vmul.f32 v10, v7  }
0x24b: {  	v6 =	vmul.f32 v6, v4;
	v12 =	vunpack.i.u.bf16.f32 v8;
	v8 =	vunpack.i.l.bf16.f32 v8  }
0x24c: {  	v9 =	vadd.f32 v11, v9;
	v8 =	vmul.f32 v8, v5  }
0x24d: {  	v6 =	vadd.f32 v10, v6;
	v10 =	vmul.f32 v12, v5  }
0x24e: {  	v8 =	vadd.f32 v8, v9  }
0x24f: {  	v6 =	vadd.f32 v10, v6  }
0x250: {  	[tilespmem:s29+$0xFFFFFF80] =	vst v8  }
0x251: {  	[tilespmem:s29+$0xFFFFFF90] =	vst v6  }
0x252: {  	v6 =	vld [tilespmem:s0+$0x10]  }
0x253: {  	v8 =	vld [tilespmem:s0+$0x50]  }
0x254: {  	v9 =	vld [tilespmem:s0+$0x410];
	_ =	sdelay $0x2  }
0x255: {  	v10 =	vunpack.i.u.bf16.f32 v6;
	v6 =	vunpack.i.l.bf16.f32 v6  }
0x256: {  	v11 =	vunpack.i.u.bf16.f32 v8;
	v6 =	vmul.f32 v6, v4;
	v10 =	vmul.f32 v10, v4  }
0x257: {  	v12 =	vunpack.i.u.bf16.f32 v9;
	v9 =	vunpack.i.l.bf16.f32 v9;
	v11 =	vmul.f32 v11, v7  }
0x258: {  	v8 =	vunpack.i.l.bf16.f32 v8;
	v9 =	vmul.f32 v9, v5;
	v12 =	vmul.f32 v12, v5  }
0x259: {  	v8 =	vmul.f32 v8, v7;
	v10 =	vadd.f32 v11, v10;
	_ =	sdelay $0x1  }
0x25a: {  	v6 =	vadd.f32 v8, v6;
	v8 =	vadd.f32 v12, v10;
	_ =	sdelay $0x1  }
0x25b: {  	v6 =	vadd.f32 v9, v6;
	[tilespmem:s29+$0xFFFFFFB0] =	vst v8;
	_ =	sdelay $0x1  }
0x25c: {  	[tilespmem:s29+$0xFFFFFFA0] =	vst v6  }
0x25d: {  	v6 =	vld [tilespmem:s0+$0x20]  }
0x25e: {  	v8 =	vld [tilespmem:s0+$0x60]  }
0x25f: {  	v9 =	vld [tilespmem:s0+$0x420];
	_ =	sdelay $0x2  }
0x260: {  	v10 =	vunpack.i.u.bf16.f32 v6;
	v6 =	vunpack.i.l.bf16.f32 v6  }
0x261: {  	v11 =	vunpack.i.u.bf16.f32 v8;
	v8 =	vunpack.i.l.bf16.f32 v8;
	v10 =	vmul.f32 v10, v4  }
0x262: {  	v12 =	vunpack.i.u.bf16.f32 v9;
	v8 =	vmul.f32 v8, v7;
	v11 =	vmul.f32 v11, v7  }
0x263: {  	v6 =	vmul.f32 v6, v4;
	v12 =	vmul.f32 v12, v5  }
0x264: {  	v9 =	vunpack.i.l.bf16.f32 v9;
	v10 =	vadd.f32 v11, v10  }
0x265: {  	v6 =	vadd.f32 v8, v6;
	v8 =	vmul.f32 v9, v5  }
0x266: {  	v9 =	vadd.f32 v12, v10  }
0x267: {  	v6 =	vadd.f32 v8, v6  }
0x268: {  	[tilespmem:s29+$0xFFFFFFD0] =	vst v9  }
0x269: {  	[tilespmem:s29+$0xFFFFFFC0] =	vst v6  }
0x26a: {  	v6 =	vld [tilespmem:s0+$0x30]  }
0x26b: {  	v8 =	vld [tilespmem:s0+$0x70]  }
0x26c: {  	v9 =	vld [tilespmem:s0+$0x430];
	_ =	sdelay $0x2  }
0x26d: {  	v10 =	vunpack.i.u.bf16.f32 v6;
	v6 =	vunpack.i.l.bf16.f32 v6  }
0x26e: {  	s0 =	sadd.s32 $0x3, s11;
	v11 =	vunpack.i.u.bf16.f32 v8;
	v8 =	vunpack.i.l.bf16.f32 v8;
	v10 =	vmul.f32 v10, v4  }
0x26f: {  	s0 =	sand.u32 $0xF, s0;
	v12 =	vunpack.i.u.bf16.f32 v9;
	v8 =	vmul.f32 v8, v7;
	v7 =	vmul.f32 v11, v7  }
0x270: {  	s0 =	sor.u32 s0, s13;
	v4 =	vmul.f32 v6, v4;
	v9 =	vunpack.i.l.bf16.f32 v9;
	v6 =	vmul.f32 v12, v5  }
0x271: {  	s3 =	sor.u32 $0x10, s0;
	v5 =	vmul.f32 v9, v5;
	v9 =	vmov s0;
	s0 =	sor.u32 $0x20, s0;
	v7 =	vadd.f32 v7, v10  }
0x272: {  	v4 =	vadd.f32 v8, v4;
	v8 =	vbroadcast v9, $0x0;
	v9 =	vmov s3  }
0x273: {  	v6 =	vadd.f32 v6, v7;
	v7 =	vmov s0  }
0x274: {  	v4 =	vadd.f32 v5, v4;
	v5 =	vbroadcast v9, $0x0;
	s0 =	sadd.s32 $0x80, s16  }
0x275: {  	s0 =	sand.u32 $0x380, s0;
	[tilespmem:s29+$0xFFFFFFF0] =	vst v6;
	v6 =	vbroadcast v7, $0x0  }
0x276: {  	s0 =	sor.u32 s0, s18;
	[tilespmem:s29+$0xFFFFFFE0] =	vst v4  }
0x277: {  	v7 =	vld [tilespmem:s0+$0x0]  }
0x278: {  	v11 =	vld.idx.msk [tilespmem:v8+s12+$0x0], $0xffff  }
0x279: {  	v8 =	vld [tilespmem:s0+$0x40]  }
0x27a: {  	v5 =	vld.idx.msk [tilespmem:v5+s12+$0x0], $0xffff  }
0x27b: {  	v4 =	vld.idx.msk [tilespmem:v6+s12+$0x0], $0xffff  }
0x27c: {  	v6 =	vld [tilespmem:s0+$0x400]  }
0x27d: {  	v9 =	vunpack.i.u.bf16.f32 v7  }
0x27e: {  	v7 =	vunpack.i.l.bf16.f32 v7;
	v10 =	vunpack.i.u.bf16.f32 v8;
	v8 =	vunpack.i.l.bf16.f32 v8  }
0x27f: {  	v7 =	vmul.f32 v7, v11;
	v9 =	vmul.f32 v9, v11  }
0x280: {  	v8 =	vmul.f32 v8, v5;
	v10 =	vmul.f32 v10, v5  }
0x281: {  	v12 =	vunpack.i.u.bf16.f32 v6;
	v6 =	vunpack.i.l.bf16.f32 v6  }
0x282: {  	v7 =	vadd.f32 v8, v7;
	v8 =	vadd.f32 v10, v9;
	v9 =	vmul.f32 v12, v4  }
0x283: {  	v6 =	vmul.f32 v6, v4  }
0x284: {  	v8 =	vadd.f32 v9, v8  }
0x285: {  	v6 =	vadd.f32 v6, v7  }
0x286: {  	[tilespmem:s29+$0x10] =	vst v8  }
0x287: {  	[tilespmem:s29+$0x0] =	vst v6  }
0x288: {  	v6 =	vld [tilespmem:s0+$0x10]  }
0x289: {  	v7 =	vld [tilespmem:s0+$0x50]  }
0x28a: {  	v8 =	vld [tilespmem:s0+$0x410];
	_ =	sdelay $0x2  }
0x28b: {  	v9 =	vunpack.i.u.bf16.f32 v6;
	v6 =	vunpack.i.l.bf16.f32 v6  }
0x28c: {  	v10 =	vunpack.i.u.bf16.f32 v7;
	v7 =	vunpack.i.l.bf16.f32 v7;
	v6 =	vmul.f32 v6, v11  }
0x28d: {  	v9 =	vmul.f32 v9, v11;
	v12 =	vunpack.i.l.bf16.f32 v8;
	v7 =	vmul.f32 v7, v5  }
0x28e: {  	v10 =	vmul.f32 v10, v5;
	v12 =	vmul.f32 v12, v4  }
0x28f: {  	v8 =	vunpack.i.u.bf16.f32 v8;
	v6 =	vadd.f32 v7, v6  }
0x290: {  	v8 =	vmul.f32 v8, v4;
	v7 =	vadd.f32 v10, v9  }
0x291: {  	v6 =	vadd.f32 v12, v6  }
0x292: {  	v7 =	vadd.f32 v8, v7  }
0x293: {  	[tilespmem:s29+$0x20] =	vst v6  }
0x294: {  	[tilespmem:s29+$0x30] =	vst v7  }
0x295: {  	v6 =	vld [tilespmem:s0+$0x20]  }
0x296: {  	v7 =	vld [tilespmem:s0+$0x60]  }
0x297: {  	v8 =	vld [tilespmem:s0+$0x420];
	_ =	sdelay $0x2  }
0x298: {  	v9 =	vunpack.i.u.bf16.f32 v6;
	v6 =	vunpack.i.l.bf16.f32 v6  }
0x299: {  	v10 =	vunpack.i.u.bf16.f32 v7;
	v7 =	vunpack.i.l.bf16.f32 v7;
	v9 =	vmul.f32 v9, v11  }
0x29a: {  	v12 =	vunpack.i.u.bf16.f32 v8;
	v7 =	vmul.f32 v7, v5;
	v10 =	vmul.f32 v10, v5  }
0x29b: {  	v6 =	vmul.f32 v6, v11;
	v8 =	vunpack.i.l.bf16.f32 v8;
	v12 =	vmul.f32 v12, v4  }
0x29c: {  	v8 =	vmul.f32 v8, v4;
	v9 =	vadd.f32 v10, v9  }
0x29d: {  	v6 =	vadd.f32 v7, v6  }
0x29e: {  	v7 =	vadd.f32 v12, v9  }
0x29f: {  	v6 =	vadd.f32 v8, v6  }
0x2a0: {  	[tilespmem:s29+$0x50] =	vst v7  }
0x2a1: {  	[tilespmem:s29+$0x40] =	vst v6  }
0x2a2: {  	v7 =	vld [tilespmem:s0+$0x30]  }
0x2a3: {  	v8 =	vld [tilespmem:s0+$0x70]  }
0x2a4: {  	v6 =	vld [tilespmem:s0+$0x430]  }
.Ltmp8:
0x2a5: {  	(pc) =	sbr.rel @p0 .LBB2_10-.Ltmp8, $4  }
0x2a6: {  	_ = 	snop  }
0x2a7: {  	v9 =	vunpack.i.u.bf16.f32 v7;
	v7 =	vunpack.i.l.bf16.f32 v7  }
0x2a8: {  	s29 =	sadd.s32 $0x100, s29;
	v12 =	vunpack.i.u.bf16.f32 v8;
	v10 =	vunpack.i.l.bf16.f32 v8;
	v8 =	vmul.f32 v9, v11  }
0x2a9: {  	s9 =	sadd.s32 $0x8, s9;
	s15 =	sadd.s32 $0x200, s15;
	s16 =	sadd.s32 $0x100, s16;
	v7 =	vmul.f32 v7, v11;
	v9 =	vunpack.i.u.bf16.f32 v6;
	v11 =	vmul.f32 v12, v5  }
0x2aa: {  	v5 =	vmul.f32 v10, v5  }
0x2ab: {  	v6 =	vunpack.i.l.bf16.f32 v6;
	v9 =	vmul.f32 v9, v4;
	v8 =	vadd.f32 v11, v8  }
0x2ac: {  	v4 =	vmul.f32 v6, v4;
	v5 =	vadd.f32 v5, v7  }
0x2ad: {  	v63 =	vadd.f32 v9, v8  }
0x2ae: {  	v4 =	vadd.f32 v4, v5  }
0x2af: {  	s0 =	rddreg [dreg:$0x2];
	[tilespmem:s28+$0x70] =	vst v63  }
.Ltmp9:
0x2b0: {  	s3 =	simm.s32 $0x14380;
	s9 =	simm.s32 $0x40;
	[tilespmem:s28+$0x60] =	vst v4;
	(pc) =	sbr.rel @p1 .LBB2_13-.Ltmp9, $4  }
0x2b1: {  	[spmem:s0] =	stream.indirect.scatter.add.f32 [tilespmem:s31], [sflag:$0x5], $0x80, s3, s9, $0xb8;
	[tilespmem:$0x1E400] =	vst v63  }
0x2b2: {  	_ =	swait.ge [sflag:s1], $0x2000  }
0x2b3: {  	[sflag:s1] =	ssyncset.done $0x0  }
0x2b4: {  	[sflag:s1] =	ssyncadd.s32 $0xFFFFE000  }
0x2b5: {  	_ =	swait.ge [sflag:s14], $0x100  }
0x2b6: {  	[sflag:s14] =	ssyncset.done $0x0  }
0x2b7: {  	[sflag:s14] =	ssyncadd.s32 $0xFFFFFF00  }
0x2b8: {  	_ =	swait.ge [sflag:s14], $0x40  }
0x2b9: {  	[sflag:s14] =	ssyncset.done $0x0  }
0x2ba: {  	[sflag:s14] =	ssyncadd.s32 $0xFFFFFFC0  }
0x2bb: {  	_ =	swait.ge [sflag:s14], $0x40  }
0x2bc: {  	[sflag:s14] =	ssyncset.done $0x0  }
0x2bd: {  	[sflag:s14] =	ssyncadd.s32 $0xFFFFFFC0  }
0x2be: {  	v4 =	vld [tilespmem:$0x14200];
	_ =	sdelay $0x4  }
0x2bf: {  	v5 =	vshll.u32 v4, $0x1  }
0x2c0: {  	v4 =	vand.u32 $0x7, v4;
	v5 =	vand.u32 $0xFFFFFFF0, v5  }
0x2c1: {  	v4 =	vor.u32 v4, v5  }
0x2c2: {  	v5 =	vperm.xlane v4, v1;
	_ =	sdelay $0x1  }
0x2c3: {  	v4 =	vperm.xlane v4, v3;
	v5 =	vadd.s32 v2, v5;
	_ =	sdelay $0x1  }
0x2c4: {  	v4 =	vadd.s32 v2, v4;
	_ =	sdelay $0x1  }
0x2c5: {  	s0 =	simm.s32 $0x14400  }
0x2c6: {  	[tilespmem:s0], [sflag:$0x3] =	stream.indirect_vreg.gather [hbm4b:s7+s4], $0x80, v5, vm0, $0xb8;
	[tilespmem:$0x1E400] =	vst v63  }
0x2c7: {  	s16 =	simm.s32 $0x14C00  }
0x2c8: {  	[tilespmem:s16], [sflag:$0x3] =	stream.indirect_vreg.gather [hbm4b:s7+s4], $0x80, v4, vm0, $0xb8;
	[tilespmem:$0x1E400] =	vst v63  }
0x2c9: {  	v4 =	vld [tilespmem:$0x14210];
	_ =	sdelay $0x4  }
0x2ca: {  	v5 =	vshll.u32 v4, $0x1  }
0x2cb: {  	v4 =	vand.u32 $0x7, v4;
	v5 =	vand.u32 $0xFFFFFFF0, v5  }
0x2cc: {  	v4 =	vor.u32 v4, v5  }
0x2cd: {  	v5 =	vperm.xlane v4, v1;
	_ =	sdelay $0x1  }
0x2ce: {  	v4 =	vperm.xlane v4, v3;
	v5 =	vadd.s32 v2, v5;
	_ =	sdelay $0x1  }
0x2cf: {  	v4 =	vadd.s32 v2, v4;
	_ =	sdelay $0x1  }
0x2d0: {  	s18 =	simm.s32 $0x15400  }
0x2d1: {  	[tilespmem:s18], [sflag:$0x3] =	stream.indirect_vreg.gather [hbm4b:s7+s4], $0x80, v5, vm0, $0xb8;
	[tilespmem:$0x1E400] =	vst v63  }
0x2d2: {  	s21 =	simm.s32 $0x15C00  }
0x2d3: {  	[tilespmem:s21], [sflag:$0x3] =	stream.indirect_vreg.gather [hbm4b:s7+s4], $0x80, v4, vm0, $0xb8;
	[tilespmem:$0x1E400] =	vst v63  }
0x2d4: {  	v4 =	vld [tilespmem:$0x14220];
	_ =	sdelay $0x4  }
0x2d5: {  	v5 =	vshll.u32 v4, $0x1  }
0x2d6: {  	v4 =	vand.u32 $0x7, v4;
	v5 =	vand.u32 $0xFFFFFFF0, v5  }
0x2d7: {  	v4 =	vor.u32 v4, v5  }
0x2d8: {  	v5 =	vperm.xlane v4, v1;
	_ =	sdelay $0x1  }
0x2d9: {  	v4 =	vperm.xlane v4, v3;
	v5 =	vadd.s32 v2, v5;
	_ =	sdelay $0x1  }
0x2da: {  	v4 =	vadd.s32 v2, v4;
	_ =	sdelay $0x1  }
0x2db: {  	s26 =	simm.s32 $0x16400  }
0x2dc: {  	[tilespmem:s26], [sflag:$0x3] =	stream.indirect_vreg.gather [hbm4b:s7+s4], $0x80, v5, vm0, $0xb8;
	[tilespmem:$0x1E400] =	vst v63  }
0x2dd: {  	s28 =	simm.s32 $0x16C00  }
0x2de: {  	[tilespmem:s28], [sflag:$0x3] =	stream.indirect_vreg.gather [hbm4b:s7+s4], $0x80, v4, vm0, $0xb8;
	[tilespmem:$0x1E400] =	vst v63  }
0x2df: {  	v4 =	vld [tilespmem:$0x14230];
	_ =	sdelay $0x4  }
0x2e0: {  	v5 =	vshll.u32 v4, $0x1  }
0x2e1: {  	v4 =	vand.u32 $0x7, v4;
	v5 =	vand.u32 $0xFFFFFFF0, v5  }
0x2e2: {  	v4 =	vor.u32 v4, v5  }
0x2e3: {  	v5 =	vperm.xlane v4, v1;
	_ =	sdelay $0x1  }
0x2e4: {  	v4 =	vperm.xlane v4, v3;
	v5 =	vadd.s32 v2, v5;
	_ =	sdelay $0x1  }
0x2e5: {  	v4 =	vadd.s32 v2, v4  }
.Ltmp10:
0x2e6: {  	_ = 	snop;
	(pc) =	sbr.rel .LBB2_13-.Ltmp10, $4  }
0x2e7: {  	s29 =	simm.s32 $0x17400  }
0x2e8: {  	[tilespmem:s29], [sflag:$0x3] =	stream.indirect_vreg.gather [hbm4b:s7+s4], $0x80, v5, vm0, $0xb8;
	[tilespmem:$0x1E400] =	vst v63  }
0x2e9: {  	s30 =	simm.s32 $0x17C00  }
0x2ea: {  	[tilespmem:s30], [sflag:$0x3] =	stream.indirect_vreg.gather [hbm4b:s7+s4], $0x80, v4, vm0, $0xb8;
	[tilespmem:$0x1E400] =	vst v63  }
.LBB2_16:
0x2eb: {  	_ =	sfence.sel $0x180000  }
0x2ec: {  	[bflag:$0x0] =	sbarrier.arrive $0xFFFF  }
0x2ed: {  	_ =	strace $0x9000004D  }
0x2ee: {  	s0 =	stileid.u32;
	[bflag:$0x2] =	sbarrier.arrive $0xFFFF  }
0x2ef: {  	p0 =	sne.s32 s0, $0x0;
	s0 =	rddreg [dreg:$0x3]  }
0x2f0: {  	s0 =	sadd.s32 @!p0 $0x100000, s0  }
0x2f1: {  	[sflag:s0] =	ssyncadd.tile.s32 @!p0 $0x1;
	_ =	shalt  }
.Lfunc_end2:
_tile_overlayer_lowered:
.L_overlay_start_2:
0x2f2: {  	(tag) =	ssettag $0x2  }
0x2f3: {  	s0 =	rddreg [dreg:$0x0];
	s2 =	stileid.u32  }
0x2f4: {  	s1 =	rddreg [dreg:$0x1];
	p0 =	sne.s32 s2, $0x0  }
0x2f5: {  	s3 =	rddreg [dreg:$0x2];
	[bflag:$0x3] =	sbarrier.arrive $0xFFFF;
	s2 =	simm.s32 @!p0 $0x1C05  }
0x2f6: {  	[timem:s3], [sflag:s2] =	dma.local @!p0 [hbm:s0], s1  }
0x2f7: {  	s0 =	simm.s32 @!p0 $0x5  }
0x2f8: {  	_ =	swait.ge @!p0 [sflag:s0], s1  }
0x2f9: {  	s1 =	ssub.s32 @!p0 $0x0, s1;
	[sflag:s0] =	ssyncset.done @!p0 $0x0  }
0x2fa: {  	[sflag:s0] =	ssyncadd.s32 @!p0 s1  }
0x2fb: {  	[bflag:$0x3] =	sbarrier.arrive $0xFFFF  }
0x2fc: {  	_ =	shalt  }

// kernel: kernel.8.cloned.1.call-start
scs
__scs_entry_jumppad:
0x0: {  	(pc) =	sbr.rel $0x88, $3  }
0x1: {  	(tag) =	ssettag $0x0;
	lr =	simm.s32 $0x1  }
0x2: {  	[smem:$0x3F9A] =	sst lr;
	_ =	strace $0xD0000000  }
0x3: {  	_ = 	snop  }
0x4: {  	_ = 	snop  }
0x5: {  	_ = 	snop  }
0x6: {  	_ = 	snop  }
0x7: {  	_ = 	snop  }
__scs_overlays_trampoline_lowered:
0x8: {  	[smem:$0x3FA9] =	sst s0  }
0x9: {  	[smem:$0x3FAA] =	sst s1  }
0xa: {  	[smem:$0x3FAB] =	sst s2  }
0xb: {  	[smem:$0x3FAC] =	sst s3  }
0xc: {  	[smem:$0x3FAD] =	sst s4  }
0xd: {  	[smem:$0x3FAE] =	sst s5  }
0xe: {  	[smem:$0x3FAF] =	sst s6  }
0xf: {  	[smem:$0x3FB0] =	sst s7  }
0x10: {  	[smem:$0x3FB1] =	sst s8  }
0x11: {  	[smem:$0x3FB2] =	sst s9;
	s0 =	simm.s32 @!p0 $0x0  }
0x12: {  	s1 =	sld [smem:$0x3F98];
	s0 =	simm.s32 @p0 $0x1  }
0x13: {  	[smem:$0x3FB3] =	sst s0;
	s0 =	simm.s32 @!p1 $0x0  }
0x14: {  	s2 =	sld [smem:$0x3F97];
	s0 =	simm.s32 @p1 $0x1  }
0x15: {  	[smem:$0x3FB4] =	sst s0;
	s0 =	simm.s32 @!p2 $0x0  }
0x16: {  	s3 =	sld [smem:$0x3FDB];
	s0 =	simm.s32 @p2 $0x1  }
0x17: {  	s4 =	simm.s32 $0x1BF5;
	[smem:$0x3FB6] =	sst s0  }
0x18: {  	s0 =	sld [smem:$0x3F99];
	_ =	swait.ge [sflag:s4], $0x0  }
0x19: {  	s7 =	sld [smem:$0x3F9A]  }
0x1a: {  	s8 =	sadd.s32 $0xFFFFE003, lr  }
0x1b: {  	s9 =	sadd.s32 $0xFFFFFEF7, lr;
	s5 =	simm.s32 $0xFFFFFFFF;
	p2 =	slt.u32 s8, $0xFFFFF086  }
0x1c: {  	p1 =	slt.u32 s9, $0xF7A;
	s5 =	simm.s32 @!p2 $0x0  }
0x1d: {  	s5 =	simm.s32 @p1 $0x1;
	p0 =	seq.s32 s7, s2  }
0x1e: {  	s7 =	smul.u32 @!p0 $0xF7A, s2;
	p2 =	seq.s32 @!p0 s5, $0x0  }
0x1f: {  	s9 =	smul.u32 $0xF7A, s1;
	s8 =	simm.s32 @!p0 $0x1BF5;
	p2 =	por !p2, p0  }
0x20: {  	[sflag:s8] =	ssyncset.s32 @!p0 $0xFFFFF086;
	s6 =	sadd.s32 @!p0 s3, s7;
	s7 =	simm.s32 @!p0 $0x108  }
0x21: {  	s3 =	sadd.s32 s3, s9;
	s6 =	sadd.s32 @!p0 $0x88, s6;
	s7 =	simm.s32 @p2 $0x1082  }
0x22: {  	[simem:s7], [sflag:s8] =	dma.local @!p0 [hbm:s6], $0xF7A  }
0x23: {  	s9 =	sor.u32 $0xD0000000, s2;
	s6 =	simm.s32 $0x108;
	_ =	swait.ge @!p0 [sflag:s8], $0x0  }
0x24: {  	s3 =	sadd.s32 $0x88, s3;
	s6 =	simm.s32 @!p1 $0x1082;
	[sflag:s4] =	ssyncset.s32 $0xFFFFF086  }
0x25: {  	[simem:s6], [sflag:s4] =	dma.local [hbm:s3], $0xF7A  }
0x26: {  	[smem:$0x3F9A] =	sst s1;
	(tag) =	ssettag s2;
	_ =	strace s9  }
0x27: {  	s1 =	sld [smem:$0x3FAA]  }
0x28: {  	s2 =	sld [smem:$0x3FAB]  }
0x29: {  	s4 =	sld [smem:$0x3FAD]  }
0x2a: {  	p0 =	seq.s32 s5, $0x0;
	s5 =	sld [smem:$0x3FAE]  }
0x2b: {  	s6 =	sld [smem:$0x3FAF]  }
0x2c: {  	s7 =	sld [smem:$0x3FB0]  }
0x2d: {  	s3 =	simm.s32 $0x108;
	s8 =	sld [smem:$0x3FB1]  }
0x2e: {  	s3 =	simm.s32 @!p0 $0x1082;
	s9 =	sld [smem:$0x3FB2]  }
0x2f: {  	lr =	sadd.s32 s0, s3;
	s0 =	sld [smem:$0x3FA9]  }
0x30: {  	s3 =	sld [smem:$0x3FAC]  }
0x31: {  	[smem:$0x3FB5] =	sst s10  }
0x32: {  	s10 =	sld [smem:$0x3FB3];
	_ =	sdelay $0x3  }
0x33: {  	p0 =	seq.s32 s10, $0x1;
	s10 =	sld [smem:$0x3FB5];
	_ =	sdelay $0x3  }
0x34: {  	[smem:$0x3FB5] =	sst s10  }
0x35: {  	s10 =	sld [smem:$0x3FB4];
	_ =	sdelay $0x3  }
0x36: {  	p1 =	seq.s32 s10, $0x1;
	s10 =	sld [smem:$0x3FB5];
	_ =	sdelay $0x3  }
0x37: {  	[smem:$0x3FB5] =	sst s10  }
0x38: {  	s10 =	sld [smem:$0x3FB6]  }
0x39: {  	_ = 	snop;
	(pc) =	sbr.ind lr, $3  }
0x3a: {  	_ = 	snop  }
0x3b: {  	_ = 	snop  }
0x3c: {  	p2 =	seq.s32 s10, $0x1;
	s10 =	sld [smem:$0x3FB5]  }
0x3d: {  	_ =	shalt  }
0x3e: {  	_ =	shalt  }
0x3f: {  	_ =	shalt  }
0x40: {  	_ =	shalt  }
0x41: {  	_ =	shalt  }
0x42: {  	_ =	shalt  }
0x43: {  	_ =	shalt  }
0x44: {  	_ =	shalt  }
0x45: {  	_ =	shalt  }
0x46: {  	_ =	shalt  }
0x47: {  	_ =	shalt  }
0x48: {  	_ =	shalt  }
0x49: {  	_ =	shalt  }
0x4a: {  	_ =	shalt  }
0x4b: {  	_ =	shalt  }
0x4c: {  	_ =	shalt  }
0x4d: {  	_ =	shalt  }
0x4e: {  	_ =	shalt  }
0x4f: {  	_ =	shalt  }
0x50: {  	_ =	shalt  }
0x51: {  	_ =	shalt  }
0x52: {  	_ =	shalt  }
0x53: {  	_ =	shalt  }
0x54: {  	_ =	shalt  }
0x55: {  	_ =	shalt  }
0x56: {  	_ =	shalt  }
0x57: {  	_ =	shalt  }
0x58: {  	_ =	shalt  }
0x59: {  	_ =	shalt  }
0x5a: {  	_ =	shalt  }
0x5b: {  	_ =	shalt  }
0x5c: {  	_ =	shalt  }
0x5d: {  	_ =	shalt  }
0x5e: {  	_ =	shalt  }
0x5f: {  	_ =	shalt  }
0x60: {  	_ =	shalt  }
0x61: {  	_ =	shalt  }
0x62: {  	_ =	shalt  }
0x63: {  	_ =	shalt  }
0x64: {  	_ =	shalt  }
0x65: {  	_ =	shalt  }
0x66: {  	_ =	shalt  }
0x67: {  	_ =	shalt  }
0x68: {  	_ =	shalt  }
0x69: {  	_ =	shalt  }
0x6a: {  	_ =	shalt  }
0x6b: {  	_ =	shalt  }
0x6c: {  	_ =	shalt  }
0x6d: {  	_ =	shalt  }
0x6e: {  	_ =	shalt  }
0x6f: {  	_ =	shalt  }
0x70: {  	_ =	shalt  }
0x71: {  	_ =	shalt  }
0x72: {  	_ =	shalt  }
0x73: {  	_ =	shalt  }
0x74: {  	_ =	shalt  }
0x75: {  	_ =	shalt  }
0x76: {  	_ =	shalt  }
0x77: {  	_ =	shalt  }
0x78: {  	_ =	shalt  }
0x79: {  	_ =	shalt  }
0x7a: {  	_ =	shalt  }
0x7b: {  	_ =	shalt  }
0x7c: {  	_ =	shalt  }
0x7d: {  	_ =	shalt  }
0x7e: {  	_ =	shalt  }
0x7f: {  	_ =	shalt  }
0x80: {  	_ =	shalt  }
0x81: {  	_ =	shalt  }
0x82: {  	_ =	shalt  }
0x83: {  	_ =	shalt  }
0x84: {  	_ =	shalt  }
0x85: {  	_ =	shalt  }
0x86: {  	_ =	shalt  }
0x87: {  	_ =	shalt  }
.Lfunc_end0:
.L_simem_size_0:
called_computation_lowered:
.L_overlay_start_0:
0x88: {  	s2 =	sld [smem:$0x3FD9]  }
0x89: {  	s3 =	sld [smem:$0x3FFE];
	_ =	sdelay $0x1  }
0x8a: {  	s1 =	srdreg.scid  }
0x8b: {  	s0 =	sand.u32 $0x1, s1  }
0x8c: {  	s17 =	sshll.u32 s0, $0xA;
	s2 =	sadd.s32 s3, s2  }
0x8d: {  	s2 =	sadd.s32 s2, s17  }
0x8e: {  	[smem:$0x3FC1] =	sst s2  }
0x8f: {  	_ = 	snop  }
0x90: {  	s2 =	sld [smem:$0x3FD0];
	(tm) =	ssettm $0x1  }
0x91: {  	s18 =	sld [smem:$0x3FFB];
	_ =	sdelay $0x3  }
0x92: {  	_ =	strace s18  }
0x93: {  	s3 =	sld [smem:$0x3FFC];
	_ =	sdelay $0x3  }
0x94: {  	_ =	strace s3  }
0x95: {  	s3 =	sld [smem:$0x3FFD];
	_ =	sdelay $0x3  }
0x96: {  	_ =	strace s3  }
0x97: {  	_ =	strace $0x8FFFFFFF  }
0x98: {  	s19 =	sld [smem:$0x3FDB];
	_ =	sdelay $0x1  }
0x99: {  	s4 =	simm.s32 $_scs_section_size  }
0x9a: {  	s5 =	simm.s32 $_size__tile_overlayer_lowered;
	s6 =	simm.s32 $_tile_overlayer_lowered  }
0x9b: {  	s22 =	simm.s32 $0x1BFF;
	s21 =	sshll.u32 s6, $0x1;
	s3 =	sadd.s32 s4, s19  }
0x9c: {  	s7 =	simm.s32 $0x0;
	s20 =	sshll.u32 s5, $0x1;
	s5 =	sadd.s32 s21, s3  }
0x9d: {  	[timem:s7], [sflag:s22] =	dma.local [hbm:s5], s20  }
0x9e: {  	_ =	swait.ge [sflag:s22], s20  }
0x9f: {  	s4 =	ssub.s32 $0x0, s20;
	[sflag:s22] =	ssyncset.done $0x0  }
0xa0: {  	[sflag:s22] =	ssyncadd.s32 s4;
	_ =	sdelay $0x1  }
0xa1: {  	s23 =	simm.s32 $0x1B8B  }
0xa2: {  	_ =	swait.ge [sflag:s23], $0x1  }
0xa3: {  	[sflag:s23] =	ssyncset.done $0x0  }
0xa4: {  	s25 =	simm.s32 $0x1B8E;
	s24 =	sld [smem:$0x3FFE];
	[sflag:s23] =	ssyncadd.s32 $0xFFFFFFFF  }
0xa5: {  	s26 =	simm.s32 $execute0_lowered;
	[smem:$0x3FD2] =	sst s25  }
0xa6: {  	s5 =	sshll.u32 s26, $0x1;
	_ =	strace $0x80000046;
	[dreg:$0x1] =	wrdreg $0xFFFFFFFF  }
0xa7: {  	s28 =	simm.s32 $_size_execute0_lowered;
	s3 =	sadd.s32 s3, s5;
	[dreg:$0x0] =	wrdreg $0x0  }
0xa8: {  	s5 =	sshll.u32 s28, $0x1;
	[dreg:$0x2] =	wrdreg s3  }
0xa9: {  	[dreg:$0x3] =	wrdreg s5  }
0xaa: {  	[dreg:$0x4] =	wrdreg $0xC0  }
0xab: {  	_ =	task [dreg:s7], $0x5FFFF  }
0xac: {  	[dreg:$0x1] =	wrdreg $0xFFFFFFFF  }
0xad: {  	[dreg:$0x0] =	wrdreg $0x60  }
0xae: {  	[dreg:$0x2] =	wrdreg s24  }
0xaf: {  	[dreg:$0x3] =	wrdreg s2  }
0xb0: {  	[dreg:$0x4] =	wrdreg $0x9  }
0xb1: {  	_ =	task.clear_ibuf [dreg:s7], $0x5FFFF;
	_ =	strace $0x90000046  }
0xb2: {  	s29 =	simm.s32 $0x9;
	_ =	strace $0x80000048  }
0xb3: {  	_ =	swait.ge [sflag:s29], $0x1  }
0xb4: {  	[sflag:s29] =	ssyncadd.s32 $0xFFFFFFFF  }
0xb5: {  	_ =	strace $0x90000048  }
0xb6: {  	_ =	sfence  }
0xb7: {  	s30 =	sld [smem:$0x0];
	_ =	sdelay $0x2  }
0xb8: {  	s31 =	sshll.u32 s1, $0xD;
	s1 =	sshrl.u32 s1, $0x2  }
0xb9: {  	s3 =	sand.u32 $0x4000, s31;
	s1 =	sadd.s32 s1, s30  }
0xba: {  	s0 =	sor.u32 s3, s0;
	s1 =	sshll.u32 s1, $0x11  }
0xbb: {  	s0 =	sor.u32 s1, s0  }
0xbc: {  	s0 =	sadd.s32 $0x8F2B, s0  }
0xbd: {  	[sflag:s0] =	ssyncadd.remote.s32 $0x1  }
0xbe: {  	_ =	sfence.sel $0xFFFF  }
0xbf: {  	[dreg:$0x0] =	wrdreg $0xFFFFFFFF;
	(pc) =	sbr.abs _section_cstart, $3  }
0xc0: {  	[dreg:$0x1] =	wrdreg $0xFFFFFFFF  }
0xc1: {  	_ =	task.clear_ibuf [dreg:s7], $0x2FFFF;
	_ =	strace $0x9FFFFFFF  }
0xc2: {  	(tm) =	ssettm $0x7FFFFFFF  }
0xc3: {  	_ =	shalt  }
tec
execute0_lowered:
.L_overlay_start_1:
0x0: {  	(tag) =	ssettag $0x1  }
0x1: {  	s0 =	rddreg [dreg:$0x0]  }
0x2: {  	s2 =	rddreg [dreg:$0x1]  }
0x3: {  	s1 =	simm.s32 $0x0;
	s5 =	srdreg.scid;
	s7 =	stileid.u32  }
0x4: {  	s15 =	simm.s32 $0x2;
	s16 =	simm.s32 $0x2780;
	s17 =	simm.s32 $0xC700  }
0x5: {  	s18 =	simm.s32 $0xC980;
	s19 =	simm.s32 $0xCC00;
	s20 =	simm.s32 $0xCE80  }
0x6: {  	s21 =	simm.s32 $0xD100;
	s22 =	simm.s32 $0x1;
	s23 =	simm.s32 $0x4F00  }
0x7: {  	s24 =	simm.s32 $0xD380;
	s26 =	simm.s32 $0x400;
	s28 =	simm.s32 $0x0  }
0x8: {  	s29 =	simm.s32 $0x0;
	[smem:$0x7FF] =	sst s1;
	s3 =	sadd.s32 $0x5400, s0  }
0x9: {  	s4 =	sadd.s32 $0x400, s0;
	s11 =	sand.u32 $0x1, s5;
	s6 =	sshll.u32 s7, $0x1  }
0xa: {  	s5 =	sadd.s32 $0x14400, s0;
	s8 =	sshrl.u32 s7, $0x2;
	s7 =	sadd.s32 $0xF400, s0  }
0xb: {  	s9 =	sadd.s32 $0x8EE00, s0;
	_ =	strace $0x80000047;
	s6 =	sor.u32 s11, s6  }
0xc: {  	s12 =	smul.u32 $0x3C000, s8;
	s8 =	sadd.s32 $0xA400, s0;
	s10 =	sshll.u32 s6, $0x7  }
0xd: {  	s14 =	ssub.s32 $0x2, s11;
	s11 =	sadd.s32 $0x8F400, s0;
	s13 =	sand.u32 $0x380, s10  }
0xe: {  	s30 =	sshrl.u32 s14, $0x1;
	s31 =	ssub.s32 $0x119, s6;
	s12 =	sor.u32 s12, s13  }
0xf: {  	s10 =	sadd.s32 $0x8E800, s0;
	s0 =	ssub.s32 s14, s30;
	s12 =	sshrl.u32 s12, $0x3  }
0x10: {  	v0 =	vimm.f32 $0.0e+00;
	s13 =	sshrl.u32 s31, $0x5;
	s14 =	smax.u32 s0, $0x1;
	s12 =	sadd.s32 s2, s12  }
.LBB2_1:
0x11: {  	[tilespmem:s1], [sflag:$0x2] =	stream.linear.gather [hbm4b:s9+s1], $0x2780, $0x38;
	[tilespmem:$0xDD80] =	vst v63  }
0x12: {  	_ =	swait.ge [sflag:s15], $0x2780  }
0x13: {  	[sflag:s15] =	ssyncset.done $0x0  }
0x14: {  	[sflag:s15] =	ssyncadd.s32 $0xFFFFD880  }
0x15: {  	[tilespmem:s16], [sflag:$0x2] =	stream.linear.gather [hbm4b:s10+s1], $0x2780, $0x38;
	[tilespmem:$0xDD80] =	vst v63  }
0x16: {  	_ =	swait.ge [sflag:s15], $0x2780  }
0x17: {  	[sflag:s15] =	ssyncset.done $0x0  }
0x18: {  	s0 =	simm.s32 $0x4F40;
	[sflag:s15] =	ssyncadd.s32 $0xFFFFD880  }
0x19: {  	[tilespmem:s0+$0xFFFFFFC0] =	vst v0  }
0x1a: {  	[tilespmem:s0+$0x30] =	vst v0  }
0x1b: {  	[tilespmem:s0+$0x20] =	vst v0  }
0x1c: {  	[tilespmem:s0+$0x10] =	vst v0  }
0x1d: {  	[tilespmem:s0+$0x0] =	vst v0  }
0x1e: {  	[tilespmem:s0+$0xFFFFFFF0] =	vst v0  }
0x1f: {  	s2 =	simm.s32 $0x0;
	[tilespmem:s0+$0xFFFFFFE0] =	vst v0  }
.LBB2_2:
0x20: {  	s2 =	sadd.s32 $0x8, s2;
	[tilespmem:s0+$0xFFFFFFD0] =	vst v0;
	s0 =	sadd.s32 $0x80, s0  }
0x21: {  	[tilespmem:s0+$0xFFFFFFC0] =	vst v0;
	p0 =	slt.u32 s2, $0x778  }
0x22: {  	[tilespmem:s0+$0x30] =	vst v0  }
.Ltmp0:
0x23: {  	[tilespmem:s0+$0x20] =	vst v0;
	(pc) =	sbr.rel @p0 .LBB2_2-.Ltmp0, $4  }
0x24: {  	[tilespmem:s0+$0x10] =	vst v0  }
0x25: {  	[tilespmem:s0+$0x0] =	vst v0  }
0x26: {  	[tilespmem:s0+$0xFFFFFFF0] =	vst v0  }
0x27: {  	[tilespmem:s0+$0xFFFFFFE0] =	vst v0  }
0x28: {  	[tilespmem:s0+$0xFFFFFFD0] =	vst v0;
	s30 =	simm.s32 $0x0  }
.LBB2_4:
0x29: {  	s0 =	sshll.u32 s30, $0x5  }
0x2a: {  	s31 =	sor.u32 s6, s0  }
0x2b: {  	s0 =	smul.u32 $0x280, s31;
	_ =	sdelay $0x1  }
0x2c: {  	s0 =	sshrl.u32 s0, $0x3  }
0x2d: {  	s2 =	sadd.s32 s3, s0  }
0x2e: {  	[tilespmem:s17], [sflag:$0x1] =	stream.linear.gather [hbm4b:s2+s29], $0x280, $0x38;
	[tilespmem:$0xDD80] =	vst v63  }
0x2f: {  	s25 =	sadd.s32 s4, s0  }
0x30: {  	[tilespmem:s18], [sflag:$0x1] =	stream.linear.gather [hbm4b:s25+s29], $0x280, $0x38;
	[tilespmem:$0xDD80] =	vst v63  }
0x31: {  	s25 =	sadd.s32 s5, s0  }
0x32: {  	[tilespmem:s19], [sflag:$0x1] =	stream.linear.gather [hbm4b:s25+s29], $0x280, $0x38;
	[tilespmem:$0xDD80] =	vst v63  }
0x33: {  	s25 =	sadd.s32 s7, s0  }
0x34: {  	[tilespmem:s20], [sflag:$0x1] =	stream.linear.gather [hbm4b:s25+s29], $0x280, $0x38;
	[tilespmem:$0xDD80] =	vst v63  }
0x35: {  	s0 =	sadd.s32 s8, s0  }
0x36: {  	[tilespmem:s21], [sflag:$0x1] =	stream.linear.gather [hbm4b:s0+s29], $0x280, $0x38;
	[tilespmem:$0xDD80] =	vst v63  }
0x37: {  	_ =	swait.ge [sflag:s22], $0x280  }
0x38: {  	[sflag:s22] =	ssyncset.done $0x0  }
0x39: {  	[sflag:s22] =	ssyncadd.s32 $0xFFFFFD80  }
0x3a: {  	_ =	swait.ge [sflag:s22], $0x280  }
0x3b: {  	[sflag:s22] =	ssyncset.done $0x0  }
0x3c: {  	[sflag:s22] =	ssyncadd.s32 $0xFFFFFD80  }
0x3d: {  	_ =	swait.ge [sflag:s22], $0x280  }
0x3e: {  	[sflag:s22] =	ssyncset.done $0x0  }
0x3f: {  	[sflag:s22] =	ssyncadd.s32 $0xFFFFFD80  }
0x40: {  	_ =	swait.ge [sflag:s22], $0x280  }
0x41: {  	[sflag:s22] =	ssyncset.done $0x0  }
0x42: {  	[sflag:s22] =	ssyncadd.s32 $0xFFFFFD80  }
0x43: {  	_ =	swait.ge [sflag:s22], $0x280  }
0x44: {  	[sflag:s22] =	ssyncset.done $0x0  }
0x45: {  	s25 =	simm.s32 $0x0;
	[sflag:s22] =	ssyncadd.s32 $0xFFFFFD80  }
0x46: {  	v1 =	vld [tilespmem:s25+$0xC700]  }
0x47: {  	v2 =	vld [tilespmem:s25+$0xC980];
	_ =	sdelay $0x6  }
0x48: {  	v1 =	vld.idx.msk [tilespmem:v1+s1+$0x0], $0xffff  }
0x49: {  	v3 =	vld.idx.msk [tilespmem:v2+s16+$0x0], $0xffff;
	_ =	sdelay $0x4  }
0x4a: {  	v4 =	vld [tilespmem:s25+$0xCC00];
	v1 =	vadd.f32 v3, v1;
	_ =	sdelay $0x1  }
0x4b: {  	v3 =	vmul.f32 $2.000000030e-01, v1;
	_ =	sdelay $0x1  }
0x4c: {  	v1 =	vmax.f32 v1, v3  }
0x4d: {  	v3 =	vmul.f32 v1, v4;
	_ =	sdelay $0x1  }
0x4e: {  	v3 =	vmul.f32 $1.442695020e+00, v3;
	_ =	sdelay $0x1  }
0x4f: {  	(erf) = vpow2.f32 v3;
	_ =	sdelay $0x8  }
0x50: {  	s0 =	simm.s32 $0xD390;
	v3 =	vpop (erf)  }
0x51: {  	[tilespmem:s0+$0xFFFFFFF0] =	vst v3  }
0x52: {  	[tilespmem:v2+s23+$0x0] =	vst.idx.add.f32.msk $0xffff, v3  }
0x53: {  	v3 =	vld [tilespmem:s25+$0xCE80];
	_ =	sdelay $0x4  }
0x54: {  	v3 =	vmul.f32 v3, v1;
	_ =	sdelay $0x1  }
0x55: {  	v3 =	vmul.f32 $1.442695020e+00, v3;
	_ =	sdelay $0x1  }
0x56: {  	(erf) = vpow2.f32 v3;
	_ =	sdelay $0x5  }
0x57: {  	v3 =	vadd.s32 $0x2710, v2;
	_ =	sdelay $0x2  }
0x58: {  	v63 =	vpop (erf)  }
0x59: {  	[tilespmem:s0+$0x0] =	vst v63  }
0x5a: {  	[tilespmem:v3+s23+$0x0] =	vst.idx.add.f32.msk $0xffff, v63  }
0x5b: {  	v3 =	vld [tilespmem:s25+$0xD100];
	_ =	sdelay $0x4  }
0x5c: {  	v1 =	vmul.f32 v3, v1;
	_ =	sdelay $0x1  }
0x5d: {  	v1 =	vmul.f32 $1.442695020e+00, v1;
	_ =	sdelay $0x1  }
0x5e: {  	(erf) = vpow2.f32 v1;
	_ =	sdelay $0x6  }
0x5f: {  	v1 =	vadd.s32 $0x4E20, v2;
	_ =	sdelay $0x1  }
0x60: {  	s2 =	simm.s32 $0x40;
	v2 =	vpop (erf)  }
.LBB2_5:
0x61: {  	p0 =	sne.s32 s2, $0x9C0  }
0x62: {  	[tilespmem:s0+$0x10] =	vst v2;
	s0 =	sadd.s32 $0x40, s0;
	s25 =	smov.u32 s2;
	s2 =	sadd.s32 $0x40, s2  }
0x63: {  	s25 =	sshra.s32 s25, $0x2;
	[tilespmem:v1+s23+$0x0] =	vst.idx.add.f32.msk $0xffff, v2  }
0x64: {  	v1 =	vld [tilespmem:s25+$0xC700]  }
0x65: {  	v2 =	vld [tilespmem:s25+$0xC980];
	_ =	sdelay $0x6  }
0x66: {  	v1 =	vld.idx.msk [tilespmem:v1+s1+$0x0], $0xffff  }
0x67: {  	v3 =	vld.idx.msk [tilespmem:v2+s16+$0x0], $0xffff;
	_ =	sdelay $0x4  }
0x68: {  	v4 =	vld [tilespmem:s25+$0xCC00]  }
0x69: {  	v1 =	vadd.f32 v3, v1;
	_ =	sdelay $0x1  }
0x6a: {  	v3 =	vmul.f32 $2.000000030e-01, v1;
	_ =	sdelay $0x1  }
0x6b: {  	v1 =	vmax.f32 v1, v3  }
0x6c: {  	v3 =	vmul.f32 v1, v4;
	_ =	sdelay $0x1  }
0x6d: {  	v3 =	vmul.f32 $1.442695020e+00, v3;
	_ =	sdelay $0x1  }
0x6e: {  	(erf) = vpow2.f32 v3;
	_ =	sdelay $0x8  }
0x6f: {  	v3 =	vpop (erf)  }
0x70: {  	[tilespmem:s0+$0xFFFFFFF0] =	vst v3  }
0x71: {  	[tilespmem:v2+s23+$0x0] =	vst.idx.add.f32.msk $0xffff, v3  }
0x72: {  	v3 =	vld [tilespmem:s25+$0xCE80];
	_ =	sdelay $0x4  }
0x73: {  	v3 =	vmul.f32 v3, v1;
	_ =	sdelay $0x1  }
0x74: {  	v3 =	vmul.f32 $1.442695020e+00, v3;
	_ =	sdelay $0x1  }
0x75: {  	(erf) = vpow2.f32 v3;
	_ =	sdelay $0x4  }
0x76: {  	v3 =	vadd.s32 $0x2710, v2;
	_ =	sdelay $0x3  }
0x77: {  	v4 =	vpop (erf)  }
0x78: {  	[tilespmem:s0+$0x0] =	vst v4  }
0x79: {  	[tilespmem:v3+s23+$0x0] =	vst.idx.add.f32.msk $0xffff, v4  }
0x7a: {  	v3 =	vld [tilespmem:s25+$0xD100];
	_ =	sdelay $0x4  }
0x7b: {  	v1 =	vmul.f32 v3, v1;
	_ =	sdelay $0x1  }
0x7c: {  	v1 =	vmul.f32 $1.442695020e+00, v1;
	_ =	sdelay $0x1  }
0x7d: {  	(erf) = vpow2.f32 v1;
	_ =	sdelay $0x4  }
.Ltmp1:
0x7e: {  	v1 =	vadd.s32 $0x4E20, v2;
	(pc) =	sbr.rel @p0 .LBB2_5-.Ltmp1, $2  }
0x7f: {  	_ =	sdelay $0x2  }
0x80: {  	v2 =	vpop (erf)  }
0x81: {  	_ = 	snop  }
0x82: {  	s2 =	smul.u32 $0xA00, s31  }
0x83: {  	s30 =	sadd.s32 $0x1, s30  }
0x84: {  	[tilespmem:s0+$0x10] =	vst v2;
	p0 =	sne.s32 s30, s13;
	s31 =	sshrl.u32 s2, $0x3  }
.Ltmp2:
0x85: {  	[tilespmem:v1+s23+$0x0] =	vst.idx.add.f32.msk $0xffff, v2;
	s0 =	sadd.s32 s11, s31;
	(pc) =	sbr.rel @p0 .LBB2_4-.Ltmp2, $4  }
0x86: {  	[hbm4b:s0+s1] =	stream.linear.scatter [tilespmem:s24], [sflag:$0x2], $0xA00, $0x38;
	[tilespmem:$0xDD80] =	vst v63  }
0x87: {  	_ =	swait.ge [sflag:s15], $0xA00  }
0x88: {  	[sflag:s15] =	ssyncset.done $0x0  }
0x89: {  	[sflag:s15] =	ssyncadd.s32 $0xFFFFF600  }
0x8a: {  	s28 =	sadd.s32 $0x1, s28  }
0x8b: {  	p0 =	sne.s32 s28, s14  }
.Ltmp3:
0x8c: {  	s0 =	simm.s32 $0x80;
	(pc) =	sbr.rel @p0 .LBB2_1-.Ltmp3, $4  }
0x8d: {  	[hbm4b:s12+s0] =	stream.strided.scatter [tilespmem:s23], [sflag:$0x2], $0x7800, s26, s0, $0x38;
	[tilespmem:$0xDD80] =	vst v63  }
0x8e: {  	_ =	swait.ge [sflag:s15], $0x7800  }
0x8f: {  	[sflag:s15] =	ssyncset.done $0x0  }
0x90: {  	[sflag:s15] =	ssyncadd.s32 $0xFFFF8800  }
0x91: {  	_ =	sfence.sel $0x180000  }
0x92: {  	[bflag:$0x0] =	sbarrier.arrive $0xFFFF  }
0x93: {  	_ =	strace $0x90000047  }
0x94: {  	s0 =	stileid.u32;
	[bflag:$0x2] =	sbarrier.arrive $0xFFFF  }
0x95: {  	p0 =	sne.s32 s0, $0x0;
	s0 =	rddreg [dreg:$0x2]  }
0x96: {  	s0 =	sadd.s32 @!p0 $0x100000, s0  }
0x97: {  	[sflag:s0] =	ssyncadd.tile.s32 @!p0 $0x1;
	_ =	shalt  }
.Lfunc_end2:
_tile_overlayer_lowered:
.L_overlay_start_2:
0x98: {  	(tag) =	ssettag $0x2  }
0x99: {  	s0 =	rddreg [dreg:$0x0];
	s2 =	stileid.u32  }
0x9a: {  	s1 =	rddreg [dreg:$0x1];
	p0 =	sne.s32 s2, $0x0  }
0x9b: {  	s3 =	rddreg [dreg:$0x2];
	[bflag:$0x3] =	sbarrier.arrive $0xFFFF;
	s2 =	simm.s32 @!p0 $0x1C02  }
0x9c: {  	[timem:s3], [sflag:s2] =	dma.local @!p0 [hbm:s0], s1  }
0x9d: {  	s0 =	simm.s32 @!p0 $0x2  }
0x9e: {  	_ =	swait.ge @!p0 [sflag:s0], s1  }
0x9f: {  	s1 =	ssub.s32 @!p0 $0x0, s1;
	[sflag:s0] =	ssyncset.done @!p0 $0x0  }
0xa0: {  	[sflag:s0] =	ssyncadd.s32 @!p0 s1  }
0xa1: {  	[bflag:$0x3] =	sbarrier.arrive $0xFFFF  }
0xa2: {  	_ =	shalt  }

</sc_bundles>
